<compile_context>
chip_gen: v7x
topology: tpu7x:2x2x1
jax: 0.10.2.dev20260603
libtpu: 0.0.44.dev20260713+nightly
codegen_flags: <defaults>
</compile_context>

<pallas_src>
import functools

import jax
import jax.numpy as jnp
from jax import lax
from jax.experimental import pallas as pl
from jax.experimental.pallas import tpu as pltpu
from jax.experimental.pallas import tpu_sc as plsc

_NC = 2
_NS = 16
_L = 16
_NW = _NC * _NS


def kernel(target, vector_embedding, centers):
    B, D = vector_embedding.shape
    V = centers.shape[0]
    n_pass = D // _NW
    n_q = 4
    BQ = B // n_q
    VH0 = ((V // 2 + 127) // 128) * 128
    VH1 = V - VH0
    TAIL = VH1 % 128
    VH1M = VH1 - TAIL
    n_task = n_pass * 2

    cen_t = centers.T
    emb_t = vector_embedding.T
    cen_tail = jnp.pad(cen_t[:, V - TAIL:], ((0, 0), (0, 128 - TAIL)))

    mesh = plsc.VectorSubcoreMesh(core_axis_name="c", subcore_axis_name="s")

    @functools.partial(
        pl.kernel,
        mesh=mesh,
        out_type=jax.ShapeDtypeStruct((_NW, _L), jnp.float32),
        scratch_types=[
            pltpu.VMEM((VH0,), jnp.float32),
            pltpu.VMEM((VH0,), jnp.float32),
            pltpu.VMEM((2, BQ), jnp.float32),
            pltpu.VMEM((B,), jnp.int32),
            pltpu.VMEM((_L,), jnp.float32),
            pltpu.SemaphoreType.DMA,
            pltpu.SemaphoreType.DMA,
            pltpu.SemaphoreType.DMA,
            pltpu.SemaphoreType.DMA,
            pltpu.SemaphoreType.DMA,
            pltpu.SemaphoreType.DMA,
        ],
        compiler_params=pltpu.CompilerParams(needs_layout_passes=False),
    )
    def sc_kernel(tgt_hbm, emb_hbm, cen_hbm, tail_hbm, out_hbm, row_v0, row_v1,
                  emb_v, idx_v, acc_v, sem_i, sem_r0, sem_r1, sem_e0, sem_e1,
                  sem_o):
        wid = lax.axis_index("s") * _NC + lax.axis_index("c")
        rows = (row_v0, row_v1)
        rsems = (sem_r0, sem_r1)
        esems = (sem_e0, sem_e1)
        halves = ((0, VH0), (VH0, VH1))

        def row_cp(t):
            p, c = t // 2, t % 2
            f = wid + p * _NW
            if c == 0:
                return [pltpu.async_copy(cen_hbm.at[f, pl.ds(0, VH0)],
                                         rows[t % 2].at[pl.ds(0, VH0)],
                                         rsems[t % 2])]
            return [
                pltpu.async_copy(cen_hbm.at[f, pl.ds(VH0, VH1M)],
                                 rows[t % 2].at[pl.ds(0, VH1M)],
                                 rsems[t % 2]),
                pltpu.async_copy(tail_hbm.at[f],
                                 rows[t % 2].at[pl.ds(VH1M, 128)],
                                 rsems[t % 2]),
            ]

        def emb_cp(gq):
            t, q = gq // n_q, gq % n_q
            return pltpu.async_copy(
                emb_hbm.at[wid + (t // 2) * _NW, pl.ds(q * BQ, BQ)],
                emb_v.at[gq % 2], esems[gq % 2])

        cp_i = pltpu.async_copy(tgt_hbm, idx_v, sem_i)
        rows_pending = [row_cp(0), row_cp(1)]
        emb_pending = [emb_cp(0), emb_cp(1)]
        cp_i.wait()

        zero = jnp.zeros((_L,), jnp.float32)
        accs = (zero, zero)
        for t in range(n_task):
            for _cp in rows_pending[t % 2]:
                _cp.wait()
            rref = rows[t % 2]
            cbase, vh = halves[t % 2]
            for q in range(n_q):
                gq = t * n_q + q
                emb_pending[gq % 2].wait()
                ebuf = gq % 2
                ib = q * BQ

                @plsc.parallel_loop(0, BQ // (2 * _L), unroll=4, carry=accs)
                def body(i, accs):
                    a0, a1 = accs
                    b = i * (2 * _L)

                    t0 = idx_v[pl.ds(ib + b, _L)] - cbase
                    l0 = jnp.minimum(jnp.maximum(t0, 0), vh - 1)
                    e0 = emb_v[ebuf, pl.ds(b, _L)]
                    g0 = plsc.load_gather(rref, [l0])
                    d0 = jnp.where(t0 == l0, e0 - g0, 0.0)

                    t1 = idx_v[pl.ds(ib + b + _L, _L)] - cbase
                    l1 = jnp.minimum(jnp.maximum(t1, 0), vh - 1)
                    e1 = emb_v[ebuf, pl.ds(b + _L, _L)]
                    g1 = plsc.load_gather(rref, [l1])
                    d1 = jnp.where(t1 == l1, e1 - g1, 0.0)

                    return (a0 + d0 * d0, a1 + d1 * d1)

                accs = body
                ngq = gq + 2
                if ngq < n_task * n_q:
                    emb_pending[gq % 2] = emb_cp(ngq)
            if t + 2 < n_task:
                rows_pending[t % 2] = row_cp(t + 2)

        acc_v[...] = (accs[0] + accs[1]) * (0.5 / B)
        pltpu.sync_copy(acc_v, out_hbm.at[wid])

    partials = sc_kernel(target, emb_t, cen_t, cen_tail)
    return jnp.sum(partials)

# --- scband reference (transcript-rebuilt; emitter-appended) ---
"""Pipeline reference for scband-center-loss-31387620999379 (READ-ONLY COPY).

The authoritative reference and input builder live on the scoring server;
editing this copy changes nothing except your own understanding.
"""

import jax, jax.numpy as jnp
import numpy as np

NUM_CLASS = 100000
VECTOR_SIZE = 64
BATCH = 16384

def setup_inputs(seed: int = 0) -> dict:
    key = jax.random.key(seed)
    k1, k2, k3 = jax.random.split(key, 3)
    target = jax.random.randint(k1, (BATCH,), 0, NUM_CLASS, dtype=jnp.int64 if jax.config.jax_enable_x64 else jnp.int32).astype(jnp.int32)
    vector_embedding = jax.random.normal(k2, (BATCH, VECTOR_SIZE), dtype=jnp.float32)
    centers = jax.random.normal(k3, (NUM_CLASS, VECTOR_SIZE), dtype=jnp.float32)
    return {"target": target, "vector_embedding": vector_embedding, "centers": centers}

def reference(target, vector_embedding, centers):
    # center_by_target = centers.index_select(0, target)
    center_by_target = jnp.take(centers, target, axis=0)
    diff = vector_embedding - center_by_target
    batch_size = diff.shape[0]
    return 0.5 * jnp.sum(diff ** 2) / batch_size

if __name__ == "__main__":
    import jax
    _d = setup_inputs()
    print(jax.jit(kernel)(*tuple(_d.values())))

</pallas_src>

<mosaic_0001>
#map = affine_map<(d0, d1) -> (0)>
#map1 = affine_map<(d0, d1) -> (0, 0)>
module attributes {stable_mosaic.version = 14 : i64} {
  func.func @sc_kernel(%arg0: i32, %arg1: i32, %arg2: memref<16384xi32, #tpu.memory_space<hbm>>, %arg3: memref<64x16384xf32, #tpu.memory_space<hbm>>, %arg4: memref<64x100000xf32, #tpu.memory_space<hbm>>, %arg5: memref<64x128xf32, #tpu.memory_space<hbm>>, %arg6: memref<32x16xf32, #tpu.memory_space<hbm>>, %arg7: memref<50048xf32, #tpu.memory_space<vmem>>, %arg8: memref<50048xf32, #tpu.memory_space<vmem>>, %arg9: memref<2x4096xf32, #tpu.memory_space<vmem>>, %arg10: memref<16384xi32, #tpu.memory_space<vmem>>, %arg11: memref<16xf32, #tpu.memory_space<vmem>>, %arg12: memref<!tpu.dma_semaphore, #tpu.memory_space<semaphore_mem>>, %arg13: memref<!tpu.dma_semaphore, #tpu.memory_space<semaphore_mem>>, %arg14: memref<!tpu.dma_semaphore, #tpu.memory_space<semaphore_mem>>, %arg15: memref<!tpu.dma_semaphore, #tpu.memory_space<semaphore_mem>>, %arg16: memref<!tpu.dma_semaphore, #tpu.memory_space<semaphore_mem>>, %arg17: memref<!tpu.dma_semaphore, #tpu.memory_space<semaphore_mem>>) attributes {dimension_semantics = [#tpu.dimension_semantics<core_parallel>, #tpu.dimension_semantics<subcore_parallel>], iteration_bounds = array<i64: 2, 16>, scalar_prefetch = 0 : i64, scratch_operands = 11 : i64, tpu.core_type = #tpu.core_type<sc_vector_subcore>, window_params = [{transform_indices = #map}, {transform_indices = #map1}, {transform_indices = #map1}, {transform_indices = #map1}, {transform_indices = #map1}]} {
    %mul3A = arith.constant 2 : i32
    %mul3A_0 = arith.muli %arg1, %mul3A : i32
    %add3A = arith.addi %mul3A_0, %arg0 : i32
    tpu.enqueue_dma source(%arg2 : memref<16384xi32, #tpu.memory_space<hbm>>) target(%arg10 : memref<16384xi32, #tpu.memory_space<vmem>>) target_semaphore(%arg12 : memref<!tpu.dma_semaphore, #tpu.memory_space<semaphore_mem>>)
    %add3A_1 = arith.constant 0 : i32
    %add3A_2 = arith.addi %add3A, %add3A_1 : i32
    %dma_start3A = arith.constant 0 : i32
    %dma_start3A_3 = tpu.memref_slice %arg7[%dma_start3A] : memref<50048xf32, #tpu.memory_space<vmem>> -> memref<50048xf32, #tpu.memory_space<vmem>>
    %dma_start3A_4 = arith.constant 0 : i32
    %dma_start3A_5 = tpu.memref_slice %arg4[%add3A_2, %dma_start3A_4] : memref<64x100000xf32, #tpu.memory_space<hbm>> -> memref<1x50048xf32, #tpu.memory_space<hbm>>
    %dma_start3A_6 = tpu.memref_squeeze %dma_start3A_5 : memref<1x50048xf32, #tpu.memory_space<hbm>> -> memref<50048xf32, #tpu.memory_space<hbm>>
    %dma_start3A_7 = arith.constant 0 : i32
    %dma_start3A_8 = tpu.memref_slice %arg7[%dma_start3A_7] : memref<50048xf32, #tpu.memory_space<vmem>> -> memref<50048xf32, #tpu.memory_space<vmem>>
    %dma_start3A_9 = arith.constant 0 : i32
    %dma_start3A_10 = tpu.memref_slice %arg4[%add3A_2, %dma_start3A_9] : memref<64x100000xf32, #tpu.memory_space<hbm>> -> memref<1x50048xf32, #tpu.memory_space<hbm>>
    %dma_start3A_11 = tpu.memref_squeeze %dma_start3A_10 : memref<1x50048xf32, #tpu.memory_space<hbm>> -> memref<50048xf32, #tpu.memory_space<hbm>>
    tpu.enqueue_dma source(%dma_start3A_11 : memref<50048xf32, #tpu.memory_space<hbm>>) target(%dma_start3A_8 : memref<50048xf32, #tpu.memory_space<vmem>>) target_semaphore(%arg13 : memref<!tpu.dma_semaphore, #tpu.memory_space<semaphore_mem>>)
    %add3A_12 = arith.constant 0 : i32
    %add3A_13 = arith.addi %add3A, %add3A_12 : i32
    %dma_start3A_14 = arith.constant 0 : i32
    %dma_start3A_15 = tpu.memref_slice %arg8[%dma_start3A_14] : memref<50048xf32, #tpu.memory_space<vmem>> -> memref<49920xf32, #tpu.memory_space<vmem>>
    %dma_start3A_16 = arith.constant 50048 : i32
    %dma_start3A_17 = tpu.memref_slice %arg4[%add3A_13, %dma_start3A_16] : memref<64x100000xf32, #tpu.memory_space<hbm>> -> memref<1x49920xf32, #tpu.memory_space<hbm>>
    %dma_start3A_18 = tpu.memref_squeeze %dma_start3A_17 : memref<1x49920xf32, #tpu.memory_space<hbm>> -> memref<49920xf32, #tpu.memory_space<hbm>>
    %dma_start3A_19 = arith.constant 0 : i32
    %dma_start3A_20 = tpu.memref_slice %arg8[%dma_start3A_19] : memref<50048xf32, #tpu.memory_space<vmem>> -> memref<49920xf32, #tpu.memory_space<vmem>>
    %dma_start3A_21 = arith.constant 50048 : i32
    %dma_start3A_22 = tpu.memref_slice %arg4[%add3A_13, %dma_start3A_21] : memref<64x100000xf32, #tpu.memory_space<hbm>> -> memref<1x49920xf32, #tpu.memory_space<hbm>>
    %dma_start3A_23 = tpu.memref_squeeze %dma_start3A_22 : memref<1x49920xf32, #tpu.memory_space<hbm>> -> memref<49920xf32, #tpu.memory_space<hbm>>
    tpu.enqueue_dma source(%dma_start3A_23 : memref<49920xf32, #tpu.memory_space<hbm>>) target(%dma_start3A_20 : memref<49920xf32, #tpu.memory_space<vmem>>) target_semaphore(%arg14 : memref<!tpu.dma_semaphore, #tpu.memory_space<semaphore_mem>>)
    %dma_start3A_24 = arith.constant 49920 : i32
    %dma_start3A_25 = tpu.memref_slice %arg8[%dma_start3A_24] : memref<50048xf32, #tpu.memory_space<vmem>> -> memref<128xf32, #tpu.memory_space<vmem>>
    %dma_start3A_26 = arith.constant 0 : i32
    %dma_start3A_27 = tpu.memref_slice %arg5[%add3A_13, %dma_start3A_26] : memref<64x128xf32, #tpu.memory_space<hbm>> -> memref<1x128xf32, #tpu.memory_space<hbm>>
    %dma_start3A_28 = tpu.memref_squeeze %dma_start3A_27 : memref<1x128xf32, #tpu.memory_space<hbm>> -> memref<128xf32, #tpu.memory_space<hbm>>
    %dma_start3A_29 = arith.constant 49920 : i32
    %dma_start3A_30 = tpu.memref_slice %arg8[%dma_start3A_29] : memref<50048xf32, #tpu.memory_space<vmem>> -> memref<128xf32, #tpu.memory_space<vmem>>
    %dma_start3A_31 = arith.constant 0 : i32
    %dma_start3A_32 = tpu.memref_slice %arg5[%add3A_13, %dma_start3A_31] : memref<64x128xf32, #tpu.memory_space<hbm>> -> memref<1x128xf32, #tpu.memory_space<hbm>>
    %dma_start3A_33 = tpu.memref_squeeze %dma_start3A_32 : memref<1x128xf32, #tpu.memory_space<hbm>> -> memref<128xf32, #tpu.memory_space<hbm>>
    tpu.enqueue_dma source(%dma_start3A_33 : memref<128xf32, #tpu.memory_space<hbm>>) target(%dma_start3A_30 : memref<128xf32, #tpu.memory_space<vmem>>) target_semaphore(%arg14 : memref<!tpu.dma_semaphore, #tpu.memory_space<semaphore_mem>>)
    %add3A_34 = arith.constant 0 : i32
    %add3A_35 = arith.addi %add3A, %add3A_34 : i32
    %dma_start3A_36 = arith.constant 0 : i32
    %dma_start3A_37 = arith.constant 0 : i32
    %dma_start3A_38 = tpu.memref_slice %arg9[%dma_start3A_36, %dma_start3A_37] : memref<2x4096xf32, #tpu.memory_space<vmem>> -> memref<1x4096xf32, #tpu.memory_space<vmem>>
    %dma_start3A_39 = tpu.memref_squeeze %dma_start3A_38 : memref<1x4096xf32, #tpu.memory_space<vmem>> -> memref<4096xf32, #tpu.memory_space<vmem>>
    %dma_start3A_40 = arith.constant 0 : i32
    %dma_start3A_41 = tpu.memref_slice %arg3[%add3A_35, %dma_start3A_40] : memref<64x16384xf32, #tpu.memory_space<hbm>> -> memref<1x4096xf32, #tpu.memory_space<hbm>>
    %dma_start3A_42 = tpu.memref_squeeze %dma_start3A_41 : memref<1x4096xf32, #tpu.memory_space<hbm>> -> memref<4096xf32, #tpu.memory_space<hbm>>
    %dma_start3A_43 = arith.constant 0 : i32
    %dma_start3A_44 = tpu.memref_slice %arg9[%dma_start3A_36, %dma_start3A_43] : memref<2x4096xf32, #tpu.memory_space<vmem>> -> memref<1x4096xf32, #tpu.memory_space<vmem>>
    %dma_start3A_45 = tpu.memref_squeeze %dma_start3A_44 : memref<1x4096xf32, #tpu.memory_space<vmem>> -> memref<4096xf32, #tpu.memory_space<vmem>>
    %dma_start3A_46 = arith.constant 0 : i32
    %dma_start3A_47 = tpu.memref_slice %arg3[%add3A_35, %dma_start3A_46] : memref<64x16384xf32, #tpu.memory_space<hbm>> -> memref<1x4096xf32, #tpu.memory_space<hbm>>
    %dma_start3A_48 = tpu.memref_squeeze %dma_start3A_47 : memref<1x4096xf32, #tpu.memory_space<hbm>> -> memref<4096xf32, #tpu.memory_space<hbm>>
    tpu.enqueue_dma source(%dma_start3A_48 : memref<4096xf32, #tpu.memory_space<hbm>>) target(%dma_start3A_45 : memref<4096xf32, #tpu.memory_space<vmem>>) target_semaphore(%arg15 : memref<!tpu.dma_semaphore, #tpu.memory_space<semaphore_mem>>)
    %add3A_49 = arith.constant 0 : i32
    %add3A_50 = arith.addi %add3A, %add3A_49 : i32
    %dma_start3A_51 = arith.constant 1 : i32
    %dma_start3A_52 = arith.constant 0 : i32
    %dma_start3A_53 = tpu.memref_slice %arg9[%dma_start3A_51, %dma_start3A_52] : memref<2x4096xf32, #tpu.memory_space<vmem>> -> memref<1x4096xf32, #tpu.memory_space<vmem>>
    %dma_start3A_54 = tpu.memref_squeeze %dma_start3A_53 : memref<1x4096xf32, #tpu.memory_space<vmem>> -> memref<4096xf32, #tpu.memory_space<vmem>>
    %dma_start3A_55 = arith.constant 4096 : i32
    %dma_start3A_56 = tpu.memref_slice %arg3[%add3A_50, %dma_start3A_55] : memref<64x16384xf32, #tpu.memory_space<hbm>> -> memref<1x4096xf32, #tpu.memory_space<hbm>>
    %dma_start3A_57 = tpu.memref_squeeze %dma_start3A_56 : memref<1x4096xf32, #tpu.memory_space<hbm>> -> memref<4096xf32, #tpu.memory_space<hbm>>
    %dma_start3A_58 = arith.constant 0 : i32
    %dma_start3A_59 = tpu.memref_slice %arg9[%dma_start3A_51, %dma_start3A_58] : memref<2x4096xf32, #tpu.memory_space<vmem>> -> memref<1x4096xf32, #tpu.memory_space<vmem>>
    %dma_start3A_60 = tpu.memref_squeeze %dma_start3A_59 : memref<1x4096xf32, #tpu.memory_space<vmem>> -> memref<4096xf32, #tpu.memory_space<vmem>>
    %dma_start3A_61 = arith.constant 4096 : i32
    %dma_start3A_62 = tpu.memref_slice %arg3[%add3A_50, %dma_start3A_61] : memref<64x16384xf32, #tpu.memory_space<hbm>> -> memref<1x4096xf32, #tpu.memory_space<hbm>>
    %dma_start3A_63 = tpu.memref_squeeze %dma_start3A_62 : memref<1x4096xf32, #tpu.memory_space<hbm>> -> memref<4096xf32, #tpu.memory_space<hbm>>
    tpu.enqueue_dma source(%dma_start3A_63 : memref<4096xf32, #tpu.memory_space<hbm>>) target(%dma_start3A_60 : memref<4096xf32, #tpu.memory_space<vmem>>) target_semaphore(%arg16 : memref<!tpu.dma_semaphore, #tpu.memory_space<semaphore_mem>>)
    tpu.wait_dma2 semaphore(%arg12 : memref<!tpu.dma_semaphore, #tpu.memory_space<semaphore_mem>>) src(%arg2 : memref<16384xi32, #tpu.memory_space<hbm>>) dst(%arg10 : memref<16384xi32, #tpu.memory_space<vmem>>)
    %broadcast_in_dim3A = arith.constant 0.000000e+00 : f32
    %broadcast_in_dim3A_64 = vector.broadcast %broadcast_in_dim3A : f32 to vector<16xf32>
    %dma_wait3A = arith.constant 0 : i32
    %dma_wait3A_65 = tpu.memref_slice %arg7[%dma_wait3A] : memref<50048xf32, #tpu.memory_space<vmem>> -> memref<50048xf32, #tpu.memory_space<vmem>>
    %dma_wait3A_66 = arith.constant 0 : i32
    %dma_wait3A_67 = tpu.memref_slice %arg4[%add3A_2, %dma_wait3A_66] : memref<64x100000xf32, #tpu.memory_space<hbm>> -> memref<1x50048xf32, #tpu.memory_space<hbm>>
    %dma_wait3A_68 = tpu.memref_squeeze %dma_wait3A_67 : memref<1x50048xf32, #tpu.memory_space<hbm>> -> memref<50048xf32, #tpu.memory_space<hbm>>
    %dma_wait3A_69 = arith.constant 0 : i32
    %dma_wait3A_70 = tpu.memref_slice %arg7[%dma_wait3A_69] : memref<50048xf32, #tpu.memory_space<vmem>> -> memref<50048xf32, #tpu.memory_space<vmem>>
    %dma_wait3A_71 = arith.constant 0 : i32
    %dma_wait3A_72 = tpu.memref_slice %arg4[%add3A_2, %dma_wait3A_71] : memref<64x100000xf32, #tpu.memory_space<hbm>> -> memref<1x50048xf32, #tpu.memory_space<hbm>>
    %dma_wait3A_73 = tpu.memref_squeeze %dma_wait3A_72 : memref<1x50048xf32, #tpu.memory_space<hbm>> -> memref<50048xf32, #tpu.memory_space<hbm>>
    tpu.wait_dma2 semaphore(%arg13 : memref<!tpu.dma_semaphore, #tpu.memory_space<semaphore_mem>>) src(%dma_wait3A_73 : memref<50048xf32, #tpu.memory_space<hbm>>) dst(%dma_wait3A_70 : memref<50048xf32, #tpu.memory_space<vmem>>)
    %dma_wait3A_74 = arith.constant 0 : i32
    %dma_wait3A_75 = arith.constant 0 : i32
    %dma_wait3A_76 = tpu.memref_slice %arg9[%dma_wait3A_74, %dma_wait3A_75] : memref<2x4096xf32, #tpu.memory_space<vmem>> -> memref<1x4096xf32, #tpu.memory_space<vmem>>
    %dma_wait3A_77 = tpu.memref_squeeze %dma_wait3A_76 : memref<1x4096xf32, #tpu.memory_space<vmem>> -> memref<4096xf32, #tpu.memory_space<vmem>>
    %dma_wait3A_78 = arith.constant 0 : i32
    %dma_wait3A_79 = tpu.memref_slice %arg3[%add3A_35, %dma_wait3A_78] : memref<64x16384xf32, #tpu.memory_space<hbm>> -> memref<1x4096xf32, #tpu.memory_space<hbm>>
    %dma_wait3A_80 = tpu.memref_squeeze %dma_wait3A_79 : memref<1x4096xf32, #tpu.memory_space<hbm>> -> memref<4096xf32, #tpu.memory_space<hbm>>
    %dma_wait3A_81 = arith.constant 0 : i32
    %dma_wait3A_82 = tpu.memref_slice %arg9[%dma_wait3A_74, %dma_wait3A_81] : memref<2x4096xf32, #tpu.memory_space<vmem>> -> memref<1x4096xf32, #tpu.memory_space<vmem>>
    %dma_wait3A_83 = tpu.memref_squeeze %dma_wait3A_82 : memref<1x4096xf32, #tpu.memory_space<vmem>> -> memref<4096xf32, #tpu.memory_space<vmem>>
    %dma_wait3A_84 = arith.constant 0 : i32
    %dma_wait3A_85 = tpu.memref_slice %arg3[%add3A_35, %dma_wait3A_84] : memref<64x16384xf32, #tpu.memory_space<hbm>> -> memref<1x4096xf32, #tpu.memory_space<hbm>>
    %dma_wait3A_86 = tpu.memref_squeeze %dma_wait3A_85 : memref<1x4096xf32, #tpu.memory_space<hbm>> -> memref<4096xf32, #tpu.memory_space<hbm>>
    tpu.wait_dma2 semaphore(%arg15 : memref<!tpu.dma_semaphore, #tpu.memory_space<semaphore_mem>>) src(%dma_wait3A_86 : memref<4096xf32, #tpu.memory_space<hbm>>) dst(%dma_wait3A_83 : memref<4096xf32, #tpu.memory_space<vmem>>)
    %parallel_loop3A = arith.constant 0 : i32
    %parallel_loop3A_87 = arith.constant 128 : i32
    %parallel_loop3A_88 = arith.constant 1 : i32
    %parallel_loop3A_89:2 = scf.for %parallel_loop3A_644 = %parallel_loop3A to %parallel_loop3A_87 step %parallel_loop3A_88 iter_args(%parallel_loop3A_645 = %broadcast_in_dim3A_64, %parallel_loop3A_646 = %broadcast_in_dim3A_64) -> (vector<16xf32>, vector<16xf32>)  : i32 {
      %parallel_loop3A_647 = arith.constant 32 : i32
      %parallel_loop3A_648 = arith.muli %parallel_loop3A_644, %parallel_loop3A_647 : i32
      %parallel_loop3A_649 = arith.constant 0 : i32
      %parallel_loop3A_650 = arith.addi %parallel_loop3A_649, %parallel_loop3A_648 : i32
      %parallel_loop3A_651 = arith.index_cast %parallel_loop3A_650 : i32 to index
      %parallel_loop3A_652 = tpu.vector_load %arg10[%parallel_loop3A_651] {strides = array<i32>} : memref<16384xi32, #tpu.memory_space<vmem>>, vector<16xi32>,
      %parallel_loop3A_653 = arith.constant 0 : i32
      %parallel_loop3A_654 = vector.broadcast %parallel_loop3A_653 : i32 to vector<16xi32>
      %parallel_loop3A_655 = arith.subi %parallel_loop3A_652, %parallel_loop3A_654 : vector<16xi32>
      %parallel_loop3A_656 = arith.constant 0 : i32
      %parallel_loop3A_657 = vector.broadcast %parallel_loop3A_656 : i32 to vector<16xi32>
      %parallel_loop3A_658 = arith.maxsi %parallel_loop3A_655, %parallel_loop3A_657 : vector<16xi32>
      %parallel_loop3A_659 = arith.constant 50047 : i32
      %parallel_loop3A_660 = vector.broadcast %parallel_loop3A_659 : i32 to vector<16xi32>
      %parallel_loop3A_661 = arith.minsi %parallel_loop3A_658, %parallel_loop3A_660 : vector<16xi32>
      %parallel_loop3A_662 = arith.constant 0 : i32
      %parallel_loop3A_663 = arith.index_cast %parallel_loop3A_662 : i32 to index
      %parallel_loop3A_664 = arith.index_cast %parallel_loop3A_648 : i32 to index
      %parallel_loop3A_665 = tpu.vector_load %arg9[%parallel_loop3A_663, %parallel_loop3A_664] {strides = array<i32>} : memref<2x4096xf32, #tpu.memory_space<vmem>>, vector<16xf32>,
      %parallel_loop3A_666 = tpu.vector_load_idx %arg7[%parallel_loop3A_661] : memref<50048xf32, #tpu.memory_space<vmem>>[vector<16xi32>], vector<16xf32>,
      %parallel_loop3A_667 = arith.cmpi eq, %parallel_loop3A_655, %parallel_loop3A_661 : vector<16xi32>
      %parallel_loop3A_668 = arith.subf %parallel_loop3A_665, %parallel_loop3A_666 : vector<16xf32>
      %parallel_loop3A_669 = arith.constant 0.000000e+00 : f32
      %parallel_loop3A_670 = vector.broadcast %parallel_loop3A_669 : f32 to vector<16xf32>
      %parallel_loop3A_671 = arith.select %parallel_loop3A_667, %parallel_loop3A_668, %parallel_loop3A_670 : vector<16xi1>, vector<16xf32>
      %parallel_loop3A_672 = arith.constant 0 : i32
      %parallel_loop3A_673 = arith.addi %parallel_loop3A_672, %parallel_loop3A_648 : i32
      %parallel_loop3A_674 = arith.constant 16 : i32
      %parallel_loop3A_675 = arith.addi %parallel_loop3A_673, %parallel_loop3A_674 : i32
      %parallel_loop3A_676 = arith.index_cast %parallel_loop3A_675 : i32 to index
      %parallel_loop3A_677 = tpu.vector_load %arg10[%parallel_loop3A_676] {strides = array<i32>} : memref<16384xi32, #tpu.memory_space<vmem>>, vector<16xi32>,
      %parallel_loop3A_678 = arith.constant 0 : i32
      %parallel_loop3A_679 = vector.broadcast %parallel_loop3A_678 : i32 to vector<16xi32>
      %parallel_loop3A_680 = arith.subi %parallel_loop3A_677, %parallel_loop3A_679 : vector<16xi32>
      %parallel_loop3A_681 = arith.constant 0 : i32
      %parallel_loop3A_682 = vector.broadcast %parallel_loop3A_681 : i32 to vector<16xi32>
      %parallel_loop3A_683 = arith.maxsi %parallel_loop3A_680, %parallel_loop3A_682 : vector<16xi32>
      %parallel_loop3A_684 = arith.constant 50047 : i32
      %parallel_loop3A_685 = vector.broadcast %parallel_loop3A_684 : i32 to vector<16xi32>
      %parallel_loop3A_686 = arith.minsi %parallel_loop3A_683, %parallel_loop3A_685 : vector<16xi32>
      %parallel_loop3A_687 = arith.constant 16 : i32
      %parallel_loop3A_688 = arith.addi %parallel_loop3A_648, %parallel_loop3A_687 : i32
      %parallel_loop3A_689 = arith.constant 0 : i32
      %parallel_loop3A_690 = arith.index_cast %parallel_loop3A_689 : i32 to index
      %parallel_loop3A_691 = arith.index_cast %parallel_loop3A_688 : i32 to index
      %parallel_loop3A_692 = tpu.vector_load %arg9[%parallel_loop3A_690, %parallel_loop3A_691] {strides = array<i32>} : memref<2x4096xf32, #tpu.memory_space<vmem>>, vector<16xf32>,
      %parallel_loop3A_693 = tpu.vector_load_idx %arg7[%parallel_loop3A_686] : memref<50048xf32, #tpu.memory_space<vmem>>[vector<16xi32>], vector<16xf32>,
      %parallel_loop3A_694 = arith.cmpi eq, %parallel_loop3A_680, %parallel_loop3A_686 : vector<16xi32>
      %parallel_loop3A_695 = arith.subf %parallel_loop3A_692, %parallel_loop3A_693 : vector<16xf32>
      %parallel_loop3A_696 = arith.constant 0.000000e+00 : f32
      %parallel_loop3A_697 = vector.broadcast %parallel_loop3A_696 : f32 to vector<16xf32>
      %parallel_loop3A_698 = arith.select %parallel_loop3A_694, %parallel_loop3A_695, %parallel_loop3A_697 : vector<16xi1>, vector<16xf32>
      %parallel_loop3A_699 = arith.mulf %parallel_loop3A_671, %parallel_loop3A_671 : vector<16xf32>
      %parallel_loop3A_700 = arith.addf %parallel_loop3A_645, %parallel_loop3A_699 : vector<16xf32>
      %parallel_loop3A_701 = arith.mulf %parallel_loop3A_698, %parallel_loop3A_698 : vector<16xf32>
      %parallel_loop3A_702 = arith.addf %parallel_loop3A_646, %parallel_loop3A_701 : vector<16xf32>
      scf.yield %parallel_loop3A_700, %parallel_loop3A_702 : vector<16xf32>, vector<16xf32>
    } {sc.loop_unroll_factor = 4 : i64, sc.parallel_access}
    %add3A_90 = arith.constant 0 : i32
    %add3A_91 = arith.addi %add3A, %add3A_90 : i32
    %dma_start3A_92 = arith.constant 0 : i32
    %dma_start3A_93 = arith.constant 0 : i32
    %dma_start3A_94 = tpu.memref_slice %arg9[%dma_start3A_92, %dma_start3A_93] : memref<2x4096xf32, #tpu.memory_space<vmem>> -> memref<1x4096xf32, #tpu.memory_space<vmem>>
    %dma_start3A_95 = tpu.memref_squeeze %dma_start3A_94 : memref<1x4096xf32, #tpu.memory_space<vmem>> -> memref<4096xf32, #tpu.memory_space<vmem>>
    %dma_start3A_96 = arith.constant 8192 : i32
    %dma_start3A_97 = tpu.memref_slice %arg3[%add3A_91, %dma_start3A_96] : memref<64x16384xf32, #tpu.memory_space<hbm>> -> memref<1x4096xf32, #tpu.memory_space<hbm>>
    %dma_start3A_98 = tpu.memref_squeeze %dma_start3A_97 : memref<1x4096xf32, #tpu.memory_space<hbm>> -> memref<4096xf32, #tpu.memory_space<hbm>>
    %dma_start3A_99 = arith.constant 0 : i32
    %dma_start3A_100 = tpu.memref_slice %arg9[%dma_start3A_92, %dma_start3A_99] : memref<2x4096xf32, #tpu.memory_space<vmem>> -> memref<1x4096xf32, #tpu.memory_space<vmem>>
    %dma_start3A_101 = tpu.memref_squeeze %dma_start3A_100 : memref<1x4096xf32, #tpu.memory_space<vmem>> -> memref<4096xf32, #tpu.memory_space<vmem>>
    %dma_start3A_102 = arith.constant 8192 : i32
    %dma_start3A_103 = tpu.memref_slice %arg3[%add3A_91, %dma_start3A_102] : memref<64x16384xf32, #tpu.memory_space<hbm>> -> memref<1x4096xf32, #tpu.memory_space<hbm>>
    %dma_start3A_104 = tpu.memref_squeeze %dma_start3A_103 : memref<1x4096xf32, #tpu.memory_space<hbm>> -> memref<4096xf32, #tpu.memory_space<hbm>>
    tpu.enqueue_dma source(%dma_start3A_104 : memref<4096xf32, #tpu.memory_space<hbm>>) target(%dma_start3A_101 : memref<4096xf32, #tpu.memory_space<vmem>>) target_semaphore(%arg15 : memref<!tpu.dma_semaphore, #tpu.memory_space<semaphore_mem>>)
    %dma_wait3A_105 = arith.constant 1 : i32
    %dma_wait3A_106 = arith.constant 0 : i32
    %dma_wait3A_107 = tpu.memref_slice %arg9[%dma_wait3A_105, %dma_wait3A_106] : memref<2x4096xf32, #tpu.memory_space<vmem>> -> memref<1x4096xf32, #tpu.memory_space<vmem>>
    %dma_wait3A_108 = tpu.memref_squeeze %dma_wait3A_107 : memref<1x4096xf32, #tpu.memory_space<vmem>> -> memref<4096xf32, #tpu.memory_space<vmem>>
    %dma_wait3A_109 = arith.constant 4096 : i32
    %dma_wait3A_110 = tpu.memref_slice %arg3[%add3A_50, %dma_wait3A_109] : memref<64x16384xf32, #tpu.memory_space<hbm>> -> memref<1x4096xf32, #tpu.memory_space<hbm>>
    %dma_wait3A_111 = tpu.memref_squeeze %dma_wait3A_110 : memref<1x4096xf32, #tpu.memory_space<hbm>> -> memref<4096xf32, #tpu.memory_space<hbm>>
    %dma_wait3A_112 = arith.constant 0 : i32
    %dma_wait3A_113 = tpu.memref_slice %arg9[%dma_wait3A_105, %dma_wait3A_112] : memref<2x4096xf32, #tpu.memory_space<vmem>> -> memref<1x4096xf32, #tpu.memory_space<vmem>>
    %dma_wait3A_114 = tpu.memref_squeeze %dma_wait3A_113 : memref<1x4096xf32, #tpu.memory_space<vmem>> -> memref<4096xf32, #tpu.memory_space<vmem>>
    %dma_wait3A_115 = arith.constant 4096 : i32
    %dma_wait3A_116 = tpu.memref_slice %arg3[%add3A_50, %dma_wait3A_115] : memref<64x16384xf32, #tpu.memory_space<hbm>> -> memref<1x4096xf32, #tpu.memory_space<hbm>>
    %dma_wait3A_117 = tpu.memref_squeeze %dma_wait3A_116 : memref<1x4096xf32, #tpu.memory_space<hbm>> -> memref<4096xf32, #tpu.memory_space<hbm>>
    tpu.wait_dma2 semaphore(%arg16 : memref<!tpu.dma_semaphore, #tpu.memory_space<semaphore_mem>>) src(%dma_wait3A_117 : memref<4096xf32, #tpu.memory_space<hbm>>) dst(%dma_wait3A_114 : memref<4096xf32, #tpu.memory_space<vmem>>)
    %parallel_loop3A_118 = arith.constant 0 : i32
    %parallel_loop3A_119 = arith.constant 128 : i32
    %parallel_loop3A_120 = arith.constant 1 : i32
    %parallel_loop3A_121:2 = scf.for %parallel_loop3A_644 = %parallel_loop3A_118 to %parallel_loop3A_119 step %parallel_loop3A_120 iter_args(%parallel_loop3A_645 = %parallel_loop3A_89#0, %parallel_loop3A_646 = %parallel_loop3A_89#1) -> (vector<16xf32>, vector<16xf32>)  : i32 {
      %parallel_loop3A_647 = arith.constant 32 : i32
      %parallel_loop3A_648 = arith.muli %parallel_loop3A_644, %parallel_loop3A_647 : i32
      %parallel_loop3A_649 = arith.constant 4096 : i32
      %parallel_loop3A_650 = arith.addi %parallel_loop3A_649, %parallel_loop3A_648 : i32
      %parallel_loop3A_651 = arith.index_cast %parallel_loop3A_650 : i32 to index
      %parallel_loop3A_652 = tpu.vector_load %arg10[%parallel_loop3A_651] {strides = array<i32>} : memref<16384xi32, #tpu.memory_space<vmem>>, vector<16xi32>,
      %parallel_loop3A_653 = arith.constant 0 : i32
      %parallel_loop3A_654 = vector.broadcast %parallel_loop3A_653 : i32 to vector<16xi32>
      %parallel_loop3A_655 = arith.subi %parallel_loop3A_652, %parallel_loop3A_654 : vector<16xi32>
      %parallel_loop3A_656 = arith.constant 0 : i32
      %parallel_loop3A_657 = vector.broadcast %parallel_loop3A_656 : i32 to vector<16xi32>
      %parallel_loop3A_658 = arith.maxsi %parallel_loop3A_655, %parallel_loop3A_657 : vector<16xi32>
      %parallel_loop3A_659 = arith.constant 50047 : i32
      %parallel_loop3A_660 = vector.broadcast %parallel_loop3A_659 : i32 to vector<16xi32>
      %parallel_loop3A_661 = arith.minsi %parallel_loop3A_658, %parallel_loop3A_660 : vector<16xi32>
      %parallel_loop3A_662 = arith.constant 1 : i32
      %parallel_loop3A_663 = arith.index_cast %parallel_loop3A_662 : i32 to index
      %parallel_loop3A_664 = arith.index_cast %parallel_loop3A_648 : i32 to index
      %parallel_loop3A_665 = tpu.vector_load %arg9[%parallel_loop3A_663, %parallel_loop3A_664] {strides = array<i32>} : memref<2x4096xf32, #tpu.memory_space<vmem>>, vector<16xf32>,
      %parallel_loop3A_666 = tpu.vector_load_idx %arg7[%parallel_loop3A_661] : memref<50048xf32, #tpu.memory_space<vmem>>[vector<16xi32>], vector<16xf32>,
      %parallel_loop3A_667 = arith.cmpi eq, %parallel_loop3A_655, %parallel_loop3A_661 : vector<16xi32>
      %parallel_loop3A_668 = arith.subf %parallel_loop3A_665, %parallel_loop3A_666 : vector<16xf32>
      %parallel_loop3A_669 = arith.constant 0.000000e+00 : f32
      %parallel_loop3A_670 = vector.broadcast %parallel_loop3A_669 : f32 to vector<16xf32>
      %parallel_loop3A_671 = arith.select %parallel_loop3A_667, %parallel_loop3A_668, %parallel_loop3A_670 : vector<16xi1>, vector<16xf32>
      %parallel_loop3A_672 = arith.constant 4096 : i32
      %parallel_loop3A_673 = arith.addi %parallel_loop3A_672, %parallel_loop3A_648 : i32
      %parallel_loop3A_674 = arith.constant 16 : i32
      %parallel_loop3A_675 = arith.addi %parallel_loop3A_673, %parallel_loop3A_674 : i32
      %parallel_loop3A_676 = arith.index_cast %parallel_loop3A_675 : i32 to index
      %parallel_loop3A_677 = tpu.vector_load %arg10[%parallel_loop3A_676] {strides = array<i32>} : memref<16384xi32, #tpu.memory_space<vmem>>, vector<16xi32>,
      %parallel_loop3A_678 = arith.constant 0 : i32
      %parallel_loop3A_679 = vector.broadcast %parallel_loop3A_678 : i32 to vector<16xi32>
      %parallel_loop3A_680 = arith.subi %parallel_loop3A_677, %parallel_loop3A_679 : vector<16xi32>
      %parallel_loop3A_681 = arith.constant 0 : i32
      %parallel_loop3A_682 = vector.broadcast %parallel_loop3A_681 : i32 to vector<16xi32>
      %parallel_loop3A_683 = arith.maxsi %parallel_loop3A_680, %parallel_loop3A_682 : vector<16xi32>
      %parallel_loop3A_684 = arith.constant 50047 : i32
      %parallel_loop3A_685 = vector.broadcast %parallel_loop3A_684 : i32 to vector<16xi32>
      %parallel_loop3A_686 = arith.minsi %parallel_loop3A_683, %parallel_loop3A_685 : vector<16xi32>
      %parallel_loop3A_687 = arith.constant 16 : i32
      %parallel_loop3A_688 = arith.addi %parallel_loop3A_648, %parallel_loop3A_687 : i32
      %parallel_loop3A_689 = arith.constant 1 : i32
      %parallel_loop3A_690 = arith.index_cast %parallel_loop3A_689 : i32 to index
      %parallel_loop3A_691 = arith.index_cast %parallel_loop3A_688 : i32 to index
      %parallel_loop3A_692 = tpu.vector_load %arg9[%parallel_loop3A_690, %parallel_loop3A_691] {strides = array<i32>} : memref<2x4096xf32, #tpu.memory_space<vmem>>, vector<16xf32>,
      %parallel_loop3A_693 = tpu.vector_load_idx %arg7[%parallel_loop3A_686] : memref<50048xf32, #tpu.memory_space<vmem>>[vector<16xi32>], vector<16xf32>,
      %parallel_loop3A_694 = arith.cmpi eq, %parallel_loop3A_680, %parallel_loop3A_686 : vector<16xi32>
      %parallel_loop3A_695 = arith.subf %parallel_loop3A_692, %parallel_loop3A_693 : vector<16xf32>
      %parallel_loop3A_696 = arith.constant 0.000000e+00 : f32
      %parallel_loop3A_697 = vector.broadcast %parallel_loop3A_696 : f32 to vector<16xf32>
      %parallel_loop3A_698 = arith.select %parallel_loop3A_694, %parallel_loop3A_695, %parallel_loop3A_697 : vector<16xi1>, vector<16xf32>
      %parallel_loop3A_699 = arith.mulf %parallel_loop3A_671, %parallel_loop3A_671 : vector<16xf32>
      %parallel_loop3A_700 = arith.addf %parallel_loop3A_645, %parallel_loop3A_699 : vector<16xf32>
      %parallel_loop3A_701 = arith.mulf %parallel_loop3A_698, %parallel_loop3A_698 : vector<16xf32>
      %parallel_loop3A_702 = arith.addf %parallel_loop3A_646, %parallel_loop3A_701 : vector<16xf32>
      scf.yield %parallel_loop3A_700, %parallel_loop3A_702 : vector<16xf32>, vector<16xf32>
    } {sc.loop_unroll_factor = 4 : i64, sc.parallel_access}
    %add3A_122 = arith.constant 0 : i32
    %add3A_123 = arith.addi %add3A, %add3A_122 : i32
    %dma_start3A_124 = arith.constant 1 : i32
    %dma_start3A_125 = arith.constant 0 : i32
    %dma_start3A_126 = tpu.memref_slice %arg9[%dma_start3A_124, %dma_start3A_125] : memref<2x4096xf32, #tpu.memory_space<vmem>> -> memref<1x4096xf32, #tpu.memory_space<vmem>>
    %dma_start3A_127 = tpu.memref_squeeze %dma_start3A_126 : memref<1x4096xf32, #tpu.memory_space<vmem>> -> memref<4096xf32, #tpu.memory_space<vmem>>
    %dma_start3A_128 = arith.constant 12288 : i32
    %dma_start3A_129 = tpu.memref_slice %arg3[%add3A_123, %dma_start3A_128] : memref<64x16384xf32, #tpu.memory_space<hbm>> -> memref<1x4096xf32, #tpu.memory_space<hbm>>
    %dma_start3A_130 = tpu.memref_squeeze %dma_start3A_129 : memref<1x4096xf32, #tpu.memory_space<hbm>> -> memref<4096xf32, #tpu.memory_space<hbm>>
    %dma_start3A_131 = arith.constant 0 : i32
    %dma_start3A_132 = tpu.memref_slice %arg9[%dma_start3A_124, %dma_start3A_131] : memref<2x4096xf32, #tpu.memory_space<vmem>> -> memref<1x4096xf32, #tpu.memory_space<vmem>>
    %dma_start3A_133 = tpu.memref_squeeze %dma_start3A_132 : memref<1x4096xf32, #tpu.memory_space<vmem>> -> memref<4096xf32, #tpu.memory_space<vmem>>
    %dma_start3A_134 = arith.constant 12288 : i32
    %dma_start3A_135 = tpu.memref_slice %arg3[%add3A_123, %dma_start3A_134] : memref<64x16384xf32, #tpu.memory_space<hbm>> -> memref<1x4096xf32, #tpu.memory_space<hbm>>
    %dma_start3A_136 = tpu.memref_squeeze %dma_start3A_135 : memref<1x4096xf32, #tpu.memory_space<hbm>> -> memref<4096xf32, #tpu.memory_space<hbm>>
    tpu.enqueue_dma source(%dma_start3A_136 : memref<4096xf32, #tpu.memory_space<hbm>>) target(%dma_start3A_133 : memref<4096xf32, #tpu.memory_space<vmem>>) target_semaphore(%arg16 : memref<!tpu.dma_semaphore, #tpu.memory_space<semaphore_mem>>)
    %dma_wait3A_137 = arith.constant 0 : i32
    %dma_wait3A_138 = arith.constant 0 : i32
    %dma_wait3A_139 = tpu.memref_slice %arg9[%dma_wait3A_137, %dma_wait3A_138] : memref<2x4096xf32, #tpu.memory_space<vmem>> -> memref<1x4096xf32, #tpu.memory_space<vmem>>
    %dma_wait3A_140 = tpu.memref_squeeze %dma_wait3A_139 : memref<1x4096xf32, #tpu.memory_space<vmem>> -> memref<4096xf32, #tpu.memory_space<vmem>>
    %dma_wait3A_141 = arith.constant 8192 : i32
    %dma_wait3A_142 = tpu.memref_slice %arg3[%add3A_91, %dma_wait3A_141] : memref<64x16384xf32, #tpu.memory_space<hbm>> -> memref<1x4096xf32, #tpu.memory_space<hbm>>
    %dma_wait3A_143 = tpu.memref_squeeze %dma_wait3A_142 : memref<1x4096xf32, #tpu.memory_space<hbm>> -> memref<4096xf32, #tpu.memory_space<hbm>>
    %dma_wait3A_144 = arith.constant 0 : i32
    %dma_wait3A_145 = tpu.memref_slice %arg9[%dma_wait3A_137, %dma_wait3A_144] : memref<2x4096xf32, #tpu.memory_space<vmem>> -> memref<1x4096xf32, #tpu.memory_space<vmem>>
    %dma_wait3A_146 = tpu.memref_squeeze %dma_wait3A_145 : memref<1x4096xf32, #tpu.memory_space<vmem>> -> memref<4096xf32, #tpu.memory_space<vmem>>
    %dma_wait3A_147 = arith.constant 8192 : i32
    %dma_wait3A_148 = tpu.memref_slice %arg3[%add3A_91, %dma_wait3A_147] : memref<64x16384xf32, #tpu.memory_space<hbm>> -> memref<1x4096xf32, #tpu.memory_space<hbm>>
    %dma_wait3A_149 = tpu.memref_squeeze %dma_wait3A_148 : memref<1x4096xf32, #tpu.memory_space<hbm>> -> memref<4096xf32, #tpu.memory_space<hbm>>
    tpu.wait_dma2 semaphore(%arg15 : memref<!tpu.dma_semaphore, #tpu.memory_space<semaphore_mem>>) src(%dma_wait3A_149 : memref<4096xf32, #tpu.memory_space<hbm>>) dst(%dma_wait3A_146 : memref<4096xf32, #tpu.memory_space<vmem>>)
    %parallel_loop3A_150 = arith.constant 0 : i32
    %parallel_loop3A_151 = arith.constant 128 : i32
    %parallel_loop3A_152 = arith.constant 1 : i32
    %parallel_loop3A_153:2 = scf.for %parallel_loop3A_644 = %parallel_loop3A_150 to %parallel_loop3A_151 step %parallel_loop3A_152 iter_args(%parallel_loop3A_645 = %parallel_loop3A_121#0, %parallel_loop3A_646 = %parallel_loop3A_121#1) -> (vector<16xf32>, vector<16xf32>)  : i32 {
      %parallel_loop3A_647 = arith.constant 32 : i32
      %parallel_loop3A_648 = arith.muli %parallel_loop3A_644, %parallel_loop3A_647 : i32
      %parallel_loop3A_649 = arith.constant 8192 : i32
      %parallel_loop3A_650 = arith.addi %parallel_loop3A_649, %parallel_loop3A_648 : i32
      %parallel_loop3A_651 = arith.index_cast %parallel_loop3A_650 : i32 to index
      %parallel_loop3A_652 = tpu.vector_load %arg10[%parallel_loop3A_651] {strides = array<i32>} : memref<16384xi32, #tpu.memory_space<vmem>>, vector<16xi32>,
      %parallel_loop3A_653 = arith.constant 0 : i32
      %parallel_loop3A_654 = vector.broadcast %parallel_loop3A_653 : i32 to vector<16xi32>
      %parallel_loop3A_655 = arith.subi %parallel_loop3A_652, %parallel_loop3A_654 : vector<16xi32>
      %parallel_loop3A_656 = arith.constant 0 : i32
      %parallel_loop3A_657 = vector.broadcast %parallel_loop3A_656 : i32 to vector<16xi32>
      %parallel_loop3A_658 = arith.maxsi %parallel_loop3A_655, %parallel_loop3A_657 : vector<16xi32>
      %parallel_loop3A_659 = arith.constant 50047 : i32
      %parallel_loop3A_660 = vector.broadcast %parallel_loop3A_659 : i32 to vector<16xi32>
      %parallel_loop3A_661 = arith.minsi %parallel_loop3A_658, %parallel_loop3A_660 : vector<16xi32>
      %parallel_loop3A_662 = arith.constant 0 : i32
      %parallel_loop3A_663 = arith.index_cast %parallel_loop3A_662 : i32 to index
      %parallel_loop3A_664 = arith.index_cast %parallel_loop3A_648 : i32 to index
      %parallel_loop3A_665 = tpu.vector_load %arg9[%parallel_loop3A_663, %parallel_loop3A_664] {strides = array<i32>} : memref<2x4096xf32, #tpu.memory_space<vmem>>, vector<16xf32>,
      %parallel_loop3A_666 = tpu.vector_load_idx %arg7[%parallel_loop3A_661] : memref<50048xf32, #tpu.memory_space<vmem>>[vector<16xi32>], vector<16xf32>,
      %parallel_loop3A_667 = arith.cmpi eq, %parallel_loop3A_655, %parallel_loop3A_661 : vector<16xi32>
      %parallel_loop3A_668 = arith.subf %parallel_loop3A_665, %parallel_loop3A_666 : vector<16xf32>
      %parallel_loop3A_669 = arith.constant 0.000000e+00 : f32
      %parallel_loop3A_670 = vector.broadcast %parallel_loop3A_669 : f32 to vector<16xf32>
      %parallel_loop3A_671 = arith.select %parallel_loop3A_667, %parallel_loop3A_668, %parallel_loop3A_670 : vector<16xi1>, vector<16xf32>
      %parallel_loop3A_672 = arith.constant 8192 : i32
      %parallel_loop3A_673 = arith.addi %parallel_loop3A_672, %parallel_loop3A_648 : i32
      %parallel_loop3A_674 = arith.constant 16 : i32
      %parallel_loop3A_675 = arith.addi %parallel_loop3A_673, %parallel_loop3A_674 : i32
      %parallel_loop3A_676 = arith.index_cast %parallel_loop3A_675 : i32 to index
      %parallel_loop3A_677 = tpu.vector_load %arg10[%parallel_loop3A_676] {strides = array<i32>} : memref<16384xi32, #tpu.memory_space<vmem>>, vector<16xi32>,
      %parallel_loop3A_678 = arith.constant 0 : i32
      %parallel_loop3A_679 = vector.broadcast %parallel_loop3A_678 : i32 to vector<16xi32>
      %parallel_loop3A_680 = arith.subi %parallel_loop3A_677, %parallel_loop3A_679 : vector<16xi32>
      %parallel_loop3A_681 = arith.constant 0 : i32
      %parallel_loop3A_682 = vector.broadcast %parallel_loop3A_681 : i32 to vector<16xi32>
      %parallel_loop3A_683 = arith.maxsi %parallel_loop3A_680, %parallel_loop3A_682 : vector<16xi32>
      %parallel_loop3A_684 = arith.constant 50047 : i32
      %parallel_loop3A_685 = vector.broadcast %parallel_loop3A_684 : i32 to vector<16xi32>
      %parallel_loop3A_686 = arith.minsi %parallel_loop3A_683, %parallel_loop3A_685 : vector<16xi32>
      %parallel_loop3A_687 = arith.constant 16 : i32
      %parallel_loop3A_688 = arith.addi %parallel_loop3A_648, %parallel_loop3A_687 : i32
      %parallel_loop3A_689 = arith.constant 0 : i32
      %parallel_loop3A_690 = arith.index_cast %parallel_loop3A_689 : i32 to index
      %parallel_loop3A_691 = arith.index_cast %parallel_loop3A_688 : i32 to index
      %parallel_loop3A_692 = tpu.vector_load %arg9[%parallel_loop3A_690, %parallel_loop3A_691] {strides = array<i32>} : memref<2x4096xf32, #tpu.memory_space<vmem>>, vector<16xf32>,
      %parallel_loop3A_693 = tpu.vector_load_idx %arg7[%parallel_loop3A_686] : memref<50048xf32, #tpu.memory_space<vmem>>[vector<16xi32>], vector<16xf32>,
      %parallel_loop3A_694 = arith.cmpi eq, %parallel_loop3A_680, %parallel_loop3A_686 : vector<16xi32>
      %parallel_loop3A_695 = arith.subf %parallel_loop3A_692, %parallel_loop3A_693 : vector<16xf32>
      %parallel_loop3A_696 = arith.constant 0.000000e+00 : f32
      %parallel_loop3A_697 = vector.broadcast %parallel_loop3A_696 : f32 to vector<16xf32>
      %parallel_loop3A_698 = arith.select %parallel_loop3A_694, %parallel_loop3A_695, %parallel_loop3A_697 : vector<16xi1>, vector<16xf32>
      %parallel_loop3A_699 = arith.mulf %parallel_loop3A_671, %parallel_loop3A_671 : vector<16xf32>
      %parallel_loop3A_700 = arith.addf %parallel_loop3A_645, %parallel_loop3A_699 : vector<16xf32>
      %parallel_loop3A_701 = arith.mulf %parallel_loop3A_698, %parallel_loop3A_698 : vector<16xf32>
      %parallel_loop3A_702 = arith.addf %parallel_loop3A_646, %parallel_loop3A_701 : vector<16xf32>
      scf.yield %parallel_loop3A_700, %parallel_loop3A_702 : vector<16xf32>, vector<16xf32>
    } {sc.loop_unroll_factor = 4 : i64, sc.parallel_access}
    %add3A_154 = arith.constant 0 : i32
    %add3A_155 = arith.addi %add3A, %add3A_154 : i32
    %dma_start3A_156 = arith.constant 0 : i32
    %dma_start3A_157 = arith.constant 0 : i32
    %dma_start3A_158 = tpu.memref_slice %arg9[%dma_start3A_156, %dma_start3A_157] : memref<2x4096xf32, #tpu.memory_space<vmem>> -> memref<1x4096xf32, #tpu.memory_space<vmem>>
    %dma_start3A_159 = tpu.memref_squeeze %dma_start3A_158 : memref<1x4096xf32, #tpu.memory_space<vmem>> -> memref<4096xf32, #tpu.memory_space<vmem>>
    %dma_start3A_160 = arith.constant 0 : i32
    %dma_start3A_161 = tpu.memref_slice %arg3[%add3A_155, %dma_start3A_160] : memref<64x16384xf32, #tpu.memory_space<hbm>> -> memref<1x4096xf32, #tpu.memory_space<hbm>>
    %dma_start3A_162 = tpu.memref_squeeze %dma_start3A_161 : memref<1x4096xf32, #tpu.memory_space<hbm>> -> memref<4096xf32, #tpu.memory_space<hbm>>
    %dma_start3A_163 = arith.constant 0 : i32
    %dma_start3A_164 = tpu.memref_slice %arg9[%dma_start3A_156, %dma_start3A_163] : memref<2x4096xf32, #tpu.memory_space<vmem>> -> memref<1x4096xf32, #tpu.memory_space<vmem>>
    %dma_start3A_165 = tpu.memref_squeeze %dma_start3A_164 : memref<1x4096xf32, #tpu.memory_space<vmem>> -> memref<4096xf32, #tpu.memory_space<vmem>>
    %dma_start3A_166 = arith.constant 0 : i32
    %dma_start3A_167 = tpu.memref_slice %arg3[%add3A_155, %dma_start3A_166] : memref<64x16384xf32, #tpu.memory_space<hbm>> -> memref<1x4096xf32, #tpu.memory_space<hbm>>
    %dma_start3A_168 = tpu.memref_squeeze %dma_start3A_167 : memref<1x4096xf32, #tpu.memory_space<hbm>> -> memref<4096xf32, #tpu.memory_space<hbm>>
    tpu.enqueue_dma source(%dma_start3A_168 : memref<4096xf32, #tpu.memory_space<hbm>>) target(%dma_start3A_165 : memref<4096xf32, #tpu.memory_space<vmem>>) target_semaphore(%arg15 : memref<!tpu.dma_semaphore, #tpu.memory_space<semaphore_mem>>)
    %dma_wait3A_169 = arith.constant 1 : i32
    %dma_wait3A_170 = arith.constant 0 : i32
    %dma_wait3A_171 = tpu.memref_slice %arg9[%dma_wait3A_169, %dma_wait3A_170] : memref<2x4096xf32, #tpu.memory_space<vmem>> -> memref<1x4096xf32, #tpu.memory_space<vmem>>
    %dma_wait3A_172 = tpu.memref_squeeze %dma_wait3A_171 : memref<1x4096xf32, #tpu.memory_space<vmem>> -> memref<4096xf32, #tpu.memory_space<vmem>>
    %dma_wait3A_173 = arith.constant 12288 : i32
    %dma_wait3A_174 = tpu.memref_slice %arg3[%add3A_123, %dma_wait3A_173] : memref<64x16384xf32, #tpu.memory_space<hbm>> -> memref<1x4096xf32, #tpu.memory_space<hbm>>
    %dma_wait3A_175 = tpu.memref_squeeze %dma_wait3A_174 : memref<1x4096xf32, #tpu.memory_space<hbm>> -> memref<4096xf32, #tpu.memory_space<hbm>>
    %dma_wait3A_176 = arith.constant 0 : i32
    %dma_wait3A_177 = tpu.memref_slice %arg9[%dma_wait3A_169, %dma_wait3A_176] : memref<2x4096xf32, #tpu.memory_space<vmem>> -> memref<1x4096xf32, #tpu.memory_space<vmem>>
    %dma_wait3A_178 = tpu.memref_squeeze %dma_wait3A_177 : memref<1x4096xf32, #tpu.memory_space<vmem>> -> memref<4096xf32, #tpu.memory_space<vmem>>
    %dma_wait3A_179 = arith.constant 12288 : i32
    %dma_wait3A_180 = tpu.memref_slice %arg3[%add3A_123, %dma_wait3A_179] : memref<64x16384xf32, #tpu.memory_space<hbm>> -> memref<1x4096xf32, #tpu.memory_space<hbm>>
    %dma_wait3A_181 = tpu.memref_squeeze %dma_wait3A_180 : memref<1x4096xf32, #tpu.memory_space<hbm>> -> memref<4096xf32, #tpu.memory_space<hbm>>
    tpu.wait_dma2 semaphore(%arg16 : memref<!tpu.dma_semaphore, #tpu.memory_space<semaphore_mem>>) src(%dma_wait3A_181 : memref<4096xf32, #tpu.memory_space<hbm>>) dst(%dma_wait3A_178 : memref<4096xf32, #tpu.memory_space<vmem>>)
    %parallel_loop3A_182 = arith.constant 0 : i32
    %parallel_loop3A_183 = arith.constant 128 : i32
    %parallel_loop3A_184 = arith.constant 1 : i32
    %parallel_loop3A_185:2 = scf.for %parallel_loop3A_644 = %parallel_loop3A_182 to %parallel_loop3A_183 step %parallel_loop3A_184 iter_args(%parallel_loop3A_645 = %parallel_loop3A_153#0, %parallel_loop3A_646 = %parallel_loop3A_153#1) -> (vector<16xf32>, vector<16xf32>)  : i32 {
      %parallel_loop3A_647 = arith.constant 32 : i32
      %parallel_loop3A_648 = arith.muli %parallel_loop3A_644, %parallel_loop3A_647 : i32
      %parallel_loop3A_649 = arith.constant 12288 : i32
      %parallel_loop3A_650 = arith.addi %parallel_loop3A_649, %parallel_loop3A_648 : i32
      %parallel_loop3A_651 = arith.index_cast %parallel_loop3A_650 : i32 to index
      %parallel_loop3A_652 = tpu.vector_load %arg10[%parallel_loop3A_651] {strides = array<i32>} : memref<16384xi32, #tpu.memory_space<vmem>>, vector<16xi32>,
      %parallel_loop3A_653 = arith.constant 0 : i32
      %parallel_loop3A_654 = vector.broadcast %parallel_loop3A_653 : i32 to vector<16xi32>
      %parallel_loop3A_655 = arith.subi %parallel_loop3A_652, %parallel_loop3A_654 : vector<16xi32>
      %parallel_loop3A_656 = arith.constant 0 : i32
      %parallel_loop3A_657 = vector.broadcast %parallel_loop3A_656 : i32 to vector<16xi32>
      %parallel_loop3A_658 = arith.maxsi %parallel_loop3A_655, %parallel_loop3A_657 : vector<16xi32>
      %parallel_loop3A_659 = arith.constant 50047 : i32
      %parallel_loop3A_660 = vector.broadcast %parallel_loop3A_659 : i32 to vector<16xi32>
      %parallel_loop3A_661 = arith.minsi %parallel_loop3A_658, %parallel_loop3A_660 : vector<16xi32>
      %parallel_loop3A_662 = arith.constant 1 : i32
      %parallel_loop3A_663 = arith.index_cast %parallel_loop3A_662 : i32 to index
      %parallel_loop3A_664 = arith.index_cast %parallel_loop3A_648 : i32 to index
      %parallel_loop3A_665 = tpu.vector_load %arg9[%parallel_loop3A_663, %parallel_loop3A_664] {strides = array<i32>} : memref<2x4096xf32, #tpu.memory_space<vmem>>, vector<16xf32>,
      %parallel_loop3A_666 = tpu.vector_load_idx %arg7[%parallel_loop3A_661] : memref<50048xf32, #tpu.memory_space<vmem>>[vector<16xi32>], vector<16xf32>,
      %parallel_loop3A_667 = arith.cmpi eq, %parallel_loop3A_655, %parallel_loop3A_661 : vector<16xi32>
      %parallel_loop3A_668 = arith.subf %parallel_loop3A_665, %parallel_loop3A_666 : vector<16xf32>
      %parallel_loop3A_669 = arith.constant 0.000000e+00 : f32
      %parallel_loop3A_670 = vector.broadcast %parallel_loop3A_669 : f32 to vector<16xf32>
      %parallel_loop3A_671 = arith.select %parallel_loop3A_667, %parallel_loop3A_668, %parallel_loop3A_670 : vector<16xi1>, vector<16xf32>
      %parallel_loop3A_672 = arith.constant 12288 : i32
      %parallel_loop3A_673 = arith.addi %parallel_loop3A_672, %parallel_loop3A_648 : i32
      %parallel_loop3A_674 = arith.constant 16 : i32
      %parallel_loop3A_675 = arith.addi %parallel_loop3A_673, %parallel_loop3A_674 : i32
      %parallel_loop3A_676 = arith.index_cast %parallel_loop3A_675 : i32 to index
      %parallel_loop3A_677 = tpu.vector_load %arg10[%parallel_loop3A_676] {strides = array<i32>} : memref<16384xi32, #tpu.memory_space<vmem>>, vector<16xi32>,
      %parallel_loop3A_678 = arith.constant 0 : i32
      %parallel_loop3A_679 = vector.broadcast %parallel_loop3A_678 : i32 to vector<16xi32>
      %parallel_loop3A_680 = arith.subi %parallel_loop3A_677, %parallel_loop3A_679 : vector<16xi32>
      %parallel_loop3A_681 = arith.constant 0 : i32
      %parallel_loop3A_682 = vector.broadcast %parallel_loop3A_681 : i32 to vector<16xi32>
      %parallel_loop3A_683 = arith.maxsi %parallel_loop3A_680, %parallel_loop3A_682 : vector<16xi32>
      %parallel_loop3A_684 = arith.constant 50047 : i32
      %parallel_loop3A_685 = vector.broadcast %parallel_loop3A_684 : i32 to vector<16xi32>
      %parallel_loop3A_686 = arith.minsi %parallel_loop3A_683, %parallel_loop3A_685 : vector<16xi32>
      %parallel_loop3A_687 = arith.constant 16 : i32
      %parallel_loop3A_688 = arith.addi %parallel_loop3A_648, %parallel_loop3A_687 : i32
      %parallel_loop3A_689 = arith.constant 1 : i32
      %parallel_loop3A_690 = arith.index_cast %parallel_loop3A_689 : i32 to index
      %parallel_loop3A_691 = arith.index_cast %parallel_loop3A_688 : i32 to index
      %parallel_loop3A_692 = tpu.vector_load %arg9[%parallel_loop3A_690, %parallel_loop3A_691] {strides = array<i32>} : memref<2x4096xf32, #tpu.memory_space<vmem>>, vector<16xf32>,
      %parallel_loop3A_693 = tpu.vector_load_idx %arg7[%parallel_loop3A_686] : memref<50048xf32, #tpu.memory_space<vmem>>[vector<16xi32>], vector<16xf32>,
      %parallel_loop3A_694 = arith.cmpi eq, %parallel_loop3A_680, %parallel_loop3A_686 : vector<16xi32>
      %parallel_loop3A_695 = arith.subf %parallel_loop3A_692, %parallel_loop3A_693 : vector<16xf32>
      %parallel_loop3A_696 = arith.constant 0.000000e+00 : f32
      %parallel_loop3A_697 = vector.broadcast %parallel_loop3A_696 : f32 to vector<16xf32>
      %parallel_loop3A_698 = arith.select %parallel_loop3A_694, %parallel_loop3A_695, %parallel_loop3A_697 : vector<16xi1>, vector<16xf32>
      %parallel_loop3A_699 = arith.mulf %parallel_loop3A_671, %parallel_loop3A_671 : vector<16xf32>
      %parallel_loop3A_700 = arith.addf %parallel_loop3A_645, %parallel_loop3A_699 : vector<16xf32>
      %parallel_loop3A_701 = arith.mulf %parallel_loop3A_698, %parallel_loop3A_698 : vector<16xf32>
      %parallel_loop3A_702 = arith.addf %parallel_loop3A_646, %parallel_loop3A_701 : vector<16xf32>
      scf.yield %parallel_loop3A_700, %parallel_loop3A_702 : vector<16xf32>, vector<16xf32>
    } {sc.loop_unroll_factor = 4 : i64, sc.parallel_access}
    %add3A_186 = arith.constant 0 : i32
    %add3A_187 = arith.addi %add3A, %add3A_186 : i32
    %dma_start3A_188 = arith.constant 1 : i32
    %dma_start3A_189 = arith.constant 0 : i32
    %dma_start3A_190 = tpu.memref_slice %arg9[%dma_start3A_188, %dma_start3A_189] : memref<2x4096xf32, #tpu.memory_space<vmem>> -> memref<1x4096xf32, #tpu.memory_space<vmem>>
    %dma_start3A_191 = tpu.memref_squeeze %dma_start3A_190 : memref<1x4096xf32, #tpu.memory_space<vmem>> -> memref<4096xf32, #tpu.memory_space<vmem>>
    %dma_start3A_192 = arith.constant 4096 : i32
    %dma_start3A_193 = tpu.memref_slice %arg3[%add3A_187, %dma_start3A_192] : memref<64x16384xf32, #tpu.memory_space<hbm>> -> memref<1x4096xf32, #tpu.memory_space<hbm>>
    %dma_start3A_194 = tpu.memref_squeeze %dma_start3A_193 : memref<1x4096xf32, #tpu.memory_space<hbm>> -> memref<4096xf32, #tpu.memory_space<hbm>>
    %dma_start3A_195 = arith.constant 0 : i32
    %dma_start3A_196 = tpu.memref_slice %arg9[%dma_start3A_188, %dma_start3A_195] : memref<2x4096xf32, #tpu.memory_space<vmem>> -> memref<1x4096xf32, #tpu.memory_space<vmem>>
    %dma_start3A_197 = tpu.memref_squeeze %dma_start3A_196 : memref<1x4096xf32, #tpu.memory_space<vmem>> -> memref<4096xf32, #tpu.memory_space<vmem>>
    %dma_start3A_198 = arith.constant 4096 : i32
    %dma_start3A_199 = tpu.memref_slice %arg3[%add3A_187, %dma_start3A_198] : memref<64x16384xf32, #tpu.memory_space<hbm>> -> memref<1x4096xf32, #tpu.memory_space<hbm>>
    %dma_start3A_200 = tpu.memref_squeeze %dma_start3A_199 : memref<1x4096xf32, #tpu.memory_space<hbm>> -> memref<4096xf32, #tpu.memory_space<hbm>>
    tpu.enqueue_dma source(%dma_start3A_200 : memref<4096xf32, #tpu.memory_space<hbm>>) target(%dma_start3A_197 : memref<4096xf32, #tpu.memory_space<vmem>>) target_semaphore(%arg16 : memref<!tpu.dma_semaphore, #tpu.memory_space<semaphore_mem>>)
    %add3A_201 = arith.constant 32 : i32
    %add3A_202 = arith.addi %add3A, %add3A_201 : i32
    %dma_start3A_203 = arith.constant 0 : i32
    %dma_start3A_204 = tpu.memref_slice %arg7[%dma_start3A_203] : memref<50048xf32, #tpu.memory_space<vmem>> -> memref<50048xf32, #tpu.memory_space<vmem>>
    %dma_start3A_205 = arith.constant 0 : i32
    %dma_start3A_206 = tpu.memref_slice %arg4[%add3A_202, %dma_start3A_205] : memref<64x100000xf32, #tpu.memory_space<hbm>> -> memref<1x50048xf32, #tpu.memory_space<hbm>>
    %dma_start3A_207 = tpu.memref_squeeze %dma_start3A_206 : memref<1x50048xf32, #tpu.memory_space<hbm>> -> memref<50048xf32, #tpu.memory_space<hbm>>
    %dma_start3A_208 = arith.constant 0 : i32
    %dma_start3A_209 = tpu.memref_slice %arg7[%dma_start3A_208] : memref<50048xf32, #tpu.memory_space<vmem>> -> memref<50048xf32, #tpu.memory_space<vmem>>
    %dma_start3A_210 = arith.constant 0 : i32
    %dma_start3A_211 = tpu.memref_slice %arg4[%add3A_202, %dma_start3A_210] : memref<64x100000xf32, #tpu.memory_space<hbm>> -> memref<1x50048xf32, #tpu.memory_space<hbm>>
    %dma_start3A_212 = tpu.memref_squeeze %dma_start3A_211 : memref<1x50048xf32, #tpu.memory_space<hbm>> -> memref<50048xf32, #tpu.memory_space<hbm>>
    tpu.enqueue_dma source(%dma_start3A_212 : memref<50048xf32, #tpu.memory_space<hbm>>) target(%dma_start3A_209 : memref<50048xf32, #tpu.memory_space<vmem>>) target_semaphore(%arg13 : memref<!tpu.dma_semaphore, #tpu.memory_space<semaphore_mem>>)
    %dma_wait3A_213 = arith.constant 0 : i32
    %dma_wait3A_214 = tpu.memref_slice %arg8[%dma_wait3A_213] : memref<50048xf32, #tpu.memory_space<vmem>> -> memref<49920xf32, #tpu.memory_space<vmem>>
    %dma_wait3A_215 = arith.constant 50048 : i32
    %dma_wait3A_216 = tpu.memref_slice %arg4[%add3A_13, %dma_wait3A_215] : memref<64x100000xf32, #tpu.memory_space<hbm>> -> memref<1x49920xf32, #tpu.memory_space<hbm>>
    %dma_wait3A_217 = tpu.memref_squeeze %dma_wait3A_216 : memref<1x49920xf32, #tpu.memory_space<hbm>> -> memref<49920xf32, #tpu.memory_space<hbm>>
    %dma_wait3A_218 = arith.constant 0 : i32
    %dma_wait3A_219 = tpu.memref_slice %arg8[%dma_wait3A_218] : memref<50048xf32, #tpu.memory_space<vmem>> -> memref<49920xf32, #tpu.memory_space<vmem>>
    %dma_wait3A_220 = arith.constant 50048 : i32
    %dma_wait3A_221 = tpu.memref_slice %arg4[%add3A_13, %dma_wait3A_220] : memref<64x100000xf32, #tpu.memory_space<hbm>> -> memref<1x49920xf32, #tpu.memory_space<hbm>>
    %dma_wait3A_222 = tpu.memref_squeeze %dma_wait3A_221 : memref<1x49920xf32, #tpu.memory_space<hbm>> -> memref<49920xf32, #tpu.memory_space<hbm>>
    tpu.wait_dma2 semaphore(%arg14 : memref<!tpu.dma_semaphore, #tpu.memory_space<semaphore_mem>>) src(%dma_wait3A_222 : memref<49920xf32, #tpu.memory_space<hbm>>) dst(%dma_wait3A_219 : memref<49920xf32, #tpu.memory_space<vmem>>)
    %dma_wait3A_223 = arith.constant 49920 : i32
    %dma_wait3A_224 = tpu.memref_slice %arg8[%dma_wait3A_223] : memref<50048xf32, #tpu.memory_space<vmem>> -> memref<128xf32, #tpu.memory_space<vmem>>
    %dma_wait3A_225 = arith.constant 0 : i32
    %dma_wait3A_226 = tpu.memref_slice %arg5[%add3A_13, %dma_wait3A_225] : memref<64x128xf32, #tpu.memory_space<hbm>> -> memref<1x128xf32, #tpu.memory_space<hbm>>
    %dma_wait3A_227 = tpu.memref_squeeze %dma_wait3A_226 : memref<1x128xf32, #tpu.memory_space<hbm>> -> memref<128xf32, #tpu.memory_space<hbm>>
    %dma_wait3A_228 = arith.constant 49920 : i32
    %dma_wait3A_229 = tpu.memref_slice %arg8[%dma_wait3A_228] : memref<50048xf32, #tpu.memory_space<vmem>> -> memref<128xf32, #tpu.memory_space<vmem>>
    %dma_wait3A_230 = arith.constant 0 : i32
    %dma_wait3A_231 = tpu.memref_slice %arg5[%add3A_13, %dma_wait3A_230] : memref<64x128xf32, #tpu.memory_space<hbm>> -> memref<1x128xf32, #tpu.memory_space<hbm>>
    %dma_wait3A_232 = tpu.memref_squeeze %dma_wait3A_231 : memref<1x128xf32, #tpu.memory_space<hbm>> -> memref<128xf32, #tpu.memory_space<hbm>>
    tpu.wait_dma2 semaphore(%arg14 : memref<!tpu.dma_semaphore, #tpu.memory_space<semaphore_mem>>) src(%dma_wait3A_232 : memref<128xf32, #tpu.memory_space<hbm>>) dst(%dma_wait3A_229 : memref<128xf32, #tpu.memory_space<vmem>>)
    %dma_wait3A_233 = arith.constant 0 : i32
    %dma_wait3A_234 = arith.constant 0 : i32
    %dma_wait3A_235 = tpu.memref_slice %arg9[%dma_wait3A_233, %dma_wait3A_234] : memref<2x4096xf32, #tpu.memory_space<vmem>> -> memref<1x4096xf32, #tpu.memory_space<vmem>>
    %dma_wait3A_236 = tpu.memref_squeeze %dma_wait3A_235 : memref<1x4096xf32, #tpu.memory_space<vmem>> -> memref<4096xf32, #tpu.memory_space<vmem>>
    %dma_wait3A_237 = arith.constant 0 : i32
    %dma_wait3A_238 = tpu.memref_slice %arg3[%add3A_155, %dma_wait3A_237] : memref<64x16384xf32, #tpu.memory_space<hbm>> -> memref<1x4096xf32, #tpu.memory_space<hbm>>
    %dma_wait3A_239 = tpu.memref_squeeze %dma_wait3A_238 : memref<1x4096xf32, #tpu.memory_space<hbm>> -> memref<4096xf32, #tpu.memory_space<hbm>>
    %dma_wait3A_240 = arith.constant 0 : i32
    %dma_wait3A_241 = tpu.memref_slice %arg9[%dma_wait3A_233, %dma_wait3A_240] : memref<2x4096xf32, #tpu.memory_space<vmem>> -> memref<1x4096xf32, #tpu.memory_space<vmem>>
    %dma_wait3A_242 = tpu.memref_squeeze %dma_wait3A_241 : memref<1x4096xf32, #tpu.memory_space<vmem>> -> memref<4096xf32, #tpu.memory_space<vmem>>
    %dma_wait3A_243 = arith.constant 0 : i32
    %dma_wait3A_244 = tpu.memref_slice %arg3[%add3A_155, %dma_wait3A_243] : memref<64x16384xf32, #tpu.memory_space<hbm>> -> memref<1x4096xf32, #tpu.memory_space<hbm>>
    %dma_wait3A_245 = tpu.memref_squeeze %dma_wait3A_244 : memref<1x4096xf32, #tpu.memory_space<hbm>> -> memref<4096xf32, #tpu.memory_space<hbm>>
    tpu.wait_dma2 semaphore(%arg15 : memref<!tpu.dma_semaphore, #tpu.memory_space<semaphore_mem>>) src(%dma_wait3A_245 : memref<4096xf32, #tpu.memory_space<hbm>>) dst(%dma_wait3A_242 : memref<4096xf32, #tpu.memory_space<vmem>>)
    %parallel_loop3A_246 = arith.constant 0 : i32
    %parallel_loop3A_247 = arith.constant 128 : i32
    %parallel_loop3A_248 = arith.constant 1 : i32
    %parallel_loop3A_249:2 = scf.for %parallel_loop3A_644 = %parallel_loop3A_246 to %parallel_loop3A_247 step %parallel_loop3A_248 iter_args(%parallel_loop3A_645 = %parallel_loop3A_185#0, %parallel_loop3A_646 = %parallel_loop3A_185#1) -> (vector<16xf32>, vector<16xf32>)  : i32 {
      %parallel_loop3A_647 = arith.constant 32 : i32
      %parallel_loop3A_648 = arith.muli %parallel_loop3A_644, %parallel_loop3A_647 : i32
      %parallel_loop3A_649 = arith.constant 0 : i32
      %parallel_loop3A_650 = arith.addi %parallel_loop3A_649, %parallel_loop3A_648 : i32
      %parallel_loop3A_651 = arith.index_cast %parallel_loop3A_650 : i32 to index
      %parallel_loop3A_652 = tpu.vector_load %arg10[%parallel_loop3A_651] {strides = array<i32>} : memref<16384xi32, #tpu.memory_space<vmem>>, vector<16xi32>,
      %parallel_loop3A_653 = arith.constant 50048 : i32
      %parallel_loop3A_654 = vector.broadcast %parallel_loop3A_653 : i32 to vector<16xi32>
      %parallel_loop3A_655 = arith.subi %parallel_loop3A_652, %parallel_loop3A_654 : vector<16xi32>
      %parallel_loop3A_656 = arith.constant 0 : i32
      %parallel_loop3A_657 = vector.broadcast %parallel_loop3A_656 : i32 to vector<16xi32>
      %parallel_loop3A_658 = arith.maxsi %parallel_loop3A_655, %parallel_loop3A_657 : vector<16xi32>
      %parallel_loop3A_659 = arith.constant 49951 : i32
      %parallel_loop3A_660 = vector.broadcast %parallel_loop3A_659 : i32 to vector<16xi32>
      %parallel_loop3A_661 = arith.minsi %parallel_loop3A_658, %parallel_loop3A_660 : vector<16xi32>
      %parallel_loop3A_662 = arith.constant 0 : i32
      %parallel_loop3A_663 = arith.index_cast %parallel_loop3A_662 : i32 to index
      %parallel_loop3A_664 = arith.index_cast %parallel_loop3A_648 : i32 to index
      %parallel_loop3A_665 = tpu.vector_load %arg9[%parallel_loop3A_663, %parallel_loop3A_664] {strides = array<i32>} : memref<2x4096xf32, #tpu.memory_space<vmem>>, vector<16xf32>,
      %parallel_loop3A_666 = tpu.vector_load_idx %arg8[%parallel_loop3A_661] : memref<50048xf32, #tpu.memory_space<vmem>>[vector<16xi32>], vector<16xf32>,
      %parallel_loop3A_667 = arith.cmpi eq, %parallel_loop3A_655, %parallel_loop3A_661 : vector<16xi32>
      %parallel_loop3A_668 = arith.subf %parallel_loop3A_665, %parallel_loop3A_666 : vector<16xf32>
      %parallel_loop3A_669 = arith.constant 0.000000e+00 : f32
      %parallel_loop3A_670 = vector.broadcast %parallel_loop3A_669 : f32 to vector<16xf32>
      %parallel_loop3A_671 = arith.select %parallel_loop3A_667, %parallel_loop3A_668, %parallel_loop3A_670 : vector<16xi1>, vector<16xf32>
      %parallel_loop3A_672 = arith.constant 0 : i32
      %parallel_loop3A_673 = arith.addi %parallel_loop3A_672, %parallel_loop3A_648 : i32
      %parallel_loop3A_674 = arith.constant 16 : i32
      %parallel_loop3A_675 = arith.addi %parallel_loop3A_673, %parallel_loop3A_674 : i32
      %parallel_loop3A_676 = arith.index_cast %parallel_loop3A_675 : i32 to index
      %parallel_loop3A_677 = tpu.vector_load %arg10[%parallel_loop3A_676] {strides = array<i32>} : memref<16384xi32, #tpu.memory_space<vmem>>, vector<16xi32>,
      %parallel_loop3A_678 = arith.constant 50048 : i32
      %parallel_loop3A_679 = vector.broadcast %parallel_loop3A_678 : i32 to vector<16xi32>
      %parallel_loop3A_680 = arith.subi %parallel_loop3A_677, %parallel_loop3A_679 : vector<16xi32>
      %parallel_loop3A_681 = arith.constant 0 : i32
      %parallel_loop3A_682 = vector.broadcast %parallel_loop3A_681 : i32 to vector<16xi32>
      %parallel_loop3A_683 = arith.maxsi %parallel_loop3A_680, %parallel_loop3A_682 : vector<16xi32>
      %parallel_loop3A_684 = arith.constant 49951 : i32
      %parallel_loop3A_685 = vector.broadcast %parallel_loop3A_684 : i32 to vector<16xi32>
      %parallel_loop3A_686 = arith.minsi %parallel_loop3A_683, %parallel_loop3A_685 : vector<16xi32>
      %parallel_loop3A_687 = arith.constant 16 : i32
      %parallel_loop3A_688 = arith.addi %parallel_loop3A_648, %parallel_loop3A_687 : i32
      %parallel_loop3A_689 = arith.constant 0 : i32
      %parallel_loop3A_690 = arith.index_cast %parallel_loop3A_689 : i32 to index
      %parallel_loop3A_691 = arith.index_cast %parallel_loop3A_688 : i32 to index
      %parallel_loop3A_692 = tpu.vector_load %arg9[%parallel_loop3A_690, %parallel_loop3A_691] {strides = array<i32>} : memref<2x4096xf32, #tpu.memory_space<vmem>>, vector<16xf32>,
      %parallel_loop3A_693 = tpu.vector_load_idx %arg8[%parallel_loop3A_686] : memref<50048xf32, #tpu.memory_space<vmem>>[vector<16xi32>], vector<16xf32>,
      %parallel_loop3A_694 = arith.cmpi eq, %parallel_loop3A_680, %parallel_loop3A_686 : vector<16xi32>
      %parallel_loop3A_695 = arith.subf %parallel_loop3A_692, %parallel_loop3A_693 : vector<16xf32>
      %parallel_loop3A_696 = arith.constant 0.000000e+00 : f32
      %parallel_loop3A_697 = vector.broadcast %parallel_loop3A_696 : f32 to vector<16xf32>
      %parallel_loop3A_698 = arith.select %parallel_loop3A_694, %parallel_loop3A_695, %parallel_loop3A_697 : vector<16xi1>, vector<16xf32>
      %parallel_loop3A_699 = arith.mulf %parallel_loop3A_671, %parallel_loop3A_671 : vector<16xf32>
      %parallel_loop3A_700 = arith.addf %parallel_loop3A_645, %parallel_loop3A_699 : vector<16xf32>
      %parallel_loop3A_701 = arith.mulf %parallel_loop3A_698, %parallel_loop3A_698 : vector<16xf32>
      %parallel_loop3A_702 = arith.addf %parallel_loop3A_646, %parallel_loop3A_701 : vector<16xf32>
      scf.yield %parallel_loop3A_700, %parallel_loop3A_702 : vector<16xf32>, vector<16xf32>
    } {sc.loop_unroll_factor = 4 : i64, sc.parallel_access}
    %add3A_250 = arith.constant 0 : i32
    %add3A_251 = arith.addi %add3A, %add3A_250 : i32
    %dma_start3A_252 = arith.constant 0 : i32
    %dma_start3A_253 = arith.constant 0 : i32
    %dma_start3A_254 = tpu.memref_slice %arg9[%dma_start3A_252, %dma_start3A_253] : memref<2x4096xf32, #tpu.memory_space<vmem>> -> memref<1x4096xf32, #tpu.memory_space<vmem>>
    %dma_start3A_255 = tpu.memref_squeeze %dma_start3A_254 : memref<1x4096xf32, #tpu.memory_space<vmem>> -> memref<4096xf32, #tpu.memory_space<vmem>>
    %dma_start3A_256 = arith.constant 8192 : i32
    %dma_start3A_257 = tpu.memref_slice %arg3[%add3A_251, %dma_start3A_256] : memref<64x16384xf32, #tpu.memory_space<hbm>> -> memref<1x4096xf32, #tpu.memory_space<hbm>>
    %dma_start3A_258 = tpu.memref_squeeze %dma_start3A_257 : memref<1x4096xf32, #tpu.memory_space<hbm>> -> memref<4096xf32, #tpu.memory_space<hbm>>
    %dma_start3A_259 = arith.constant 0 : i32
    %dma_start3A_260 = tpu.memref_slice %arg9[%dma_start3A_252, %dma_start3A_259] : memref<2x4096xf32, #tpu.memory_space<vmem>> -> memref<1x4096xf32, #tpu.memory_space<vmem>>
    %dma_start3A_261 = tpu.memref_squeeze %dma_start3A_260 : memref<1x4096xf32, #tpu.memory_space<vmem>> -> memref<4096xf32, #tpu.memory_space<vmem>>
    %dma_start3A_262 = arith.constant 8192 : i32
    %dma_start3A_263 = tpu.memref_slice %arg3[%add3A_251, %dma_start3A_262] : memref<64x16384xf32, #tpu.memory_space<hbm>> -> memref<1x4096xf32, #tpu.memory_space<hbm>>
    %dma_start3A_264 = tpu.memref_squeeze %dma_start3A_263 : memref<1x4096xf32, #tpu.memory_space<hbm>> -> memref<4096xf32, #tpu.memory_space<hbm>>
    tpu.enqueue_dma source(%dma_start3A_264 : memref<4096xf32, #tpu.memory_space<hbm>>) target(%dma_start3A_261 : memref<4096xf32, #tpu.memory_space<vmem>>) target_semaphore(%arg15 : memref<!tpu.dma_semaphore, #tpu.memory_space<semaphore_mem>>)
    %dma_wait3A_265 = arith.constant 1 : i32
    %dma_wait3A_266 = arith.constant 0 : i32
    %dma_wait3A_267 = tpu.memref_slice %arg9[%dma_wait3A_265, %dma_wait3A_266] : memref<2x4096xf32, #tpu.memory_space<vmem>> -> memref<1x4096xf32, #tpu.memory_space<vmem>>
    %dma_wait3A_268 = tpu.memref_squeeze %dma_wait3A_267 : memref<1x4096xf32, #tpu.memory_space<vmem>> -> memref<4096xf32, #tpu.memory_space<vmem>>
    %dma_wait3A_269 = arith.constant 4096 : i32
    %dma_wait3A_270 = tpu.memref_slice %arg3[%add3A_187, %dma_wait3A_269] : memref<64x16384xf32, #tpu.memory_space<hbm>> -> memref<1x4096xf32, #tpu.memory_space<hbm>>
    %dma_wait3A_271 = tpu.memref_squeeze %dma_wait3A_270 : memref<1x4096xf32, #tpu.memory_space<hbm>> -> memref<4096xf32, #tpu.memory_space<hbm>>
    %dma_wait3A_272 = arith.constant 0 : i32
    %dma_wait3A_273 = tpu.memref_slice %arg9[%dma_wait3A_265, %dma_wait3A_272] : memref<2x4096xf32, #tpu.memory_space<vmem>> -> memref<1x4096xf32, #tpu.memory_space<vmem>>
    %dma_wait3A_274 = tpu.memref_squeeze %dma_wait3A_273 : memref<1x4096xf32, #tpu.memory_space<vmem>> -> memref<4096xf32, #tpu.memory_space<vmem>>
    %dma_wait3A_275 = arith.constant 4096 : i32
    %dma_wait3A_276 = tpu.memref_slice %arg3[%add3A_187, %dma_wait3A_275] : memref<64x16384xf32, #tpu.memory_space<hbm>> -> memref<1x4096xf32, #tpu.memory_space<hbm>>
    %dma_wait3A_277 = tpu.memref_squeeze %dma_wait3A_276 : memref<1x4096xf32, #tpu.memory_space<hbm>> -> memref<4096xf32, #tpu.memory_space<hbm>>
    tpu.wait_dma2 semaphore(%arg16 : memref<!tpu.dma_semaphore, #tpu.memory_space<semaphore_mem>>) src(%dma_wait3A_277 : memref<4096xf32, #tpu.memory_space<hbm>>) dst(%dma_wait3A_274 : memref<4096xf32, #tpu.memory_space<vmem>>)
    %parallel_loop3A_278 = arith.constant 0 : i32
    %parallel_loop3A_279 = arith.constant 128 : i32
    %parallel_loop3A_280 = arith.constant 1 : i32
    %parallel_loop3A_281:2 = scf.for %parallel_loop3A_644 = %parallel_loop3A_278 to %parallel_loop3A_279 step %parallel_loop3A_280 iter_args(%parallel_loop3A_645 = %parallel_loop3A_249#0, %parallel_loop3A_646 = %parallel_loop3A_249#1) -> (vector<16xf32>, vector<16xf32>)  : i32 {
      %parallel_loop3A_647 = arith.constant 32 : i32
      %parallel_loop3A_648 = arith.muli %parallel_loop3A_644, %parallel_loop3A_647 : i32
      %parallel_loop3A_649 = arith.constant 4096 : i32
      %parallel_loop3A_650 = arith.addi %parallel_loop3A_649, %parallel_loop3A_648 : i32
      %parallel_loop3A_651 = arith.index_cast %parallel_loop3A_650 : i32 to index
      %parallel_loop3A_652 = tpu.vector_load %arg10[%parallel_loop3A_651] {strides = array<i32>} : memref<16384xi32, #tpu.memory_space<vmem>>, vector<16xi32>,
      %parallel_loop3A_653 = arith.constant 50048 : i32
      %parallel_loop3A_654 = vector.broadcast %parallel_loop3A_653 : i32 to vector<16xi32>
      %parallel_loop3A_655 = arith.subi %parallel_loop3A_652, %parallel_loop3A_654 : vector<16xi32>
      %parallel_loop3A_656 = arith.constant 0 : i32
      %parallel_loop3A_657 = vector.broadcast %parallel_loop3A_656 : i32 to vector<16xi32>
      %parallel_loop3A_658 = arith.maxsi %parallel_loop3A_655, %parallel_loop3A_657 : vector<16xi32>
      %parallel_loop3A_659 = arith.constant 49951 : i32
      %parallel_loop3A_660 = vector.broadcast %parallel_loop3A_659 : i32 to vector<16xi32>
      %parallel_loop3A_661 = arith.minsi %parallel_loop3A_658, %parallel_loop3A_660 : vector<16xi32>
      %parallel_loop3A_662 = arith.constant 1 : i32
      %parallel_loop3A_663 = arith.index_cast %parallel_loop3A_662 : i32 to index
      %parallel_loop3A_664 = arith.index_cast %parallel_loop3A_648 : i32 to index
      %parallel_loop3A_665 = tpu.vector_load %arg9[%parallel_loop3A_663, %parallel_loop3A_664] {strides = array<i32>} : memref<2x4096xf32, #tpu.memory_space<vmem>>, vector<16xf32>,
      %parallel_loop3A_666 = tpu.vector_load_idx %arg8[%parallel_loop3A_661] : memref<50048xf32, #tpu.memory_space<vmem>>[vector<16xi32>], vector<16xf32>,
      %parallel_loop3A_667 = arith.cmpi eq, %parallel_loop3A_655, %parallel_loop3A_661 : vector<16xi32>
      %parallel_loop3A_668 = arith.subf %parallel_loop3A_665, %parallel_loop3A_666 : vector<16xf32>
      %parallel_loop3A_669 = arith.constant 0.000000e+00 : f32
      %parallel_loop3A_670 = vector.broadcast %parallel_loop3A_669 : f32 to vector<16xf32>
      %parallel_loop3A_671 = arith.select %parallel_loop3A_667, %parallel_loop3A_668, %parallel_loop3A_670 : vector<16xi1>, vector<16xf32>
      %parallel_loop3A_672 = arith.constant 4096 : i32
      %parallel_loop3A_673 = arith.addi %parallel_loop3A_672, %parallel_loop3A_648 : i32
      %parallel_loop3A_674 = arith.constant 16 : i32
      %parallel_loop3A_675 = arith.addi %parallel_loop3A_673, %parallel_loop3A_674 : i32
      %parallel_loop3A_676 = arith.index_cast %parallel_loop3A_675 : i32 to index
      %parallel_loop3A_677 = tpu.vector_load %arg10[%parallel_loop3A_676] {strides = array<i32>} : memref<16384xi32, #tpu.memory_space<vmem>>, vector<16xi32>,
      %parallel_loop3A_678 = arith.constant 50048 : i32
      %parallel_loop3A_679 = vector.broadcast %parallel_loop3A_678 : i32 to vector<16xi32>
      %parallel_loop3A_680 = arith.subi %parallel_loop3A_677, %parallel_loop3A_679 : vector<16xi32>
      %parallel_loop3A_681 = arith.constant 0 : i32
      %parallel_loop3A_682 = vector.broadcast %parallel_loop3A_681 : i32 to vector<16xi32>
      %parallel_loop3A_683 = arith.maxsi %parallel_loop3A_680, %parallel_loop3A_682 : vector<16xi32>
      %parallel_loop3A_684 = arith.constant 49951 : i32
      %parallel_loop3A_685 = vector.broadcast %parallel_loop3A_684 : i32 to vector<16xi32>
      %parallel_loop3A_686 = arith.minsi %parallel_loop3A_683, %parallel_loop3A_685 : vector<16xi32>
      %parallel_loop3A_687 = arith.constant 16 : i32
      %parallel_loop3A_688 = arith.addi %parallel_loop3A_648, %parallel_loop3A_687 : i32
      %parallel_loop3A_689 = arith.constant 1 : i32
      %parallel_loop3A_690 = arith.index_cast %parallel_loop3A_689 : i32 to index
      %parallel_loop3A_691 = arith.index_cast %parallel_loop3A_688 : i32 to index
      %parallel_loop3A_692 = tpu.vector_load %arg9[%parallel_loop3A_690, %parallel_loop3A_691] {strides = array<i32>} : memref<2x4096xf32, #tpu.memory_space<vmem>>, vector<16xf32>,
      %parallel_loop3A_693 = tpu.vector_load_idx %arg8[%parallel_loop3A_686] : memref<50048xf32, #tpu.memory_space<vmem>>[vector<16xi32>], vector<16xf32>,
      %parallel_loop3A_694 = arith.cmpi eq, %parallel_loop3A_680, %parallel_loop3A_686 : vector<16xi32>
      %parallel_loop3A_695 = arith.subf %parallel_loop3A_692, %parallel_loop3A_693 : vector<16xf32>
      %parallel_loop3A_696 = arith.constant 0.000000e+00 : f32
      %parallel_loop3A_697 = vector.broadcast %parallel_loop3A_696 : f32 to vector<16xf32>
      %parallel_loop3A_698 = arith.select %parallel_loop3A_694, %parallel_loop3A_695, %parallel_loop3A_697 : vector<16xi1>, vector<16xf32>
      %parallel_loop3A_699 = arith.mulf %parallel_loop3A_671, %parallel_loop3A_671 : vector<16xf32>
      %parallel_loop3A_700 = arith.addf %parallel_loop3A_645, %parallel_loop3A_699 : vector<16xf32>
      %parallel_loop3A_701 = arith.mulf %parallel_loop3A_698, %parallel_loop3A_698 : vector<16xf32>
      %parallel_loop3A_702 = arith.addf %parallel_loop3A_646, %parallel_loop3A_701 : vector<16xf32>
      scf.yield %parallel_loop3A_700, %parallel_loop3A_702 : vector<16xf32>, vector<16xf32>
    } {sc.loop_unroll_factor = 4 : i64, sc.parallel_access}
    %add3A_282 = arith.constant 0 : i32
    %add3A_283 = arith.addi %add3A, %add3A_282 : i32
    %dma_start3A_284 = arith.constant 1 : i32
    %dma_start3A_285 = arith.constant 0 : i32
    %dma_start3A_286 = tpu.memref_slice %arg9[%dma_start3A_284, %dma_start3A_285] : memref<2x4096xf32, #tpu.memory_space<vmem>> -> memref<1x4096xf32, #tpu.memory_space<vmem>>
    %dma_start3A_287 = tpu.memref_squeeze %dma_start3A_286 : memref<1x4096xf32, #tpu.memory_space<vmem>> -> memref<4096xf32, #tpu.memory_space<vmem>>
    %dma_start3A_288 = arith.constant 12288 : i32
    %dma_start3A_289 = tpu.memref_slice %arg3[%add3A_283, %dma_start3A_288] : memref<64x16384xf32, #tpu.memory_space<hbm>> -> memref<1x4096xf32, #tpu.memory_space<hbm>>
    %dma_start3A_290 = tpu.memref_squeeze %dma_start3A_289 : memref<1x4096xf32, #tpu.memory_space<hbm>> -> memref<4096xf32, #tpu.memory_space<hbm>>
    %dma_start3A_291 = arith.constant 0 : i32
    %dma_start3A_292 = tpu.memref_slice %arg9[%dma_start3A_284, %dma_start3A_291] : memref<2x4096xf32, #tpu.memory_space<vmem>> -> memref<1x4096xf32, #tpu.memory_space<vmem>>
    %dma_start3A_293 = tpu.memref_squeeze %dma_start3A_292 : memref<1x4096xf32, #tpu.memory_space<vmem>> -> memref<4096xf32, #tpu.memory_space<vmem>>
    %dma_start3A_294 = arith.constant 12288 : i32
    %dma_start3A_295 = tpu.memref_slice %arg3[%add3A_283, %dma_start3A_294] : memref<64x16384xf32, #tpu.memory_space<hbm>> -> memref<1x4096xf32, #tpu.memory_space<hbm>>
    %dma_start3A_296 = tpu.memref_squeeze %dma_start3A_295 : memref<1x4096xf32, #tpu.memory_space<hbm>> -> memref<4096xf32, #tpu.memory_space<hbm>>
    tpu.enqueue_dma source(%dma_start3A_296 : memref<4096xf32, #tpu.memory_space<hbm>>) target(%dma_start3A_293 : memref<4096xf32, #tpu.memory_space<vmem>>) target_semaphore(%arg16 : memref<!tpu.dma_semaphore, #tpu.memory_space<semaphore_mem>>)
    %dma_wait3A_297 = arith.constant 0 : i32
    %dma_wait3A_298 = arith.constant 0 : i32
    %dma_wait3A_299 = tpu.memref_slice %arg9[%dma_wait3A_297, %dma_wait3A_298] : memref<2x4096xf32, #tpu.memory_space<vmem>> -> memref<1x4096xf32, #tpu.memory_space<vmem>>
    %dma_wait3A_300 = tpu.memref_squeeze %dma_wait3A_299 : memref<1x4096xf32, #tpu.memory_space<vmem>> -> memref<4096xf32, #tpu.memory_space<vmem>>
    %dma_wait3A_301 = arith.constant 8192 : i32
    %dma_wait3A_302 = tpu.memref_slice %arg3[%add3A_251, %dma_wait3A_301] : memref<64x16384xf32, #tpu.memory_space<hbm>> -> memref<1x4096xf32, #tpu.memory_space<hbm>>
    %dma_wait3A_303 = tpu.memref_squeeze %dma_wait3A_302 : memref<1x4096xf32, #tpu.memory_space<hbm>> -> memref<4096xf32, #tpu.memory_space<hbm>>
    %dma_wait3A_304 = arith.constant 0 : i32
    %dma_wait3A_305 = tpu.memref_slice %arg9[%dma_wait3A_297, %dma_wait3A_304] : memref<2x4096xf32, #tpu.memory_space<vmem>> -> memref<1x4096xf32, #tpu.memory_space<vmem>>
    %dma_wait3A_306 = tpu.memref_squeeze %dma_wait3A_305 : memref<1x4096xf32, #tpu.memory_space<vmem>> -> memref<4096xf32, #tpu.memory_space<vmem>>
    %dma_wait3A_307 = arith.constant 8192 : i32
    %dma_wait3A_308 = tpu.memref_slice %arg3[%add3A_251, %dma_wait3A_307] : memref<64x16384xf32, #tpu.memory_space<hbm>> -> memref<1x4096xf32, #tpu.memory_space<hbm>>
    %dma_wait3A_309 = tpu.memref_squeeze %dma_wait3A_308 : memref<1x4096xf32, #tpu.memory_space<hbm>> -> memref<4096xf32, #tpu.memory_space<hbm>>
    tpu.wait_dma2 semaphore(%arg15 : memref<!tpu.dma_semaphore, #tpu.memory_space<semaphore_mem>>) src(%dma_wait3A_309 : memref<4096xf32, #tpu.memory_space<hbm>>) dst(%dma_wait3A_306 : memref<4096xf32, #tpu.memory_space<vmem>>)
    %parallel_loop3A_310 = arith.constant 0 : i32
    %parallel_loop3A_311 = arith.constant 128 : i32
    %parallel_loop3A_312 = arith.constant 1 : i32
    %parallel_loop3A_313:2 = scf.for %parallel_loop3A_644 = %parallel_loop3A_310 to %parallel_loop3A_311 step %parallel_loop3A_312 iter_args(%parallel_loop3A_645 = %parallel_loop3A_281#0, %parallel_loop3A_646 = %parallel_loop3A_281#1) -> (vector<16xf32>, vector<16xf32>)  : i32 {
      %parallel_loop3A_647 = arith.constant 32 : i32
      %parallel_loop3A_648 = arith.muli %parallel_loop3A_644, %parallel_loop3A_647 : i32
      %parallel_loop3A_649 = arith.constant 8192 : i32
      %parallel_loop3A_650 = arith.addi %parallel_loop3A_649, %parallel_loop3A_648 : i32
      %parallel_loop3A_651 = arith.index_cast %parallel_loop3A_650 : i32 to index
      %parallel_loop3A_652 = tpu.vector_load %arg10[%parallel_loop3A_651] {strides = array<i32>} : memref<16384xi32, #tpu.memory_space<vmem>>, vector<16xi32>,
      %parallel_loop3A_653 = arith.constant 50048 : i32
      %parallel_loop3A_654 = vector.broadcast %parallel_loop3A_653 : i32 to vector<16xi32>
      %parallel_loop3A_655 = arith.subi %parallel_loop3A_652, %parallel_loop3A_654 : vector<16xi32>
      %parallel_loop3A_656 = arith.constant 0 : i32
      %parallel_loop3A_657 = vector.broadcast %parallel_loop3A_656 : i32 to vector<16xi32>
      %parallel_loop3A_658 = arith.maxsi %parallel_loop3A_655, %parallel_loop3A_657 : vector<16xi32>
      %parallel_loop3A_659 = arith.constant 49951 : i32
      %parallel_loop3A_660 = vector.broadcast %parallel_loop3A_659 : i32 to vector<16xi32>
      %parallel_loop3A_661 = arith.minsi %parallel_loop3A_658, %parallel_loop3A_660 : vector<16xi32>
      %parallel_loop3A_662 = arith.constant 0 : i32
      %parallel_loop3A_663 = arith.index_cast %parallel_loop3A_662 : i32 to index
      %parallel_loop3A_664 = arith.index_cast %parallel_loop3A_648 : i32 to index
      %parallel_loop3A_665 = tpu.vector_load %arg9[%parallel_loop3A_663, %parallel_loop3A_664] {strides = array<i32>} : memref<2x4096xf32, #tpu.memory_space<vmem>>, vector<16xf32>,
      %parallel_loop3A_666 = tpu.vector_load_idx %arg8[%parallel_loop3A_661] : memref<50048xf32, #tpu.memory_space<vmem>>[vector<16xi32>], vector<16xf32>,
      %parallel_loop3A_667 = arith.cmpi eq, %parallel_loop3A_655, %parallel_loop3A_661 : vector<16xi32>
      %parallel_loop3A_668 = arith.subf %parallel_loop3A_665, %parallel_loop3A_666 : vector<16xf32>
      %parallel_loop3A_669 = arith.constant 0.000000e+00 : f32
      %parallel_loop3A_670 = vector.broadcast %parallel_loop3A_669 : f32 to vector<16xf32>
      %parallel_loop3A_671 = arith.select %parallel_loop3A_667, %parallel_loop3A_668, %parallel_loop3A_670 : vector<16xi1>, vector<16xf32>
      %parallel_loop3A_672 = arith.constant 8192 : i32
      %parallel_loop3A_673 = arith.addi %parallel_loop3A_672, %parallel_loop3A_648 : i32
      %parallel_loop3A_674 = arith.constant 16 : i32
      %parallel_loop3A_675 = arith.addi %parallel_loop3A_673, %parallel_loop3A_674 : i32
      %parallel_loop3A_676 = arith.index_cast %parallel_loop3A_675 : i32 to index
      %parallel_loop3A_677 = tpu.vector_load %arg10[%parallel_loop3A_676] {strides = array<i32>} : memref<16384xi32, #tpu.memory_space<vmem>>, vector<16xi32>,
      %parallel_loop3A_678 = arith.constant 50048 : i32
      %parallel_loop3A_679 = vector.broadcast %parallel_loop3A_678 : i32 to vector<16xi32>
      %parallel_loop3A_680 = arith.subi %parallel_loop3A_677, %parallel_loop3A_679 : vector<16xi32>
      %parallel_loop3A_681 = arith.constant 0 : i32
      %parallel_loop3A_682 = vector.broadcast %parallel_loop3A_681 : i32 to vector<16xi32>
      %parallel_loop3A_683 = arith.maxsi %parallel_loop3A_680, %parallel_loop3A_682 : vector<16xi32>
      %parallel_loop3A_684 = arith.constant 49951 : i32
      %parallel_loop3A_685 = vector.broadcast %parallel_loop3A_684 : i32 to vector<16xi32>
      %parallel_loop3A_686 = arith.minsi %parallel_loop3A_683, %parallel_loop3A_685 : vector<16xi32>
      %parallel_loop3A_687 = arith.constant 16 : i32
      %parallel_loop3A_688 = arith.addi %parallel_loop3A_648, %parallel_loop3A_687 : i32
      %parallel_loop3A_689 = arith.constant 0 : i32
      %parallel_loop3A_690 = arith.index_cast %parallel_loop3A_689 : i32 to index
      %parallel_loop3A_691 = arith.index_cast %parallel_loop3A_688 : i32 to index
      %parallel_loop3A_692 = tpu.vector_load %arg9[%parallel_loop3A_690, %parallel_loop3A_691] {strides = array<i32>} : memref<2x4096xf32, #tpu.memory_space<vmem>>, vector<16xf32>,
      %parallel_loop3A_693 = tpu.vector_load_idx %arg8[%parallel_loop3A_686] : memref<50048xf32, #tpu.memory_space<vmem>>[vector<16xi32>], vector<16xf32>,
      %parallel_loop3A_694 = arith.cmpi eq, %parallel_loop3A_680, %parallel_loop3A_686 : vector<16xi32>
      %parallel_loop3A_695 = arith.subf %parallel_loop3A_692, %parallel_loop3A_693 : vector<16xf32>
      %parallel_loop3A_696 = arith.constant 0.000000e+00 : f32
      %parallel_loop3A_697 = vector.broadcast %parallel_loop3A_696 : f32 to vector<16xf32>
      %parallel_loop3A_698 = arith.select %parallel_loop3A_694, %parallel_loop3A_695, %parallel_loop3A_697 : vector<16xi1>, vector<16xf32>
      %parallel_loop3A_699 = arith.mulf %parallel_loop3A_671, %parallel_loop3A_671 : vector<16xf32>
      %parallel_loop3A_700 = arith.addf %parallel_loop3A_645, %parallel_loop3A_699 : vector<16xf32>
      %parallel_loop3A_701 = arith.mulf %parallel_loop3A_698, %parallel_loop3A_698 : vector<16xf32>
      %parallel_loop3A_702 = arith.addf %parallel_loop3A_646, %parallel_loop3A_701 : vector<16xf32>
      scf.yield %parallel_loop3A_700, %parallel_loop3A_702 : vector<16xf32>, vector<16xf32>
    } {sc.loop_unroll_factor = 4 : i64, sc.parallel_access}
    %add3A_314 = arith.constant 32 : i32
    %add3A_315 = arith.addi %add3A, %add3A_314 : i32
    %dma_start3A_316 = arith.constant 0 : i32
    %dma_start3A_317 = arith.constant 0 : i32
    %dma_start3A_318 = tpu.memref_slice %arg9[%dma_start3A_316, %dma_start3A_317] : memref<2x4096xf32, #tpu.memory_space<vmem>> -> memref<1x4096xf32, #tpu.memory_space<vmem>>
    %dma_start3A_319 = tpu.memref_squeeze %dma_start3A_318 : memref<1x4096xf32, #tpu.memory_space<vmem>> -> memref<4096xf32, #tpu.memory_space<vmem>>
    %dma_start3A_320 = arith.constant 0 : i32
    %dma_start3A_321 = tpu.memref_slice %arg3[%add3A_315, %dma_start3A_320] : memref<64x16384xf32, #tpu.memory_space<hbm>> -> memref<1x4096xf32, #tpu.memory_space<hbm>>
    %dma_start3A_322 = tpu.memref_squeeze %dma_start3A_321 : memref<1x4096xf32, #tpu.memory_space<hbm>> -> memref<4096xf32, #tpu.memory_space<hbm>>
    %dma_start3A_323 = arith.constant 0 : i32
    %dma_start3A_324 = tpu.memref_slice %arg9[%dma_start3A_316, %dma_start3A_323] : memref<2x4096xf32, #tpu.memory_space<vmem>> -> memref<1x4096xf32, #tpu.memory_space<vmem>>
    %dma_start3A_325 = tpu.memref_squeeze %dma_start3A_324 : memref<1x4096xf32, #tpu.memory_space<vmem>> -> memref<4096xf32, #tpu.memory_space<vmem>>
    %dma_start3A_326 = arith.constant 0 : i32
    %dma_start3A_327 = tpu.memref_slice %arg3[%add3A_315, %dma_start3A_326] : memref<64x16384xf32, #tpu.memory_space<hbm>> -> memref<1x4096xf32, #tpu.memory_space<hbm>>
    %dma_start3A_328 = tpu.memref_squeeze %dma_start3A_327 : memref<1x4096xf32, #tpu.memory_space<hbm>> -> memref<4096xf32, #tpu.memory_space<hbm>>
    tpu.enqueue_dma source(%dma_start3A_328 : memref<4096xf32, #tpu.memory_space<hbm>>) target(%dma_start3A_325 : memref<4096xf32, #tpu.memory_space<vmem>>) target_semaphore(%arg15 : memref<!tpu.dma_semaphore, #tpu.memory_space<semaphore_mem>>)
    %dma_wait3A_329 = arith.constant 1 : i32
    %dma_wait3A_330 = arith.constant 0 : i32
    %dma_wait3A_331 = tpu.memref_slice %arg9[%dma_wait3A_329, %dma_wait3A_330] : memref<2x4096xf32, #tpu.memory_space<vmem>> -> memref<1x4096xf32, #tpu.memory_space<vmem>>
    %dma_wait3A_332 = tpu.memref_squeeze %dma_wait3A_331 : memref<1x4096xf32, #tpu.memory_space<vmem>> -> memref<4096xf32, #tpu.memory_space<vmem>>
    %dma_wait3A_333 = arith.constant 12288 : i32
    %dma_wait3A_334 = tpu.memref_slice %arg3[%add3A_283, %dma_wait3A_333] : memref<64x16384xf32, #tpu.memory_space<hbm>> -> memref<1x4096xf32, #tpu.memory_space<hbm>>
    %dma_wait3A_335 = tpu.memref_squeeze %dma_wait3A_334 : memref<1x4096xf32, #tpu.memory_space<hbm>> -> memref<4096xf32, #tpu.memory_space<hbm>>
    %dma_wait3A_336 = arith.constant 0 : i32
    %dma_wait3A_337 = tpu.memref_slice %arg9[%dma_wait3A_329, %dma_wait3A_336] : memref<2x4096xf32, #tpu.memory_space<vmem>> -> memref<1x4096xf32, #tpu.memory_space<vmem>>
    %dma_wait3A_338 = tpu.memref_squeeze %dma_wait3A_337 : memref<1x4096xf32, #tpu.memory_space<vmem>> -> memref<4096xf32, #tpu.memory_space<vmem>>
    %dma_wait3A_339 = arith.constant 12288 : i32
    %dma_wait3A_340 = tpu.memref_slice %arg3[%add3A_283, %dma_wait3A_339] : memref<64x16384xf32, #tpu.memory_space<hbm>> -> memref<1x4096xf32, #tpu.memory_space<hbm>>
    %dma_wait3A_341 = tpu.memref_squeeze %dma_wait3A_340 : memref<1x4096xf32, #tpu.memory_space<hbm>> -> memref<4096xf32, #tpu.memory_space<hbm>>
    tpu.wait_dma2 semaphore(%arg16 : memref<!tpu.dma_semaphore, #tpu.memory_space<semaphore_mem>>) src(%dma_wait3A_341 : memref<4096xf32, #tpu.memory_space<hbm>>) dst(%dma_wait3A_338 : memref<4096xf32, #tpu.memory_space<vmem>>)
    %parallel_loop3A_342 = arith.constant 0 : i32
    %parallel_loop3A_343 = arith.constant 128 : i32
    %parallel_loop3A_344 = arith.constant 1 : i32
    %parallel_loop3A_345:2 = scf.for %parallel_loop3A_644 = %parallel_loop3A_342 to %parallel_loop3A_343 step %parallel_loop3A_344 iter_args(%parallel_loop3A_645 = %parallel_loop3A_313#0, %parallel_loop3A_646 = %parallel_loop3A_313#1) -> (vector<16xf32>, vector<16xf32>)  : i32 {
      %parallel_loop3A_647 = arith.constant 32 : i32
      %parallel_loop3A_648 = arith.muli %parallel_loop3A_644, %parallel_loop3A_647 : i32
      %parallel_loop3A_649 = arith.constant 12288 : i32
      %parallel_loop3A_650 = arith.addi %parallel_loop3A_649, %parallel_loop3A_648 : i32
      %parallel_loop3A_651 = arith.index_cast %parallel_loop3A_650 : i32 to index
      %parallel_loop3A_652 = tpu.vector_load %arg10[%parallel_loop3A_651] {strides = array<i32>} : memref<16384xi32, #tpu.memory_space<vmem>>, vector<16xi32>,
      %parallel_loop3A_653 = arith.constant 50048 : i32
      %parallel_loop3A_654 = vector.broadcast %parallel_loop3A_653 : i32 to vector<16xi32>
      %parallel_loop3A_655 = arith.subi %parallel_loop3A_652, %parallel_loop3A_654 : vector<16xi32>
      %parallel_loop3A_656 = arith.constant 0 : i32
      %parallel_loop3A_657 = vector.broadcast %parallel_loop3A_656 : i32 to vector<16xi32>
      %parallel_loop3A_658 = arith.maxsi %parallel_loop3A_655, %parallel_loop3A_657 : vector<16xi32>
      %parallel_loop3A_659 = arith.constant 49951 : i32
      %parallel_loop3A_660 = vector.broadcast %parallel_loop3A_659 : i32 to vector<16xi32>
      %parallel_loop3A_661 = arith.minsi %parallel_loop3A_658, %parallel_loop3A_660 : vector<16xi32>
      %parallel_loop3A_662 = arith.constant 1 : i32
      %parallel_loop3A_663 = arith.index_cast %parallel_loop3A_662 : i32 to index
      %parallel_loop3A_664 = arith.index_cast %parallel_loop3A_648 : i32 to index
      %parallel_loop3A_665 = tpu.vector_load %arg9[%parallel_loop3A_663, %parallel_loop3A_664] {strides = array<i32>} : memref<2x4096xf32, #tpu.memory_space<vmem>>, vector<16xf32>,
      %parallel_loop3A_666 = tpu.vector_load_idx %arg8[%parallel_loop3A_661] : memref<50048xf32, #tpu.memory_space<vmem>>[vector<16xi32>], vector<16xf32>,
      %parallel_loop3A_667 = arith.cmpi eq, %parallel_loop3A_655, %parallel_loop3A_661 : vector<16xi32>
      %parallel_loop3A_668 = arith.subf %parallel_loop3A_665, %parallel_loop3A_666 : vector<16xf32>
      %parallel_loop3A_669 = arith.constant 0.000000e+00 : f32
      %parallel_loop3A_670 = vector.broadcast %parallel_loop3A_669 : f32 to vector<16xf32>
      %parallel_loop3A_671 = arith.select %parallel_loop3A_667, %parallel_loop3A_668, %parallel_loop3A_670 : vector<16xi1>, vector<16xf32>
      %parallel_loop3A_672 = arith.constant 12288 : i32
      %parallel_loop3A_673 = arith.addi %parallel_loop3A_672, %parallel_loop3A_648 : i32
      %parallel_loop3A_674 = arith.constant 16 : i32
      %parallel_loop3A_675 = arith.addi %parallel_loop3A_673, %parallel_loop3A_674 : i32
      %parallel_loop3A_676 = arith.index_cast %parallel_loop3A_675 : i32 to index
      %parallel_loop3A_677 = tpu.vector_load %arg10[%parallel_loop3A_676] {strides = array<i32>} : memref<16384xi32, #tpu.memory_space<vmem>>, vector<16xi32>,
      %parallel_loop3A_678 = arith.constant 50048 : i32
      %parallel_loop3A_679 = vector.broadcast %parallel_loop3A_678 : i32 to vector<16xi32>
      %parallel_loop3A_680 = arith.subi %parallel_loop3A_677, %parallel_loop3A_679 : vector<16xi32>
      %parallel_loop3A_681 = arith.constant 0 : i32
      %parallel_loop3A_682 = vector.broadcast %parallel_loop3A_681 : i32 to vector<16xi32>
      %parallel_loop3A_683 = arith.maxsi %parallel_loop3A_680, %parallel_loop3A_682 : vector<16xi32>
      %parallel_loop3A_684 = arith.constant 49951 : i32
      %parallel_loop3A_685 = vector.broadcast %parallel_loop3A_684 : i32 to vector<16xi32>
      %parallel_loop3A_686 = arith.minsi %parallel_loop3A_683, %parallel_loop3A_685 : vector<16xi32>
      %parallel_loop3A_687 = arith.constant 16 : i32
      %parallel_loop3A_688 = arith.addi %parallel_loop3A_648, %parallel_loop3A_687 : i32
      %parallel_loop3A_689 = arith.constant 1 : i32
      %parallel_loop3A_690 = arith.index_cast %parallel_loop3A_689 : i32 to index
      %parallel_loop3A_691 = arith.index_cast %parallel_loop3A_688 : i32 to index
      %parallel_loop3A_692 = tpu.vector_load %arg9[%parallel_loop3A_690, %parallel_loop3A_691] {strides = array<i32>} : memref<2x4096xf32, #tpu.memory_space<vmem>>, vector<16xf32>,
      %parallel_loop3A_693 = tpu.vector_load_idx %arg8[%parallel_loop3A_686] : memref<50048xf32, #tpu.memory_space<vmem>>[vector<16xi32>], vector<16xf32>,
      %parallel_loop3A_694 = arith.cmpi eq, %parallel_loop3A_680, %parallel_loop3A_686 : vector<16xi32>
      %parallel_loop3A_695 = arith.subf %parallel_loop3A_692, %parallel_loop3A_693 : vector<16xf32>
      %parallel_loop3A_696 = arith.constant 0.000000e+00 : f32
      %parallel_loop3A_697 = vector.broadcast %parallel_loop3A_696 : f32 to vector<16xf32>
      %parallel_loop3A_698 = arith.select %parallel_loop3A_694, %parallel_loop3A_695, %parallel_loop3A_697 : vector<16xi1>, vector<16xf32>
      %parallel_loop3A_699 = arith.mulf %parallel_loop3A_671, %parallel_loop3A_671 : vector<16xf32>
      %parallel_loop3A_700 = arith.addf %parallel_loop3A_645, %parallel_loop3A_699 : vector<16xf32>
      %parallel_loop3A_701 = arith.mulf %parallel_loop3A_698, %parallel_loop3A_698 : vector<16xf32>
      %parallel_loop3A_702 = arith.addf %parallel_loop3A_646, %parallel_loop3A_701 : vector<16xf32>
      scf.yield %parallel_loop3A_700, %parallel_loop3A_702 : vector<16xf32>, vector<16xf32>
    } {sc.loop_unroll_factor = 4 : i64, sc.parallel_access}
    %add3A_346 = arith.constant 32 : i32
    %add3A_347 = arith.addi %add3A, %add3A_346 : i32
    %dma_start3A_348 = arith.constant 1 : i32
    %dma_start3A_349 = arith.constant 0 : i32
    %dma_start3A_350 = tpu.memref_slice %arg9[%dma_start3A_348, %dma_start3A_349] : memref<2x4096xf32, #tpu.memory_space<vmem>> -> memref<1x4096xf32, #tpu.memory_space<vmem>>
    %dma_start3A_351 = tpu.memref_squeeze %dma_start3A_350 : memref<1x4096xf32, #tpu.memory_space<vmem>> -> memref<4096xf32, #tpu.memory_space<vmem>>
    %dma_start3A_352 = arith.constant 4096 : i32
    %dma_start3A_353 = tpu.memref_slice %arg3[%add3A_347, %dma_start3A_352] : memref<64x16384xf32, #tpu.memory_space<hbm>> -> memref<1x4096xf32, #tpu.memory_space<hbm>>
    %dma_start3A_354 = tpu.memref_squeeze %dma_start3A_353 : memref<1x4096xf32, #tpu.memory_space<hbm>> -> memref<4096xf32, #tpu.memory_space<hbm>>
    %dma_start3A_355 = arith.constant 0 : i32
    %dma_start3A_356 = tpu.memref_slice %arg9[%dma_start3A_348, %dma_start3A_355] : memref<2x4096xf32, #tpu.memory_space<vmem>> -> memref<1x4096xf32, #tpu.memory_space<vmem>>
    %dma_start3A_357 = tpu.memref_squeeze %dma_start3A_356 : memref<1x4096xf32, #tpu.memory_space<vmem>> -> memref<4096xf32, #tpu.memory_space<vmem>>
    %dma_start3A_358 = arith.constant 4096 : i32
    %dma_start3A_359 = tpu.memref_slice %arg3[%add3A_347, %dma_start3A_358] : memref<64x16384xf32, #tpu.memory_space<hbm>> -> memref<1x4096xf32, #tpu.memory_space<hbm>>
    %dma_start3A_360 = tpu.memref_squeeze %dma_start3A_359 : memref<1x4096xf32, #tpu.memory_space<hbm>> -> memref<4096xf32, #tpu.memory_space<hbm>>
    tpu.enqueue_dma source(%dma_start3A_360 : memref<4096xf32, #tpu.memory_space<hbm>>) target(%dma_start3A_357 : memref<4096xf32, #tpu.memory_space<vmem>>) target_semaphore(%arg16 : memref<!tpu.dma_semaphore, #tpu.memory_space<semaphore_mem>>)
    %add3A_361 = arith.constant 32 : i32
    %add3A_362 = arith.addi %add3A, %add3A_361 : i32
    %dma_start3A_363 = arith.constant 0 : i32
    %dma_start3A_364 = tpu.memref_slice %arg8[%dma_start3A_363] : memref<50048xf32, #tpu.memory_space<vmem>> -> memref<49920xf32, #tpu.memory_space<vmem>>
    %dma_start3A_365 = arith.constant 50048 : i32
    %dma_start3A_366 = tpu.memref_slice %arg4[%add3A_362, %dma_start3A_365] : memref<64x100000xf32, #tpu.memory_space<hbm>> -> memref<1x49920xf32, #tpu.memory_space<hbm>>
    %dma_start3A_367 = tpu.memref_squeeze %dma_start3A_366 : memref<1x49920xf32, #tpu.memory_space<hbm>> -> memref<49920xf32, #tpu.memory_space<hbm>>
    %dma_start3A_368 = arith.constant 0 : i32
    %dma_start3A_369 = tpu.memref_slice %arg8[%dma_start3A_368] : memref<50048xf32, #tpu.memory_space<vmem>> -> memref<49920xf32, #tpu.memory_space<vmem>>
    %dma_start3A_370 = arith.constant 50048 : i32
    %dma_start3A_371 = tpu.memref_slice %arg4[%add3A_362, %dma_start3A_370] : memref<64x100000xf32, #tpu.memory_space<hbm>> -> memref<1x49920xf32, #tpu.memory_space<hbm>>
    %dma_start3A_372 = tpu.memref_squeeze %dma_start3A_371 : memref<1x49920xf32, #tpu.memory_space<hbm>> -> memref<49920xf32, #tpu.memory_space<hbm>>
    tpu.enqueue_dma source(%dma_start3A_372 : memref<49920xf32, #tpu.memory_space<hbm>>) target(%dma_start3A_369 : memref<49920xf32, #tpu.memory_space<vmem>>) target_semaphore(%arg14 : memref<!tpu.dma_semaphore, #tpu.memory_space<semaphore_mem>>)
    %dma_start3A_373 = arith.constant 49920 : i32
    %dma_start3A_374 = tpu.memref_slice %arg8[%dma_start3A_373] : memref<50048xf32, #tpu.memory_space<vmem>> -> memref<128xf32, #tpu.memory_space<vmem>>
    %dma_start3A_375 = arith.constant 0 : i32
    %dma_start3A_376 = tpu.memref_slice %arg5[%add3A_362, %dma_start3A_375] : memref<64x128xf32, #tpu.memory_space<hbm>> -> memref<1x128xf32, #tpu.memory_space<hbm>>
    %dma_start3A_377 = tpu.memref_squeeze %dma_start3A_376 : memref<1x128xf32, #tpu.memory_space<hbm>> -> memref<128xf32, #tpu.memory_space<hbm>>
    %dma_start3A_378 = arith.constant 49920 : i32
    %dma_start3A_379 = tpu.memref_slice %arg8[%dma_start3A_378] : memref<50048xf32, #tpu.memory_space<vmem>> -> memref<128xf32, #tpu.memory_space<vmem>>
    %dma_start3A_380 = arith.constant 0 : i32
    %dma_start3A_381 = tpu.memref_slice %arg5[%add3A_362, %dma_start3A_380] : memref<64x128xf32, #tpu.memory_space<hbm>> -> memref<1x128xf32, #tpu.memory_space<hbm>>
    %dma_start3A_382 = tpu.memref_squeeze %dma_start3A_381 : memref<1x128xf32, #tpu.memory_space<hbm>> -> memref<128xf32, #tpu.memory_space<hbm>>
    tpu.enqueue_dma source(%dma_start3A_382 : memref<128xf32, #tpu.memory_space<hbm>>) target(%dma_start3A_379 : memref<128xf32, #tpu.memory_space<vmem>>) target_semaphore(%arg14 : memref<!tpu.dma_semaphore, #tpu.memory_space<semaphore_mem>>)
    %dma_wait3A_383 = arith.constant 0 : i32
    %dma_wait3A_384 = tpu.memref_slice %arg7[%dma_wait3A_383] : memref<50048xf32, #tpu.memory_space<vmem>> -> memref<50048xf32, #tpu.memory_space<vmem>>
    %dma_wait3A_385 = arith.constant 0 : i32
    %dma_wait3A_386 = tpu.memref_slice %arg4[%add3A_202, %dma_wait3A_385] : memref<64x100000xf32, #tpu.memory_space<hbm>> -> memref<1x50048xf32, #tpu.memory_space<hbm>>
    %dma_wait3A_387 = tpu.memref_squeeze %dma_wait3A_386 : memref<1x50048xf32, #tpu.memory_space<hbm>> -> memref<50048xf32, #tpu.memory_space<hbm>>
    %dma_wait3A_388 = arith.constant 0 : i32
    %dma_wait3A_389 = tpu.memref_slice %arg7[%dma_wait3A_388] : memref<50048xf32, #tpu.memory_space<vmem>> -> memref<50048xf32, #tpu.memory_space<vmem>>
    %dma_wait3A_390 = arith.constant 0 : i32
    %dma_wait3A_391 = tpu.memref_slice %arg4[%add3A_202, %dma_wait3A_390] : memref<64x100000xf32, #tpu.memory_space<hbm>> -> memref<1x50048xf32, #tpu.memory_space<hbm>>
    %dma_wait3A_392 = tpu.memref_squeeze %dma_wait3A_391 : memref<1x50048xf32, #tpu.memory_space<hbm>> -> memref<50048xf32, #tpu.memory_space<hbm>>
    tpu.wait_dma2 semaphore(%arg13 : memref<!tpu.dma_semaphore, #tpu.memory_space<semaphore_mem>>) src(%dma_wait3A_392 : memref<50048xf32, #tpu.memory_space<hbm>>) dst(%dma_wait3A_389 : memref<50048xf32, #tpu.memory_space<vmem>>)
    %dma_wait3A_393 = arith.constant 0 : i32
    %dma_wait3A_394 = arith.constant 0 : i32
    %dma_wait3A_395 = tpu.memref_slice %arg9[%dma_wait3A_393, %dma_wait3A_394] : memref<2x4096xf32, #tpu.memory_space<vmem>> -> memref<1x4096xf32, #tpu.memory_space<vmem>>
    %dma_wait3A_396 = tpu.memref_squeeze %dma_wait3A_395 : memref<1x4096xf32, #tpu.memory_space<vmem>> -> memref<4096xf32, #tpu.memory_space<vmem>>
    %dma_wait3A_397 = arith.constant 0 : i32
    %dma_wait3A_398 = tpu.memref_slice %arg3[%add3A_315, %dma_wait3A_397] : memref<64x16384xf32, #tpu.memory_space<hbm>> -> memref<1x4096xf32, #tpu.memory_space<hbm>>
    %dma_wait3A_399 = tpu.memref_squeeze %dma_wait3A_398 : memref<1x4096xf32, #tpu.memory_space<hbm>> -> memref<4096xf32, #tpu.memory_space<hbm>>
    %dma_wait3A_400 = arith.constant 0 : i32
    %dma_wait3A_401 = tpu.memref_slice %arg9[%dma_wait3A_393, %dma_wait3A_400] : memref<2x4096xf32, #tpu.memory_space<vmem>> -> memref<1x4096xf32, #tpu.memory_space<vmem>>
    %dma_wait3A_402 = tpu.memref_squeeze %dma_wait3A_401 : memref<1x4096xf32, #tpu.memory_space<vmem>> -> memref<4096xf32, #tpu.memory_space<vmem>>
    %dma_wait3A_403 = arith.constant 0 : i32
    %dma_wait3A_404 = tpu.memref_slice %arg3[%add3A_315, %dma_wait3A_403] : memref<64x16384xf32, #tpu.memory_space<hbm>> -> memref<1x4096xf32, #tpu.memory_space<hbm>>
    %dma_wait3A_405 = tpu.memref_squeeze %dma_wait3A_404 : memref<1x4096xf32, #tpu.memory_space<hbm>> -> memref<4096xf32, #tpu.memory_space<hbm>>
    tpu.wait_dma2 semaphore(%arg15 : memref<!tpu.dma_semaphore, #tpu.memory_space<semaphore_mem>>) src(%dma_wait3A_405 : memref<4096xf32, #tpu.memory_space<hbm>>) dst(%dma_wait3A_402 : memref<4096xf32, #tpu.memory_space<vmem>>)
    %parallel_loop3A_406 = arith.constant 0 : i32
    %parallel_loop3A_407 = arith.constant 128 : i32
    %parallel_loop3A_408 = arith.constant 1 : i32
    %parallel_loop3A_409:2 = scf.for %parallel_loop3A_644 = %parallel_loop3A_406 to %parallel_loop3A_407 step %parallel_loop3A_408 iter_args(%parallel_loop3A_645 = %parallel_loop3A_345#0, %parallel_loop3A_646 = %parallel_loop3A_345#1) -> (vector<16xf32>, vector<16xf32>)  : i32 {
      %parallel_loop3A_647 = arith.constant 32 : i32
      %parallel_loop3A_648 = arith.muli %parallel_loop3A_644, %parallel_loop3A_647 : i32
      %parallel_loop3A_649 = arith.constant 0 : i32
      %parallel_loop3A_650 = arith.addi %parallel_loop3A_649, %parallel_loop3A_648 : i32
      %parallel_loop3A_651 = arith.index_cast %parallel_loop3A_650 : i32 to index
      %parallel_loop3A_652 = tpu.vector_load %arg10[%parallel_loop3A_651] {strides = array<i32>} : memref<16384xi32, #tpu.memory_space<vmem>>, vector<16xi32>,
      %parallel_loop3A_653 = arith.constant 0 : i32
      %parallel_loop3A_654 = vector.broadcast %parallel_loop3A_653 : i32 to vector<16xi32>
      %parallel_loop3A_655 = arith.subi %parallel_loop3A_652, %parallel_loop3A_654 : vector<16xi32>
      %parallel_loop3A_656 = arith.constant 0 : i32
      %parallel_loop3A_657 = vector.broadcast %parallel_loop3A_656 : i32 to vector<16xi32>
      %parallel_loop3A_658 = arith.maxsi %parallel_loop3A_655, %parallel_loop3A_657 : vector<16xi32>
      %parallel_loop3A_659 = arith.constant 50047 : i32
      %parallel_loop3A_660 = vector.broadcast %parallel_loop3A_659 : i32 to vector<16xi32>
      %parallel_loop3A_661 = arith.minsi %parallel_loop3A_658, %parallel_loop3A_660 : vector<16xi32>
      %parallel_loop3A_662 = arith.constant 0 : i32
      %parallel_loop3A_663 = arith.index_cast %parallel_loop3A_662 : i32 to index
      %parallel_loop3A_664 = arith.index_cast %parallel_loop3A_648 : i32 to index
      %parallel_loop3A_665 = tpu.vector_load %arg9[%parallel_loop3A_663, %parallel_loop3A_664] {strides = array<i32>} : memref<2x4096xf32, #tpu.memory_space<vmem>>, vector<16xf32>,
      %parallel_loop3A_666 = tpu.vector_load_idx %arg7[%parallel_loop3A_661] : memref<50048xf32, #tpu.memory_space<vmem>>[vector<16xi32>], vector<16xf32>,
      %parallel_loop3A_667 = arith.cmpi eq, %parallel_loop3A_655, %parallel_loop3A_661 : vector<16xi32>
      %parallel_loop3A_668 = arith.subf %parallel_loop3A_665, %parallel_loop3A_666 : vector<16xf32>
      %parallel_loop3A_669 = arith.constant 0.000000e+00 : f32
      %parallel_loop3A_670 = vector.broadcast %parallel_loop3A_669 : f32 to vector<16xf32>
      %parallel_loop3A_671 = arith.select %parallel_loop3A_667, %parallel_loop3A_668, %parallel_loop3A_670 : vector<16xi1>, vector<16xf32>
      %parallel_loop3A_672 = arith.constant 0 : i32
      %parallel_loop3A_673 = arith.addi %parallel_loop3A_672, %parallel_loop3A_648 : i32
      %parallel_loop3A_674 = arith.constant 16 : i32
      %parallel_loop3A_675 = arith.addi %parallel_loop3A_673, %parallel_loop3A_674 : i32
      %parallel_loop3A_676 = arith.index_cast %parallel_loop3A_675 : i32 to index
      %parallel_loop3A_677 = tpu.vector_load %arg10[%parallel_loop3A_676] {strides = array<i32>} : memref<16384xi32, #tpu.memory_space<vmem>>, vector<16xi32>,
      %parallel_loop3A_678 = arith.constant 0 : i32
      %parallel_loop3A_679 = vector.broadcast %parallel_loop3A_678 : i32 to vector<16xi32>
      %parallel_loop3A_680 = arith.subi %parallel_loop3A_677, %parallel_loop3A_679 : vector<16xi32>
      %parallel_loop3A_681 = arith.constant 0 : i32
      %parallel_loop3A_682 = vector.broadcast %parallel_loop3A_681 : i32 to vector<16xi32>
      %parallel_loop3A_683 = arith.maxsi %parallel_loop3A_680, %parallel_loop3A_682 : vector<16xi32>
      %parallel_loop3A_684 = arith.constant 50047 : i32
      %parallel_loop3A_685 = vector.broadcast %parallel_loop3A_684 : i32 to vector<16xi32>
      %parallel_loop3A_686 = arith.minsi %parallel_loop3A_683, %parallel_loop3A_685 : vector<16xi32>
      %parallel_loop3A_687 = arith.constant 16 : i32
      %parallel_loop3A_688 = arith.addi %parallel_loop3A_648, %parallel_loop3A_687 : i32
      %parallel_loop3A_689 = arith.constant 0 : i32
      %parallel_loop3A_690 = arith.index_cast %parallel_loop3A_689 : i32 to index
      %parallel_loop3A_691 = arith.index_cast %parallel_loop3A_688 : i32 to index
      %parallel_loop3A_692 = tpu.vector_load %arg9[%parallel_loop3A_690, %parallel_loop3A_691] {strides = array<i32>} : memref<2x4096xf32, #tpu.memory_space<vmem>>, vector<16xf32>,
      %parallel_loop3A_693 = tpu.vector_load_idx %arg7[%parallel_loop3A_686] : memref<50048xf32, #tpu.memory_space<vmem>>[vector<16xi32>], vector<16xf32>,
      %parallel_loop3A_694 = arith.cmpi eq, %parallel_loop3A_680, %parallel_loop3A_686 : vector<16xi32>
      %parallel_loop3A_695 = arith.subf %parallel_loop3A_692, %parallel_loop3A_693 : vector<16xf32>
      %parallel_loop3A_696 = arith.constant 0.000000e+00 : f32
      %parallel_loop3A_697 = vector.broadcast %parallel_loop3A_696 : f32 to vector<16xf32>
      %parallel_loop3A_698 = arith.select %parallel_loop3A_694, %parallel_loop3A_695, %parallel_loop3A_697 : vector<16xi1>, vector<16xf32>
      %parallel_loop3A_699 = arith.mulf %parallel_loop3A_671, %parallel_loop3A_671 : vector<16xf32>
      %parallel_loop3A_700 = arith.addf %parallel_loop3A_645, %parallel_loop3A_699 : vector<16xf32>
      %parallel_loop3A_701 = arith.mulf %parallel_loop3A_698, %parallel_loop3A_698 : vector<16xf32>
      %parallel_loop3A_702 = arith.addf %parallel_loop3A_646, %parallel_loop3A_701 : vector<16xf32>
      scf.yield %parallel_loop3A_700, %parallel_loop3A_702 : vector<16xf32>, vector<16xf32>
    } {sc.loop_unroll_factor = 4 : i64, sc.parallel_access}
    %add3A_410 = arith.constant 32 : i32
    %add3A_411 = arith.addi %add3A, %add3A_410 : i32
    %dma_start3A_412 = arith.constant 0 : i32
    %dma_start3A_413 = arith.constant 0 : i32
    %dma_start3A_414 = tpu.memref_slice %arg9[%dma_start3A_412, %dma_start3A_413] : memref<2x4096xf32, #tpu.memory_space<vmem>> -> memref<1x4096xf32, #tpu.memory_space<vmem>>
    %dma_start3A_415 = tpu.memref_squeeze %dma_start3A_414 : memref<1x4096xf32, #tpu.memory_space<vmem>> -> memref<4096xf32, #tpu.memory_space<vmem>>
    %dma_start3A_416 = arith.constant 8192 : i32
    %dma_start3A_417 = tpu.memref_slice %arg3[%add3A_411, %dma_start3A_416] : memref<64x16384xf32, #tpu.memory_space<hbm>> -> memref<1x4096xf32, #tpu.memory_space<hbm>>
    %dma_start3A_418 = tpu.memref_squeeze %dma_start3A_417 : memref<1x4096xf32, #tpu.memory_space<hbm>> -> memref<4096xf32, #tpu.memory_space<hbm>>
    %dma_start3A_419 = arith.constant 0 : i32
    %dma_start3A_420 = tpu.memref_slice %arg9[%dma_start3A_412, %dma_start3A_419] : memref<2x4096xf32, #tpu.memory_space<vmem>> -> memref<1x4096xf32, #tpu.memory_space<vmem>>
    %dma_start3A_421 = tpu.memref_squeeze %dma_start3A_420 : memref<1x4096xf32, #tpu.memory_space<vmem>> -> memref<4096xf32, #tpu.memory_space<vmem>>
    %dma_start3A_422 = arith.constant 8192 : i32
    %dma_start3A_423 = tpu.memref_slice %arg3[%add3A_411, %dma_start3A_422] : memref<64x16384xf32, #tpu.memory_space<hbm>> -> memref<1x4096xf32, #tpu.memory_space<hbm>>
    %dma_start3A_424 = tpu.memref_squeeze %dma_start3A_423 : memref<1x4096xf32, #tpu.memory_space<hbm>> -> memref<4096xf32, #tpu.memory_space<hbm>>
    tpu.enqueue_dma source(%dma_start3A_424 : memref<4096xf32, #tpu.memory_space<hbm>>) target(%dma_start3A_421 : memref<4096xf32, #tpu.memory_space<vmem>>) target_semaphore(%arg15 : memref<!tpu.dma_semaphore, #tpu.memory_space<semaphore_mem>>)
    %dma_wait3A_425 = arith.constant 1 : i32
    %dma_wait3A_426 = arith.constant 0 : i32
    %dma_wait3A_427 = tpu.memref_slice %arg9[%dma_wait3A_425, %dma_wait3A_426] : memref<2x4096xf32, #tpu.memory_space<vmem>> -> memref<1x4096xf32, #tpu.memory_space<vmem>>
    %dma_wait3A_428 = tpu.memref_squeeze %dma_wait3A_427 : memref<1x4096xf32, #tpu.memory_space<vmem>> -> memref<4096xf32, #tpu.memory_space<vmem>>
    %dma_wait3A_429 = arith.constant 4096 : i32
    %dma_wait3A_430 = tpu.memref_slice %arg3[%add3A_347, %dma_wait3A_429] : memref<64x16384xf32, #tpu.memory_space<hbm>> -> memref<1x4096xf32, #tpu.memory_space<hbm>>
    %dma_wait3A_431 = tpu.memref_squeeze %dma_wait3A_430 : memref<1x4096xf32, #tpu.memory_space<hbm>> -> memref<4096xf32, #tpu.memory_space<hbm>>
    %dma_wait3A_432 = arith.constant 0 : i32
    %dma_wait3A_433 = tpu.memref_slice %arg9[%dma_wait3A_425, %dma_wait3A_432] : memref<2x4096xf32, #tpu.memory_space<vmem>> -> memref<1x4096xf32, #tpu.memory_space<vmem>>
    %dma_wait3A_434 = tpu.memref_squeeze %dma_wait3A_433 : memref<1x4096xf32, #tpu.memory_space<vmem>> -> memref<4096xf32, #tpu.memory_space<vmem>>
    %dma_wait3A_435 = arith.constant 4096 : i32
    %dma_wait3A_436 = tpu.memref_slice %arg3[%add3A_347, %dma_wait3A_435] : memref<64x16384xf32, #tpu.memory_space<hbm>> -> memref<1x4096xf32, #tpu.memory_space<hbm>>
    %dma_wait3A_437 = tpu.memref_squeeze %dma_wait3A_436 : memref<1x4096xf32, #tpu.memory_space<hbm>> -> memref<4096xf32, #tpu.memory_space<hbm>>
    tpu.wait_dma2 semaphore(%arg16 : memref<!tpu.dma_semaphore, #tpu.memory_space<semaphore_mem>>) src(%dma_wait3A_437 : memref<4096xf32, #tpu.memory_space<hbm>>) dst(%dma_wait3A_434 : memref<4096xf32, #tpu.memory_space<vmem>>)
    %parallel_loop3A_438 = arith.constant 0 : i32
    %parallel_loop3A_439 = arith.constant 128 : i32
    %parallel_loop3A_440 = arith.constant 1 : i32
    %parallel_loop3A_441:2 = scf.for %parallel_loop3A_644 = %parallel_loop3A_438 to %parallel_loop3A_439 step %parallel_loop3A_440 iter_args(%parallel_loop3A_645 = %parallel_loop3A_409#0, %parallel_loop3A_646 = %parallel_loop3A_409#1) -> (vector<16xf32>, vector<16xf32>)  : i32 {
      %parallel_loop3A_647 = arith.constant 32 : i32
      %parallel_loop3A_648 = arith.muli %parallel_loop3A_644, %parallel_loop3A_647 : i32
      %parallel_loop3A_649 = arith.constant 4096 : i32
      %parallel_loop3A_650 = arith.addi %parallel_loop3A_649, %parallel_loop3A_648 : i32
      %parallel_loop3A_651 = arith.index_cast %parallel_loop3A_650 : i32 to index
      %parallel_loop3A_652 = tpu.vector_load %arg10[%parallel_loop3A_651] {strides = array<i32>} : memref<16384xi32, #tpu.memory_space<vmem>>, vector<16xi32>,
      %parallel_loop3A_653 = arith.constant 0 : i32
      %parallel_loop3A_654 = vector.broadcast %parallel_loop3A_653 : i32 to vector<16xi32>
      %parallel_loop3A_655 = arith.subi %parallel_loop3A_652, %parallel_loop3A_654 : vector<16xi32>
      %parallel_loop3A_656 = arith.constant 0 : i32
      %parallel_loop3A_657 = vector.broadcast %parallel_loop3A_656 : i32 to vector<16xi32>
      %parallel_loop3A_658 = arith.maxsi %parallel_loop3A_655, %parallel_loop3A_657 : vector<16xi32>
      %parallel_loop3A_659 = arith.constant 50047 : i32
      %parallel_loop3A_660 = vector.broadcast %parallel_loop3A_659 : i32 to vector<16xi32>
      %parallel_loop3A_661 = arith.minsi %parallel_loop3A_658, %parallel_loop3A_660 : vector<16xi32>
      %parallel_loop3A_662 = arith.constant 1 : i32
      %parallel_loop3A_663 = arith.index_cast %parallel_loop3A_662 : i32 to index
      %parallel_loop3A_664 = arith.index_cast %parallel_loop3A_648 : i32 to index
      %parallel_loop3A_665 = tpu.vector_load %arg9[%parallel_loop3A_663, %parallel_loop3A_664] {strides = array<i32>} : memref<2x4096xf32, #tpu.memory_space<vmem>>, vector<16xf32>,
      %parallel_loop3A_666 = tpu.vector_load_idx %arg7[%parallel_loop3A_661] : memref<50048xf32, #tpu.memory_space<vmem>>[vector<16xi32>], vector<16xf32>,
      %parallel_loop3A_667 = arith.cmpi eq, %parallel_loop3A_655, %parallel_loop3A_661 : vector<16xi32>
      %parallel_loop3A_668 = arith.subf %parallel_loop3A_665, %parallel_loop3A_666 : vector<16xf32>
      %parallel_loop3A_669 = arith.constant 0.000000e+00 : f32
      %parallel_loop3A_670 = vector.broadcast %parallel_loop3A_669 : f32 to vector<16xf32>
      %parallel_loop3A_671 = arith.select %parallel_loop3A_667, %parallel_loop3A_668, %parallel_loop3A_670 : vector<16xi1>, vector<16xf32>
      %parallel_loop3A_672 = arith.constant 4096 : i32
      %parallel_loop3A_673 = arith.addi %parallel_loop3A_672, %parallel_loop3A_648 : i32
      %parallel_loop3A_674 = arith.constant 16 : i32
      %parallel_loop3A_675 = arith.addi %parallel_loop3A_673, %parallel_loop3A_674 : i32
      %parallel_loop3A_676 = arith.index_cast %parallel_loop3A_675 : i32 to index
      %parallel_loop3A_677 = tpu.vector_load %arg10[%parallel_loop3A_676] {strides = array<i32>} : memref<16384xi32, #tpu.memory_space<vmem>>, vector<16xi32>,
      %parallel_loop3A_678 = arith.constant 0 : i32
      %parallel_loop3A_679 = vector.broadcast %parallel_loop3A_678 : i32 to vector<16xi32>
      %parallel_loop3A_680 = arith.subi %parallel_loop3A_677, %parallel_loop3A_679 : vector<16xi32>
      %parallel_loop3A_681 = arith.constant 0 : i32
      %parallel_loop3A_682 = vector.broadcast %parallel_loop3A_681 : i32 to vector<16xi32>
      %parallel_loop3A_683 = arith.maxsi %parallel_loop3A_680, %parallel_loop3A_682 : vector<16xi32>
      %parallel_loop3A_684 = arith.constant 50047 : i32
      %parallel_loop3A_685 = vector.broadcast %parallel_loop3A_684 : i32 to vector<16xi32>
      %parallel_loop3A_686 = arith.minsi %parallel_loop3A_683, %parallel_loop3A_685 : vector<16xi32>
      %parallel_loop3A_687 = arith.constant 16 : i32
      %parallel_loop3A_688 = arith.addi %parallel_loop3A_648, %parallel_loop3A_687 : i32
      %parallel_loop3A_689 = arith.constant 1 : i32
      %parallel_loop3A_690 = arith.index_cast %parallel_loop3A_689 : i32 to index
      %parallel_loop3A_691 = arith.index_cast %parallel_loop3A_688 : i32 to index
      %parallel_loop3A_692 = tpu.vector_load %arg9[%parallel_loop3A_690, %parallel_loop3A_691] {strides = array<i32>} : memref<2x4096xf32, #tpu.memory_space<vmem>>, vector<16xf32>,
      %parallel_loop3A_693 = tpu.vector_load_idx %arg7[%parallel_loop3A_686] : memref<50048xf32, #tpu.memory_space<vmem>>[vector<16xi32>], vector<16xf32>,
      %parallel_loop3A_694 = arith.cmpi eq, %parallel_loop3A_680, %parallel_loop3A_686 : vector<16xi32>
      %parallel_loop3A_695 = arith.subf %parallel_loop3A_692, %parallel_loop3A_693 : vector<16xf32>
      %parallel_loop3A_696 = arith.constant 0.000000e+00 : f32
      %parallel_loop3A_697 = vector.broadcast %parallel_loop3A_696 : f32 to vector<16xf32>
      %parallel_loop3A_698 = arith.select %parallel_loop3A_694, %parallel_loop3A_695, %parallel_loop3A_697 : vector<16xi1>, vector<16xf32>
      %parallel_loop3A_699 = arith.mulf %parallel_loop3A_671, %parallel_loop3A_671 : vector<16xf32>
      %parallel_loop3A_700 = arith.addf %parallel_loop3A_645, %parallel_loop3A_699 : vector<16xf32>
      %parallel_loop3A_701 = arith.mulf %parallel_loop3A_698, %parallel_loop3A_698 : vector<16xf32>
      %parallel_loop3A_702 = arith.addf %parallel_loop3A_646, %parallel_loop3A_701 : vector<16xf32>
      scf.yield %parallel_loop3A_700, %parallel_loop3A_702 : vector<16xf32>, vector<16xf32>
    } {sc.loop_unroll_factor = 4 : i64, sc.parallel_access}
    %add3A_442 = arith.constant 32 : i32
    %add3A_443 = arith.addi %add3A, %add3A_442 : i32
    %dma_start3A_444 = arith.constant 1 : i32
    %dma_start3A_445 = arith.constant 0 : i32
    %dma_start3A_446 = tpu.memref_slice %arg9[%dma_start3A_444, %dma_start3A_445] : memref<2x4096xf32, #tpu.memory_space<vmem>> -> memref<1x4096xf32, #tpu.memory_space<vmem>>
    %dma_start3A_447 = tpu.memref_squeeze %dma_start3A_446 : memref<1x4096xf32, #tpu.memory_space<vmem>> -> memref<4096xf32, #tpu.memory_space<vmem>>
    %dma_start3A_448 = arith.constant 12288 : i32
    %dma_start3A_449 = tpu.memref_slice %arg3[%add3A_443, %dma_start3A_448] : memref<64x16384xf32, #tpu.memory_space<hbm>> -> memref<1x4096xf32, #tpu.memory_space<hbm>>
    %dma_start3A_450 = tpu.memref_squeeze %dma_start3A_449 : memref<1x4096xf32, #tpu.memory_space<hbm>> -> memref<4096xf32, #tpu.memory_space<hbm>>
    %dma_start3A_451 = arith.constant 0 : i32
    %dma_start3A_452 = tpu.memref_slice %arg9[%dma_start3A_444, %dma_start3A_451] : memref<2x4096xf32, #tpu.memory_space<vmem>> -> memref<1x4096xf32, #tpu.memory_space<vmem>>
    %dma_start3A_453 = tpu.memref_squeeze %dma_start3A_452 : memref<1x4096xf32, #tpu.memory_space<vmem>> -> memref<4096xf32, #tpu.memory_space<vmem>>
    %dma_start3A_454 = arith.constant 12288 : i32
    %dma_start3A_455 = tpu.memref_slice %arg3[%add3A_443, %dma_start3A_454] : memref<64x16384xf32, #tpu.memory_space<hbm>> -> memref<1x4096xf32, #tpu.memory_space<hbm>>
    %dma_start3A_456 = tpu.memref_squeeze %dma_start3A_455 : memref<1x4096xf32, #tpu.memory_space<hbm>> -> memref<4096xf32, #tpu.memory_space<hbm>>
    tpu.enqueue_dma source(%dma_start3A_456 : memref<4096xf32, #tpu.memory_space<hbm>>) target(%dma_start3A_453 : memref<4096xf32, #tpu.memory_space<vmem>>) target_semaphore(%arg16 : memref<!tpu.dma_semaphore, #tpu.memory_space<semaphore_mem>>)
    %dma_wait3A_457 = arith.constant 0 : i32
    %dma_wait3A_458 = arith.constant 0 : i32
    %dma_wait3A_459 = tpu.memref_slice %arg9[%dma_wait3A_457, %dma_wait3A_458] : memref<2x4096xf32, #tpu.memory_space<vmem>> -> memref<1x4096xf32, #tpu.memory_space<vmem>>
    %dma_wait3A_460 = tpu.memref_squeeze %dma_wait3A_459 : memref<1x4096xf32, #tpu.memory_space<vmem>> -> memref<4096xf32, #tpu.memory_space<vmem>>
    %dma_wait3A_461 = arith.constant 8192 : i32
    %dma_wait3A_462 = tpu.memref_slice %arg3[%add3A_411, %dma_wait3A_461] : memref<64x16384xf32, #tpu.memory_space<hbm>> -> memref<1x4096xf32, #tpu.memory_space<hbm>>
    %dma_wait3A_463 = tpu.memref_squeeze %dma_wait3A_462 : memref<1x4096xf32, #tpu.memory_space<hbm>> -> memref<4096xf32, #tpu.memory_space<hbm>>
    %dma_wait3A_464 = arith.constant 0 : i32
    %dma_wait3A_465 = tpu.memref_slice %arg9[%dma_wait3A_457, %dma_wait3A_464] : memref<2x4096xf32, #tpu.memory_space<vmem>> -> memref<1x4096xf32, #tpu.memory_space<vmem>>
    %dma_wait3A_466 = tpu.memref_squeeze %dma_wait3A_465 : memref<1x4096xf32, #tpu.memory_space<vmem>> -> memref<4096xf32, #tpu.memory_space<vmem>>
    %dma_wait3A_467 = arith.constant 8192 : i32
    %dma_wait3A_468 = tpu.memref_slice %arg3[%add3A_411, %dma_wait3A_467] : memref<64x16384xf32, #tpu.memory_space<hbm>> -> memref<1x4096xf32, #tpu.memory_space<hbm>>
    %dma_wait3A_469 = tpu.memref_squeeze %dma_wait3A_468 : memref<1x4096xf32, #tpu.memory_space<hbm>> -> memref<4096xf32, #tpu.memory_space<hbm>>
    tpu.wait_dma2 semaphore(%arg15 : memref<!tpu.dma_semaphore, #tpu.memory_space<semaphore_mem>>) src(%dma_wait3A_469 : memref<4096xf32, #tpu.memory_space<hbm>>) dst(%dma_wait3A_466 : memref<4096xf32, #tpu.memory_space<vmem>>)
    %parallel_loop3A_470 = arith.constant 0 : i32
    %parallel_loop3A_471 = arith.constant 128 : i32
    %parallel_loop3A_472 = arith.constant 1 : i32
    %parallel_loop3A_473:2 = scf.for %parallel_loop3A_644 = %parallel_loop3A_470 to %parallel_loop3A_471 step %parallel_loop3A_472 iter_args(%parallel_loop3A_645 = %parallel_loop3A_441#0, %parallel_loop3A_646 = %parallel_loop3A_441#1) -> (vector<16xf32>, vector<16xf32>)  : i32 {
      %parallel_loop3A_647 = arith.constant 32 : i32
      %parallel_loop3A_648 = arith.muli %parallel_loop3A_644, %parallel_loop3A_647 : i32
      %parallel_loop3A_649 = arith.constant 8192 : i32
      %parallel_loop3A_650 = arith.addi %parallel_loop3A_649, %parallel_loop3A_648 : i32
      %parallel_loop3A_651 = arith.index_cast %parallel_loop3A_650 : i32 to index
      %parallel_loop3A_652 = tpu.vector_load %arg10[%parallel_loop3A_651] {strides = array<i32>} : memref<16384xi32, #tpu.memory_space<vmem>>, vector<16xi32>,
      %parallel_loop3A_653 = arith.constant 0 : i32
      %parallel_loop3A_654 = vector.broadcast %parallel_loop3A_653 : i32 to vector<16xi32>
      %parallel_loop3A_655 = arith.subi %parallel_loop3A_652, %parallel_loop3A_654 : vector<16xi32>
      %parallel_loop3A_656 = arith.constant 0 : i32
      %parallel_loop3A_657 = vector.broadcast %parallel_loop3A_656 : i32 to vector<16xi32>
      %parallel_loop3A_658 = arith.maxsi %parallel_loop3A_655, %parallel_loop3A_657 : vector<16xi32>
      %parallel_loop3A_659 = arith.constant 50047 : i32
      %parallel_loop3A_660 = vector.broadcast %parallel_loop3A_659 : i32 to vector<16xi32>
      %parallel_loop3A_661 = arith.minsi %parallel_loop3A_658, %parallel_loop3A_660 : vector<16xi32>
      %parallel_loop3A_662 = arith.constant 0 : i32
      %parallel_loop3A_663 = arith.index_cast %parallel_loop3A_662 : i32 to index
      %parallel_loop3A_664 = arith.index_cast %parallel_loop3A_648 : i32 to index
      %parallel_loop3A_665 = tpu.vector_load %arg9[%parallel_loop3A_663, %parallel_loop3A_664] {strides = array<i32>} : memref<2x4096xf32, #tpu.memory_space<vmem>>, vector<16xf32>,
      %parallel_loop3A_666 = tpu.vector_load_idx %arg7[%parallel_loop3A_661] : memref<50048xf32, #tpu.memory_space<vmem>>[vector<16xi32>], vector<16xf32>,
      %parallel_loop3A_667 = arith.cmpi eq, %parallel_loop3A_655, %parallel_loop3A_661 : vector<16xi32>
      %parallel_loop3A_668 = arith.subf %parallel_loop3A_665, %parallel_loop3A_666 : vector<16xf32>
      %parallel_loop3A_669 = arith.constant 0.000000e+00 : f32
      %parallel_loop3A_670 = vector.broadcast %parallel_loop3A_669 : f32 to vector<16xf32>
      %parallel_loop3A_671 = arith.select %parallel_loop3A_667, %parallel_loop3A_668, %parallel_loop3A_670 : vector<16xi1>, vector<16xf32>
      %parallel_loop3A_672 = arith.constant 8192 : i32
      %parallel_loop3A_673 = arith.addi %parallel_loop3A_672, %parallel_loop3A_648 : i32
      %parallel_loop3A_674 = arith.constant 16 : i32
      %parallel_loop3A_675 = arith.addi %parallel_loop3A_673, %parallel_loop3A_674 : i32
      %parallel_loop3A_676 = arith.index_cast %parallel_loop3A_675 : i32 to index
      %parallel_loop3A_677 = tpu.vector_load %arg10[%parallel_loop3A_676] {strides = array<i32>} : memref<16384xi32, #tpu.memory_space<vmem>>, vector<16xi32>,
      %parallel_loop3A_678 = arith.constant 0 : i32
      %parallel_loop3A_679 = vector.broadcast %parallel_loop3A_678 : i32 to vector<16xi32>
      %parallel_loop3A_680 = arith.subi %parallel_loop3A_677, %parallel_loop3A_679 : vector<16xi32>
      %parallel_loop3A_681 = arith.constant 0 : i32
      %parallel_loop3A_682 = vector.broadcast %parallel_loop3A_681 : i32 to vector<16xi32>
      %parallel_loop3A_683 = arith.maxsi %parallel_loop3A_680, %parallel_loop3A_682 : vector<16xi32>
      %parallel_loop3A_684 = arith.constant 50047 : i32
      %parallel_loop3A_685 = vector.broadcast %parallel_loop3A_684 : i32 to vector<16xi32>
      %parallel_loop3A_686 = arith.minsi %parallel_loop3A_683, %parallel_loop3A_685 : vector<16xi32>
      %parallel_loop3A_687 = arith.constant 16 : i32
      %parallel_loop3A_688 = arith.addi %parallel_loop3A_648, %parallel_loop3A_687 : i32
      %parallel_loop3A_689 = arith.constant 0 : i32
      %parallel_loop3A_690 = arith.index_cast %parallel_loop3A_689 : i32 to index
      %parallel_loop3A_691 = arith.index_cast %parallel_loop3A_688 : i32 to index
      %parallel_loop3A_692 = tpu.vector_load %arg9[%parallel_loop3A_690, %parallel_loop3A_691] {strides = array<i32>} : memref<2x4096xf32, #tpu.memory_space<vmem>>, vector<16xf32>,
      %parallel_loop3A_693 = tpu.vector_load_idx %arg7[%parallel_loop3A_686] : memref<50048xf32, #tpu.memory_space<vmem>>[vector<16xi32>], vector<16xf32>,
      %parallel_loop3A_694 = arith.cmpi eq, %parallel_loop3A_680, %parallel_loop3A_686 : vector<16xi32>
      %parallel_loop3A_695 = arith.subf %parallel_loop3A_692, %parallel_loop3A_693 : vector<16xf32>
      %parallel_loop3A_696 = arith.constant 0.000000e+00 : f32
      %parallel_loop3A_697 = vector.broadcast %parallel_loop3A_696 : f32 to vector<16xf32>
      %parallel_loop3A_698 = arith.select %parallel_loop3A_694, %parallel_loop3A_695, %parallel_loop3A_697 : vector<16xi1>, vector<16xf32>
      %parallel_loop3A_699 = arith.mulf %parallel_loop3A_671, %parallel_loop3A_671 : vector<16xf32>
      %parallel_loop3A_700 = arith.addf %parallel_loop3A_645, %parallel_loop3A_699 : vector<16xf32>
      %parallel_loop3A_701 = arith.mulf %parallel_loop3A_698, %parallel_loop3A_698 : vector<16xf32>
      %parallel_loop3A_702 = arith.addf %parallel_loop3A_646, %parallel_loop3A_701 : vector<16xf32>
      scf.yield %parallel_loop3A_700, %parallel_loop3A_702 : vector<16xf32>, vector<16xf32>
    } {sc.loop_unroll_factor = 4 : i64, sc.parallel_access}
    %add3A_474 = arith.constant 32 : i32
    %add3A_475 = arith.addi %add3A, %add3A_474 : i32
    %dma_start3A_476 = arith.constant 0 : i32
    %dma_start3A_477 = arith.constant 0 : i32
    %dma_start3A_478 = tpu.memref_slice %arg9[%dma_start3A_476, %dma_start3A_477] : memref<2x4096xf32, #tpu.memory_space<vmem>> -> memref<1x4096xf32, #tpu.memory_space<vmem>>
    %dma_start3A_479 = tpu.memref_squeeze %dma_start3A_478 : memref<1x4096xf32, #tpu.memory_space<vmem>> -> memref<4096xf32, #tpu.memory_space<vmem>>
    %dma_start3A_480 = arith.constant 0 : i32
    %dma_start3A_481 = tpu.memref_slice %arg3[%add3A_475, %dma_start3A_480] : memref<64x16384xf32, #tpu.memory_space<hbm>> -> memref<1x4096xf32, #tpu.memory_space<hbm>>
    %dma_start3A_482 = tpu.memref_squeeze %dma_start3A_481 : memref<1x4096xf32, #tpu.memory_space<hbm>> -> memref<4096xf32, #tpu.memory_space<hbm>>
    %dma_start3A_483 = arith.constant 0 : i32
    %dma_start3A_484 = tpu.memref_slice %arg9[%dma_start3A_476, %dma_start3A_483] : memref<2x4096xf32, #tpu.memory_space<vmem>> -> memref<1x4096xf32, #tpu.memory_space<vmem>>
    %dma_start3A_485 = tpu.memref_squeeze %dma_start3A_484 : memref<1x4096xf32, #tpu.memory_space<vmem>> -> memref<4096xf32, #tpu.memory_space<vmem>>
    %dma_start3A_486 = arith.constant 0 : i32
    %dma_start3A_487 = tpu.memref_slice %arg3[%add3A_475, %dma_start3A_486] : memref<64x16384xf32, #tpu.memory_space<hbm>> -> memref<1x4096xf32, #tpu.memory_space<hbm>>
    %dma_start3A_488 = tpu.memref_squeeze %dma_start3A_487 : memref<1x4096xf32, #tpu.memory_space<hbm>> -> memref<4096xf32, #tpu.memory_space<hbm>>
    tpu.enqueue_dma source(%dma_start3A_488 : memref<4096xf32, #tpu.memory_space<hbm>>) target(%dma_start3A_485 : memref<4096xf32, #tpu.memory_space<vmem>>) target_semaphore(%arg15 : memref<!tpu.dma_semaphore, #tpu.memory_space<semaphore_mem>>)
    %dma_wait3A_489 = arith.constant 1 : i32
    %dma_wait3A_490 = arith.constant 0 : i32
    %dma_wait3A_491 = tpu.memref_slice %arg9[%dma_wait3A_489, %dma_wait3A_490] : memref<2x4096xf32, #tpu.memory_space<vmem>> -> memref<1x4096xf32, #tpu.memory_space<vmem>>
    %dma_wait3A_492 = tpu.memref_squeeze %dma_wait3A_491 : memref<1x4096xf32, #tpu.memory_space<vmem>> -> memref<4096xf32, #tpu.memory_space<vmem>>
    %dma_wait3A_493 = arith.constant 12288 : i32
    %dma_wait3A_494 = tpu.memref_slice %arg3[%add3A_443, %dma_wait3A_493] : memref<64x16384xf32, #tpu.memory_space<hbm>> -> memref<1x4096xf32, #tpu.memory_space<hbm>>
    %dma_wait3A_495 = tpu.memref_squeeze %dma_wait3A_494 : memref<1x4096xf32, #tpu.memory_space<hbm>> -> memref<4096xf32, #tpu.memory_space<hbm>>
    %dma_wait3A_496 = arith.constant 0 : i32
    %dma_wait3A_497 = tpu.memref_slice %arg9[%dma_wait3A_489, %dma_wait3A_496] : memref<2x4096xf32, #tpu.memory_space<vmem>> -> memref<1x4096xf32, #tpu.memory_space<vmem>>
    %dma_wait3A_498 = tpu.memref_squeeze %dma_wait3A_497 : memref<1x4096xf32, #tpu.memory_space<vmem>> -> memref<4096xf32, #tpu.memory_space<vmem>>
    %dma_wait3A_499 = arith.constant 12288 : i32
    %dma_wait3A_500 = tpu.memref_slice %arg3[%add3A_443, %dma_wait3A_499] : memref<64x16384xf32, #tpu.memory_space<hbm>> -> memref<1x4096xf32, #tpu.memory_space<hbm>>
    %dma_wait3A_501 = tpu.memref_squeeze %dma_wait3A_500 : memref<1x4096xf32, #tpu.memory_space<hbm>> -> memref<4096xf32, #tpu.memory_space<hbm>>
    tpu.wait_dma2 semaphore(%arg16 : memref<!tpu.dma_semaphore, #tpu.memory_space<semaphore_mem>>) src(%dma_wait3A_501 : memref<4096xf32, #tpu.memory_space<hbm>>) dst(%dma_wait3A_498 : memref<4096xf32, #tpu.memory_space<vmem>>)
    %parallel_loop3A_502 = arith.constant 0 : i32
    %parallel_loop3A_503 = arith.constant 128 : i32
    %parallel_loop3A_504 = arith.constant 1 : i32
    %parallel_loop3A_505:2 = scf.for %parallel_loop3A_644 = %parallel_loop3A_502 to %parallel_loop3A_503 step %parallel_loop3A_504 iter_args(%parallel_loop3A_645 = %parallel_loop3A_473#0, %parallel_loop3A_646 = %parallel_loop3A_473#1) -> (vector<16xf32>, vector<16xf32>)  : i32 {
      %parallel_loop3A_647 = arith.constant 32 : i32
      %parallel_loop3A_648 = arith.muli %parallel_loop3A_644, %parallel_loop3A_647 : i32
      %parallel_loop3A_649 = arith.constant 12288 : i32
      %parallel_loop3A_650 = arith.addi %parallel_loop3A_649, %parallel_loop3A_648 : i32
      %parallel_loop3A_651 = arith.index_cast %parallel_loop3A_650 : i32 to index
      %parallel_loop3A_652 = tpu.vector_load %arg10[%parallel_loop3A_651] {strides = array<i32>} : memref<16384xi32, #tpu.memory_space<vmem>>, vector<16xi32>,
      %parallel_loop3A_653 = arith.constant 0 : i32
      %parallel_loop3A_654 = vector.broadcast %parallel_loop3A_653 : i32 to vector<16xi32>
      %parallel_loop3A_655 = arith.subi %parallel_loop3A_652, %parallel_loop3A_654 : vector<16xi32>
      %parallel_loop3A_656 = arith.constant 0 : i32
      %parallel_loop3A_657 = vector.broadcast %parallel_loop3A_656 : i32 to vector<16xi32>
      %parallel_loop3A_658 = arith.maxsi %parallel_loop3A_655, %parallel_loop3A_657 : vector<16xi32>
      %parallel_loop3A_659 = arith.constant 50047 : i32
      %parallel_loop3A_660 = vector.broadcast %parallel_loop3A_659 : i32 to vector<16xi32>
      %parallel_loop3A_661 = arith.minsi %parallel_loop3A_658, %parallel_loop3A_660 : vector<16xi32>
      %parallel_loop3A_662 = arith.constant 1 : i32
      %parallel_loop3A_663 = arith.index_cast %parallel_loop3A_662 : i32 to index
      %parallel_loop3A_664 = arith.index_cast %parallel_loop3A_648 : i32 to index
      %parallel_loop3A_665 = tpu.vector_load %arg9[%parallel_loop3A_663, %parallel_loop3A_664] {strides = array<i32>} : memref<2x4096xf32, #tpu.memory_space<vmem>>, vector<16xf32>,
      %parallel_loop3A_666 = tpu.vector_load_idx %arg7[%parallel_loop3A_661] : memref<50048xf32, #tpu.memory_space<vmem>>[vector<16xi32>], vector<16xf32>,
      %parallel_loop3A_667 = arith.cmpi eq, %parallel_loop3A_655, %parallel_loop3A_661 : vector<16xi32>
      %parallel_loop3A_668 = arith.subf %parallel_loop3A_665, %parallel_loop3A_666 : vector<16xf32>
      %parallel_loop3A_669 = arith.constant 0.000000e+00 : f32
      %parallel_loop3A_670 = vector.broadcast %parallel_loop3A_669 : f32 to vector<16xf32>
      %parallel_loop3A_671 = arith.select %parallel_loop3A_667, %parallel_loop3A_668, %parallel_loop3A_670 : vector<16xi1>, vector<16xf32>
      %parallel_loop3A_672 = arith.constant 12288 : i32
      %parallel_loop3A_673 = arith.addi %parallel_loop3A_672, %parallel_loop3A_648 : i32
      %parallel_loop3A_674 = arith.constant 16 : i32
      %parallel_loop3A_675 = arith.addi %parallel_loop3A_673, %parallel_loop3A_674 : i32
      %parallel_loop3A_676 = arith.index_cast %parallel_loop3A_675 : i32 to index
      %parallel_loop3A_677 = tpu.vector_load %arg10[%parallel_loop3A_676] {strides = array<i32>} : memref<16384xi32, #tpu.memory_space<vmem>>, vector<16xi32>,
      %parallel_loop3A_678 = arith.constant 0 : i32
      %parallel_loop3A_679 = vector.broadcast %parallel_loop3A_678 : i32 to vector<16xi32>
      %parallel_loop3A_680 = arith.subi %parallel_loop3A_677, %parallel_loop3A_679 : vector<16xi32>
      %parallel_loop3A_681 = arith.constant 0 : i32
      %parallel_loop3A_682 = vector.broadcast %parallel_loop3A_681 : i32 to vector<16xi32>
      %parallel_loop3A_683 = arith.maxsi %parallel_loop3A_680, %parallel_loop3A_682 : vector<16xi32>
      %parallel_loop3A_684 = arith.constant 50047 : i32
      %parallel_loop3A_685 = vector.broadcast %parallel_loop3A_684 : i32 to vector<16xi32>
      %parallel_loop3A_686 = arith.minsi %parallel_loop3A_683, %parallel_loop3A_685 : vector<16xi32>
      %parallel_loop3A_687 = arith.constant 16 : i32
      %parallel_loop3A_688 = arith.addi %parallel_loop3A_648, %parallel_loop3A_687 : i32
      %parallel_loop3A_689 = arith.constant 1 : i32
      %parallel_loop3A_690 = arith.index_cast %parallel_loop3A_689 : i32 to index
      %parallel_loop3A_691 = arith.index_cast %parallel_loop3A_688 : i32 to index
      %parallel_loop3A_692 = tpu.vector_load %arg9[%parallel_loop3A_690, %parallel_loop3A_691] {strides = array<i32>} : memref<2x4096xf32, #tpu.memory_space<vmem>>, vector<16xf32>,
      %parallel_loop3A_693 = tpu.vector_load_idx %arg7[%parallel_loop3A_686] : memref<50048xf32, #tpu.memory_space<vmem>>[vector<16xi32>], vector<16xf32>,
      %parallel_loop3A_694 = arith.cmpi eq, %parallel_loop3A_680, %parallel_loop3A_686 : vector<16xi32>
      %parallel_loop3A_695 = arith.subf %parallel_loop3A_692, %parallel_loop3A_693 : vector<16xf32>
      %parallel_loop3A_696 = arith.constant 0.000000e+00 : f32
      %parallel_loop3A_697 = vector.broadcast %parallel_loop3A_696 : f32 to vector<16xf32>
      %parallel_loop3A_698 = arith.select %parallel_loop3A_694, %parallel_loop3A_695, %parallel_loop3A_697 : vector<16xi1>, vector<16xf32>
      %parallel_loop3A_699 = arith.mulf %parallel_loop3A_671, %parallel_loop3A_671 : vector<16xf32>
      %parallel_loop3A_700 = arith.addf %parallel_loop3A_645, %parallel_loop3A_699 : vector<16xf32>
      %parallel_loop3A_701 = arith.mulf %parallel_loop3A_698, %parallel_loop3A_698 : vector<16xf32>
      %parallel_loop3A_702 = arith.addf %parallel_loop3A_646, %parallel_loop3A_701 : vector<16xf32>
      scf.yield %parallel_loop3A_700, %parallel_loop3A_702 : vector<16xf32>, vector<16xf32>
    } {sc.loop_unroll_factor = 4 : i64, sc.parallel_access}
    %add3A_506 = arith.constant 32 : i32
    %add3A_507 = arith.addi %add3A, %add3A_506 : i32
    %dma_start3A_508 = arith.constant 1 : i32
    %dma_start3A_509 = arith.constant 0 : i32
    %dma_start3A_510 = tpu.memref_slice %arg9[%dma_start3A_508, %dma_start3A_509] : memref<2x4096xf32, #tpu.memory_space<vmem>> -> memref<1x4096xf32, #tpu.memory_space<vmem>>
    %dma_start3A_511 = tpu.memref_squeeze %dma_start3A_510 : memref<1x4096xf32, #tpu.memory_space<vmem>> -> memref<4096xf32, #tpu.memory_space<vmem>>
    %dma_start3A_512 = arith.constant 4096 : i32
    %dma_start3A_513 = tpu.memref_slice %arg3[%add3A_507, %dma_start3A_512] : memref<64x16384xf32, #tpu.memory_space<hbm>> -> memref<1x4096xf32, #tpu.memory_space<hbm>>
    %dma_start3A_514 = tpu.memref_squeeze %dma_start3A_513 : memref<1x4096xf32, #tpu.memory_space<hbm>> -> memref<4096xf32, #tpu.memory_space<hbm>>
    %dma_start3A_515 = arith.constant 0 : i32
    %dma_start3A_516 = tpu.memref_slice %arg9[%dma_start3A_508, %dma_start3A_515] : memref<2x4096xf32, #tpu.memory_space<vmem>> -> memref<1x4096xf32, #tpu.memory_space<vmem>>
    %dma_start3A_517 = tpu.memref_squeeze %dma_start3A_516 : memref<1x4096xf32, #tpu.memory_space<vmem>> -> memref<4096xf32, #tpu.memory_space<vmem>>
    %dma_start3A_518 = arith.constant 4096 : i32
    %dma_start3A_519 = tpu.memref_slice %arg3[%add3A_507, %dma_start3A_518] : memref<64x16384xf32, #tpu.memory_space<hbm>> -> memref<1x4096xf32, #tpu.memory_space<hbm>>
    %dma_start3A_520 = tpu.memref_squeeze %dma_start3A_519 : memref<1x4096xf32, #tpu.memory_space<hbm>> -> memref<4096xf32, #tpu.memory_space<hbm>>
    tpu.enqueue_dma source(%dma_start3A_520 : memref<4096xf32, #tpu.memory_space<hbm>>) target(%dma_start3A_517 : memref<4096xf32, #tpu.memory_space<vmem>>) target_semaphore(%arg16 : memref<!tpu.dma_semaphore, #tpu.memory_space<semaphore_mem>>)
    %dma_wait3A_521 = arith.constant 0 : i32
    %dma_wait3A_522 = tpu.memref_slice %arg8[%dma_wait3A_521] : memref<50048xf32, #tpu.memory_space<vmem>> -> memref<49920xf32, #tpu.memory_space<vmem>>
    %dma_wait3A_523 = arith.constant 50048 : i32
    %dma_wait3A_524 = tpu.memref_slice %arg4[%add3A_362, %dma_wait3A_523] : memref<64x100000xf32, #tpu.memory_space<hbm>> -> memref<1x49920xf32, #tpu.memory_space<hbm>>
    %dma_wait3A_525 = tpu.memref_squeeze %dma_wait3A_524 : memref<1x49920xf32, #tpu.memory_space<hbm>> -> memref<49920xf32, #tpu.memory_space<hbm>>
    %dma_wait3A_526 = arith.constant 0 : i32
    %dma_wait3A_527 = tpu.memref_slice %arg8[%dma_wait3A_526] : memref<50048xf32, #tpu.memory_space<vmem>> -> memref<49920xf32, #tpu.memory_space<vmem>>
    %dma_wait3A_528 = arith.constant 50048 : i32
    %dma_wait3A_529 = tpu.memref_slice %arg4[%add3A_362, %dma_wait3A_528] : memref<64x100000xf32, #tpu.memory_space<hbm>> -> memref<1x49920xf32, #tpu.memory_space<hbm>>
    %dma_wait3A_530 = tpu.memref_squeeze %dma_wait3A_529 : memref<1x49920xf32, #tpu.memory_space<hbm>> -> memref<49920xf32, #tpu.memory_space<hbm>>
    tpu.wait_dma2 semaphore(%arg14 : memref<!tpu.dma_semaphore, #tpu.memory_space<semaphore_mem>>) src(%dma_wait3A_530 : memref<49920xf32, #tpu.memory_space<hbm>>) dst(%dma_wait3A_527 : memref<49920xf32, #tpu.memory_space<vmem>>)
    %dma_wait3A_531 = arith.constant 49920 : i32
    %dma_wait3A_532 = tpu.memref_slice %arg8[%dma_wait3A_531] : memref<50048xf32, #tpu.memory_space<vmem>> -> memref<128xf32, #tpu.memory_space<vmem>>
    %dma_wait3A_533 = arith.constant 0 : i32
    %dma_wait3A_534 = tpu.memref_slice %arg5[%add3A_362, %dma_wait3A_533] : memref<64x128xf32, #tpu.memory_space<hbm>> -> memref<1x128xf32, #tpu.memory_space<hbm>>
    %dma_wait3A_535 = tpu.memref_squeeze %dma_wait3A_534 : memref<1x128xf32, #tpu.memory_space<hbm>> -> memref<128xf32, #tpu.memory_space<hbm>>
    %dma_wait3A_536 = arith.constant 49920 : i32
    %dma_wait3A_537 = tpu.memref_slice %arg8[%dma_wait3A_536] : memref<50048xf32, #tpu.memory_space<vmem>> -> memref<128xf32, #tpu.memory_space<vmem>>
    %dma_wait3A_538 = arith.constant 0 : i32
    %dma_wait3A_539 = tpu.memref_slice %arg5[%add3A_362, %dma_wait3A_538] : memref<64x128xf32, #tpu.memory_space<hbm>> -> memref<1x128xf32, #tpu.memory_space<hbm>>
    %dma_wait3A_540 = tpu.memref_squeeze %dma_wait3A_539 : memref<1x128xf32, #tpu.memory_space<hbm>> -> memref<128xf32, #tpu.memory_space<hbm>>
    tpu.wait_dma2 semaphore(%arg14 : memref<!tpu.dma_semaphore, #tpu.memory_space<semaphore_mem>>) src(%dma_wait3A_540 : memref<128xf32, #tpu.memory_space<hbm>>) dst(%dma_wait3A_537 : memref<128xf32, #tpu.memory_space<vmem>>)
    %dma_wait3A_541 = arith.constant 0 : i32
    %dma_wait3A_542 = arith.constant 0 : i32
    %dma_wait3A_543 = tpu.memref_slice %arg9[%dma_wait3A_541, %dma_wait3A_542] : memref<2x4096xf32, #tpu.memory_space<vmem>> -> memref<1x4096xf32, #tpu.memory_space<vmem>>
    %dma_wait3A_544 = tpu.memref_squeeze %dma_wait3A_543 : memref<1x4096xf32, #tpu.memory_space<vmem>> -> memref<4096xf32, #tpu.memory_space<vmem>>
    %dma_wait3A_545 = arith.constant 0 : i32
    %dma_wait3A_546 = tpu.memref_slice %arg3[%add3A_475, %dma_wait3A_545] : memref<64x16384xf32, #tpu.memory_space<hbm>> -> memref<1x4096xf32, #tpu.memory_space<hbm>>
    %dma_wait3A_547 = tpu.memref_squeeze %dma_wait3A_546 : memref<1x4096xf32, #tpu.memory_space<hbm>> -> memref<4096xf32, #tpu.memory_space<hbm>>
    %dma_wait3A_548 = arith.constant 0 : i32
    %dma_wait3A_549 = tpu.memref_slice %arg9[%dma_wait3A_541, %dma_wait3A_548] : memref<2x4096xf32, #tpu.memory_space<vmem>> -> memref<1x4096xf32, #tpu.memory_space<vmem>>
    %dma_wait3A_550 = tpu.memref_squeeze %dma_wait3A_549 : memref<1x4096xf32, #tpu.memory_space<vmem>> -> memref<4096xf32, #tpu.memory_space<vmem>>
    %dma_wait3A_551 = arith.constant 0 : i32
    %dma_wait3A_552 = tpu.memref_slice %arg3[%add3A_475, %dma_wait3A_551] : memref<64x16384xf32, #tpu.memory_space<hbm>> -> memref<1x4096xf32, #tpu.memory_space<hbm>>
    %dma_wait3A_553 = tpu.memref_squeeze %dma_wait3A_552 : memref<1x4096xf32, #tpu.memory_space<hbm>> -> memref<4096xf32, #tpu.memory_space<hbm>>
    tpu.wait_dma2 semaphore(%arg15 : memref<!tpu.dma_semaphore, #tpu.memory_space<semaphore_mem>>) src(%dma_wait3A_553 : memref<4096xf32, #tpu.memory_space<hbm>>) dst(%dma_wait3A_550 : memref<4096xf32, #tpu.memory_space<vmem>>)
    %parallel_loop3A_554 = arith.constant 0 : i32
    %parallel_loop3A_555 = arith.constant 128 : i32
    %parallel_loop3A_556 = arith.constant 1 : i32
    %parallel_loop3A_557:2 = scf.for %parallel_loop3A_644 = %parallel_loop3A_554 to %parallel_loop3A_555 step %parallel_loop3A_556 iter_args(%parallel_loop3A_645 = %parallel_loop3A_505#0, %parallel_loop3A_646 = %parallel_loop3A_505#1) -> (vector<16xf32>, vector<16xf32>)  : i32 {
      %parallel_loop3A_647 = arith.constant 32 : i32
      %parallel_loop3A_648 = arith.muli %parallel_loop3A_644, %parallel_loop3A_647 : i32
      %parallel_loop3A_649 = arith.constant 0 : i32
      %parallel_loop3A_650 = arith.addi %parallel_loop3A_649, %parallel_loop3A_648 : i32
      %parallel_loop3A_651 = arith.index_cast %parallel_loop3A_650 : i32 to index
      %parallel_loop3A_652 = tpu.vector_load %arg10[%parallel_loop3A_651] {strides = array<i32>} : memref<16384xi32, #tpu.memory_space<vmem>>, vector<16xi32>,
      %parallel_loop3A_653 = arith.constant 50048 : i32
      %parallel_loop3A_654 = vector.broadcast %parallel_loop3A_653 : i32 to vector<16xi32>
      %parallel_loop3A_655 = arith.subi %parallel_loop3A_652, %parallel_loop3A_654 : vector<16xi32>
      %parallel_loop3A_656 = arith.constant 0 : i32
      %parallel_loop3A_657 = vector.broadcast %parallel_loop3A_656 : i32 to vector<16xi32>
      %parallel_loop3A_658 = arith.maxsi %parallel_loop3A_655, %parallel_loop3A_657 : vector<16xi32>
      %parallel_loop3A_659 = arith.constant 49951 : i32
      %parallel_loop3A_660 = vector.broadcast %parallel_loop3A_659 : i32 to vector<16xi32>
      %parallel_loop3A_661 = arith.minsi %parallel_loop3A_658, %parallel_loop3A_660 : vector<16xi32>
      %parallel_loop3A_662 = arith.constant 0 : i32
      %parallel_loop3A_663 = arith.index_cast %parallel_loop3A_662 : i32 to index
      %parallel_loop3A_664 = arith.index_cast %parallel_loop3A_648 : i32 to index
      %parallel_loop3A_665 = tpu.vector_load %arg9[%parallel_loop3A_663, %parallel_loop3A_664] {strides = array<i32>} : memref<2x4096xf32, #tpu.memory_space<vmem>>, vector<16xf32>,
      %parallel_loop3A_666 = tpu.vector_load_idx %arg8[%parallel_loop3A_661] : memref<50048xf32, #tpu.memory_space<vmem>>[vector<16xi32>], vector<16xf32>,
      %parallel_loop3A_667 = arith.cmpi eq, %parallel_loop3A_655, %parallel_loop3A_661 : vector<16xi32>
      %parallel_loop3A_668 = arith.subf %parallel_loop3A_665, %parallel_loop3A_666 : vector<16xf32>
      %parallel_loop3A_669 = arith.constant 0.000000e+00 : f32
      %parallel_loop3A_670 = vector.broadcast %parallel_loop3A_669 : f32 to vector<16xf32>
      %parallel_loop3A_671 = arith.select %parallel_loop3A_667, %parallel_loop3A_668, %parallel_loop3A_670 : vector<16xi1>, vector<16xf32>
      %parallel_loop3A_672 = arith.constant 0 : i32
      %parallel_loop3A_673 = arith.addi %parallel_loop3A_672, %parallel_loop3A_648 : i32
      %parallel_loop3A_674 = arith.constant 16 : i32
      %parallel_loop3A_675 = arith.addi %parallel_loop3A_673, %parallel_loop3A_674 : i32
      %parallel_loop3A_676 = arith.index_cast %parallel_loop3A_675 : i32 to index
      %parallel_loop3A_677 = tpu.vector_load %arg10[%parallel_loop3A_676] {strides = array<i32>} : memref<16384xi32, #tpu.memory_space<vmem>>, vector<16xi32>,
      %parallel_loop3A_678 = arith.constant 50048 : i32
      %parallel_loop3A_679 = vector.broadcast %parallel_loop3A_678 : i32 to vector<16xi32>
      %parallel_loop3A_680 = arith.subi %parallel_loop3A_677, %parallel_loop3A_679 : vector<16xi32>
      %parallel_loop3A_681 = arith.constant 0 : i32
      %parallel_loop3A_682 = vector.broadcast %parallel_loop3A_681 : i32 to vector<16xi32>
      %parallel_loop3A_683 = arith.maxsi %parallel_loop3A_680, %parallel_loop3A_682 : vector<16xi32>
      %parallel_loop3A_684 = arith.constant 49951 : i32
      %parallel_loop3A_685 = vector.broadcast %parallel_loop3A_684 : i32 to vector<16xi32>
      %parallel_loop3A_686 = arith.minsi %parallel_loop3A_683, %parallel_loop3A_685 : vector<16xi32>
      %parallel_loop3A_687 = arith.constant 16 : i32
      %parallel_loop3A_688 = arith.addi %parallel_loop3A_648, %parallel_loop3A_687 : i32
      %parallel_loop3A_689 = arith.constant 0 : i32
      %parallel_loop3A_690 = arith.index_cast %parallel_loop3A_689 : i32 to index
      %parallel_loop3A_691 = arith.index_cast %parallel_loop3A_688 : i32 to index
      %parallel_loop3A_692 = tpu.vector_load %arg9[%parallel_loop3A_690, %parallel_loop3A_691] {strides = array<i32>} : memref<2x4096xf32, #tpu.memory_space<vmem>>, vector<16xf32>,
      %parallel_loop3A_693 = tpu.vector_load_idx %arg8[%parallel_loop3A_686] : memref<50048xf32, #tpu.memory_space<vmem>>[vector<16xi32>], vector<16xf32>,
      %parallel_loop3A_694 = arith.cmpi eq, %parallel_loop3A_680, %parallel_loop3A_686 : vector<16xi32>
      %parallel_loop3A_695 = arith.subf %parallel_loop3A_692, %parallel_loop3A_693 : vector<16xf32>
      %parallel_loop3A_696 = arith.constant 0.000000e+00 : f32
      %parallel_loop3A_697 = vector.broadcast %parallel_loop3A_696 : f32 to vector<16xf32>
      %parallel_loop3A_698 = arith.select %parallel_loop3A_694, %parallel_loop3A_695, %parallel_loop3A_697 : vector<16xi1>, vector<16xf32>
      %parallel_loop3A_699 = arith.mulf %parallel_loop3A_671, %parallel_loop3A_671 : vector<16xf32>
      %parallel_loop3A_700 = arith.addf %parallel_loop3A_645, %parallel_loop3A_699 : vector<16xf32>
      %parallel_loop3A_701 = arith.mulf %parallel_loop3A_698, %parallel_loop3A_698 : vector<16xf32>
      %parallel_loop3A_702 = arith.addf %parallel_loop3A_646, %parallel_loop3A_701 : vector<16xf32>
      scf.yield %parallel_loop3A_700, %parallel_loop3A_702 : vector<16xf32>, vector<16xf32>
    } {sc.loop_unroll_factor = 4 : i64, sc.parallel_access}
    %add3A_558 = arith.constant 32 : i32
    %add3A_559 = arith.addi %add3A, %add3A_558 : i32
    %dma_start3A_560 = arith.constant 0 : i32
    %dma_start3A_561 = arith.constant 0 : i32
    %dma_start3A_562 = tpu.memref_slice %arg9[%dma_start3A_560, %dma_start3A_561] : memref<2x4096xf32, #tpu.memory_space<vmem>> -> memref<1x4096xf32, #tpu.memory_space<vmem>>
    %dma_start3A_563 = tpu.memref_squeeze %dma_start3A_562 : memref<1x4096xf32, #tpu.memory_space<vmem>> -> memref<4096xf32, #tpu.memory_space<vmem>>
    %dma_start3A_564 = arith.constant 8192 : i32
    %dma_start3A_565 = tpu.memref_slice %arg3[%add3A_559, %dma_start3A_564] : memref<64x16384xf32, #tpu.memory_space<hbm>> -> memref<1x4096xf32, #tpu.memory_space<hbm>>
    %dma_start3A_566 = tpu.memref_squeeze %dma_start3A_565 : memref<1x4096xf32, #tpu.memory_space<hbm>> -> memref<4096xf32, #tpu.memory_space<hbm>>
    %dma_start3A_567 = arith.constant 0 : i32
    %dma_start3A_568 = tpu.memref_slice %arg9[%dma_start3A_560, %dma_start3A_567] : memref<2x4096xf32, #tpu.memory_space<vmem>> -> memref<1x4096xf32, #tpu.memory_space<vmem>>
    %dma_start3A_569 = tpu.memref_squeeze %dma_start3A_568 : memref<1x4096xf32, #tpu.memory_space<vmem>> -> memref<4096xf32, #tpu.memory_space<vmem>>
    %dma_start3A_570 = arith.constant 8192 : i32
    %dma_start3A_571 = tpu.memref_slice %arg3[%add3A_559, %dma_start3A_570] : memref<64x16384xf32, #tpu.memory_space<hbm>> -> memref<1x4096xf32, #tpu.memory_space<hbm>>
    %dma_start3A_572 = tpu.memref_squeeze %dma_start3A_571 : memref<1x4096xf32, #tpu.memory_space<hbm>> -> memref<4096xf32, #tpu.memory_space<hbm>>
    tpu.enqueue_dma source(%dma_start3A_572 : memref<4096xf32, #tpu.memory_space<hbm>>) target(%dma_start3A_569 : memref<4096xf32, #tpu.memory_space<vmem>>) target_semaphore(%arg15 : memref<!tpu.dma_semaphore, #tpu.memory_space<semaphore_mem>>)
    %dma_wait3A_573 = arith.constant 1 : i32
    %dma_wait3A_574 = arith.constant 0 : i32
    %dma_wait3A_575 = tpu.memref_slice %arg9[%dma_wait3A_573, %dma_wait3A_574] : memref<2x4096xf32, #tpu.memory_space<vmem>> -> memref<1x4096xf32, #tpu.memory_space<vmem>>
    %dma_wait3A_576 = tpu.memref_squeeze %dma_wait3A_575 : memref<1x4096xf32, #tpu.memory_space<vmem>> -> memref<4096xf32, #tpu.memory_space<vmem>>
    %dma_wait3A_577 = arith.constant 4096 : i32
    %dma_wait3A_578 = tpu.memref_slice %arg3[%add3A_507, %dma_wait3A_577] : memref<64x16384xf32, #tpu.memory_space<hbm>> -> memref<1x4096xf32, #tpu.memory_space<hbm>>
    %dma_wait3A_579 = tpu.memref_squeeze %dma_wait3A_578 : memref<1x4096xf32, #tpu.memory_space<hbm>> -> memref<4096xf32, #tpu.memory_space<hbm>>
    %dma_wait3A_580 = arith.constant 0 : i32
    %dma_wait3A_581 = tpu.memref_slice %arg9[%dma_wait3A_573, %dma_wait3A_580] : memref<2x4096xf32, #tpu.memory_space<vmem>> -> memref<1x4096xf32, #tpu.memory_space<vmem>>
    %dma_wait3A_582 = tpu.memref_squeeze %dma_wait3A_581 : memref<1x4096xf32, #tpu.memory_space<vmem>> -> memref<4096xf32, #tpu.memory_space<vmem>>
    %dma_wait3A_583 = arith.constant 4096 : i32
    %dma_wait3A_584 = tpu.memref_slice %arg3[%add3A_507, %dma_wait3A_583] : memref<64x16384xf32, #tpu.memory_space<hbm>> -> memref<1x4096xf32, #tpu.memory_space<hbm>>
    %dma_wait3A_585 = tpu.memref_squeeze %dma_wait3A_584 : memref<1x4096xf32, #tpu.memory_space<hbm>> -> memref<4096xf32, #tpu.memory_space<hbm>>
    tpu.wait_dma2 semaphore(%arg16 : memref<!tpu.dma_semaphore, #tpu.memory_space<semaphore_mem>>) src(%dma_wait3A_585 : memref<4096xf32, #tpu.memory_space<hbm>>) dst(%dma_wait3A_582 : memref<4096xf32, #tpu.memory_space<vmem>>)
    %parallel_loop3A_586 = arith.constant 0 : i32
    %parallel_loop3A_587 = arith.constant 128 : i32
    %parallel_loop3A_588 = arith.constant 1 : i32
    %parallel_loop3A_589:2 = scf.for %parallel_loop3A_644 = %parallel_loop3A_586 to %parallel_loop3A_587 step %parallel_loop3A_588 iter_args(%parallel_loop3A_645 = %parallel_loop3A_557#0, %parallel_loop3A_646 = %parallel_loop3A_557#1) -> (vector<16xf32>, vector<16xf32>)  : i32 {
      %parallel_loop3A_647 = arith.constant 32 : i32
      %parallel_loop3A_648 = arith.muli %parallel_loop3A_644, %parallel_loop3A_647 : i32
      %parallel_loop3A_649 = arith.constant 4096 : i32
      %parallel_loop3A_650 = arith.addi %parallel_loop3A_649, %parallel_loop3A_648 : i32
      %parallel_loop3A_651 = arith.index_cast %parallel_loop3A_650 : i32 to index
      %parallel_loop3A_652 = tpu.vector_load %arg10[%parallel_loop3A_651] {strides = array<i32>} : memref<16384xi32, #tpu.memory_space<vmem>>, vector<16xi32>,
      %parallel_loop3A_653 = arith.constant 50048 : i32
      %parallel_loop3A_654 = vector.broadcast %parallel_loop3A_653 : i32 to vector<16xi32>
      %parallel_loop3A_655 = arith.subi %parallel_loop3A_652, %parallel_loop3A_654 : vector<16xi32>
      %parallel_loop3A_656 = arith.constant 0 : i32
      %parallel_loop3A_657 = vector.broadcast %parallel_loop3A_656 : i32 to vector<16xi32>
      %parallel_loop3A_658 = arith.maxsi %parallel_loop3A_655, %parallel_loop3A_657 : vector<16xi32>
      %parallel_loop3A_659 = arith.constant 49951 : i32
      %parallel_loop3A_660 = vector.broadcast %parallel_loop3A_659 : i32 to vector<16xi32>
      %parallel_loop3A_661 = arith.minsi %parallel_loop3A_658, %parallel_loop3A_660 : vector<16xi32>
      %parallel_loop3A_662 = arith.constant 1 : i32
      %parallel_loop3A_663 = arith.index_cast %parallel_loop3A_662 : i32 to index
      %parallel_loop3A_664 = arith.index_cast %parallel_loop3A_648 : i32 to index
      %parallel_loop3A_665 = tpu.vector_load %arg9[%parallel_loop3A_663, %parallel_loop3A_664] {strides = array<i32>} : memref<2x4096xf32, #tpu.memory_space<vmem>>, vector<16xf32>,
      %parallel_loop3A_666 = tpu.vector_load_idx %arg8[%parallel_loop3A_661] : memref<50048xf32, #tpu.memory_space<vmem>>[vector<16xi32>], vector<16xf32>,
      %parallel_loop3A_667 = arith.cmpi eq, %parallel_loop3A_655, %parallel_loop3A_661 : vector<16xi32>
      %parallel_loop3A_668 = arith.subf %parallel_loop3A_665, %parallel_loop3A_666 : vector<16xf32>
      %parallel_loop3A_669 = arith.constant 0.000000e+00 : f32
      %parallel_loop3A_670 = vector.broadcast %parallel_loop3A_669 : f32 to vector<16xf32>
      %parallel_loop3A_671 = arith.select %parallel_loop3A_667, %parallel_loop3A_668, %parallel_loop3A_670 : vector<16xi1>, vector<16xf32>
      %parallel_loop3A_672 = arith.constant 4096 : i32
      %parallel_loop3A_673 = arith.addi %parallel_loop3A_672, %parallel_loop3A_648 : i32
      %parallel_loop3A_674 = arith.constant 16 : i32
      %parallel_loop3A_675 = arith.addi %parallel_loop3A_673, %parallel_loop3A_674 : i32
      %parallel_loop3A_676 = arith.index_cast %parallel_loop3A_675 : i32 to index
      %parallel_loop3A_677 = tpu.vector_load %arg10[%parallel_loop3A_676] {strides = array<i32>} : memref<16384xi32, #tpu.memory_space<vmem>>, vector<16xi32>,
      %parallel_loop3A_678 = arith.constant 50048 : i32
      %parallel_loop3A_679 = vector.broadcast %parallel_loop3A_678 : i32 to vector<16xi32>
      %parallel_loop3A_680 = arith.subi %parallel_loop3A_677, %parallel_loop3A_679 : vector<16xi32>
      %parallel_loop3A_681 = arith.constant 0 : i32
      %parallel_loop3A_682 = vector.broadcast %parallel_loop3A_681 : i32 to vector<16xi32>
      %parallel_loop3A_683 = arith.maxsi %parallel_loop3A_680, %parallel_loop3A_682 : vector<16xi32>
      %parallel_loop3A_684 = arith.constant 49951 : i32
      %parallel_loop3A_685 = vector.broadcast %parallel_loop3A_684 : i32 to vector<16xi32>
      %parallel_loop3A_686 = arith.minsi %parallel_loop3A_683, %parallel_loop3A_685 : vector<16xi32>
      %parallel_loop3A_687 = arith.constant 16 : i32
      %parallel_loop3A_688 = arith.addi %parallel_loop3A_648, %parallel_loop3A_687 : i32
      %parallel_loop3A_689 = arith.constant 1 : i32
      %parallel_loop3A_690 = arith.index_cast %parallel_loop3A_689 : i32 to index
      %parallel_loop3A_691 = arith.index_cast %parallel_loop3A_688 : i32 to index
      %parallel_loop3A_692 = tpu.vector_load %arg9[%parallel_loop3A_690, %parallel_loop3A_691] {strides = array<i32>} : memref<2x4096xf32, #tpu.memory_space<vmem>>, vector<16xf32>,
      %parallel_loop3A_693 = tpu.vector_load_idx %arg8[%parallel_loop3A_686] : memref<50048xf32, #tpu.memory_space<vmem>>[vector<16xi32>], vector<16xf32>,
      %parallel_loop3A_694 = arith.cmpi eq, %parallel_loop3A_680, %parallel_loop3A_686 : vector<16xi32>
      %parallel_loop3A_695 = arith.subf %parallel_loop3A_692, %parallel_loop3A_693 : vector<16xf32>
      %parallel_loop3A_696 = arith.constant 0.000000e+00 : f32
      %parallel_loop3A_697 = vector.broadcast %parallel_loop3A_696 : f32 to vector<16xf32>
      %parallel_loop3A_698 = arith.select %parallel_loop3A_694, %parallel_loop3A_695, %parallel_loop3A_697 : vector<16xi1>, vector<16xf32>
      %parallel_loop3A_699 = arith.mulf %parallel_loop3A_671, %parallel_loop3A_671 : vector<16xf32>
      %parallel_loop3A_700 = arith.addf %parallel_loop3A_645, %parallel_loop3A_699 : vector<16xf32>
      %parallel_loop3A_701 = arith.mulf %parallel_loop3A_698, %parallel_loop3A_698 : vector<16xf32>
      %parallel_loop3A_702 = arith.addf %parallel_loop3A_646, %parallel_loop3A_701 : vector<16xf32>
      scf.yield %parallel_loop3A_700, %parallel_loop3A_702 : vector<16xf32>, vector<16xf32>
    } {sc.loop_unroll_factor = 4 : i64, sc.parallel_access}
    %add3A_590 = arith.constant 32 : i32
    %add3A_591 = arith.addi %add3A, %add3A_590 : i32
    %dma_start3A_592 = arith.constant 1 : i32
    %dma_start3A_593 = arith.constant 0 : i32
    %dma_start3A_594 = tpu.memref_slice %arg9[%dma_start3A_592, %dma_start3A_593] : memref<2x4096xf32, #tpu.memory_space<vmem>> -> memref<1x4096xf32, #tpu.memory_space<vmem>>
    %dma_start3A_595 = tpu.memref_squeeze %dma_start3A_594 : memref<1x4096xf32, #tpu.memory_space<vmem>> -> memref<4096xf32, #tpu.memory_space<vmem>>
    %dma_start3A_596 = arith.constant 12288 : i32
    %dma_start3A_597 = tpu.memref_slice %arg3[%add3A_591, %dma_start3A_596] : memref<64x16384xf32, #tpu.memory_space<hbm>> -> memref<1x4096xf32, #tpu.memory_space<hbm>>
    %dma_start3A_598 = tpu.memref_squeeze %dma_start3A_597 : memref<1x4096xf32, #tpu.memory_space<hbm>> -> memref<4096xf32, #tpu.memory_space<hbm>>
    %dma_start3A_599 = arith.constant 0 : i32
    %dma_start3A_600 = tpu.memref_slice %arg9[%dma_start3A_592, %dma_start3A_599] : memref<2x4096xf32, #tpu.memory_space<vmem>> -> memref<1x4096xf32, #tpu.memory_space<vmem>>
    %dma_start3A_601 = tpu.memref_squeeze %dma_start3A_600 : memref<1x4096xf32, #tpu.memory_space<vmem>> -> memref<4096xf32, #tpu.memory_space<vmem>>
    %dma_start3A_602 = arith.constant 12288 : i32
    %dma_start3A_603 = tpu.memref_slice %arg3[%add3A_591, %dma_start3A_602] : memref<64x16384xf32, #tpu.memory_space<hbm>> -> memref<1x4096xf32, #tpu.memory_space<hbm>>
    %dma_start3A_604 = tpu.memref_squeeze %dma_start3A_603 : memref<1x4096xf32, #tpu.memory_space<hbm>> -> memref<4096xf32, #tpu.memory_space<hbm>>
    tpu.enqueue_dma source(%dma_start3A_604 : memref<4096xf32, #tpu.memory_space<hbm>>) target(%dma_start3A_601 : memref<4096xf32, #tpu.memory_space<vmem>>) target_semaphore(%arg16 : memref<!tpu.dma_semaphore, #tpu.memory_space<semaphore_mem>>)
    %dma_wait3A_605 = arith.constant 0 : i32
    %dma_wait3A_606 = arith.constant 0 : i32
    %dma_wait3A_607 = tpu.memref_slice %arg9[%dma_wait3A_605, %dma_wait3A_606] : memref<2x4096xf32, #tpu.memory_space<vmem>> -> memref<1x4096xf32, #tpu.memory_space<vmem>>
    %dma_wait3A_608 = tpu.memref_squeeze %dma_wait3A_607 : memref<1x4096xf32, #tpu.memory_space<vmem>> -> memref<4096xf32, #tpu.memory_space<vmem>>
    %dma_wait3A_609 = arith.constant 8192 : i32
    %dma_wait3A_610 = tpu.memref_slice %arg3[%add3A_559, %dma_wait3A_609] : memref<64x16384xf32, #tpu.memory_space<hbm>> -> memref<1x4096xf32, #tpu.memory_space<hbm>>
    %dma_wait3A_611 = tpu.memref_squeeze %dma_wait3A_610 : memref<1x4096xf32, #tpu.memory_space<hbm>> -> memref<4096xf32, #tpu.memory_space<hbm>>
    %dma_wait3A_612 = arith.constant 0 : i32
    %dma_wait3A_613 = tpu.memref_slice %arg9[%dma_wait3A_605, %dma_wait3A_612] : memref<2x4096xf32, #tpu.memory_space<vmem>> -> memref<1x4096xf32, #tpu.memory_space<vmem>>
    %dma_wait3A_614 = tpu.memref_squeeze %dma_wait3A_613 : memref<1x4096xf32, #tpu.memory_space<vmem>> -> memref<4096xf32, #tpu.memory_space<vmem>>
    %dma_wait3A_615 = arith.constant 8192 : i32
    %dma_wait3A_616 = tpu.memref_slice %arg3[%add3A_559, %dma_wait3A_615] : memref<64x16384xf32, #tpu.memory_space<hbm>> -> memref<1x4096xf32, #tpu.memory_space<hbm>>
    %dma_wait3A_617 = tpu.memref_squeeze %dma_wait3A_616 : memref<1x4096xf32, #tpu.memory_space<hbm>> -> memref<4096xf32, #tpu.memory_space<hbm>>
    tpu.wait_dma2 semaphore(%arg15 : memref<!tpu.dma_semaphore, #tpu.memory_space<semaphore_mem>>) src(%dma_wait3A_617 : memref<4096xf32, #tpu.memory_space<hbm>>) dst(%dma_wait3A_614 : memref<4096xf32, #tpu.memory_space<vmem>>)
    %parallel_loop3A_618 = arith.constant 0 : i32
    %parallel_loop3A_619 = arith.constant 128 : i32
    %parallel_loop3A_620 = arith.constant 1 : i32
    %parallel_loop3A_621:2 = scf.for %parallel_loop3A_644 = %parallel_loop3A_618 to %parallel_loop3A_619 step %parallel_loop3A_620 iter_args(%parallel_loop3A_645 = %parallel_loop3A_589#0, %parallel_loop3A_646 = %parallel_loop3A_589#1) -> (vector<16xf32>, vector<16xf32>)  : i32 {
      %parallel_loop3A_647 = arith.constant 32 : i32
      %parallel_loop3A_648 = arith.muli %parallel_loop3A_644, %parallel_loop3A_647 : i32
      %parallel_loop3A_649 = arith.constant 8192 : i32
      %parallel_loop3A_650 = arith.addi %parallel_loop3A_649, %parallel_loop3A_648 : i32
      %parallel_loop3A_651 = arith.index_cast %parallel_loop3A_650 : i32 to index
      %parallel_loop3A_652 = tpu.vector_load %arg10[%parallel_loop3A_651] {strides = array<i32>} : memref<16384xi32, #tpu.memory_space<vmem>>, vector<16xi32>,
      %parallel_loop3A_653 = arith.constant 50048 : i32
      %parallel_loop3A_654 = vector.broadcast %parallel_loop3A_653 : i32 to vector<16xi32>
      %parallel_loop3A_655 = arith.subi %parallel_loop3A_652, %parallel_loop3A_654 : vector<16xi32>
      %parallel_loop3A_656 = arith.constant 0 : i32
      %parallel_loop3A_657 = vector.broadcast %parallel_loop3A_656 : i32 to vector<16xi32>
      %parallel_loop3A_658 = arith.maxsi %parallel_loop3A_655, %parallel_loop3A_657 : vector<16xi32>
      %parallel_loop3A_659 = arith.constant 49951 : i32
      %parallel_loop3A_660 = vector.broadcast %parallel_loop3A_659 : i32 to vector<16xi32>
      %parallel_loop3A_661 = arith.minsi %parallel_loop3A_658, %parallel_loop3A_660 : vector<16xi32>
      %parallel_loop3A_662 = arith.constant 0 : i32
      %parallel_loop3A_663 = arith.index_cast %parallel_loop3A_662 : i32 to index
      %parallel_loop3A_664 = arith.index_cast %parallel_loop3A_648 : i32 to index
      %parallel_loop3A_665 = tpu.vector_load %arg9[%parallel_loop3A_663, %parallel_loop3A_664] {strides = array<i32>} : memref<2x4096xf32, #tpu.memory_space<vmem>>, vector<16xf32>,
      %parallel_loop3A_666 = tpu.vector_load_idx %arg8[%parallel_loop3A_661] : memref<50048xf32, #tpu.memory_space<vmem>>[vector<16xi32>], vector<16xf32>,
      %parallel_loop3A_667 = arith.cmpi eq, %parallel_loop3A_655, %parallel_loop3A_661 : vector<16xi32>
      %parallel_loop3A_668 = arith.subf %parallel_loop3A_665, %parallel_loop3A_666 : vector<16xf32>
      %parallel_loop3A_669 = arith.constant 0.000000e+00 : f32
      %parallel_loop3A_670 = vector.broadcast %parallel_loop3A_669 : f32 to vector<16xf32>
      %parallel_loop3A_671 = arith.select %parallel_loop3A_667, %parallel_loop3A_668, %parallel_loop3A_670 : vector<16xi1>, vector<16xf32>
      %parallel_loop3A_672 = arith.constant 8192 : i32
      %parallel_loop3A_673 = arith.addi %parallel_loop3A_672, %parallel_loop3A_648 : i32
      %parallel_loop3A_674 = arith.constant 16 : i32
      %parallel_loop3A_675 = arith.addi %parallel_loop3A_673, %parallel_loop3A_674 : i32
      %parallel_loop3A_676 = arith.index_cast %parallel_loop3A_675 : i32 to index
      %parallel_loop3A_677 = tpu.vector_load %arg10[%parallel_loop3A_676] {strides = array<i32>} : memref<16384xi32, #tpu.memory_space<vmem>>, vector<16xi32>,
      %parallel_loop3A_678 = arith.constant 50048 : i32
      %parallel_loop3A_679 = vector.broadcast %parallel_loop3A_678 : i32 to vector<16xi32>
      %parallel_loop3A_680 = arith.subi %parallel_loop3A_677, %parallel_loop3A_679 : vector<16xi32>
      %parallel_loop3A_681 = arith.constant 0 : i32
      %parallel_loop3A_682 = vector.broadcast %parallel_loop3A_681 : i32 to vector<16xi32>
      %parallel_loop3A_683 = arith.maxsi %parallel_loop3A_680, %parallel_loop3A_682 : vector<16xi32>
      %parallel_loop3A_684 = arith.constant 49951 : i32
      %parallel_loop3A_685 = vector.broadcast %parallel_loop3A_684 : i32 to vector<16xi32>
      %parallel_loop3A_686 = arith.minsi %parallel_loop3A_683, %parallel_loop3A_685 : vector<16xi32>
      %parallel_loop3A_687 = arith.constant 16 : i32
      %parallel_loop3A_688 = arith.addi %parallel_loop3A_648, %parallel_loop3A_687 : i32
      %parallel_loop3A_689 = arith.constant 0 : i32
      %parallel_loop3A_690 = arith.index_cast %parallel_loop3A_689 : i32 to index
      %parallel_loop3A_691 = arith.index_cast %parallel_loop3A_688 : i32 to index
      %parallel_loop3A_692 = tpu.vector_load %arg9[%parallel_loop3A_690, %parallel_loop3A_691] {strides = array<i32>} : memref<2x4096xf32, #tpu.memory_space<vmem>>, vector<16xf32>,
      %parallel_loop3A_693 = tpu.vector_load_idx %arg8[%parallel_loop3A_686] : memref<50048xf32, #tpu.memory_space<vmem>>[vector<16xi32>], vector<16xf32>,
      %parallel_loop3A_694 = arith.cmpi eq, %parallel_loop3A_680, %parallel_loop3A_686 : vector<16xi32>
      %parallel_loop3A_695 = arith.subf %parallel_loop3A_692, %parallel_loop3A_693 : vector<16xf32>
      %parallel_loop3A_696 = arith.constant 0.000000e+00 : f32
      %parallel_loop3A_697 = vector.broadcast %parallel_loop3A_696 : f32 to vector<16xf32>
      %parallel_loop3A_698 = arith.select %parallel_loop3A_694, %parallel_loop3A_695, %parallel_loop3A_697 : vector<16xi1>, vector<16xf32>
      %parallel_loop3A_699 = arith.mulf %parallel_loop3A_671, %parallel_loop3A_671 : vector<16xf32>
      %parallel_loop3A_700 = arith.addf %parallel_loop3A_645, %parallel_loop3A_699 : vector<16xf32>
      %parallel_loop3A_701 = arith.mulf %parallel_loop3A_698, %parallel_loop3A_698 : vector<16xf32>
      %parallel_loop3A_702 = arith.addf %parallel_loop3A_646, %parallel_loop3A_701 : vector<16xf32>
      scf.yield %parallel_loop3A_700, %parallel_loop3A_702 : vector<16xf32>, vector<16xf32>
    } {sc.loop_unroll_factor = 4 : i64, sc.parallel_access}
    %dma_wait3A_622 = arith.constant 1 : i32
    %dma_wait3A_623 = arith.constant 0 : i32
    %dma_wait3A_624 = tpu.memref_slice %arg9[%dma_wait3A_622, %dma_wait3A_623] : memref<2x4096xf32, #tpu.memory_space<vmem>> -> memref<1x4096xf32, #tpu.memory_space<vmem>>
    %dma_wait3A_625 = tpu.memref_squeeze %dma_wait3A_624 : memref<1x4096xf32, #tpu.memory_space<vmem>> -> memref<4096xf32, #tpu.memory_space<vmem>>
    %dma_wait3A_626 = arith.constant 12288 : i32
    %dma_wait3A_627 = tpu.memref_slice %arg3[%add3A_591, %dma_wait3A_626] : memref<64x16384xf32, #tpu.memory_space<hbm>> -> memref<1x4096xf32, #tpu.memory_space<hbm>>
    %dma_wait3A_628 = tpu.memref_squeeze %dma_wait3A_627 : memref<1x4096xf32, #tpu.memory_space<hbm>> -> memref<4096xf32, #tpu.memory_space<hbm>>
    %dma_wait3A_629 = arith.constant 0 : i32
    %dma_wait3A_630 = tpu.memref_slice %arg9[%dma_wait3A_622, %dma_wait3A_629] : memref<2x4096xf32, #tpu.memory_space<vmem>> -> memref<1x4096xf32, #tpu.memory_space<vmem>>
    %dma_wait3A_631 = tpu.memref_squeeze %dma_wait3A_630 : memref<1x4096xf32, #tpu.memory_space<vmem>> -> memref<4096xf32, #tpu.memory_space<vmem>>
    %dma_wait3A_632 = arith.constant 12288 : i32
    %dma_wait3A_633 = tpu.memref_slice %arg3[%add3A_591, %dma_wait3A_632] : memref<64x16384xf32, #tpu.memory_space<hbm>> -> memref<1x4096xf32, #tpu.memory_space<hbm>>
    %dma_wait3A_634 = tpu.memref_squeeze %dma_wait3A_633 : memref<1x4096xf32, #tpu.memory_space<hbm>> -> memref<4096xf32, #tpu.memory_space<hbm>>
    tpu.wait_dma2 semaphore(%arg16 : memref<!tpu.dma_semaphore, #tpu.memory_space<semaphore_mem>>) src(%dma_wait3A_634 : memref<4096xf32, #tpu.memory_space<hbm>>) dst(%dma_wait3A_631 : memref<4096xf32, #tpu.memory_space<vmem>>)
    %parallel_loop3A_635 = arith.constant 0 : i32
    %parallel_loop3A_636 = arith.constant 128 : i32
    %parallel_loop3A_637 = arith.constant 1 : i32
    %parallel_loop3A_638:2 = scf.for %parallel_loop3A_644 = %parallel_loop3A_635 to %parallel_loop3A_636 step %parallel_loop3A_637 iter_args(%parallel_loop3A_645 = %parallel_loop3A_621#0, %parallel_loop3A_646 = %parallel_loop3A_621#1) -> (vector<16xf32>, vector<16xf32>)  : i32 {
      %parallel_loop3A_647 = arith.constant 32 : i32
      %parallel_loop3A_648 = arith.muli %parallel_loop3A_644, %parallel_loop3A_647 : i32
      %parallel_loop3A_649 = arith.constant 12288 : i32
      %parallel_loop3A_650 = arith.addi %parallel_loop3A_649, %parallel_loop3A_648 : i32
      %parallel_loop3A_651 = arith.index_cast %parallel_loop3A_650 : i32 to index
      %parallel_loop3A_652 = tpu.vector_load %arg10[%parallel_loop3A_651] {strides = array<i32>} : memref<16384xi32, #tpu.memory_space<vmem>>, vector<16xi32>,
      %parallel_loop3A_653 = arith.constant 50048 : i32
      %parallel_loop3A_654 = vector.broadcast %parallel_loop3A_653 : i32 to vector<16xi32>
      %parallel_loop3A_655 = arith.subi %parallel_loop3A_652, %parallel_loop3A_654 : vector<16xi32>
      %parallel_loop3A_656 = arith.constant 0 : i32
      %parallel_loop3A_657 = vector.broadcast %parallel_loop3A_656 : i32 to vector<16xi32>
      %parallel_loop3A_658 = arith.maxsi %parallel_loop3A_655, %parallel_loop3A_657 : vector<16xi32>
      %parallel_loop3A_659 = arith.constant 49951 : i32
      %parallel_loop3A_660 = vector.broadcast %parallel_loop3A_659 : i32 to vector<16xi32>
      %parallel_loop3A_661 = arith.minsi %parallel_loop3A_658, %parallel_loop3A_660 : vector<16xi32>
      %parallel_loop3A_662 = arith.constant 1 : i32
      %parallel_loop3A_663 = arith.index_cast %parallel_loop3A_662 : i32 to index
      %parallel_loop3A_664 = arith.index_cast %parallel_loop3A_648 : i32 to index
      %parallel_loop3A_665 = tpu.vector_load %arg9[%parallel_loop3A_663, %parallel_loop3A_664] {strides = array<i32>} : memref<2x4096xf32, #tpu.memory_space<vmem>>, vector<16xf32>,
      %parallel_loop3A_666 = tpu.vector_load_idx %arg8[%parallel_loop3A_661] : memref<50048xf32, #tpu.memory_space<vmem>>[vector<16xi32>], vector<16xf32>,
      %parallel_loop3A_667 = arith.cmpi eq, %parallel_loop3A_655, %parallel_loop3A_661 : vector<16xi32>
      %parallel_loop3A_668 = arith.subf %parallel_loop3A_665, %parallel_loop3A_666 : vector<16xf32>
      %parallel_loop3A_669 = arith.constant 0.000000e+00 : f32
      %parallel_loop3A_670 = vector.broadcast %parallel_loop3A_669 : f32 to vector<16xf32>
      %parallel_loop3A_671 = arith.select %parallel_loop3A_667, %parallel_loop3A_668, %parallel_loop3A_670 : vector<16xi1>, vector<16xf32>
      %parallel_loop3A_672 = arith.constant 12288 : i32
      %parallel_loop3A_673 = arith.addi %parallel_loop3A_672, %parallel_loop3A_648 : i32
      %parallel_loop3A_674 = arith.constant 16 : i32
      %parallel_loop3A_675 = arith.addi %parallel_loop3A_673, %parallel_loop3A_674 : i32
      %parallel_loop3A_676 = arith.index_cast %parallel_loop3A_675 : i32 to index
      %parallel_loop3A_677 = tpu.vector_load %arg10[%parallel_loop3A_676] {strides = array<i32>} : memref<16384xi32, #tpu.memory_space<vmem>>, vector<16xi32>,
      %parallel_loop3A_678 = arith.constant 50048 : i32
      %parallel_loop3A_679 = vector.broadcast %parallel_loop3A_678 : i32 to vector<16xi32>
      %parallel_loop3A_680 = arith.subi %parallel_loop3A_677, %parallel_loop3A_679 : vector<16xi32>
      %parallel_loop3A_681 = arith.constant 0 : i32
      %parallel_loop3A_682 = vector.broadcast %parallel_loop3A_681 : i32 to vector<16xi32>
      %parallel_loop3A_683 = arith.maxsi %parallel_loop3A_680, %parallel_loop3A_682 : vector<16xi32>
      %parallel_loop3A_684 = arith.constant 49951 : i32
      %parallel_loop3A_685 = vector.broadcast %parallel_loop3A_684 : i32 to vector<16xi32>
      %parallel_loop3A_686 = arith.minsi %parallel_loop3A_683, %parallel_loop3A_685 : vector<16xi32>
      %parallel_loop3A_687 = arith.constant 16 : i32
      %parallel_loop3A_688 = arith.addi %parallel_loop3A_648, %parallel_loop3A_687 : i32
      %parallel_loop3A_689 = arith.constant 1 : i32
      %parallel_loop3A_690 = arith.index_cast %parallel_loop3A_689 : i32 to index
      %parallel_loop3A_691 = arith.index_cast %parallel_loop3A_688 : i32 to index
      %parallel_loop3A_692 = tpu.vector_load %arg9[%parallel_loop3A_690, %parallel_loop3A_691] {strides = array<i32>} : memref<2x4096xf32, #tpu.memory_space<vmem>>, vector<16xf32>,
      %parallel_loop3A_693 = tpu.vector_load_idx %arg8[%parallel_loop3A_686] : memref<50048xf32, #tpu.memory_space<vmem>>[vector<16xi32>], vector<16xf32>,
      %parallel_loop3A_694 = arith.cmpi eq, %parallel_loop3A_680, %parallel_loop3A_686 : vector<16xi32>
      %parallel_loop3A_695 = arith.subf %parallel_loop3A_692, %parallel_loop3A_693 : vector<16xf32>
      %parallel_loop3A_696 = arith.constant 0.000000e+00 : f32
      %parallel_loop3A_697 = vector.broadcast %parallel_loop3A_696 : f32 to vector<16xf32>
      %parallel_loop3A_698 = arith.select %parallel_loop3A_694, %parallel_loop3A_695, %parallel_loop3A_697 : vector<16xi1>, vector<16xf32>
      %parallel_loop3A_699 = arith.mulf %parallel_loop3A_671, %parallel_loop3A_671 : vector<16xf32>
      %parallel_loop3A_700 = arith.addf %parallel_loop3A_645, %parallel_loop3A_699 : vector<16xf32>
      %parallel_loop3A_701 = arith.mulf %parallel_loop3A_698, %parallel_loop3A_698 : vector<16xf32>
      %parallel_loop3A_702 = arith.addf %parallel_loop3A_646, %parallel_loop3A_701 : vector<16xf32>
      scf.yield %parallel_loop3A_700, %parallel_loop3A_702 : vector<16xf32>, vector<16xf32>
    } {sc.loop_unroll_factor = 4 : i64, sc.parallel_access}
    %add3A_639 = arith.addf %parallel_loop3A_638#0, %parallel_loop3A_638#1 : vector<16xf32>
    %mul3A_640 = arith.constant 3.05175781E-5 : f32
    %mul3A_641 = vector.broadcast %mul3A_640 : f32 to vector<16xf32>
    %mul3A_642 = arith.mulf %add3A_639, %mul3A_641 : vector<16xf32>
    %swap3A = arith.constant 0 : index
    %swap3A_643 = tpu.vector_load %arg11[%swap3A] {strides = array<i32>} : memref<16xf32, #tpu.memory_space<vmem>>, vector<16xf32>,
    tpu.vector_store %arg11[%swap3A], %mul3A_642 {strides = array<i32>} : memref<16xf32, #tpu.memory_space<vmem>>, vector<16xf32>,
    "tpu.region"() ({
      %run_scoped3A = tpu.sem_alloc : memref<!tpu.dma_semaphore, #tpu.memory_space<semaphore_mem>>
      %dma_start3A_644 = arith.constant 0 : i32
      %dma_start3A_645 = tpu.memref_slice %arg6[%add3A, %dma_start3A_644] : memref<32x16xf32, #tpu.memory_space<hbm>> -> memref<1x16xf32, #tpu.memory_space<hbm>>
      %dma_start3A_646 = tpu.memref_squeeze %dma_start3A_645 : memref<1x16xf32, #tpu.memory_space<hbm>> -> memref<16xf32, #tpu.memory_space<hbm>>
      %dma_start3A_647 = arith.constant 0 : i32
      %dma_start3A_648 = tpu.memref_slice %arg6[%add3A, %dma_start3A_647] : memref<32x16xf32, #tpu.memory_space<hbm>> -> memref<1x16xf32, #tpu.memory_space<hbm>>
      %dma_start3A_649 = tpu.memref_squeeze %dma_start3A_648 : memref<1x16xf32, #tpu.memory_space<hbm>> -> memref<16xf32, #tpu.memory_space<hbm>>
      tpu.enqueue_dma source(%arg11 : memref<16xf32, #tpu.memory_space<vmem>>) target(%dma_start3A_649 : memref<16xf32, #tpu.memory_space<hbm>>) target_semaphore(%run_scoped3A : memref<!tpu.dma_semaphore, #tpu.memory_space<semaphore_mem>>)
      %dma_wait3A_650 = arith.constant 0 : i32
      %dma_wait3A_651 = tpu.memref_slice %arg6[%add3A, %dma_wait3A_650] : memref<32x16xf32, #tpu.memory_space<hbm>> -> memref<1x16xf32, #tpu.memory_space<hbm>>
      %dma_wait3A_652 = tpu.memref_squeeze %dma_wait3A_651 : memref<1x16xf32, #tpu.memory_space<hbm>> -> memref<16xf32, #tpu.memory_space<hbm>>
      %dma_wait3A_653 = arith.constant 0 : i32
      %dma_wait3A_654 = tpu.memref_slice %arg6[%add3A, %dma_wait3A_653] : memref<32x16xf32, #tpu.memory_space<hbm>> -> memref<1x16xf32, #tpu.memory_space<hbm>>
      %dma_wait3A_655 = tpu.memref_squeeze %dma_wait3A_654 : memref<1x16xf32, #tpu.memory_space<hbm>> -> memref<16xf32, #tpu.memory_space<hbm>>
      tpu.wait_dma2 semaphore(%run_scoped3A : memref<!tpu.dma_semaphore, #tpu.memory_space<semaphore_mem>>) src(%arg11 : memref<16xf32, #tpu.memory_space<vmem>>) dst(%dma_wait3A_655 : memref<16xf32, #tpu.memory_space<hbm>>)
      tpu.yield
    }) : () -> ()
    return
  }
}

</mosaic_0001>

<sc_bundles>
// kernel: kernel.3.cloned.1.call-start
scs
__scs_entry_jumppad:
0x0: {  	(pc) =	sbr.rel $0x88, $3  }
0x1: {  	(tag) =	ssettag $0x0;
	lr =	simm.s32 $0x1  }
0x2: {  	[smem:$0x3F9E] =	sst lr;
	_ =	strace $0xD0000000  }
0x3: {  	_ = 	snop  }
0x4: {  	_ = 	snop  }
0x5: {  	_ = 	snop  }
0x6: {  	_ = 	snop  }
0x7: {  	_ = 	snop  }
__scs_overlays_trampoline_lowered:
0x8: {  	[smem:$0x3FAD] =	sst s0  }
0x9: {  	[smem:$0x3FAE] =	sst s1  }
0xa: {  	[smem:$0x3FAF] =	sst s2  }
0xb: {  	[smem:$0x3FB0] =	sst s3  }
0xc: {  	[smem:$0x3FB1] =	sst s4  }
0xd: {  	[smem:$0x3FB2] =	sst s5  }
0xe: {  	[smem:$0x3FB3] =	sst s6  }
0xf: {  	[smem:$0x3FB4] =	sst s7  }
0x10: {  	[smem:$0x3FB5] =	sst s8  }
0x11: {  	[smem:$0x3FB6] =	sst s9;
	s0 =	simm.s32 @!p0 $0x0  }
0x12: {  	s1 =	sld [smem:$0x3F9C];
	s0 =	simm.s32 @p0 $0x1  }
0x13: {  	[smem:$0x3FB7] =	sst s0;
	s0 =	simm.s32 @!p1 $0x0  }
0x14: {  	s2 =	sld [smem:$0x3F9B];
	s0 =	simm.s32 @p1 $0x1  }
0x15: {  	[smem:$0x3FB8] =	sst s0;
	s0 =	simm.s32 @!p2 $0x0  }
0x16: {  	s3 =	sld [smem:$0x3FDB];
	s0 =	simm.s32 @p2 $0x1  }
0x17: {  	s4 =	simm.s32 $0x1BF5;
	[smem:$0x3FBA] =	sst s0  }
0x18: {  	s0 =	sld [smem:$0x3F9D];
	_ =	swait.ge [sflag:s4], $0x0  }
0x19: {  	s7 =	sld [smem:$0x3F9E]  }
0x1a: {  	s8 =	sadd.s32 $0xFFFFE003, lr  }
0x1b: {  	s9 =	sadd.s32 $0xFFFFFEF7, lr;
	s5 =	simm.s32 $0xFFFFFFFF;
	p2 =	slt.u32 s8, $0xFFFFF086  }
0x1c: {  	p1 =	slt.u32 s9, $0xF7A;
	s5 =	simm.s32 @!p2 $0x0  }
0x1d: {  	s5 =	simm.s32 @p1 $0x1;
	p0 =	seq.s32 s7, s2  }
0x1e: {  	s7 =	smul.u32 @!p0 $0xF7A, s2;
	p2 =	seq.s32 @!p0 s5, $0x0  }
0x1f: {  	s9 =	smul.u32 $0xF7A, s1;
	s8 =	simm.s32 @!p0 $0x1BF5;
	p2 =	por !p2, p0  }
0x20: {  	[sflag:s8] =	ssyncset.s32 @!p0 $0xFFFFF086;
	s6 =	sadd.s32 @!p0 s3, s7;
	s7 =	simm.s32 @!p0 $0x108  }
0x21: {  	s3 =	sadd.s32 s3, s9;
	s6 =	sadd.s32 @!p0 $0x88, s6;
	s7 =	simm.s32 @p2 $0x1082  }
0x22: {  	[simem:s7], [sflag:s8] =	dma.local @!p0 [hbm:s6], $0xF7A  }
0x23: {  	s9 =	sor.u32 $0xD0000000, s2;
	s6 =	simm.s32 $0x108;
	_ =	swait.ge @!p0 [sflag:s8], $0x0  }
0x24: {  	s3 =	sadd.s32 $0x88, s3;
	s6 =	simm.s32 @!p1 $0x1082;
	[sflag:s4] =	ssyncset.s32 $0xFFFFF086  }
0x25: {  	[simem:s6], [sflag:s4] =	dma.local [hbm:s3], $0xF7A  }
0x26: {  	[smem:$0x3F9E] =	sst s1;
	(tag) =	ssettag s2;
	_ =	strace s9  }
0x27: {  	s1 =	sld [smem:$0x3FAE]  }
0x28: {  	s2 =	sld [smem:$0x3FAF]  }
0x29: {  	s4 =	sld [smem:$0x3FB1]  }
0x2a: {  	p0 =	seq.s32 s5, $0x0;
	s5 =	sld [smem:$0x3FB2]  }
0x2b: {  	s6 =	sld [smem:$0x3FB3]  }
0x2c: {  	s7 =	sld [smem:$0x3FB4]  }
0x2d: {  	s3 =	simm.s32 $0x108;
	s8 =	sld [smem:$0x3FB5]  }
0x2e: {  	s3 =	simm.s32 @!p0 $0x1082;
	s9 =	sld [smem:$0x3FB6]  }
0x2f: {  	lr =	sadd.s32 s0, s3;
	s0 =	sld [smem:$0x3FAD]  }
0x30: {  	s3 =	sld [smem:$0x3FB0]  }
0x31: {  	[smem:$0x3FB9] =	sst s10  }
0x32: {  	s10 =	sld [smem:$0x3FB7];
	_ =	sdelay $0x3  }
0x33: {  	p0 =	seq.s32 s10, $0x1;
	s10 =	sld [smem:$0x3FB9];
	_ =	sdelay $0x3  }
0x34: {  	[smem:$0x3FB9] =	sst s10  }
0x35: {  	s10 =	sld [smem:$0x3FB8];
	_ =	sdelay $0x3  }
0x36: {  	p1 =	seq.s32 s10, $0x1;
	s10 =	sld [smem:$0x3FB9];
	_ =	sdelay $0x3  }
0x37: {  	[smem:$0x3FB9] =	sst s10  }
0x38: {  	s10 =	sld [smem:$0x3FBA]  }
0x39: {  	_ = 	snop;
	(pc) =	sbr.ind lr, $3  }
0x3a: {  	_ = 	snop  }
0x3b: {  	_ = 	snop  }
0x3c: {  	p2 =	seq.s32 s10, $0x1;
	s10 =	sld [smem:$0x3FB9]  }
0x3d: {  	_ =	shalt  }
0x3e: {  	_ =	shalt  }
0x3f: {  	_ =	shalt  }
0x40: {  	_ =	shalt  }
0x41: {  	_ =	shalt  }
0x42: {  	_ =	shalt  }
0x43: {  	_ =	shalt  }
0x44: {  	_ =	shalt  }
0x45: {  	_ =	shalt  }
0x46: {  	_ =	shalt  }
0x47: {  	_ =	shalt  }
0x48: {  	_ =	shalt  }
0x49: {  	_ =	shalt  }
0x4a: {  	_ =	shalt  }
0x4b: {  	_ =	shalt  }
0x4c: {  	_ =	shalt  }
0x4d: {  	_ =	shalt  }
0x4e: {  	_ =	shalt  }
0x4f: {  	_ =	shalt  }
0x50: {  	_ =	shalt  }
0x51: {  	_ =	shalt  }
0x52: {  	_ =	shalt  }
0x53: {  	_ =	shalt  }
0x54: {  	_ =	shalt  }
0x55: {  	_ =	shalt  }
0x56: {  	_ =	shalt  }
0x57: {  	_ =	shalt  }
0x58: {  	_ =	shalt  }
0x59: {  	_ =	shalt  }
0x5a: {  	_ =	shalt  }
0x5b: {  	_ =	shalt  }
0x5c: {  	_ =	shalt  }
0x5d: {  	_ =	shalt  }
0x5e: {  	_ =	shalt  }
0x5f: {  	_ =	shalt  }
0x60: {  	_ =	shalt  }
0x61: {  	_ =	shalt  }
0x62: {  	_ =	shalt  }
0x63: {  	_ =	shalt  }
0x64: {  	_ =	shalt  }
0x65: {  	_ =	shalt  }
0x66: {  	_ =	shalt  }
0x67: {  	_ =	shalt  }
0x68: {  	_ =	shalt  }
0x69: {  	_ =	shalt  }
0x6a: {  	_ =	shalt  }
0x6b: {  	_ =	shalt  }
0x6c: {  	_ =	shalt  }
0x6d: {  	_ =	shalt  }
0x6e: {  	_ =	shalt  }
0x6f: {  	_ =	shalt  }
0x70: {  	_ =	shalt  }
0x71: {  	_ =	shalt  }
0x72: {  	_ =	shalt  }
0x73: {  	_ =	shalt  }
0x74: {  	_ =	shalt  }
0x75: {  	_ =	shalt  }
0x76: {  	_ =	shalt  }
0x77: {  	_ =	shalt  }
0x78: {  	_ =	shalt  }
0x79: {  	_ =	shalt  }
0x7a: {  	_ =	shalt  }
0x7b: {  	_ =	shalt  }
0x7c: {  	_ =	shalt  }
0x7d: {  	_ =	shalt  }
0x7e: {  	_ =	shalt  }
0x7f: {  	_ =	shalt  }
0x80: {  	_ =	shalt  }
0x81: {  	_ =	shalt  }
0x82: {  	_ =	shalt  }
0x83: {  	_ =	shalt  }
0x84: {  	_ =	shalt  }
0x85: {  	_ =	shalt  }
0x86: {  	_ =	shalt  }
0x87: {  	_ =	shalt  }
.Lfunc_end0:
.L_simem_size_0:
called_computation_lowered:
.L_overlay_start_0:
0x88: {  	s2 =	sld [smem:$0x3FD9]  }
0x89: {  	s3 =	sld [smem:$0x3FFE];
	_ =	sdelay $0x1  }
0x8a: {  	s1 =	srdreg.scid  }
0x8b: {  	s0 =	sand.u32 $0x1, s1  }
0x8c: {  	s17 =	sshll.u32 s0, $0xA;
	s2 =	sadd.s32 s3, s2  }
0x8d: {  	s2 =	sadd.s32 s2, s17  }
0x8e: {  	[smem:$0x3FC5] =	sst s2  }
0x8f: {  	_ = 	snop  }
0x90: {  	s2 =	sld [smem:$0x3FC9]  }
0x91: {  	s18 =	sld [smem:$0x3FC8]  }
0x92: {  	s4 =	sld [smem:$0x3FC7];
	(tm) =	ssettm $0x1  }
0x93: {  	s5 =	sld [smem:$0x3FFB];
	_ =	sdelay $0x3  }
0x94: {  	_ =	strace s5  }
0x95: {  	s5 =	sld [smem:$0x3FFC];
	_ =	sdelay $0x3  }
0x96: {  	_ =	strace s5  }
0x97: {  	s5 =	sld [smem:$0x3FFD];
	_ =	sdelay $0x3  }
0x98: {  	_ =	strace s5  }
0x99: {  	_ =	strace $0x8FFFFFFF  }
0x9a: {  	s19 =	sld [smem:$0x3FDB];
	_ =	sdelay $0x1  }
0x9b: {  	s6 =	simm.s32 $_scs_section_size  }
0x9c: {  	s7 =	simm.s32 $_size__tile_overlayer_lowered;
	s8 =	simm.s32 $_tile_overlayer_lowered  }
0x9d: {  	s22 =	simm.s32 $0x1BFF;
	s21 =	sshll.u32 s8, $0x1;
	s5 =	sadd.s32 s6, s19  }
0x9e: {  	s9 =	simm.s32 $0x0;
	s20 =	sshll.u32 s7, $0x1;
	s7 =	sadd.s32 s21, s5  }
0x9f: {  	[timem:s9], [sflag:s22] =	dma.local [hbm:s7], s20  }
0xa0: {  	_ =	swait.ge [sflag:s22], s20  }
0xa1: {  	s6 =	ssub.s32 $0x0, s20;
	[sflag:s22] =	ssyncset.done $0x0  }
0xa2: {  	[sflag:s22] =	ssyncadd.s32 s6;
	_ =	sdelay $0x1  }
0xa3: {  	s23 =	simm.s32 $0x1B8B  }
0xa4: {  	_ =	swait.ge [sflag:s23], $0x1  }
0xa5: {  	[sflag:s23] =	ssyncset.done $0x0  }
0xa6: {  	s25 =	simm.s32 $0x1B8E;
	s24 =	sld [smem:$0x3FFE];
	[sflag:s23] =	ssyncadd.s32 $0xFFFFFFFF  }
0xa7: {  	s26 =	simm.s32 $execute0_lowered;
	[smem:$0x3FD2] =	sst s25  }
0xa8: {  	s7 =	sshll.u32 s26, $0x1;
	_ =	strace $0x80000046;
	[dreg:$0x1] =	wrdreg $0xFFFFFFFF  }
0xa9: {  	s28 =	simm.s32 $_size_execute0_lowered;
	s5 =	sadd.s32 s5, s7;
	[dreg:$0x0] =	wrdreg $0x0  }
0xaa: {  	s7 =	sshll.u32 s28, $0x1;
	[dreg:$0x2] =	wrdreg s5  }
0xab: {  	[dreg:$0x3] =	wrdreg s7  }
0xac: {  	[dreg:$0x4] =	wrdreg $0xC0  }
0xad: {  	_ =	task [dreg:s9], $0x5FFFF  }
0xae: {  	[dreg:$0x1] =	wrdreg $0xFFFFFFFF  }
0xaf: {  	[dreg:$0x0] =	wrdreg $0x60  }
0xb0: {  	[dreg:$0x2] =	wrdreg s2  }
0xb1: {  	[dreg:$0x3] =	wrdreg s18  }
0xb2: {  	[dreg:$0x4] =	wrdreg s4  }
0xb3: {  	[dreg:$0x5] =	wrdreg s24  }
0xb4: {  	[dreg:$0x6] =	wrdreg $0x9  }
0xb5: {  	_ =	task.clear_ibuf [dreg:s9], $0x7FFFF;
	_ =	strace $0x90000046  }
0xb6: {  	s29 =	simm.s32 $0x9;
	_ =	strace $0x80000048  }
0xb7: {  	_ =	swait.ge [sflag:s29], $0x1  }
0xb8: {  	[sflag:s29] =	ssyncadd.s32 $0xFFFFFFFF  }
0xb9: {  	_ =	strace $0x90000048  }
0xba: {  	_ =	sfence  }
0xbb: {  	s30 =	sld [smem:$0x0];
	_ =	sdelay $0x2  }
0xbc: {  	s31 =	sshll.u32 s1, $0xD;
	s1 =	sshrl.u32 s1, $0x2  }
0xbd: {  	s3 =	sand.u32 $0x4000, s31;
	s1 =	sadd.s32 s1, s30  }
0xbe: {  	s0 =	sor.u32 s3, s0;
	s1 =	sshll.u32 s1, $0x11  }
0xbf: {  	s0 =	sor.u32 s1, s0  }
0xc0: {  	s0 =	sadd.s32 $0x8F2B, s0  }
0xc1: {  	[sflag:s0] =	ssyncadd.remote.s32 $0x1  }
0xc2: {  	_ =	sfence.sel $0xFFFF  }
0xc3: {  	[dreg:$0x0] =	wrdreg $0xFFFFFFFF;
	(pc) =	sbr.abs _section_cstart, $3  }
0xc4: {  	[dreg:$0x1] =	wrdreg $0xFFFFFFFF  }
0xc5: {  	_ =	task.clear_ibuf [dreg:s9], $0x2FFFF;
	_ =	strace $0x9FFFFFFF  }
0xc6: {  	(tm) =	ssettm $0x7FFFFFFF  }
0xc7: {  	_ =	shalt  }
tec
execute0_lowered:
.L_overlay_start_1:
0x0: {  	(tag) =	ssettag $0x1  }
0x1: {  	s0 =	rddreg [dreg:$0x1]  }
0x2: {  	s1 =	rddreg [dreg:$0x2]  }
0x3: {  	s2 =	rddreg [dreg:$0x3];
	s3 =	simm.s32 $0x0  }
0x4: {  	s4 =	srdreg.scid;
	s5 =	stileid.u32;
	s28 =	simm.s32 $0x4  }
0x5: {  	s29 =	simm.s32 $0x5;
	s30 =	simm.s32 $0x3;
	s4 =	sand.u32 $0x1, s4  }
0x6: {  	s6 =	sshrl.u32 s5, $0x2;
	s5 =	sshll.u32 s5, $0x8;
	[smem:$0x7FF] =	sst s3  }
0x7: {  	s14 =	sadd.s32 $0x1000, s0;
	s16 =	sadd.s32 $0x2000, s0;
	s17 =	sadd.s32 $0x3000, s0  }
0x8: {  	s7 =	sshll.u32 s4, $0x7;
	s5 =	sand.u32 $0x300, s5;
	s8 =	smul.u32 $0xC3800, s6  }
0x9: {  	s4 =	ssub.s32 $0x2, s4;
	_ =	strace $0x80000047;
	s23 =	sshll.u32 s6, $0xA  }
0xa: {  	s24 =	sshll.u32 s6, $0x11;
	s12 =	sor.u32 $0x4, s6;
	s13 =	sor.u32 s7, s5  }
0xb: {  	s20 =	sshrl.u32 s4, $0x1;
	s11 =	smul.u32 $0xC3800, s12;
	s18 =	sshll.u32 s12, $0x11  }
0xc: {  	s19 =	sshll.u32 s12, $0xA;
	s7 =	sor.u32 s8, s13;
	s4 =	ssub.s32 s4, s20  }
0xd: {  	s8 =	sor.u32 s24, s13;
	s18 =	sor.u32 s13, s18;
	s26 =	sor.u32 s13, s19  }
0xe: {  	s21 =	sshrl.u32 s7, $0x3;
	s7 =	sadd.s32 $0x61C00, s7;
	s10 =	sshrl.u32 s8, $0x3  }
0xf: {  	s15 =	sor.u32 s13, s11;
	s18 =	sshrl.u32 s18, $0x3;
	s31 =	sshrl.u32 s26, $0x3  }
0x10: {  	s19 =	smax.u32 s4, $0x1;
	s26 =	simm.s32 $0x2;
	s5 =	sadd.s32 s1, s21  }
0x11: {  	s22 =	sshrl.u32 s7, $0x3;
	s7 =	sor.u32 s23, s13;
	s8 =	sadd.s32 s10, s14  }
0x12: {  	s9 =	sadd.s32 s10, s16;
	s11 =	sshrl.u32 s15, $0x3;
	s15 =	sadd.s32 $0x61C00, s15  }
0x13: {  	s12 =	sadd.s32 s0, s18;
	s13 =	sadd.s32 s18, s14;
	s16 =	sadd.s32 s18, s16  }
0x14: {  	s21 =	simm.s32 $0x80;
	s23 =	simm.s32 $0xC380;
	[dreg:$0x5] =	wrdreg s5  }
0x15: {  	s5 =	sadd.s32 s1, s22;
	s7 =	sshrl.u32 s7, $0x3;
	s11 =	sadd.s32 s1, s11  }
0x16: {  	s25 =	sshrl.u32 s15, $0x3;
	s15 =	sadd.s32 s2, s31;
	s22 =	simm.s32 $0x400  }
0x17: {  	s6 =	sadd.s32 s2, s7;
	s7 =	sadd.s32 s0, s10;
	s10 =	sadd.s32 s10, s17  }
0x18: {  	s14 =	sadd.s32 s1, s25;
	s17 =	sadd.s32 s18, s17;
	s25 =	simm.s32 $0x1  }
0x19: {  	s0 =	simm.s32 $0x6;
	s2 =	simm.s32 $0x0;
	s18 =	sadd.s32 $0x400, s6  }
.LBB2_1:
0x1a: {  	s1 =	rddreg [dreg:$0x0];
	s4 =	simm.s32 $0x1A700  }
0x1b: {  	[tilespmem:s4], [sflag:$0x1] =	stream.linear.gather [hbm4b:s1+s3], $0x4000, $0x38;
	[tilespmem:$0x1E780] =	vst v63  }
0x1c: {  	s24 =	rddreg [dreg:$0x5]  }
0x1d: {  	[tilespmem:s3], [sflag:$0x2] =	stream.strided.gather [hbm4b:s24+s21], $0xC380, s22, s21, $0x38;
	[tilespmem:$0x1E780] =	vst v63  }
0x1e: {  	s31 =	simm.s32 $0x18680;
	s20 =	simm.s32 $0x80  }
0x1f: {  	[tilespmem:s23], [sflag:$0x3] =	stream.strided.gather [hbm4b:s5+s21], $0xC300, s22, s21, $0x38;
	[tilespmem:$0x1E780] =	vst v63  }
0x20: {  	s1 =	simm.s32 $0x18700;
	s4 =	sadd.s32 $0x0, s7;
	s24 =	simm.s32 $0x18800  }
0x21: {  	[tilespmem:s31], [sflag:$0x3] =	stream.linear.gather [hbm4b:s6+s3], $0x80, $0x38;
	[tilespmem:$0x1E780] =	vst v63  }
.LBB2_2:
0x22: {  	[tilespmem:s1], [sflag:$0x4] =	stream.linear.gather [hbm4b:s4+s3], $0x80, $0x38;
	[tilespmem:$0x1E780] =	vst v63  }
0x23: {  	s4 =	smov.u32 s20;
	s1 =	smov.u32 s24;
	p0 =	sne.s32 s20, $0xF80  }
.Ltmp0:
0x24: {  	s20 =	sadd.s32 $0x80, s20;
	(pc) =	sbr.rel @p0 .LBB2_2-.Ltmp0, $2  }
0x25: {  	_ =	sdelay $0x2  }
0x26: {  	s24 =	sadd.s32 $0x100, s24;
	s4 =	sadd.s32 s4, s7  }
0x27: {  	[tilespmem:s1], [sflag:$0x4] =	stream.linear.gather [hbm4b:s4+s3], $0x80, $0x38;
	[tilespmem:$0x1E780] =	vst v63  }
0x28: {  	s1 =	simm.s32 $0x18780  }
0x29: {  	s20 =	simm.s32 $0x80;
	s4 =	sadd.s32 $0x0, s8;
	s24 =	simm.s32 $0x18880  }
.LBB2_4:
0x2a: {  	[tilespmem:s1], [sflag:$0x5] =	stream.linear.gather [hbm4b:s4+s3], $0x80, $0x38;
	[tilespmem:$0x1E780] =	vst v63  }
0x2b: {  	s4 =	smov.u32 s20;
	s1 =	smov.u32 s24;
	p0 =	sne.s32 s20, $0xF80  }
.Ltmp1:
0x2c: {  	s20 =	sadd.s32 $0x80, s20;
	(pc) =	sbr.rel @p0 .LBB2_4-.Ltmp1, $2  }
0x2d: {  	_ =	sdelay $0x2  }
0x2e: {  	s24 =	sadd.s32 $0x100, s24;
	s4 =	sadd.s32 s4, s8  }
0x2f: {  	[tilespmem:s1], [sflag:$0x5] =	stream.linear.gather [hbm4b:s4+s3], $0x80, $0x38;
	[tilespmem:$0x1E780] =	vst v63  }
0x30: {  	_ =	swait.ge [sflag:s25], $0x4000  }
0x31: {  	[sflag:s25] =	ssyncset.done $0x0  }
0x32: {  	[sflag:s25] =	ssyncadd.s32 $0xFFFFC000  }
0x33: {  	_ =	swait.ge [sflag:s26], $0xC380  }
0x34: {  	[sflag:s26] =	ssyncset.done $0x0  }
0x35: {  	[sflag:s26] =	ssyncadd.s32 $0xFFFF3C80  }
0x36: {  	_ =	swait.ge [sflag:s28], $0x1000  }
0x37: {  	[sflag:s28] =	ssyncset.done $0x0  }
0x38: {  	s24 =	simm.s32 $0x1A740;
	[sflag:s28] =	ssyncadd.s32 $0xFFFFF000  }
0x39: {  	v1 =	vld [tilespmem:s24+$0xFFFFFFC0]  }
0x3a: {  	v2 =	vld [tilespmem:s24+$0xFFFFFFD0]  }
0x3b: {  	v3 =	vld [tilespmem:s24+$0xFFFFFFF0]  }
0x3c: {  	s31 =	simm.s32 $0x18740;
	v4 =	vld [tilespmem:s24+$0xFFFFFFE0]  }
0x3d: {  	v0 =	vld [tilespmem:s31+$0x30]  }
0x3e: {  	v5 =	vld [tilespmem:s24+$0x10]  }
0x3f: {  	v7 =	vld [tilespmem:s24+$0x0]  }
0x40: {  	v10 =	vld [tilespmem:s31+$0x20]  }
0x41: {  	v9 =	vld [tilespmem:s31+$0x0];
	vm0 =	vgt.s32 v1, $0x0  }
0x42: {  	v11 =	vld [tilespmem:s31+$0xFFFFFFD0];
	vm1 =	vgt.s32 v2, $0x0;
	v6 =	vnsel vm0, $0x0, v1  }
0x43: {  	v13 =	vld [tilespmem:s24+$0x20];
	v8 =	vnsel vm1, $0x0, v2;
	vm0 =	vgt.s32 v4, $0x0;
	v6 =	vmin.u32 v6, $0xC37F  }
0x44: {  	v14 =	vld [tilespmem:s31+$0xFFFFFFC0];
	v8 =	vmin.u32 v8, $0xC37F;
	v12 =	vnsel vm0, $0x0, v4  }
0x45: {  	v19 =	vld [tilespmem:s31+$0xFFFFFFF0];
	vm0 =	vgt.s32 v5, $0x0;
	v12 =	vmin.u32 v12, $0xC37F  }
0x46: {  	v21 =	vld [tilespmem:s24+$0x30];
	v16 =	vnsel vm0, $0x0, v5;
	vm0 =	vgt.s32 v7, $0x0  }
0x47: {  	v24 =	vld [tilespmem:s31+$0xFFFFFFE0];
	v16 =	vmin.u32 v16, $0xC37F;
	v20 =	vnsel vm0, $0x0, v7  }
0x48: {  	vm1 =	vgt.s32 v3, $0x0;
	v20 =	vmin.u32 v20, $0xC37F;
	v15 =	vld.idx.msk [tilespmem:v6+s3+$0x0], $0xffff  }
0x49: {  	v18 =	vnsel vm1, $0x0, v3;
	vm0 =	vgt.s32 v13, $0x0;
	v17 =	vld.idx.msk [tilespmem:v8+s3+$0x0], $0xffff  }
0x4a: {  	v18 =	vmin.u32 v18, $0xC37F;
	v23 =	vnsel vm0, $0x0, v13;
	v22 =	vld.idx.msk [tilespmem:v12+s3+$0x0], $0xffff  }
0x4b: {  	vm0 =	veq.s32 v1, v6;
	v23 =	vmin.u32 v23, $0xC37F;
	v6 =	vld [tilespmem:s31+$0x10]  }
0x4c: {  	vm3 =	vgt.s32 v21, $0x0;
	vm1 =	veq.s32 v2, v8;
	vm4 =	veq.s32 v4, v12;
	v2 =	vld.idx.msk [tilespmem:v16+s3+$0x0], $0xffff  }
0x4d: {  	s20 =	simm.s32 $0x1A7C0;
	vm5 =	veq.s32 v5, v16;
	v5 =	vnsel vm3, $0x0, v21;
	vm2 =	veq.s32 v7, v20;
	v12 =	vld.idx.msk [tilespmem:v20+s3+$0x0], $0xffff  }
0x4e: {  	v63 =	vmin.u32 v5, $0xC37F;
	v7 =	vld [tilespmem:s20+$0xFFFFFFC0];
	v1 =	vsub.f32 v14, v15;
	v4 =	vsub.f32 v11, v17  }
0x4f: {  	vm3 =	veq.s32 v3, v18;
	v11 =	vld.idx.msk [tilespmem:v18+s3+$0x0], $0xffff;
	v14 =	vimm.f32 $0.0e+00;
	v15 =	vsub.f32 v24, v22  }
0x50: {  	v62 =	vld.idx.msk [tilespmem:v23+s3+$0x0], $0xffff;
	v1 =	vnsel vm0, $0x0, v1;
	v3 =	vnsel vm1, $0x0, v4;
	vm1 =	veq.s32 v13, v23  }
0x51: {  	v8 =	vld [tilespmem:s20+$0xFFFFFFD0];
	v2 =	vsub.f32 v6, v2;
	vm0 =	veq.s32 v21, v63;
	v4 =	vmul.f32 v1, v1  }
0x52: {  	v3 =	vmul.f32 v3, v3;
	v5 =	vnsel vm4, $0x0, v15;
	v1 =	vld [tilespmem:s20+$0xFFFFFFF0];
	v12 =	vsub.f32 v9, v12  }
0x53: {  	v9 =	vld.idx.msk [tilespmem:v63+s3+$0x0], $0xffff;
	vm4 =	vgt.s32 v7, $0x0;
	v15 =	vmul.f32 v5, v5;
	v13 =	vadd.f32 v4, v14  }
0x54: {  	s1 =	simm.s32 $0x18840;
	v5 =	vld [tilespmem:s20+$0xFFFFFFE0];
	v4 =	vadd.f32 v3, v14;
	v11 =	vsub.f32 v19, v11;
	v3 =	vnsel vm5, $0x0, v2  }
0x55: {  	s24 =	simm.s32 $0x4;
	v10 =	vsub.f32 v10, v62;
	v2 =	vld [tilespmem:s1+$0x30];
	v3 =	vmul.f32 v3, v3;
	v6 =	vadd.f32 v15, v13  }
.LBB2_6:
0x56: {  	s24 =	sadd.s32 $0x4, s24;
	vm5 =	vgt.s32 v8, $0x0;
	v13 =	vld [tilespmem:s20+$0x10];
	v11 =	vnsel vm3, $0x0, v11;
	v12 =	vnsel vm2, $0x0, v12  }
0x57: {  	v14 =	vnsel vm4, $0x0, v7;
	p0 =	slt.u32 s24, $0x7C;
	v15 =	vnsel vm5, $0x0, v8;
	v16 =	vld [tilespmem:s20+$0x0];
	v12 =	vmul.f32 v12, v12  }
0x58: {  	v14 =	vmin.u32 v14, $0xC37F;
	v10 =	vnsel vm1, $0x0, v10;
	v15 =	vmin.u32 v15, $0xC37F;
	v17 =	vld [tilespmem:s1+$0x20]  }
0x59: {  	vm5 =	veq.s32 v7, v14;
	v7 =	vmul.f32 v11, v11;
	vm4 =	veq.s32 v8, v15;
	v18 =	vld [tilespmem:s1+$0x0]  }
0x5a: {  	vm2 =	vgt.s32 v1, $0x0;
	vm1 =	vgt.s32 v5, $0x0;
	v10 =	vmul.f32 v10, v10;
	v8 =	vld [tilespmem:s1+$0xFFFFFFD0]  }
0x5b: {  	v11 =	vnsel vm1, $0x0, v5;
	v9 =	vsub.f32 v0, v9;
	v0 =	vmovc v2;
	vm1 =	vgt.s32 v13, $0x0;
	v19 =	vld [tilespmem:s20+$0x20]  }
0x5c: {  	v6 =	vadd.f32 v12, v6;
	v11 =	vmin.u32 v11, $0xC37F;
	v2 =	vld [tilespmem:s1+$0xFFFFFFC0];
	vm3 =	vgt.s32 v16, $0x0  }
0x5d: {  	v4 =	vadd.f32 v7, v4;
	vm7 =	veq.s32 v5, v11;
	v5 =	vnsel vm1, $0x0, v13;
	v12 =	vld.idx.msk [tilespmem:v14+s3+$0x0], $0xffff  }
0x5e: {  	v9 =	vnsel vm0, $0x0, v9;
	v14 =	vnsel vm3, $0x0, v16;
	v5 =	vmin.u32 v5, $0xC37F;
	v7 =	vld.idx.msk [tilespmem:v15+s3+$0x0], $0xffff  }
0x5f: {  	v9 =	vmul.f32 v9, v9;
	v15 =	vnsel vm2, $0x0, v1;
	vm6 =	veq.s32 v13, v5;
	v20 =	vld [tilespmem:s1+$0xFFFFFFF0]  }
0x60: {  	v3 =	vadd.f32 v3, v4;
	v13 =	vmin.u32 v15, $0xC37F;
	vm0 =	vgt.s32 v19, $0x0;
	v15 =	vld [tilespmem:s20+$0x30]  }
0x61: {  	v6 =	vadd.f32 v10, v6;
	v4 =	vld.idx.msk [tilespmem:v11+s3+$0x0], $0xffff;
	v11 =	vmin.u32 v14, $0xC37F;
	v14 =	vnsel vm0, $0x0, v19  }
0x62: {  	v3 =	vadd.f32 v9, v3;
	v10 =	vld [tilespmem:s1+$0xFFFFFFE0];
	vm2 =	veq.s32 v16, v11;
	v14 =	vmin.u32 v14, $0xC37F  }
0x63: {  	vm3 =	veq.s32 v1, v13;
	v2 =	vsub.f32 v2, v12;
	v9 =	vld [tilespmem:s1+$0x10];
	vm1 =	veq.s32 v19, v14  }
0x64: {  	v1 =	vsub.f32 v8, v7;
	v5 =	vld.idx.msk [tilespmem:v5+s3+$0x0], $0xffff  }
0x65: {  	v2 =	vnsel vm5, $0x0, v2;
	v12 =	vld.idx.msk [tilespmem:v13+s3+$0x0], $0xffff;
	vm0 =	vgt.s32 v15, $0x0  }
0x66: {  	v1 =	vnsel vm4, $0x0, v1;
	v2 =	vmul.f32 v2, v2;
	v13 =	vld.idx.msk [tilespmem:v11+s3+$0x0], $0xffff;
	v7 =	vnsel vm0, $0x0, v15  }
0x67: {  	s20 =	sadd.s32 $0x80, s20;
	v11 =	vmul.f32 v1, v1;
	v1 =	vsub.f32 v10, v4;
	v10 =	vld.idx.msk [tilespmem:v14+s3+$0x0], $0xffff;
	v14 =	vmin.u32 v7, $0xC37F  }
0x68: {  	v7 =	vld [tilespmem:s20+$0xFFFFFFC0];
	vm0 =	veq.s32 v15, v14  }
.Ltmp2:
0x69: {  	v8 =	vld [tilespmem:s20+$0xFFFFFFD0];
	v4 =	vnsel vm7, $0x0, v1;
	(pc) =	sbr.rel @p0 .LBB2_6-.Ltmp2, $4  }
0x6a: {  	v2 =	vadd.f32 v2, v6;
	v9 =	vsub.f32 v9, v5;
	v1 =	vld [tilespmem:s20+$0xFFFFFFF0];
	v6 =	vmul.f32 v4, v4  }
0x6b: {  	v4 =	vadd.f32 v11, v3;
	v11 =	vsub.f32 v20, v12;
	v5 =	vld [tilespmem:s20+$0xFFFFFFE0]  }
0x6c: {  	s1 =	sadd.s32 $0x100, s1;
	v12 =	vsub.f32 v18, v13;
	v3 =	vnsel vm6, $0x0, v9;
	v6 =	vadd.f32 v6, v2;
	v9 =	vld.idx.msk [tilespmem:v14+s3+$0x0], $0xffff  }
0x6d: {  	v3 =	vmul.f32 v3, v3;
	v10 =	vsub.f32 v17, v10;
	vm4 =	vgt.s32 v7, $0x0;
	v2 =	vld [tilespmem:s1+$0x30]  }
0x6e: {  	v13 =	vld [tilespmem:s20+$0x10]  }
0x6f: {  	v14 =	vld [tilespmem:s20+$0x0]  }
0x70: {  	vm5 =	vgt.s32 v8, $0x0;
	v16 =	vld [tilespmem:s1+$0x20]  }
0x71: {  	v11 =	vnsel vm3, $0x0, v11;
	v12 =	vnsel vm2, $0x0, v12;
	v15 =	vnsel vm4, $0x0, v7;
	v18 =	vld [tilespmem:s1+$0x0]  }
0x72: {  	v49 =	vld [tilespmem:s20+$0x30];
	v17 =	vnsel vm5, $0x0, v8;
	v15 =	vmin.u32 v15, $0xC37F;
	v10 =	vnsel vm1, $0x0, v10  }
0x73: {  	v19 =	vld [tilespmem:s1+$0xFFFFFFD0];
	v48 =	vmul.f32 v11, v11;
	vm13 =	vgt.s32 v1, $0x0;
	vm12 =	vgt.s32 v5, $0x0  }
0x74: {  	v47 =	vld [tilespmem:s20+$0x20];
	v17 =	vmin.u32 v17, $0xC37F;
	vm2 =	veq.s32 v7, v15;
	v20 =	vnsel vm12, $0x0, v5  }
0x75: {  	v50 =	vld [tilespmem:s1+$0xFFFFFFC0];
	v52 =	vnsel vm13, $0x0, v1;
	vm1 =	veq.s32 v8, v17;
	v20 =	vmin.u32 v20, $0xC37F  }
0x76: {  	v23 =	vld [tilespmem:s1+$0xFFFFFFE0];
	v0 =	vsub.f32 v0, v9;
	vm14 =	vgt.s32 v13, $0x0;
	vm8 =	veq.s32 v5, v20  }
0x77: {  	vm10 =	vgt.s32 v49, $0x0;
	v51 =	vld.idx.msk [tilespmem:v15+s3+$0x0], $0xffff;
	v5 =	vnsel vm14, $0x0, v13;
	v15 =	vmin.u32 v52, $0xC37F  }
0x78: {  	v53 =	vld [tilespmem:s1+$0xFFFFFFF0];
	vm15 =	vgt.s32 v14, $0x0;
	v24 =	vnsel vm10, $0x0, v49;
	v5 =	vmin.u32 v5, $0xC37F  }
0x79: {  	vm9 =	vgt.s32 v47, $0x0;
	v21 =	vnsel vm15, $0x0, v14;
	v17 =	vld.idx.msk [tilespmem:v17+s3+$0x0], $0xffff;
	v24 =	vmin.u32 v24, $0xC37F  }
0x7a: {  	v4 =	vadd.f32 v48, v4;
	v22 =	vnsel vm9, $0x0, v47;
	v21 =	vmin.u32 v21, $0xC37F;
	v20 =	vld.idx.msk [tilespmem:v20+s3+$0x0], $0xffff  }
0x7b: {  	v54 =	vld [tilespmem:s1+$0x10];
	v12 =	vmul.f32 v12, v12;
	v0 =	vnsel vm0, $0x0, v0;
	v22 =	vmin.u32 v22, $0xC37F  }
0x7c: {  	v3 =	vadd.f32 v3, v4;
	v0 =	vmul.f32 v0, v0;
	v4 =	vsub.f32 v50, v51;
	v55 =	vld.idx.msk [tilespmem:v15+s3+$0x0], $0xffff  }
0x7d: {  	v10 =	vmul.f32 v10, v10;
	v6 =	vadd.f32 v12, v6;
	vm11 =	veq.s32 v13, v5;
	v5 =	vld.idx.msk [tilespmem:v5+s3+$0x0], $0xffff  }
0x7e: {  	v0 =	vadd.f32 v0, v3;
	v56 =	vsub.f32 v19, v17;
	v60 =	vld.idx.msk [tilespmem:v24+s3+$0x0], $0xffff;
	v3 =	vnsel vm2, $0x0, v4  }
0x7f: {  	v6 =	vadd.f32 v10, v6;
	v4 =	vld.idx.msk [tilespmem:v21+s3+$0x0], $0xffff;
	v57 =	vsub.f32 v23, v20;
	v3 =	vmul.f32 v3, v3  }
0x80: {  	vm13 =	veq.s32 v1, v15;
	vm12 =	veq.s32 v14, v21;
	v58 =	vld.idx.msk [tilespmem:v22+s3+$0x0], $0xffff;
	v1 =	vnsel vm1, $0x0, v56  }
0x81: {  	v1 =	vmul.f32 v1, v1;
	v59 =	vnsel vm8, $0x0, v57;
	v3 =	vadd.f32 v3, v6  }
0x82: {  	v62 =	vsub.f32 v53, v55;
	v61 =	vmul.f32 v59, v59;
	v5 =	vsub.f32 v54, v5  }
0x83: {  	vm14 =	veq.s32 v47, v22;
	v0 =	vadd.f32 v1, v0;
	v2 =	vsub.f32 v2, v60  }
0x84: {  	v1 =	vadd.f32 v61, v3;
	v3 =	vsub.f32 v18, v4;
	v4 =	vnsel vm13, $0x0, v62  }
0x85: {  	vm15 =	veq.s32 v49, v24;
	v63 =	vsub.f32 v16, v58;
	v4 =	vmul.f32 v4, v4  }
0x86: {  	v5 =	vnsel vm11, $0x0, v5;
	v2 =	vnsel vm15, $0x0, v2;
	v3 =	vnsel vm12, $0x0, v3  }
0x87: {  	v5 =	vmul.f32 v5, v5;
	v3 =	vmul.f32 v3, v3;
	v0 =	vadd.f32 v4, v0  }
0x88: {  	v6 =	vnsel vm14, $0x0, v63;
	v2 =	vmul.f32 v2, v2  }
0x89: {  	v4 =	vmul.f32 v6, v6;
	v1 =	vadd.f32 v3, v1;
	v0 =	vadd.f32 v5, v0  }
0x8a: {  	s1 =	simm.s32 $0x18700  }
0x8b: {  	s20 =	simm.s32 $0x80;
	s4 =	sadd.s32 $0x0, s9;
	s24 =	simm.s32 $0x18800;
	v3 =	vadd.f32 v4, v1;
	v2 =	vadd.f32 v2, v0  }
.LBB2_8:
0x8c: {  	[tilespmem:s1], [sflag:$0x4] =	stream.linear.gather [hbm4b:s4+s3], $0x80, $0x38;
	[tilespmem:$0x1E780] =	vst v63  }
0x8d: {  	s4 =	smov.u32 s20;
	s1 =	smov.u32 s24;
	p0 =	sne.s32 s20, $0xF80  }
.Ltmp3:
0x8e: {  	s20 =	sadd.s32 $0x80, s20;
	(pc) =	sbr.rel @p0 .LBB2_8-.Ltmp3, $2  }
0x8f: {  	_ =	sdelay $0x2  }
0x90: {  	s24 =	sadd.s32 $0x100, s24;
	s4 =	sadd.s32 s4, s9  }
0x91: {  	[tilespmem:s1], [sflag:$0x4] =	stream.linear.gather [hbm4b:s4+s3], $0x80, $0x38;
	[tilespmem:$0x1E780] =	vst v63  }
0x92: {  	_ =	swait.ge [sflag:s29], $0x1000  }
0x93: {  	[sflag:s29] =	ssyncset.done $0x0  }
0x94: {  	s24 =	simm.s32 $0x1B770;
	[sflag:s29] =	ssyncadd.s32 $0xFFFFF000  }
0x95: {  	v1 =	vld [tilespmem:s24+$0xFFFFFF90]  }
0x96: {  	v4 =	vld [tilespmem:s24+$0xFFFFFFA0]  }
0x97: {  	v5 =	vld [tilespmem:s24+$0xFFFFFFC0]  }
0x98: {  	s31 =	simm.s32 $0x187F0;
	v6 =	vld [tilespmem:s24+$0xFFFFFFB0]  }
0x99: {  	v0 =	vld [tilespmem:s31+$0x0]  }
0x9a: {  	v7 =	vld [tilespmem:s24+$0xFFFFFFE0]  }
0x9b: {  	v9 =	vld [tilespmem:s24+$0xFFFFFFD0]  }
0x9c: {  	v13 =	vld [tilespmem:s31+$0xFFFFFFF0]  }
0x9d: {  	v12 =	vld [tilespmem:s31+$0xFFFFFFD0];
	vm0 =	vgt.s32 v1, $0x0  }
0x9e: {  	v11 =	vld [tilespmem:s31+$0xFFFFFFA0];
	vm1 =	vgt.s32 v4, $0x0;
	v8 =	vnsel vm0, $0x0, v1  }
0x9f: {  	v15 =	vld [tilespmem:s24+$0xFFFFFFF0];
	v10 =	vnsel vm1, $0x0, v4;
	vm0 =	vgt.s32 v6, $0x0;
	v8 =	vmin.u32 v8, $0xC37F  }
0xa0: {  	v16 =	vld [tilespmem:s31+$0xFFFFFF90];
	v10 =	vmin.u32 v10, $0xC37F;
	v14 =	vnsel vm0, $0x0, v6  }
0xa1: {  	v21 =	vld [tilespmem:s31+$0xFFFFFFC0];
	vm1 =	vgt.s32 v5, $0x0;
	v14 =	vmin.u32 v14, $0xC37F  }
0xa2: {  	v23 =	vld [tilespmem:s24+$0x0];
	vm0 =	vgt.s32 v7, $0x0;
	v20 =	vnsel vm1, $0x0, v5  }
0xa3: {  	v26 =	vld [tilespmem:s31+$0xFFFFFFB0];
	v18 =	vnsel vm0, $0x0, v7;
	vm0 =	vgt.s32 v9, $0x0;
	v20 =	vmin.u32 v20, $0xC37F  }
0xa4: {  	v18 =	vmin.u32 v18, $0xC37F;
	v22 =	vnsel vm0, $0x0, v9;
	vm0 =	vgt.s32 v15, $0x0;
	v17 =	vld.idx.msk [tilespmem:v8+s3+$0x0], $0xffff  }
0xa5: {  	v22 =	vmin.u32 v22, $0xC37F;
	v25 =	vnsel vm0, $0x0, v15;
	v19 =	vld.idx.msk [tilespmem:v10+s3+$0x0], $0xffff  }
0xa6: {  	v25 =	vmin.u32 v25, $0xC37F;
	v24 =	vld.idx.msk [tilespmem:v14+s3+$0x0], $0xffff  }
0xa7: {  	v27 =	vld [tilespmem:s31+$0xFFFFFFE0];
	vm3 =	vgt.s32 v23, $0x0  }
0xa8: {  	vm1 =	veq.s32 v4, v10;
	vm4 =	veq.s32 v6, v14;
	vm0 =	veq.s32 v1, v8;
	v6 =	vld.idx.msk [tilespmem:v20+s3+$0x0], $0xffff  }
0xa9: {  	vm5 =	veq.s32 v7, v18;
	v8 =	vnsel vm3, $0x0, v23;
	v4 =	vld.idx.msk [tilespmem:v18+s3+$0x0], $0xffff;
	v1 =	vsub.f32 v16, v17  }
0xaa: {  	vm2 =	veq.s32 v9, v22;
	v62 =	vmin.u32 v8, $0xC37F;
	v9 =	vld.idx.msk [tilespmem:v22+s3+$0x0], $0xffff;
	v7 =	vsub.f32 v11, v19  }
0xab: {  	s20 =	simm.s32 $0x1B7F0;
	v14 =	vld.idx.msk [tilespmem:v25+s3+$0x0], $0xffff;
	v10 =	vsub.f32 v26, v24;
	v1 =	vnsel vm0, $0x0, v1  }
0xac: {  	vm3 =	veq.s32 v5, v20;
	v5 =	vnsel vm1, $0x0, v7;
	v7 =	vld [tilespmem:s20+$0xFFFFFF90];
	v11 =	vmul.f32 v1, v1  }
0xad: {  	v8 =	vld [tilespmem:s20+$0xFFFFFFA0];
	vm1 =	veq.s32 v15, v25;
	v15 =	vmul.f32 v5, v5;
	v5 =	vnsel vm4, $0x0, v10  }
0xae: {  	v63 =	vsub.f32 v27, v4;
	v1 =	vld [tilespmem:s20+$0xFFFFFFC0];
	v10 =	vmul.f32 v5, v5;
	v3 =	vadd.f32 v11, v3  }
0xaf: {  	vm0 =	veq.s32 v23, v62;
	v12 =	vsub.f32 v12, v9;
	v9 =	vld.idx.msk [tilespmem:v62+s3+$0x0], $0xffff;
	v4 =	vadd.f32 v15, v2  }
0xb0: {  	s1 =	simm.s32 $0x188F0;
	v5 =	vld [tilespmem:s20+$0xFFFFFFB0];
	v11 =	vsub.f32 v21, v6;
	v6 =	vadd.f32 v10, v3;
	v3 =	vnsel vm5, $0x0, v63  }
0xb1: {  	s24 =	simm.s32 $0x4;
	v2 =	vld [tilespmem:s1+$0x0];
	vm4 =	vgt.s32 v7, $0x0;
	v10 =	vsub.f32 v13, v14;
	v3 =	vmul.f32 v3, v3  }
.LBB2_10:
0xb2: {  	s24 =	sadd.s32 $0x4, s24;
	vm5 =	vgt.s32 v8, $0x0;
	v13 =	vld [tilespmem:s20+$0xFFFFFFE0];
	v11 =	vnsel vm3, $0x0, v11;
	v12 =	vnsel vm2, $0x0, v12  }
0xb3: {  	v14 =	vnsel vm4, $0x0, v7;
	p0 =	slt.u32 s24, $0x7C;
	v15 =	vnsel vm5, $0x0, v8;
	v16 =	vld [tilespmem:s20+$0xFFFFFFD0];
	v12 =	vmul.f32 v12, v12  }
0xb4: {  	v14 =	vmin.u32 v14, $0xC37F;
	v10 =	vnsel vm1, $0x0, v10;
	v15 =	vmin.u32 v15, $0xC37F;
	v17 =	vld [tilespmem:s1+$0xFFFFFFF0]  }
0xb5: {  	vm5 =	veq.s32 v7, v14;
	v7 =	vmul.f32 v11, v11;
	vm4 =	veq.s32 v8, v15;
	v18 =	vld [tilespmem:s1+$0xFFFFFFD0]  }
0xb6: {  	vm2 =	vgt.s32 v1, $0x0;
	vm1 =	vgt.s32 v5, $0x0;
	v10 =	vmul.f32 v10, v10;
	v8 =	vld [tilespmem:s1+$0xFFFFFFA0]  }
0xb7: {  	v11 =	vnsel vm1, $0x0, v5;
	v9 =	vsub.f32 v0, v9;
	v0 =	vmovc v2;
	vm1 =	vgt.s32 v13, $0x0;
	v19 =	vld [tilespmem:s20+$0xFFFFFFF0]  }
0xb8: {  	v6 =	vadd.f32 v12, v6;
	v11 =	vmin.u32 v11, $0xC37F;
	v2 =	vld [tilespmem:s1+$0xFFFFFF90];
	vm3 =	vgt.s32 v16, $0x0  }
0xb9: {  	v4 =	vadd.f32 v7, v4;
	vm7 =	veq.s32 v5, v11;
	v5 =	vnsel vm1, $0x0, v13;
	v12 =	vld.idx.msk [tilespmem:v14+s3+$0x0], $0xffff  }
0xba: {  	v9 =	vnsel vm0, $0x0, v9;
	v14 =	vnsel vm3, $0x0, v16;
	v5 =	vmin.u32 v5, $0xC37F;
	v7 =	vld.idx.msk [tilespmem:v15+s3+$0x0], $0xffff  }
0xbb: {  	v9 =	vmul.f32 v9, v9;
	v15 =	vnsel vm2, $0x0, v1;
	vm6 =	veq.s32 v13, v5;
	v20 =	vld [tilespmem:s1+$0xFFFFFFC0]  }
0xbc: {  	v3 =	vadd.f32 v3, v4;
	v13 =	vmin.u32 v15, $0xC37F;
	vm0 =	vgt.s32 v19, $0x0;
	v15 =	vld [tilespmem:s20+$0x0]  }
0xbd: {  	v6 =	vadd.f32 v10, v6;
	v4 =	vld.idx.msk [tilespmem:v11+s3+$0x0], $0xffff;
	v11 =	vmin.u32 v14, $0xC37F;
	v14 =	vnsel vm0, $0x0, v19  }
0xbe: {  	v3 =	vadd.f32 v9, v3;
	v10 =	vld [tilespmem:s1+$0xFFFFFFB0];
	vm2 =	veq.s32 v16, v11;
	v14 =	vmin.u32 v14, $0xC37F  }
0xbf: {  	vm3 =	veq.s32 v1, v13;
	v2 =	vsub.f32 v2, v12;
	v9 =	vld [tilespmem:s1+$0xFFFFFFE0];
	vm1 =	veq.s32 v19, v14  }
0xc0: {  	v1 =	vsub.f32 v8, v7;
	v5 =	vld.idx.msk [tilespmem:v5+s3+$0x0], $0xffff  }
0xc1: {  	v2 =	vnsel vm5, $0x0, v2;
	v12 =	vld.idx.msk [tilespmem:v13+s3+$0x0], $0xffff;
	vm0 =	vgt.s32 v15, $0x0  }
0xc2: {  	v1 =	vnsel vm4, $0x0, v1;
	v2 =	vmul.f32 v2, v2;
	v13 =	vld.idx.msk [tilespmem:v11+s3+$0x0], $0xffff;
	v7 =	vnsel vm0, $0x0, v15  }
0xc3: {  	s20 =	sadd.s32 $0x80, s20;
	v11 =	vmul.f32 v1, v1;
	v1 =	vsub.f32 v10, v4;
	v10 =	vld.idx.msk [tilespmem:v14+s3+$0x0], $0xffff;
	v14 =	vmin.u32 v7, $0xC37F  }
0xc4: {  	v7 =	vld [tilespmem:s20+$0xFFFFFF90];
	vm0 =	veq.s32 v15, v14  }
.Ltmp4:
0xc5: {  	v8 =	vld [tilespmem:s20+$0xFFFFFFA0];
	v4 =	vnsel vm7, $0x0, v1;
	(pc) =	sbr.rel @p0 .LBB2_10-.Ltmp4, $4  }
0xc6: {  	v2 =	vadd.f32 v2, v6;
	v9 =	vsub.f32 v9, v5;
	v1 =	vld [tilespmem:s20+$0xFFFFFFC0];
	v6 =	vmul.f32 v4, v4  }
0xc7: {  	v4 =	vadd.f32 v11, v3;
	v11 =	vsub.f32 v20, v12;
	v5 =	vld [tilespmem:s20+$0xFFFFFFB0]  }
0xc8: {  	s1 =	sadd.s32 $0x100, s1;
	v12 =	vsub.f32 v18, v13;
	v3 =	vnsel vm6, $0x0, v9;
	v6 =	vadd.f32 v6, v2;
	v9 =	vld.idx.msk [tilespmem:v14+s3+$0x0], $0xffff  }
0xc9: {  	v3 =	vmul.f32 v3, v3;
	v10 =	vsub.f32 v17, v10;
	vm4 =	vgt.s32 v7, $0x0;
	v2 =	vld [tilespmem:s1+$0x0]  }
0xca: {  	v13 =	vld [tilespmem:s20+$0xFFFFFFE0]  }
0xcb: {  	v14 =	vld [tilespmem:s20+$0xFFFFFFD0]  }
0xcc: {  	vm5 =	vgt.s32 v8, $0x0;
	v11 =	vnsel vm3, $0x0, v11;
	v15 =	vnsel vm4, $0x0, v7;
	v16 =	vld [tilespmem:s1+$0xFFFFFFF0]  }
0xcd: {  	v12 =	vnsel vm2, $0x0, v12;
	v18 =	vld [tilespmem:s1+$0xFFFFFFD0];
	v17 =	vnsel vm5, $0x0, v8;
	v15 =	vmin.u32 v15, $0xC37F  }
0xce: {  	v19 =	vld [tilespmem:s1+$0xFFFFFFA0];
	v12 =	vmul.f32 v12, v12;
	v10 =	vnsel vm1, $0x0, v10;
	vm12 =	vgt.s32 v5, $0x0  }
0xcf: {  	v47 =	vld [tilespmem:s20+$0xFFFFFFF0];
	v48 =	vmul.f32 v11, v11;
	v17 =	vmin.u32 v17, $0xC37F;
	v20 =	vnsel vm12, $0x0, v5  }
0xd0: {  	v49 =	vld [tilespmem:s20+$0x0];
	vm13 =	vgt.s32 v1, $0x0;
	vm2 =	veq.s32 v7, v15;
	v20 =	vmin.u32 v20, $0xC37F  }
0xd1: {  	v50 =	vld [tilespmem:s1+$0xFFFFFF90];
	v10 =	vmul.f32 v10, v10;
	v52 =	vnsel vm13, $0x0, v1;
	vm1 =	veq.s32 v8, v17  }
0xd2: {  	v23 =	vld [tilespmem:s1+$0xFFFFFFB0];
	v0 =	vsub.f32 v0, v9;
	vm14 =	vgt.s32 v13, $0x0;
	vm15 =	vgt.s32 v14, $0x0  }
0xd3: {  	vm8 =	veq.s32 v5, v20;
	v51 =	vld.idx.msk [tilespmem:v15+s3+$0x0], $0xffff;
	v5 =	vnsel vm14, $0x0, v13;
	v15 =	vmin.u32 v52, $0xC37F  }
0xd4: {  	vm9 =	vgt.s32 v47, $0x0;
	v21 =	vnsel vm15, $0x0, v14;
	v17 =	vld.idx.msk [tilespmem:v17+s3+$0x0], $0xffff;
	v5 =	vmin.u32 v5, $0xC37F  }
0xd5: {  	vm10 =	vgt.s32 v49, $0x0;
	v22 =	vnsel vm9, $0x0, v47;
	v21 =	vmin.u32 v21, $0xC37F;
	v20 =	vld.idx.msk [tilespmem:v20+s3+$0x0], $0xffff  }
0xd6: {  	v53 =	vld [tilespmem:s1+$0xFFFFFFC0];
	v4 =	vadd.f32 v48, v4;
	v24 =	vnsel vm10, $0x0, v49;
	v22 =	vmin.u32 v22, $0xC37F  }
0xd7: {  	v54 =	vld [tilespmem:s1+$0xFFFFFFE0];
	v6 =	vadd.f32 v12, v6;
	v0 =	vnsel vm0, $0x0, v0;
	v24 =	vmin.u32 v24, $0xC37F  }
0xd8: {  	v3 =	vadd.f32 v3, v4;
	v0 =	vmul.f32 v0, v0;
	v4 =	vsub.f32 v50, v51;
	v55 =	vld.idx.msk [tilespmem:v15+s3+$0x0], $0xffff  }
0xd9: {  	v6 =	vadd.f32 v10, v6;
	vm11 =	veq.s32 v13, v5;
	v56 =	vsub.f32 v19, v17;
	v5 =	vld.idx.msk [tilespmem:v5+s3+$0x0], $0xffff  }
0xda: {  	v0 =	vadd.f32 v0, v3;
	v3 =	vnsel vm2, $0x0, v4;
	v4 =	vld.idx.msk [tilespmem:v21+s3+$0x0], $0xffff;
	v57 =	vsub.f32 v23, v20  }
0xdb: {  	vm13 =	veq.s32 v1, v15;
	v58 =	vld.idx.msk [tilespmem:v22+s3+$0x0], $0xffff;
	v1 =	vnsel vm1, $0x0, v56;
	v3 =	vmul.f32 v3, v3  }
0xdc: {  	v60 =	vld.idx.msk [tilespmem:v24+s3+$0x0], $0xffff;
	v1 =	vmul.f32 v1, v1;
	v59 =	vnsel vm8, $0x0, v57  }
0xdd: {  	v3 =	vadd.f32 v3, v6;
	v62 =	vsub.f32 v53, v55;
	v61 =	vmul.f32 v59, v59  }
0xde: {  	v5 =	vsub.f32 v54, v5;
	v0 =	vadd.f32 v1, v0  }
0xdf: {  	v1 =	vadd.f32 v61, v3;
	v3 =	vsub.f32 v18, v4;
	v4 =	vnsel vm13, $0x0, v62  }
0xe0: {  	vm12 =	veq.s32 v14, v21;
	vm15 =	veq.s32 v49, v24;
	v4 =	vmul.f32 v4, v4  }
0xe1: {  	v63 =	vsub.f32 v16, v58;
	v2 =	vsub.f32 v2, v60;
	v5 =	vnsel vm11, $0x0, v5  }
0xe2: {  	v5 =	vmul.f32 v5, v5;
	v3 =	vnsel vm12, $0x0, v3;
	v0 =	vadd.f32 v4, v0  }
0xe3: {  	vm14 =	veq.s32 v47, v22;
	v2 =	vnsel vm15, $0x0, v2;
	v3 =	vmul.f32 v3, v3  }
0xe4: {  	v6 =	vnsel vm14, $0x0, v63;
	v2 =	vmul.f32 v2, v2;
	v0 =	vadd.f32 v5, v0  }
0xe5: {  	v4 =	vmul.f32 v6, v6;
	v1 =	vadd.f32 v3, v1  }
0xe6: {  	s1 =	simm.s32 $0x18780;
	v2 =	vadd.f32 v2, v0  }
0xe7: {  	s20 =	simm.s32 $0x80;
	s4 =	sadd.s32 $0x0, s10;
	s24 =	simm.s32 $0x18880;
	v3 =	vadd.f32 v4, v1  }
.LBB2_12:
0xe8: {  	[tilespmem:s1], [sflag:$0x5] =	stream.linear.gather [hbm4b:s4+s3], $0x80, $0x38;
	[tilespmem:$0x1E780] =	vst v63  }
0xe9: {  	s4 =	smov.u32 s20;
	s1 =	smov.u32 s24;
	p0 =	sne.s32 s20, $0xF80  }
.Ltmp5:
0xea: {  	s20 =	sadd.s32 $0x80, s20;
	(pc) =	sbr.rel @p0 .LBB2_12-.Ltmp5, $2  }
0xeb: {  	_ =	sdelay $0x2  }
0xec: {  	s24 =	sadd.s32 $0x100, s24;
	s4 =	sadd.s32 s4, s10  }
0xed: {  	[tilespmem:s1], [sflag:$0x5] =	stream.linear.gather [hbm4b:s4+s3], $0x80, $0x38;
	[tilespmem:$0x1E780] =	vst v63  }
0xee: {  	_ =	swait.ge [sflag:s28], $0x1000  }
0xef: {  	[sflag:s28] =	ssyncset.done $0x0  }
0xf0: {  	s24 =	simm.s32 $0x1C770;
	[sflag:s28] =	ssyncadd.s32 $0xFFFFF000  }
0xf1: {  	v1 =	vld [tilespmem:s24+$0xFFFFFF90]  }
0xf2: {  	v4 =	vld [tilespmem:s24+$0xFFFFFFA0]  }
0xf3: {  	v5 =	vld [tilespmem:s24+$0xFFFFFFC0]  }
0xf4: {  	v6 =	vld [tilespmem:s24+$0xFFFFFFB0]  }
0xf5: {  	v7 =	vld [tilespmem:s24+$0xFFFFFFE0]  }
0xf6: {  	v9 =	vld [tilespmem:s24+$0xFFFFFFD0]  }
0xf7: {  	v11 =	vld [tilespmem:s24+$0x0]  }
0xf8: {  	s1 =	simm.s32 $0x18740;
	v12 =	vld [tilespmem:s24+$0xFFFFFFF0]  }
0xf9: {  	v13 =	vld [tilespmem:s1+$0xFFFFFFD0];
	vm0 =	vgt.s32 v1, $0x0  }
0xfa: {  	v14 =	vld [tilespmem:s1+$0xFFFFFFC0];
	vm1 =	vgt.s32 v4, $0x0;
	v0 =	vnsel vm0, $0x0, v1  }
0xfb: {  	v20 =	vld [tilespmem:s1+$0x20];
	v8 =	vnsel vm1, $0x0, v4;
	vm0 =	vgt.s32 v7, $0x0;
	v10 =	vmin.u32 v0, $0xC37F  }
0xfc: {  	v21 =	vld [tilespmem:s1+$0x10];
	vm1 =	vgt.s32 v6, $0x0;
	v8 =	vmin.u32 v8, $0xC37F;
	v15 =	vnsel vm0, $0x0, v7  }
0xfd: {  	v23 =	vld [tilespmem:s1+$0xFFFFFFE0];
	v16 =	vnsel vm1, $0x0, v6;
	vm0 =	vgt.s32 v5, $0x0;
	v15 =	vmin.u32 v15, $0xC37F  }
0xfe: {  	v27 =	vld [tilespmem:s1+$0xFFFFFFF0];
	v16 =	vmin.u32 v16, $0xC37F;
	v19 =	vnsel vm0, $0x0, v5  }
0xff: {  	s20 =	simm.s32 $0x0;
	v0 =	vld [tilespmem:s1+$0x30];
	v19 =	vmin.u32 v19, $0xC37F  }
0x100: {  	vm0 =	vgt.s32 v12, $0x0;
	v17 =	vld.idx.msk [tilespmem:v10+s20+$0x0], $0xffff  }
0x101: {  	vm1 =	vgt.s32 v11, $0x0;
	v22 =	vnsel vm0, $0x0, v12;
	v18 =	vld.idx.msk [tilespmem:v8+s20+$0x0], $0xffff  }
0x102: {  	v24 =	vnsel vm1, $0x0, v11;
	v22 =	vmin.u32 v22, $0xC37F;
	v25 =	vld.idx.msk [tilespmem:v15+s20+$0x0], $0xffff  }
0x103: {  	vm2 =	vgt.s32 v9, $0x0;
	v24 =	vmin.u32 v24, $0xC37F;
	v26 =	vld.idx.msk [tilespmem:v16+s20+$0x0], $0xffff  }
0x104: {  	s31 =	simm.s32 $0x1C7F0;
	vm1 =	veq.s32 v4, v8;
	vm0 =	veq.s32 v1, v10;
	vm3 =	veq.s32 v6, v16;
	v62 =	vld.idx.msk [tilespmem:v19+s20+$0x0], $0xffff  }
0x105: {  	vm4 =	veq.s32 v7, v15;
	v1 =	vnsel vm2, $0x0, v9;
	v6 =	vld [tilespmem:s31+$0xFFFFFF90];
	v4 =	vsub.f32 v14, v17  }
0x106: {  	vm5 =	veq.s32 v5, v19;
	v7 =	vmin.u32 v1, $0xC37F;
	v8 =	vld [tilespmem:s31+$0xFFFFFFA0];
	v5 =	vsub.f32 v13, v18  }
0x107: {  	vm2 =	veq.s32 v12, v22;
	v14 =	vld.idx.msk [tilespmem:v22+s20+$0x0], $0xffff;
	v1 =	vnsel vm0, $0x0, v4;
	vm0 =	veq.s32 v11, v24  }
0x108: {  	v10 =	vld.idx.msk [tilespmem:v24+s20+$0x0], $0xffff;
	v4 =	vnsel vm1, $0x0, v5;
	v5 =	vsub.f32 v21, v25;
	v11 =	vsub.f32 v23, v26  }
0x109: {  	vm1 =	veq.s32 v9, v7;
	v15 =	vsub.f32 v27, v62;
	v13 =	vmul.f32 v1, v1;
	v1 =	vld [tilespmem:s31+$0xFFFFFFC0]  }
0x10a: {  	v12 =	vmul.f32 v4, v4;
	v4 =	vld [tilespmem:s31+$0xFFFFFFB0];
	v9 =	vnsel vm3, $0x0, v11;
	v63 =	vnsel vm4, $0x0, v5  }
0x10b: {  	v11 =	vld.idx.msk [tilespmem:v7+s20+$0x0], $0xffff;
	vm3 =	vgt.s32 v6, $0x0;
	v7 =	vnsel vm5, $0x0, v15;
	v5 =	vadd.f32 v13, v3  }
0x10c: {  	s24 =	simm.s32 $0x4;
	v9 =	vmul.f32 v9, v9;
	v3 =	vmul.f32 v63, v63;
	v13 =	vld [tilespmem:s1+$0x0];
	v14 =	vsub.f32 v20, v14  }
.LBB2_14:
0x10d: {  	s24 =	sadd.s32 $0x4, s24;
	vm4 =	vgt.s32 v8, $0x0;
	v15 =	vld [tilespmem:s31+$0xFFFFFFE0];
	v2 =	vadd.f32 v12, v2;
	v10 =	vsub.f32 v0, v10;
	s1 =	sadd.s32 $0x100, s1  }
0x10e: {  	v0 =	vnsel vm3, $0x0, v6;
	p0 =	slt.u32 s24, $0x7C;
	v12 =	vnsel vm4, $0x0, v8;
	v16 =	vld [tilespmem:s31+$0xFFFFFFD0];
	v14 =	vnsel vm2, $0x0, v14  }
0x10f: {  	v17 =	vmin.u32 v0, $0xC37F;
	v12 =	vmin.u32 v12, $0xC37F;
	v0 =	vld [tilespmem:s1+$0x30];
	v14 =	vmul.f32 v14, v14  }
0x110: {  	vm5 =	veq.s32 v6, v17;
	vm3 =	veq.s32 v8, v12;
	v6 =	vld [tilespmem:s31+$0x0];
	v8 =	vnsel vm0, $0x0, v10  }
0x111: {  	vm2 =	vgt.s32 v1, $0x0;
	vm0 =	vgt.s32 v4, $0x0;
	v10 =	vld [tilespmem:s31+$0xFFFFFFF0];
	v11 =	vsub.f32 v13, v11  }
0x112: {  	v5 =	vadd.f32 v9, v5;
	v18 =	vnsel vm0, $0x0, v4;
	v13 =	vld [tilespmem:s1+$0xFFFFFFD0];
	vm0 =	vgt.s32 v15, $0x0  }
0x113: {  	v18 =	vmin.u32 v18, $0xC37F;
	v9 =	vld [tilespmem:s1+$0xFFFFFFC0];
	v19 =	vnsel vm0, $0x0, v15;
	v11 =	vnsel vm1, $0x0, v11  }
0x114: {  	v7 =	vmul.f32 v7, v7;
	vm4 =	veq.s32 v4, v18;
	v17 =	vld.idx.msk [tilespmem:v17+s20+$0x0], $0xffff;
	v4 =	vmin.u32 v19, $0xC37F  }
0x115: {  	vm0 =	vgt.s32 v16, $0x0;
	v19 =	vnsel vm2, $0x0, v1;
	v12 =	vld.idx.msk [tilespmem:v12+s20+$0x0], $0xffff;
	vm6 =	veq.s32 v15, v4  }
0x116: {  	v2 =	vadd.f32 v7, v2;
	vm2 =	vgt.s32 v6, $0x0;
	vm1 =	vgt.s32 v10, $0x0;
	v15 =	vld [tilespmem:s1+$0x20]  }
0x117: {  	v7 =	vmin.u32 v19, $0xC37F;
	v19 =	vnsel vm0, $0x0, v16;
	v20 =	vld [tilespmem:s1+$0x10];
	v21 =	vnsel vm1, $0x0, v10  }
0x118: {  	v11 =	vmul.f32 v11, v11;
	v23 =	vnsel vm2, $0x0, v6;
	v22 =	vld [tilespmem:s1+$0xFFFFFFE0];
	v21 =	vmin.u32 v21, $0xC37F  }
0x119: {  	v2 =	vadd.f32 v3, v2;
	v3 =	vmul.f32 v8, v8;
	v23 =	vmin.u32 v23, $0xC37F;
	v4 =	vld.idx.msk [tilespmem:v4+s20+$0x0], $0xffff  }
0x11a: {  	vm7 =	veq.s32 v1, v7;
	v1 =	vadd.f32 v11, v5;
	v8 =	vsub.f32 v9, v17;
	v9 =	vld.idx.msk [tilespmem:v18+s20+$0x0], $0xffff  }
0x11b: {  	v2 =	vadd.f32 v3, v2;
	vm2 =	veq.s32 v10, v21;
	v5 =	vsub.f32 v13, v12;
	v11 =	vld [tilespmem:s1+$0xFFFFFFF0]  }
0x11c: {  	vm0 =	veq.s32 v6, v23;
	v13 =	vadd.f32 v14, v1;
	v3 =	vnsel vm5, $0x0, v8;
	v7 =	vld.idx.msk [tilespmem:v7+s20+$0x0], $0xffff  }
0x11d: {  	v1 =	vnsel vm3, $0x0, v5;
	v3 =	vmul.f32 v3, v3;
	v14 =	vld.idx.msk [tilespmem:v21+s20+$0x0], $0xffff  }
0x11e: {  	s31 =	sadd.s32 $0x80, s31;
	v17 =	vmin.u32 v19, $0xC37F;
	v12 =	vmul.f32 v1, v1;
	v10 =	vld.idx.msk [tilespmem:v23+s20+$0x0], $0xffff  }
0x11f: {  	vm1 =	veq.s32 v16, v17;
	v16 =	vsub.f32 v20, v4;
	v6 =	vld [tilespmem:s31+$0xFFFFFF90]  }
.Ltmp6:
0x120: {  	v9 =	vsub.f32 v22, v9;
	v8 =	vld [tilespmem:s31+$0xFFFFFFA0];
	(pc) =	sbr.rel @p0 .LBB2_14-.Ltmp6, $4  }
0x121: {  	v5 =	vadd.f32 v3, v13;
	v1 =	vld [tilespmem:s31+$0xFFFFFFC0]  }
0x122: {  	v13 =	vnsel vm6, $0x0, v16;
	v3 =	vnsel vm4, $0x0, v9;
	v7 =	vsub.f32 v11, v7;
	v4 =	vld [tilespmem:s31+$0xFFFFFFB0]  }
0x123: {  	v9 =	vmul.f32 v3, v3;
	v3 =	vmul.f32 v13, v13;
	v11 =	vld.idx.msk [tilespmem:v17+s20+$0x0], $0xffff  }
0x124: {  	v14 =	vsub.f32 v15, v14;
	v7 =	vnsel vm7, $0x0, v7;
	vm3 =	vgt.s32 v6, $0x0;
	v13 =	vld [tilespmem:s1+$0x0]  }
0x125: {  	v15 =	vld [tilespmem:s31+$0xFFFFFFE0]  }
0x126: {  	v18 =	vld [tilespmem:s31+$0xFFFFFFD0]  }
0x127: {  	vm4 =	vgt.s32 v8, $0x0;
	v16 =	vnsel vm3, $0x0, v6;
	v19 =	vld [tilespmem:s31+$0x0];
	v2 =	vadd.f32 v12, v2  }
0x128: {  	s1 =	sadd.s32 $0x100, s1;
	v48 =	vld [tilespmem:s31+$0xFFFFFFF0];
	v0 =	vsub.f32 v0, v10;
	v5 =	vadd.f32 v9, v5;
	v7 =	vmul.f32 v7, v7  }
0x129: {  	v17 =	vnsel vm4, $0x0, v8;
	v16 =	vmin.u32 v16, $0xC37F;
	v49 =	vld [tilespmem:s1+$0xFFFFFFD0];
	vm13 =	vgt.s32 v1, $0x0  }
0x12a: {  	v50 =	vld [tilespmem:s1+$0xFFFFFFC0];
	v14 =	vnsel vm2, $0x0, v14;
	v17 =	vmin.u32 v17, $0xC37F;
	vm4 =	veq.s32 v6, v16  }
0x12b: {  	v55 =	vld [tilespmem:s1+$0x20];
	vm6 =	vgt.s32 v4, $0x0;
	v54 =	vnsel vm13, $0x0, v1;
	v2 =	vadd.f32 v7, v2  }
0x12c: {  	v21 =	vld [tilespmem:s1+$0x10];
	v0 =	vnsel vm0, $0x0, v0;
	v20 =	vnsel vm6, $0x0, v4;
	vm5 =	vgt.s32 v15, $0x0  }
0x12d: {  	v23 =	vld [tilespmem:s1+$0xFFFFFFE0];
	vm3 =	veq.s32 v8, v17;
	v52 =	vmin.u32 v20, $0xC37F;
	v51 =	vnsel vm5, $0x0, v15  }
0x12e: {  	s20 =	simm.s32 $0x0;
	v58 =	vld [tilespmem:s1+$0xFFFFFFF0];
	v11 =	vsub.f32 v13, v11;
	vm14 =	vgt.s32 v48, $0x0;
	v10 =	vmin.u32 v51, $0xC37F  }
0x12f: {  	vm15 =	vgt.s32 v18, $0x0;
	v22 =	vnsel vm14, $0x0, v48;
	v53 =	vld.idx.msk [tilespmem:v17+s20+$0x0], $0xffff;
	v17 =	vmin.u32 v54, $0xC37F  }
0x130: {  	vm9 =	veq.s32 v4, v52;
	v16 =	vld.idx.msk [tilespmem:v16+s20+$0x0], $0xffff;
	v4 =	vnsel vm15, $0x0, v18;
	v22 =	vmin.u32 v22, $0xC37F  }
0x131: {  	v60 =	vld [tilespmem:s1+$0x0];
	v0 =	vmul.f32 v0, v0;
	vm10 =	vgt.s32 v19, $0x0;
	v4 =	vmin.u32 v4, $0xC37F  }
0x132: {  	v2 =	vadd.f32 v3, v2;
	v11 =	vnsel vm1, $0x0, v11;
	v57 =	vnsel vm10, $0x0, v19;
	v9 =	vld.idx.msk [tilespmem:v52+s20+$0x0], $0xffff  }
0x133: {  	v11 =	vmul.f32 v11, v11;
	vm11 =	veq.s32 v15, v10;
	v56 =	vld.idx.msk [tilespmem:v10+s20+$0x0], $0xffff;
	v10 =	vmin.u32 v57, $0xC37F  }
0x134: {  	v14 =	vmul.f32 v14, v14;
	v0 =	vadd.f32 v0, v2;
	v3 =	vld.idx.msk [tilespmem:v17+s20+$0x0], $0xffff  }
0x135: {  	vm12 =	veq.s32 v1, v17;
	v5 =	vadd.f32 v11, v5;
	v8 =	vsub.f32 v50, v16;
	v1 =	vld.idx.msk [tilespmem:v22+s20+$0x0], $0xffff  }
0x136: {  	vm13 =	veq.s32 v48, v22;
	vm15 =	veq.s32 v18, v4;
	v6 =	vsub.f32 v49, v53;
	v59 =	vld.idx.msk [tilespmem:v4+s20+$0x0], $0xffff  }
0x137: {  	v61 =	vld [tilespmem:s1+$0x30];
	v5 =	vadd.f32 v14, v5;
	v2 =	vnsel vm4, $0x0, v8;
	v9 =	vsub.f32 v23, v9  }
0x138: {  	vm14 =	veq.s32 v19, v10;
	v6 =	vnsel vm3, $0x0, v6;
	v2 =	vmul.f32 v2, v2;
	v10 =	vld.idx.msk [tilespmem:v10+s20+$0x0], $0xffff  }
0x139: {  	v6 =	vmul.f32 v6, v6;
	v4 =	vnsel vm9, $0x0, v9;
	v3 =	vsub.f32 v58, v3  }
0x13a: {  	v2 =	vadd.f32 v2, v5;
	v7 =	vsub.f32 v21, v56;
	v4 =	vmul.f32 v4, v4  }
0x13b: {  	v1 =	vsub.f32 v55, v1;
	v62 =	vsub.f32 v60, v59;
	v3 =	vnsel vm12, $0x0, v3  }
0x13c: {  	v0 =	vadd.f32 v6, v0;
	v5 =	vnsel vm11, $0x0, v7;
	v3 =	vmul.f32 v3, v3  }
0x13d: {  	v1 =	vnsel vm13, $0x0, v1;
	v7 =	vnsel vm15, $0x0, v62;
	v63 =	vsub.f32 v61, v10  }
0x13e: {  	p0 =	por $0x1, $0x1;
	v2 =	vadd.f32 v4, v2;
	v5 =	vmul.f32 v5, v5;
	v0 =	vadd.f32 v3, v0  }
.Ltmp7:
0x13f: {  	v4 =	vmul.f32 v1, v1;
	v3 =	vmul.f32 v7, v7;
	v1 =	vnsel vm14, $0x0, v63;
	(pc) =	sbr.rel @!p0 .LBB2_17-.Ltmp7, $4  }
0x140: {  	v0 =	vadd.f32 v5, v0;
	v1 =	vmul.f32 v1, v1  }
0x141: {  	v2 =	vadd.f32 v3, v2  }
0x142: {  	s24 =	simm.s32 $0x80;
	v1 =	vadd.f32 v1, v0  }
0x143: {  	s4 =	sadd.s32 $0x0, s7;
	s31 =	simm.s32 $0x18800;
	s1 =	simm.s32 $0x18700;
	v3 =	vadd.f32 v4, v2  }
.LBB2_16:
0x144: {  	[tilespmem:s1], [sflag:$0x4] =	stream.linear.gather [hbm4b:s4+s3], $0x80, $0x38;
	[tilespmem:$0x1E780] =	vst v63  }
0x145: {  	s4 =	smov.u32 s24;
	s1 =	smov.u32 s31;
	p0 =	sne.s32 s24, $0xF80  }
.Ltmp8:
0x146: {  	s24 =	sadd.s32 $0x80, s24;
	(pc) =	sbr.rel @p0 .LBB2_16-.Ltmp8, $2  }
0x147: {  	_ =	sdelay $0x2  }
0x148: {  	s31 =	sadd.s32 $0x100, s31;
	s4 =	sadd.s32 s4, s7  }
.LBB2_17:
0x149: {  	[tilespmem:s1], [sflag:$0x4] =	stream.linear.gather [hbm4b:s4+s3], $0x80, $0x38;
	[tilespmem:$0x1E780] =	vst v63  }
0x14a: {  	_ =	swait.ge [sflag:s29], $0x1000  }
0x14b: {  	[sflag:s29] =	ssyncset.done $0x0  }
0x14c: {  	s24 =	simm.s32 $0x1D770;
	[sflag:s29] =	ssyncadd.s32 $0xFFFFF000  }
0x14d: {  	v2 =	vld [tilespmem:s24+$0xFFFFFF90]  }
0x14e: {  	v4 =	vld [tilespmem:s24+$0xFFFFFFA0]  }
0x14f: {  	v5 =	vld [tilespmem:s24+$0xFFFFFFC0]  }
0x150: {  	v6 =	vld [tilespmem:s24+$0xFFFFFFB0]  }
0x151: {  	v7 =	vld [tilespmem:s24+$0xFFFFFFE0]  }
0x152: {  	v9 =	vld [tilespmem:s24+$0xFFFFFFD0]  }
0x153: {  	v11 =	vld [tilespmem:s24+$0x0]  }
0x154: {  	s1 =	simm.s32 $0x187F0;
	v12 =	vld [tilespmem:s24+$0xFFFFFFF0]  }
0x155: {  	v13 =	vld [tilespmem:s1+$0xFFFFFFA0];
	vm0 =	vgt.s32 v2, $0x0  }
0x156: {  	v14 =	vld [tilespmem:s1+$0xFFFFFF90];
	vm1 =	vgt.s32 v4, $0x0;
	v0 =	vnsel vm0, $0x0, v2  }
0x157: {  	v20 =	vld [tilespmem:s1+$0xFFFFFFF0];
	v8 =	vnsel vm1, $0x0, v4;
	vm0 =	vgt.s32 v7, $0x0;
	v10 =	vmin.u32 v0, $0xC37F  }
0x158: {  	v21 =	vld [tilespmem:s1+$0xFFFFFFE0];
	vm1 =	vgt.s32 v6, $0x0;
	v8 =	vmin.u32 v8, $0xC37F;
	v15 =	vnsel vm0, $0x0, v7  }
0x159: {  	v23 =	vld [tilespmem:s1+$0xFFFFFFB0];
	v16 =	vnsel vm1, $0x0, v6;
	vm0 =	vgt.s32 v5, $0x0;
	v15 =	vmin.u32 v15, $0xC37F  }
0x15a: {  	v27 =	vld [tilespmem:s1+$0xFFFFFFC0];
	v16 =	vmin.u32 v16, $0xC37F;
	v19 =	vnsel vm0, $0x0, v5  }
0x15b: {  	v0 =	vld [tilespmem:s1+$0x0];
	v19 =	vmin.u32 v19, $0xC37F  }
0x15c: {  	vm0 =	vgt.s32 v12, $0x0;
	v17 =	vld.idx.msk [tilespmem:v10+s20+$0x0], $0xffff  }
0x15d: {  	vm1 =	vgt.s32 v11, $0x0;
	v22 =	vnsel vm0, $0x0, v12;
	v18 =	vld.idx.msk [tilespmem:v8+s20+$0x0], $0xffff  }
0x15e: {  	v24 =	vnsel vm1, $0x0, v11;
	v22 =	vmin.u32 v22, $0xC37F;
	v25 =	vld.idx.msk [tilespmem:v15+s20+$0x0], $0xffff  }
0x15f: {  	vm2 =	vgt.s32 v9, $0x0;
	v24 =	vmin.u32 v24, $0xC37F;
	v26 =	vld.idx.msk [tilespmem:v16+s20+$0x0], $0xffff  }
0x160: {  	s31 =	simm.s32 $0x1D7F0;
	vm1 =	veq.s32 v4, v8;
	vm0 =	veq.s32 v2, v10;
	vm3 =	veq.s32 v6, v16;
	v62 =	vld.idx.msk [tilespmem:v19+s20+$0x0], $0xffff  }
0x161: {  	vm4 =	veq.s32 v7, v15;
	v2 =	vnsel vm2, $0x0, v9;
	v6 =	vld [tilespmem:s31+$0xFFFFFF90];
	v4 =	vsub.f32 v14, v17  }
0x162: {  	vm5 =	veq.s32 v5, v19;
	v7 =	vmin.u32 v2, $0xC37F;
	v8 =	vld [tilespmem:s31+$0xFFFFFFA0];
	v5 =	vsub.f32 v13, v18  }
0x163: {  	vm2 =	veq.s32 v12, v22;
	v14 =	vld.idx.msk [tilespmem:v22+s20+$0x0], $0xffff;
	v2 =	vnsel vm0, $0x0, v4;
	vm0 =	veq.s32 v11, v24  }
0x164: {  	v10 =	vld.idx.msk [tilespmem:v24+s20+$0x0], $0xffff;
	v4 =	vnsel vm1, $0x0, v5;
	v5 =	vsub.f32 v21, v25;
	v11 =	vsub.f32 v23, v26  }
0x165: {  	vm1 =	veq.s32 v9, v7;
	v15 =	vsub.f32 v27, v62;
	v13 =	vmul.f32 v2, v2;
	v2 =	vld [tilespmem:s31+$0xFFFFFFC0]  }
0x166: {  	v12 =	vmul.f32 v4, v4;
	v4 =	vld [tilespmem:s31+$0xFFFFFFB0];
	v9 =	vnsel vm3, $0x0, v11;
	v63 =	vnsel vm4, $0x0, v5  }
0x167: {  	v11 =	vld.idx.msk [tilespmem:v7+s20+$0x0], $0xffff;
	vm3 =	vgt.s32 v6, $0x0;
	v7 =	vnsel vm5, $0x0, v15;
	v5 =	vadd.f32 v13, v3  }
0x168: {  	s24 =	simm.s32 $0x4;
	v9 =	vmul.f32 v9, v9;
	v3 =	vmul.f32 v63, v63;
	v13 =	vld [tilespmem:s1+$0xFFFFFFD0];
	v14 =	vsub.f32 v20, v14  }
.LBB2_18:
0x169: {  	s24 =	sadd.s32 $0x4, s24;
	vm4 =	vgt.s32 v8, $0x0;
	v15 =	vld [tilespmem:s31+$0xFFFFFFE0];
	v1 =	vadd.f32 v12, v1;
	v10 =	vsub.f32 v0, v10;
	s1 =	sadd.s32 $0x100, s1  }
0x16a: {  	v0 =	vnsel vm3, $0x0, v6;
	p0 =	slt.u32 s24, $0x7C;
	v12 =	vnsel vm4, $0x0, v8;
	v16 =	vld [tilespmem:s31+$0xFFFFFFD0];
	v14 =	vnsel vm2, $0x0, v14  }
0x16b: {  	v17 =	vmin.u32 v0, $0xC37F;
	v12 =	vmin.u32 v12, $0xC37F;
	v0 =	vld [tilespmem:s1+$0x0];
	v14 =	vmul.f32 v14, v14  }
0x16c: {  	vm5 =	veq.s32 v6, v17;
	vm3 =	veq.s32 v8, v12;
	v6 =	vld [tilespmem:s31+$0x0];
	v8 =	vnsel vm0, $0x0, v10  }
0x16d: {  	vm2 =	vgt.s32 v2, $0x0;
	vm0 =	vgt.s32 v4, $0x0;
	v10 =	vld [tilespmem:s31+$0xFFFFFFF0];
	v11 =	vsub.f32 v13, v11  }
0x16e: {  	v5 =	vadd.f32 v9, v5;
	v18 =	vnsel vm0, $0x0, v4;
	v13 =	vld [tilespmem:s1+$0xFFFFFFA0];
	vm0 =	vgt.s32 v15, $0x0  }
0x16f: {  	s20 =	simm.s32 $0x0;
	v18 =	vmin.u32 v18, $0xC37F;
	v9 =	vld [tilespmem:s1+$0xFFFFFF90];
	v19 =	vnsel vm0, $0x0, v15;
	v11 =	vnsel vm1, $0x0, v11  }
0x170: {  	v7 =	vmul.f32 v7, v7;
	vm4 =	veq.s32 v4, v18;
	v17 =	vld.idx.msk [tilespmem:v17+s20+$0x0], $0xffff;
	v4 =	vmin.u32 v19, $0xC37F  }
0x171: {  	vm0 =	vgt.s32 v16, $0x0;
	v19 =	vnsel vm2, $0x0, v2;
	v12 =	vld.idx.msk [tilespmem:v12+s20+$0x0], $0xffff;
	vm6 =	veq.s32 v15, v4  }
0x172: {  	v1 =	vadd.f32 v7, v1;
	vm2 =	vgt.s32 v6, $0x0;
	vm1 =	vgt.s32 v10, $0x0;
	v15 =	vld [tilespmem:s1+$0xFFFFFFF0]  }
0x173: {  	v7 =	vmin.u32 v19, $0xC37F;
	v19 =	vnsel vm0, $0x0, v16;
	v20 =	vld [tilespmem:s1+$0xFFFFFFE0];
	v21 =	vnsel vm1, $0x0, v10  }
0x174: {  	v11 =	vmul.f32 v11, v11;
	v23 =	vnsel vm2, $0x0, v6;
	v22 =	vld [tilespmem:s1+$0xFFFFFFB0];
	v21 =	vmin.u32 v21, $0xC37F  }
0x175: {  	v1 =	vadd.f32 v3, v1;
	v3 =	vmul.f32 v8, v8;
	v23 =	vmin.u32 v23, $0xC37F;
	v4 =	vld.idx.msk [tilespmem:v4+s20+$0x0], $0xffff  }
0x176: {  	vm7 =	veq.s32 v2, v7;
	v2 =	vadd.f32 v11, v5;
	v8 =	vsub.f32 v9, v17;
	v9 =	vld.idx.msk [tilespmem:v18+s20+$0x0], $0xffff  }
0x177: {  	v1 =	vadd.f32 v3, v1;
	vm2 =	veq.s32 v10, v21;
	v5 =	vsub.f32 v13, v12;
	v11 =	vld [tilespmem:s1+$0xFFFFFFC0]  }
0x178: {  	vm0 =	veq.s32 v6, v23;
	v13 =	vadd.f32 v14, v2;
	v3 =	vnsel vm5, $0x0, v8;
	v7 =	vld.idx.msk [tilespmem:v7+s20+$0x0], $0xffff  }
0x179: {  	v2 =	vnsel vm3, $0x0, v5;
	v3 =	vmul.f32 v3, v3;
	v14 =	vld.idx.msk [tilespmem:v21+s20+$0x0], $0xffff  }
0x17a: {  	s31 =	sadd.s32 $0x80, s31;
	v17 =	vmin.u32 v19, $0xC37F;
	v12 =	vmul.f32 v2, v2;
	v10 =	vld.idx.msk [tilespmem:v23+s20+$0x0], $0xffff  }
0x17b: {  	vm1 =	veq.s32 v16, v17;
	v16 =	vsub.f32 v20, v4;
	v6 =	vld [tilespmem:s31+$0xFFFFFF90]  }
.Ltmp9:
0x17c: {  	v9 =	vsub.f32 v22, v9;
	v8 =	vld [tilespmem:s31+$0xFFFFFFA0];
	(pc) =	sbr.rel @p0 .LBB2_18-.Ltmp9, $4  }
0x17d: {  	v5 =	vadd.f32 v3, v13;
	v2 =	vld [tilespmem:s31+$0xFFFFFFC0]  }
0x17e: {  	v13 =	vnsel vm6, $0x0, v16;
	v3 =	vnsel vm4, $0x0, v9;
	v7 =	vsub.f32 v11, v7;
	v4 =	vld [tilespmem:s31+$0xFFFFFFB0]  }
0x17f: {  	v9 =	vmul.f32 v3, v3;
	v3 =	vmul.f32 v13, v13;
	v11 =	vld.idx.msk [tilespmem:v17+s20+$0x0], $0xffff  }
0x180: {  	v14 =	vsub.f32 v15, v14;
	v7 =	vnsel vm7, $0x0, v7;
	vm3 =	vgt.s32 v6, $0x0;
	v13 =	vld [tilespmem:s1+$0xFFFFFFD0]  }
0x181: {  	v15 =	vld [tilespmem:s31+$0xFFFFFFE0]  }
0x182: {  	v18 =	vld [tilespmem:s31+$0xFFFFFFD0]  }
0x183: {  	vm4 =	vgt.s32 v8, $0x0;
	v16 =	vnsel vm3, $0x0, v6;
	v19 =	vld [tilespmem:s31+$0x0];
	v1 =	vadd.f32 v12, v1  }
0x184: {  	s1 =	sadd.s32 $0x100, s1;
	v52 =	vld [tilespmem:s31+$0xFFFFFFF0];
	v0 =	vsub.f32 v0, v10;
	v5 =	vadd.f32 v9, v5;
	v7 =	vmul.f32 v7, v7  }
0x185: {  	v17 =	vnsel vm4, $0x0, v8;
	v16 =	vmin.u32 v16, $0xC37F;
	v53 =	vld [tilespmem:s1+$0xFFFFFF90];
	vm13 =	vgt.s32 v2, $0x0  }
0x186: {  	v58 =	vld [tilespmem:s1+$0xFFFFFFF0];
	v17 =	vmin.u32 v17, $0xC37F;
	vm4 =	veq.s32 v6, v16;
	vm6 =	vgt.s32 v4, $0x0  }
0x187: {  	v21 =	vld [tilespmem:s1+$0xFFFFFFE0];
	v57 =	vnsel vm13, $0x0, v2;
	v1 =	vadd.f32 v7, v1;
	v0 =	vnsel vm0, $0x0, v0  }
0x188: {  	v23 =	vld [tilespmem:s1+$0xFFFFFFB0];
	vm3 =	veq.s32 v8, v17;
	v20 =	vnsel vm6, $0x0, v4;
	vm5 =	vgt.s32 v15, $0x0  }
0x189: {  	v60 =	vld [tilespmem:s1+$0xFFFFFFC0];
	v0 =	vmul.f32 v0, v0;
	v55 =	vmin.u32 v20, $0xC37F;
	v54 =	vnsel vm5, $0x0, v15  }
0x18a: {  	v6 =	vld [tilespmem:s1+$0xFFFFFFA0];
	v11 =	vsub.f32 v13, v11;
	vm14 =	vgt.s32 v52, $0x0;
	v10 =	vmin.u32 v54, $0xC37F  }
0x18b: {  	vm15 =	vgt.s32 v18, $0x0;
	v22 =	vnsel vm14, $0x0, v52;
	v56 =	vld.idx.msk [tilespmem:v17+s20+$0x0], $0xffff;
	v17 =	vmin.u32 v57, $0xC37F  }
0x18c: {  	vm9 =	veq.s32 v4, v55;
	v16 =	vld.idx.msk [tilespmem:v16+s20+$0x0], $0xffff;
	v4 =	vnsel vm15, $0x0, v18;
	v22 =	vmin.u32 v22, $0xC37F  }
0x18d: {  	v62 =	vld [tilespmem:s1+$0xFFFFFFD0];
	vm10 =	vgt.s32 v19, $0x0;
	v11 =	vnsel vm1, $0x0, v11;
	v4 =	vmin.u32 v4, $0xC37F  }
0x18e: {  	v1 =	vadd.f32 v3, v1;
	v59 =	vnsel vm10, $0x0, v19;
	v11 =	vmul.f32 v11, v11;
	v9 =	vld.idx.msk [tilespmem:v55+s20+$0x0], $0xffff  }
0x18f: {  	v14 =	vnsel vm2, $0x0, v14;
	vm11 =	veq.s32 v15, v10;
	v7 =	vld.idx.msk [tilespmem:v10+s20+$0x0], $0xffff;
	v10 =	vmin.u32 v59, $0xC37F  }
0x190: {  	v14 =	vmul.f32 v14, v14;
	v0 =	vadd.f32 v0, v1;
	v5 =	vadd.f32 v11, v5;
	v3 =	vld.idx.msk [tilespmem:v17+s20+$0x0], $0xffff  }
0x191: {  	vm12 =	veq.s32 v2, v17;
	v8 =	vsub.f32 v53, v16;
	v2 =	vld.idx.msk [tilespmem:v22+s20+$0x0], $0xffff;
	v6 =	vsub.f32 v6, v56  }
0x192: {  	vm13 =	veq.s32 v52, v22;
	vm15 =	veq.s32 v18, v4;
	v5 =	vadd.f32 v14, v5;
	v61 =	vld.idx.msk [tilespmem:v4+s20+$0x0], $0xffff  }
0x193: {  	v63 =	vld [tilespmem:s1+$0x0];
	v1 =	vnsel vm4, $0x0, v8;
	v6 =	vnsel vm3, $0x0, v6;
	v9 =	vsub.f32 v23, v9  }
0x194: {  	vm14 =	veq.s32 v19, v10;
	v1 =	vmul.f32 v1, v1;
	v6 =	vmul.f32 v6, v6;
	v10 =	vld.idx.msk [tilespmem:v10+s20+$0x0], $0xffff  }
0x195: {  	v4 =	vnsel vm9, $0x0, v9;
	v7 =	vsub.f32 v21, v7;
	v3 =	vsub.f32 v60, v3  }
0x196: {  	v1 =	vadd.f32 v1, v5;
	v4 =	vmul.f32 v4, v4;
	v2 =	vsub.f32 v58, v2  }
0x197: {  	v5 =	vnsel vm11, $0x0, v7;
	v3 =	vnsel vm12, $0x0, v3;
	v7 =	vsub.f32 v62, v61  }
0x198: {  	v0 =	vadd.f32 v6, v0;
	v2 =	vnsel vm13, $0x0, v2;
	v3 =	vmul.f32 v3, v3  }
0x199: {  	p0 =	por $0x1, $0x1;
	v1 =	vadd.f32 v4, v1;
	v7 =	vnsel vm15, $0x0, v7;
	v6 =	vsub.f32 v63, v10  }
.Ltmp10:
0x19a: {  	v5 =	vmul.f32 v5, v5;
	v0 =	vadd.f32 v3, v0;
	v3 =	vmul.f32 v7, v7;
	(pc) =	sbr.rel @!p0 .LBB2_21-.Ltmp10, $4  }
0x19b: {  	v2 =	vmul.f32 v2, v2;
	v4 =	vnsel vm14, $0x0, v6  }
0x19c: {  	v0 =	vadd.f32 v5, v0;
	v1 =	vadd.f32 v3, v1;
	v4 =	vmul.f32 v4, v4  }
0x19d: {  	s4 =	sadd.s32 $0x0, s8  }
0x19e: {  	s24 =	simm.s32 $0x18880;
	s1 =	simm.s32 $0x18780;
	s20 =	simm.s32 $0x80;
	v5 =	vadd.f32 v2, v1;
	v3 =	vadd.f32 v4, v0  }
.LBB2_20:
0x19f: {  	[tilespmem:s1], [sflag:$0x5] =	stream.linear.gather [hbm4b:s4+s3], $0x80, $0x38;
	[tilespmem:$0x1E780] =	vst v63  }
0x1a0: {  	s4 =	smov.u32 s20;
	s1 =	smov.u32 s24;
	p0 =	sne.s32 s20, $0xF80  }
.Ltmp11:
0x1a1: {  	s20 =	sadd.s32 $0x80, s20;
	(pc) =	sbr.rel @p0 .LBB2_20-.Ltmp11, $2  }
0x1a2: {  	_ =	sdelay $0x2  }
0x1a3: {  	s24 =	sadd.s32 $0x100, s24;
	s4 =	sadd.s32 s4, s8  }
.LBB2_21:
0x1a4: {  	[tilespmem:s1], [sflag:$0x5] =	stream.linear.gather [hbm4b:s4+s3], $0x80, $0x38;
	[tilespmem:$0x1E780] =	vst v63  }
0x1a5: {  	_ = 	snop  }
0x1a6: {  	[tilespmem:s3], [sflag:$0x2] =	stream.strided.gather [hbm4b:s11+s21], $0xC380, s22, s21, $0x38;
	[tilespmem:$0x1E780] =	vst v63  }
0x1a7: {  	_ =	swait.ge [sflag:s30], $0xC300  }
0x1a8: {  	[sflag:s30] =	ssyncset.done $0x0  }
0x1a9: {  	[sflag:s30] =	ssyncadd.s32 $0xFFFF3D00  }
0x1aa: {  	_ =	swait.ge [sflag:s30], $0x80  }
0x1ab: {  	[sflag:s30] =	ssyncset.done $0x0  }
0x1ac: {  	[sflag:s30] =	ssyncadd.s32 $0xFFFFFF80  }
0x1ad: {  	_ =	swait.ge [sflag:s28], $0x1000  }
0x1ae: {  	[sflag:s28] =	ssyncset.done $0x0  }
0x1af: {  	s24 =	simm.s32 $0x1A740;
	[sflag:s28] =	ssyncadd.s32 $0xFFFFF000  }
0x1b0: {  	v0 =	vld [tilespmem:s24+$0xFFFFFFC0]  }
0x1b1: {  	v1 =	vld [tilespmem:s24+$0xFFFFFFD0];
	_ =	sdelay $0x2  }
0x1b2: {  	v2 =	vld [tilespmem:s24+$0xFFFFFFF0]  }
0x1b3: {  	v4 =	vld [tilespmem:s24+$0xFFFFFFE0];
	v6 =	vadd.s32 $0xFFFF3C80, v0  }
0x1b4: {  	v7 =	vadd.s32 $0xFFFF3C80, v1;
	vm0 =	vgt.s32 v6, $0x0  }
0x1b5: {  	v8 =	vld [tilespmem:s24+$0x10];
	vm1 =	vgt.s32 v7, $0x0;
	v0 =	vnsel vm0, $0x0, v6  }
0x1b6: {  	s1 =	simm.s32 $0x18740;
	v11 =	vld [tilespmem:s24+$0x20];
	v1 =	vnsel vm1, $0x0, v7;
	v9 =	vmin.u32 v0, $0xC31F  }
0x1b7: {  	v12 =	vld [tilespmem:s1+$0xFFFFFFD0];
	v2 =	vadd.s32 $0xFFFF3C80, v2;
	v10 =	vmin.u32 v1, $0xC31F  }
0x1b8: {  	v4 =	vadd.s32 $0xFFFF3C80, v4;
	vm0 =	vgt.s32 v2, $0x0;
	v0 =	vld [tilespmem:s24+$0x0]  }
0x1b9: {  	v13 =	vld [tilespmem:s1+$0xFFFFFFC0];
	vm1 =	vgt.s32 v4, $0x0;
	v1 =	vnsel vm0, $0x0, v2  }
0x1ba: {  	v19 =	vld [tilespmem:s24+$0x30];
	v14 =	vnsel vm1, $0x0, v4;
	v15 =	vmin.u32 v1, $0xC31F  }
0x1bb: {  	v14 =	vmin.u32 v14, $0xC31F;
	v16 =	vld.idx.msk [tilespmem:v9+s23+$0x0], $0xffff  }
0x1bc: {  	v17 =	vld.idx.msk [tilespmem:v10+s23+$0x0], $0xffff  }
0x1bd: {  	v11 =	vadd.s32 $0xFFFF3C80, v11;
	v18 =	vadd.s32 $0xFFFF3C80, v0;
	v0 =	vld [tilespmem:s1+$0x10]  }
0x1be: {  	v1 =	vadd.s32 $0xFFFF3C80, v8;
	vm2 =	veq.s32 v7, v10;
	v10 =	vld [tilespmem:s1+$0xFFFFFFE0];
	vm0 =	vgt.s32 v18, $0x0  }
0x1bf: {  	vm1 =	vgt.s32 v1, $0x0;
	vm3 =	veq.s32 v2, v15;
	v8 =	vld.idx.msk [tilespmem:v15+s23+$0x0], $0xffff;
	v20 =	vnsel vm0, $0x0, v18  }
0x1c0: {  	v2 =	vnsel vm1, $0x0, v1;
	vm0 =	veq.s32 v6, v9;
	v9 =	vld.idx.msk [tilespmem:v14+s23+$0x0], $0xffff;
	v20 =	vmin.u32 v20, $0xC31F  }
0x1c1: {  	vm4 =	veq.s32 v4, v14;
	v4 =	vmin.u32 v2, $0xC31F;
	v6 =	vld [tilespmem:s1+$0x0];
	v2 =	vsub.f32 v13, v16  }
0x1c2: {  	s20 =	simm.s32 $0x1A7C0;
	vm5 =	vgt.s32 v11, $0x0;
	v15 =	vadd.s32 $0xFFFF3C80, v19;
	v13 =	vld [tilespmem:s1+$0xFFFFFFF0];
	v12 =	vsub.f32 v12, v17  }
0x1c3: {  	vm1 =	veq.s32 v18, v20;
	v16 =	vld [tilespmem:s20+$0xFFFFFFC0];
	v2 =	vnsel vm0, $0x0, v2;
	vm0 =	vgt.s32 v15, $0x0  }
0x1c4: {  	v18 =	vld [tilespmem:s20+$0xFFFFFFD0];
	v12 =	vnsel vm2, $0x0, v12;
	v14 =	vnsel vm0, $0x0, v15;
	v17 =	vmul.f32 v2, v2  }
0x1c5: {  	v7 =	vld.idx.msk [tilespmem:v20+s23+$0x0], $0xffff;
	v2 =	vsub.f32 v10, v9;
	v9 =	vnsel vm5, $0x0, v11;
	v19 =	vmin.u32 v14, $0xC31F  }
0x1c6: {  	v63 =	vmul.f32 v12, v12;
	v12 =	vld [tilespmem:s20+$0xFFFFFFF0];
	v14 =	vmin.u32 v9, $0xC31F  }
0x1c7: {  	v9 =	vld [tilespmem:s20+$0xFFFFFFE0];
	v8 =	vsub.f32 v13, v8;
	vm0 =	veq.s32 v15, v19;
	v2 =	vnsel vm4, $0x0, v2  }
0x1c8: {  	vm2 =	veq.s32 v11, v14;
	v11 =	vadd.s32 $0xFFFF3C80, v16;
	v10 =	vadd.f32 v17, v5;
	v5 =	vld [tilespmem:s1+$0x20]  }
0x1c9: {  	v16 =	vadd.f32 v63, v3;
	v13 =	vnsel vm3, $0x0, v8;
	v8 =	vmul.f32 v2, v2;
	v2 =	vld.idx.msk [tilespmem:v4+s23+$0x0], $0xffff  }
0x1ca: {  	s31 =	simm.s32 $0x18740;
	s24 =	simm.s32 $0x4;
	vm4 =	vgt.s32 v11, $0x0;
	v15 =	vmul.f32 v13, v13;
	v13 =	vadd.s32 $0xFFFF3C80, v18;
	v3 =	vld.idx.msk [tilespmem:v19+s23+$0x0], $0xffff  }
.LBB2_22:
0x1cb: {  	s24 =	sadd.s32 $0x4, s24;
	vm5 =	vgt.s32 v13, $0x0;
	v12 =	vadd.s32 $0xFFFF3C80, v12;
	vm3 =	veq.s32 v1, v4;
	v1 =	vld.idx.msk [tilespmem:v14+s23+$0x0], $0xffff;
	s1 =	sadd.s32 $0x100, s1  }
0x1cc: {  	v4 =	vnsel vm4, $0x0, v11;
	v6 =	vsub.f32 v6, v7;
	p0 =	slt.u32 s24, $0x7C;
	v14 =	vnsel vm5, $0x0, v13;
	v17 =	vld [tilespmem:s20+$0x10]  }
0x1cd: {  	v4 =	vmin.u32 v4, $0xC31F;
	v7 =	vmin.u32 v14, $0xC31F;
	v14 =	vadd.f32 v15, v16;
	v15 =	vld [tilespmem:s31+$0x30];
	s31 =	smov.u32 s1  }
0x1ce: {  	vm7 =	veq.s32 v11, v4;
	v6 =	vnsel vm1, $0x0, v6;
	vm5 =	veq.s32 v13, v7;
	v11 =	vld [tilespmem:s20+$0x0]  }
0x1cf: {  	v8 =	vadd.f32 v8, v10;
	v9 =	vadd.s32 $0xFFFF3C80, v9;
	vm1 =	vgt.s32 v12, $0x0;
	v13 =	vld [tilespmem:s20+$0x20]  }
0x1d0: {  	vm4 =	vgt.s32 v9, $0x0;
	v16 =	vnsel vm1, $0x0, v12;
	v6 =	vmul.f32 v6, v6;
	v10 =	vld [tilespmem:s1+$0xFFFFFFD0]  }
0x1d1: {  	v19 =	vnsel vm4, $0x0, v9;
	v16 =	vmin.u32 v16, $0xC31F;
	v5 =	vsub.f32 v5, v1;
	v18 =	vld [tilespmem:s1+$0xFFFFFFC0]  }
0x1d2: {  	v19 =	vmin.u32 v19, $0xC31F;
	vm4 =	veq.s32 v12, v16;
	v1 =	vadd.s32 $0xFFFF3C80, v17;
	v20 =	vld.idx.msk [tilespmem:v4+s23+$0x0], $0xffff  }
0x1d3: {  	vm6 =	veq.s32 v9, v19;
	v5 =	vnsel vm2, $0x0, v5;
	v7 =	vld.idx.msk [tilespmem:v7+s23+$0x0], $0xffff;
	v9 =	vadd.s32 $0xFFFF3C80, v11  }
0x1d4: {  	v8 =	vadd.f32 v6, v8;
	vm2 =	vgt.s32 v1, $0x0;
	vm1 =	vgt.s32 v9, $0x0;
	v11 =	vld [tilespmem:s20+$0x30]  }
0x1d5: {  	v3 =	vsub.f32 v15, v3;
	v6 =	vnsel vm2, $0x0, v1;
	v4 =	vnsel vm1, $0x0, v9;
	v12 =	vld [tilespmem:s1+$0x10]  }
0x1d6: {  	v0 =	vsub.f32 v0, v2;
	v15 =	vld.idx.msk [tilespmem:v16+s23+$0x0], $0xffff;
	v16 =	vmin.u32 v4, $0xC31F;
	v4 =	vmin.u32 v6, $0xC31F  }
0x1d7: {  	v13 =	vadd.s32 $0xFFFF3C80, v13;
	v3 =	vnsel vm0, $0x0, v3;
	v2 =	vld.idx.msk [tilespmem:v19+s23+$0x0], $0xffff;
	vm1 =	veq.s32 v9, v16  }
0x1d8: {  	v5 =	vmul.f32 v5, v5;
	vm0 =	vgt.s32 v13, $0x0;
	v6 =	vsub.f32 v18, v20;
	v9 =	vld [tilespmem:s1+$0xFFFFFFE0]  }
0x1d9: {  	v19 =	vnsel vm3, $0x0, v0;
	v7 =	vsub.f32 v10, v7;
	v10 =	vld [tilespmem:s1+$0xFFFFFFF0];
	v11 =	vadd.s32 $0xFFFF3C80, v11  }
0x1da: {  	v18 =	vmul.f32 v19, v19;
	v17 =	vnsel vm7, $0x0, v6;
	v6 =	vld [tilespmem:s1+$0x0];
	vm2 =	vgt.s32 v11, $0x0;
	v0 =	vmovc v12  }
0x1db: {  	s20 =	sadd.s32 $0x80, s20;
	v12 =	vnsel vm5, $0x0, v7;
	v17 =	vmul.f32 v17, v17;
	v7 =	vld.idx.msk [tilespmem:v16+s23+$0x0], $0xffff;
	v16 =	vnsel vm0, $0x0, v13  }
0x1dc: {  	v3 =	vmul.f32 v3, v3;
	v20 =	vmul.f32 v12, v12;
	v12 =	vnsel vm2, $0x0, v11;
	v19 =	vld [tilespmem:s20+$0xFFFFFFC0]  }
0x1dd: {  	v18 =	vadd.f32 v18, v14;
	v22 =	vmin.u32 v12, $0xC31F;
	v21 =	vld [tilespmem:s20+$0xFFFFFFD0];
	v2 =	vsub.f32 v9, v2  }
.Ltmp12:
0x1de: {  	v14 =	vmin.u32 v16, $0xC31F;
	vm0 =	veq.s32 v11, v22;
	v12 =	vld [tilespmem:s20+$0xFFFFFFF0];
	v10 =	vsub.f32 v10, v15;
	(pc) =	sbr.rel @p0 .LBB2_22-.Ltmp12, $4  }
0x1df: {  	v5 =	vadd.f32 v5, v8;
	v3 =	vadd.f32 v3, v18;
	v9 =	vld [tilespmem:s20+$0xFFFFFFE0];
	v2 =	vnsel vm6, $0x0, v2  }
0x1e0: {  	vm2 =	veq.s32 v13, v14;
	v15 =	vnsel vm4, $0x0, v10;
	v8 =	vmul.f32 v2, v2;
	v2 =	vld.idx.msk [tilespmem:v4+s23+$0x0], $0xffff  }
0x1e1: {  	v10 =	vadd.f32 v17, v5;
	v11 =	vadd.s32 $0xFFFF3C80, v19;
	v15 =	vmul.f32 v15, v15;
	v5 =	vld [tilespmem:s1+$0x20]  }
0x1e2: {  	v16 =	vadd.f32 v20, v3;
	vm4 =	vgt.s32 v11, $0x0;
	v13 =	vadd.s32 $0xFFFF3C80, v21;
	v3 =	vld.idx.msk [tilespmem:v22+s23+$0x0], $0xffff  }
0x1e3: {  	_ =	sdelay $0x3  }
0x1e4: {  	v14 =	vld.idx.msk [tilespmem:v14+s23+$0x0], $0xffff  }
0x1e5: {  	vm3 =	vgt.s32 v13, $0x0;
	v17 =	vld [tilespmem:s20+$0x10]  }
0x1e6: {  	v12 =	vadd.s32 $0xFFFF3C80, v12;
	vm5 =	veq.s32 v1, v4;
	v1 =	vnsel vm4, $0x0, v11;
	v18 =	vld [tilespmem:s31+$0x30]  }
0x1e7: {  	v6 =	vsub.f32 v6, v7;
	v7 =	vld [tilespmem:s20+$0x0];
	v8 =	vadd.f32 v8, v10;
	v4 =	vnsel vm3, $0x0, v13  }
0x1e8: {  	v52 =	vld [tilespmem:s20+$0x20];
	v1 =	vmin.u32 v1, $0xC31F;
	v9 =	vadd.s32 $0xFFFF3C80, v9;
	v15 =	vadd.f32 v15, v16  }
0x1e9: {  	s1 =	sadd.s32 $0x100, s1;
	v19 =	vld [tilespmem:s20+$0x30];
	vm13 =	vgt.s32 v12, $0x0;
	v4 =	vmin.u32 v4, $0xC31F;
	vm6 =	vgt.s32 v9, $0x0  }
0x1ea: {  	v53 =	vld [tilespmem:s1+$0xFFFFFFD0];
	vm3 =	veq.s32 v11, v1;
	v6 =	vnsel vm1, $0x0, v6;
	v55 =	vnsel vm13, $0x0, v12  }
0x1eb: {  	v20 =	vld [tilespmem:s1+$0xFFFFFFC0];
	v0 =	vsub.f32 v0, v2;
	vm4 =	veq.s32 v13, v4;
	v54 =	vnsel vm6, $0x0, v9  }
0x1ec: {  	v58 =	vld [tilespmem:s1+$0x10];
	v6 =	vmul.f32 v6, v6;
	v10 =	vmin.u32 v55, $0xC31F;
	v13 =	vmin.u32 v54, $0xC31F  }
0x1ed: {  	v21 =	vld [tilespmem:s1+$0xFFFFFFE0];
	vm14 =	veq.s32 v12, v10;
	v5 =	vsub.f32 v5, v14;
	v7 =	vadd.s32 $0xFFFF3C80, v7  }
0x1ee: {  	v59 =	vld [tilespmem:s1+$0x0];
	v56 =	vadd.s32 $0xFFFF3C80, v17;
	vm15 =	veq.s32 v9, v13;
	v19 =	vadd.s32 $0xFFFF3C80, v19  }
0x1ef: {  	v62 =	vld [tilespmem:s1+$0x20];
	v16 =	vadd.s32 $0xFFFF3C80, v52;
	v6 =	vadd.f32 v6, v8;
	vm7 =	vgt.s32 v7, $0x0  }
0x1f0: {  	v8 =	vld [tilespmem:s1+$0xFFFFFFF0];
	vm9 =	vgt.s32 v56, $0x0;
	vm10 =	vgt.s32 v19, $0x0;
	v57 =	vnsel vm7, $0x0, v7  }
0x1f1: {  	v1 =	vld.idx.msk [tilespmem:v1+s23+$0x0], $0xffff;
	vm11 =	vgt.s32 v16, $0x0;
	v17 =	vnsel vm9, $0x0, v56;
	v9 =	vmin.u32 v57, $0xC31F  }
0x1f2: {  	v4 =	vld.idx.msk [tilespmem:v4+s23+$0x0], $0xffff;
	v2 =	vnsel vm10, $0x0, v19;
	v5 =	vnsel vm2, $0x0, v5;
	v17 =	vmin.u32 v17, $0xC31F  }
0x1f3: {  	v22 =	vnsel vm11, $0x0, v16;
	v10 =	vld.idx.msk [tilespmem:v10+s23+$0x0], $0xffff;
	v2 =	vmin.u32 v2, $0xC31F;
	v5 =	vmul.f32 v5, v5  }
0x1f4: {  	v0 =	vnsel vm5, $0x0, v0;
	v22 =	vmin.u32 v22, $0xC31F;
	v13 =	vld.idx.msk [tilespmem:v13+s23+$0x0], $0xffff  }
0x1f5: {  	v3 =	vsub.f32 v18, v3;
	v0 =	vmul.f32 v0, v0;
	v5 =	vadd.f32 v5, v6;
	v6 =	vld [tilespmem:s1+$0x30]  }
0x1f6: {  	vm12 =	veq.s32 v7, v9;
	v1 =	vsub.f32 v20, v1;
	v7 =	vld.idx.msk [tilespmem:v9+s23+$0x0], $0xffff  }
0x1f7: {  	v3 =	vnsel vm0, $0x0, v3;
	v0 =	vadd.f32 v0, v15;
	v4 =	vsub.f32 v53, v4;
	v61 =	vld.idx.msk [tilespmem:v17+s23+$0x0], $0xffff  }
0x1f8: {  	v3 =	vmul.f32 v3, v3;
	vm13 =	veq.s32 v19, v2;
	v1 =	vnsel vm3, $0x0, v1;
	v63 =	vld.idx.msk [tilespmem:v2+s23+$0x0], $0xffff  }
0x1f9: {  	v8 =	vsub.f32 v8, v10;
	v2 =	vld.idx.msk [tilespmem:v22+s23+$0x0], $0xffff;
	v60 =	vsub.f32 v21, v13;
	v4 =	vnsel vm4, $0x0, v4  }
0x1fa: {  	v0 =	vadd.f32 v3, v0;
	v1 =	vmul.f32 v1, v1;
	v4 =	vmul.f32 v4, v4  }
0x1fb: {  	v3 =	vnsel vm14, $0x0, v8;
	vm14 =	veq.s32 v56, v17;
	v9 =	vnsel vm15, $0x0, v60  }
0x1fc: {  	v1 =	vadd.f32 v1, v5;
	v3 =	vmul.f32 v3, v3;
	v7 =	vsub.f32 v59, v7  }
0x1fd: {  	v8 =	vmul.f32 v9, v9;
	v0 =	vadd.f32 v4, v0;
	v5 =	vsub.f32 v58, v61  }
0x1fe: {  	v2 =	vsub.f32 v62, v2;
	v6 =	vsub.f32 v6, v63;
	v4 =	vnsel vm12, $0x0, v7  }
0x1ff: {  	v1 =	vadd.f32 v8, v1;
	v5 =	vnsel vm14, $0x0, v5;
	v4 =	vmul.f32 v4, v4  }
0x200: {  	vm15 =	veq.s32 v16, v22;
	v0 =	vadd.f32 v3, v0;
	v3 =	vmul.f32 v5, v5  }
0x201: {  	v2 =	vnsel vm15, $0x0, v2;
	v1 =	vadd.f32 v4, v1;
	v4 =	vnsel vm13, $0x0, v6  }
0x202: {  	v2 =	vmul.f32 v2, v2;
	v0 =	vadd.f32 v3, v0;
	v4 =	vmul.f32 v4, v4  }
0x203: {  	s20 =	simm.s32 $0x80  }
0x204: {  	s4 =	sadd.s32 $0x0, s9;
	s24 =	simm.s32 $0x18800;
	s1 =	simm.s32 $0x18700;
	v6 =	vadd.f32 v2, v1;
	v3 =	vadd.f32 v4, v0  }
.LBB2_24:
0x205: {  	[tilespmem:s1], [sflag:$0x4] =	stream.linear.gather [hbm4b:s4+s3], $0x80, $0x38;
	[tilespmem:$0x1E780] =	vst v63  }
0x206: {  	s4 =	smov.u32 s20;
	s1 =	smov.u32 s24;
	p0 =	sne.s32 s20, $0xF80  }
.Ltmp13:
0x207: {  	s20 =	sadd.s32 $0x80, s20;
	(pc) =	sbr.rel @p0 .LBB2_24-.Ltmp13, $2  }
0x208: {  	_ =	sdelay $0x2  }
0x209: {  	s24 =	sadd.s32 $0x100, s24;
	s4 =	sadd.s32 s4, s9  }
0x20a: {  	[tilespmem:s1], [sflag:$0x4] =	stream.linear.gather [hbm4b:s4+s3], $0x80, $0x38;
	[tilespmem:$0x1E780] =	vst v63  }
0x20b: {  	_ =	swait.ge [sflag:s29], $0x1000  }
0x20c: {  	[sflag:s29] =	ssyncset.done $0x0  }
0x20d: {  	s24 =	simm.s32 $0x1B770;
	[sflag:s29] =	ssyncadd.s32 $0xFFFFF000  }
0x20e: {  	v0 =	vld [tilespmem:s24+$0xFFFFFF90]  }
0x20f: {  	v1 =	vld [tilespmem:s24+$0xFFFFFFA0];
	_ =	sdelay $0x2  }
0x210: {  	v2 =	vld [tilespmem:s24+$0xFFFFFFC0]  }
0x211: {  	v4 =	vld [tilespmem:s24+$0xFFFFFFB0];
	v5 =	vadd.s32 $0xFFFF3C80, v0  }
0x212: {  	v7 =	vadd.s32 $0xFFFF3C80, v1;
	vm0 =	vgt.s32 v5, $0x0  }
0x213: {  	v8 =	vld [tilespmem:s24+$0xFFFFFFE0];
	vm1 =	vgt.s32 v7, $0x0;
	v0 =	vnsel vm0, $0x0, v5  }
0x214: {  	s1 =	simm.s32 $0x187F0;
	v11 =	vld [tilespmem:s24+$0xFFFFFFF0];
	v1 =	vnsel vm1, $0x0, v7;
	v9 =	vmin.u32 v0, $0xC31F  }
0x215: {  	v12 =	vld [tilespmem:s1+$0xFFFFFFA0];
	v2 =	vadd.s32 $0xFFFF3C80, v2;
	v10 =	vmin.u32 v1, $0xC31F  }
0x216: {  	v4 =	vadd.s32 $0xFFFF3C80, v4;
	vm0 =	vgt.s32 v2, $0x0;
	v0 =	vld [tilespmem:s24+$0xFFFFFFD0]  }
0x217: {  	v13 =	vld [tilespmem:s1+$0xFFFFFF90];
	vm1 =	vgt.s32 v4, $0x0;
	v1 =	vnsel vm0, $0x0, v2  }
0x218: {  	v19 =	vld [tilespmem:s24+$0x0];
	v14 =	vnsel vm1, $0x0, v4;
	v15 =	vmin.u32 v1, $0xC31F  }
0x219: {  	v14 =	vmin.u32 v14, $0xC31F;
	v16 =	vld.idx.msk [tilespmem:v9+s23+$0x0], $0xffff  }
0x21a: {  	v17 =	vld.idx.msk [tilespmem:v10+s23+$0x0], $0xffff  }
0x21b: {  	v11 =	vadd.s32 $0xFFFF3C80, v11;
	v18 =	vadd.s32 $0xFFFF3C80, v0;
	v0 =	vld [tilespmem:s1+$0xFFFFFFE0]  }
0x21c: {  	v1 =	vadd.s32 $0xFFFF3C80, v8;
	vm2 =	veq.s32 v7, v10;
	v10 =	vld [tilespmem:s1+$0xFFFFFFB0];
	vm0 =	vgt.s32 v18, $0x0  }
0x21d: {  	vm1 =	vgt.s32 v1, $0x0;
	vm3 =	veq.s32 v2, v15;
	v8 =	vld.idx.msk [tilespmem:v15+s23+$0x0], $0xffff;
	v20 =	vnsel vm0, $0x0, v18  }
0x21e: {  	v2 =	vnsel vm1, $0x0, v1;
	vm0 =	veq.s32 v5, v9;
	v9 =	vld.idx.msk [tilespmem:v14+s23+$0x0], $0xffff;
	v20 =	vmin.u32 v20, $0xC31F  }
0x21f: {  	vm4 =	veq.s32 v4, v14;
	v4 =	vmin.u32 v2, $0xC31F;
	v5 =	vld [tilespmem:s1+$0xFFFFFFD0];
	v2 =	vsub.f32 v13, v16  }
0x220: {  	s20 =	simm.s32 $0x1B7F0;
	vm5 =	vgt.s32 v11, $0x0;
	v15 =	vadd.s32 $0xFFFF3C80, v19;
	v13 =	vld [tilespmem:s1+$0xFFFFFFC0];
	v12 =	vsub.f32 v12, v17  }
0x221: {  	vm1 =	veq.s32 v18, v20;
	v16 =	vld [tilespmem:s20+$0xFFFFFF90];
	v2 =	vnsel vm0, $0x0, v2;
	vm0 =	vgt.s32 v15, $0x0  }
0x222: {  	v18 =	vld [tilespmem:s20+$0xFFFFFFA0];
	v12 =	vnsel vm2, $0x0, v12;
	v14 =	vnsel vm0, $0x0, v15;
	v17 =	vmul.f32 v2, v2  }
0x223: {  	v7 =	vld.idx.msk [tilespmem:v20+s23+$0x0], $0xffff;
	v2 =	vsub.f32 v10, v9;
	v9 =	vnsel vm5, $0x0, v11;
	v19 =	vmin.u32 v14, $0xC31F  }
0x224: {  	v63 =	vmul.f32 v12, v12;
	v12 =	vld [tilespmem:s20+$0xFFFFFFC0];
	v14 =	vmin.u32 v9, $0xC31F  }
0x225: {  	v9 =	vld [tilespmem:s20+$0xFFFFFFB0];
	v8 =	vsub.f32 v13, v8;
	vm0 =	veq.s32 v15, v19;
	v2 =	vnsel vm4, $0x0, v2  }
0x226: {  	vm2 =	veq.s32 v11, v14;
	v11 =	vadd.s32 $0xFFFF3C80, v16;
	v10 =	vadd.f32 v17, v6;
	v6 =	vld [tilespmem:s1+$0xFFFFFFF0]  }
0x227: {  	v16 =	vadd.f32 v63, v3;
	v13 =	vnsel vm3, $0x0, v8;
	v8 =	vmul.f32 v2, v2;
	v2 =	vld.idx.msk [tilespmem:v4+s23+$0x0], $0xffff  }
0x228: {  	s31 =	simm.s32 $0x187F0;
	s24 =	simm.s32 $0x4;
	vm4 =	vgt.s32 v11, $0x0;
	v15 =	vmul.f32 v13, v13;
	v13 =	vadd.s32 $0xFFFF3C80, v18;
	v3 =	vld.idx.msk [tilespmem:v19+s23+$0x0], $0xffff  }
.LBB2_26:
0x229: {  	s24 =	sadd.s32 $0x4, s24;
	vm5 =	vgt.s32 v13, $0x0;
	v12 =	vadd.s32 $0xFFFF3C80, v12;
	vm3 =	veq.s32 v1, v4;
	v1 =	vld.idx.msk [tilespmem:v14+s23+$0x0], $0xffff;
	s1 =	sadd.s32 $0x100, s1  }
0x22a: {  	v4 =	vnsel vm4, $0x0, v11;
	v5 =	vsub.f32 v5, v7;
	p0 =	slt.u32 s24, $0x7C;
	v14 =	vnsel vm5, $0x0, v13;
	v17 =	vld [tilespmem:s20+$0xFFFFFFE0]  }
0x22b: {  	v4 =	vmin.u32 v4, $0xC31F;
	v7 =	vmin.u32 v14, $0xC31F;
	v14 =	vadd.f32 v15, v16;
	v15 =	vld [tilespmem:s31+$0x0];
	s31 =	smov.u32 s1  }
0x22c: {  	vm7 =	veq.s32 v11, v4;
	v5 =	vnsel vm1, $0x0, v5;
	vm5 =	veq.s32 v13, v7;
	v11 =	vld [tilespmem:s20+$0xFFFFFFD0]  }
0x22d: {  	v8 =	vadd.f32 v8, v10;
	v9 =	vadd.s32 $0xFFFF3C80, v9;
	vm1 =	vgt.s32 v12, $0x0;
	v13 =	vld [tilespmem:s20+$0xFFFFFFF0]  }
0x22e: {  	vm4 =	vgt.s32 v9, $0x0;
	v16 =	vnsel vm1, $0x0, v12;
	v5 =	vmul.f32 v5, v5;
	v10 =	vld [tilespmem:s1+$0xFFFFFFA0]  }
0x22f: {  	v19 =	vnsel vm4, $0x0, v9;
	v16 =	vmin.u32 v16, $0xC31F;
	v6 =	vsub.f32 v6, v1;
	v18 =	vld [tilespmem:s1+$0xFFFFFF90]  }
0x230: {  	v19 =	vmin.u32 v19, $0xC31F;
	vm4 =	veq.s32 v12, v16;
	v1 =	vadd.s32 $0xFFFF3C80, v17;
	v20 =	vld.idx.msk [tilespmem:v4+s23+$0x0], $0xffff  }
0x231: {  	vm6 =	veq.s32 v9, v19;
	v6 =	vnsel vm2, $0x0, v6;
	v7 =	vld.idx.msk [tilespmem:v7+s23+$0x0], $0xffff;
	v9 =	vadd.s32 $0xFFFF3C80, v11  }
0x232: {  	v8 =	vadd.f32 v5, v8;
	vm2 =	vgt.s32 v1, $0x0;
	vm1 =	vgt.s32 v9, $0x0;
	v11 =	vld [tilespmem:s20+$0x0]  }
0x233: {  	v3 =	vsub.f32 v15, v3;
	v5 =	vnsel vm2, $0x0, v1;
	v4 =	vnsel vm1, $0x0, v9;
	v12 =	vld [tilespmem:s1+$0xFFFFFFE0]  }
0x234: {  	v0 =	vsub.f32 v0, v2;
	v15 =	vld.idx.msk [tilespmem:v16+s23+$0x0], $0xffff;
	v16 =	vmin.u32 v4, $0xC31F;
	v4 =	vmin.u32 v5, $0xC31F  }
0x235: {  	v13 =	vadd.s32 $0xFFFF3C80, v13;
	v3 =	vnsel vm0, $0x0, v3;
	v2 =	vld.idx.msk [tilespmem:v19+s23+$0x0], $0xffff;
	vm1 =	veq.s32 v9, v16  }
0x236: {  	v6 =	vmul.f32 v6, v6;
	vm0 =	vgt.s32 v13, $0x0;
	v5 =	vsub.f32 v18, v20;
	v9 =	vld [tilespmem:s1+$0xFFFFFFB0]  }
0x237: {  	v19 =	vnsel vm3, $0x0, v0;
	v7 =	vsub.f32 v10, v7;
	v10 =	vld [tilespmem:s1+$0xFFFFFFC0];
	v11 =	vadd.s32 $0xFFFF3C80, v11  }
0x238: {  	v18 =	vmul.f32 v19, v19;
	v17 =	vnsel vm7, $0x0, v5;
	v5 =	vld [tilespmem:s1+$0xFFFFFFD0];
	vm2 =	vgt.s32 v11, $0x0;
	v0 =	vmovc v12  }
0x239: {  	s20 =	sadd.s32 $0x80, s20;
	v12 =	vnsel vm5, $0x0, v7;
	v17 =	vmul.f32 v17, v17;
	v7 =	vld.idx.msk [tilespmem:v16+s23+$0x0], $0xffff;
	v16 =	vnsel vm0, $0x0, v13  }
0x23a: {  	v3 =	vmul.f32 v3, v3;
	v20 =	vmul.f32 v12, v12;
	v12 =	vnsel vm2, $0x0, v11;
	v19 =	vld [tilespmem:s20+$0xFFFFFF90]  }
0x23b: {  	v18 =	vadd.f32 v18, v14;
	v22 =	vmin.u32 v12, $0xC31F;
	v21 =	vld [tilespmem:s20+$0xFFFFFFA0];
	v2 =	vsub.f32 v9, v2  }
.Ltmp14:
0x23c: {  	v14 =	vmin.u32 v16, $0xC31F;
	vm0 =	veq.s32 v11, v22;
	v12 =	vld [tilespmem:s20+$0xFFFFFFC0];
	v10 =	vsub.f32 v10, v15;
	(pc) =	sbr.rel @p0 .LBB2_26-.Ltmp14, $4  }
0x23d: {  	v6 =	vadd.f32 v6, v8;
	v3 =	vadd.f32 v3, v18;
	v9 =	vld [tilespmem:s20+$0xFFFFFFB0];
	v2 =	vnsel vm6, $0x0, v2  }
0x23e: {  	vm2 =	veq.s32 v13, v14;
	v15 =	vnsel vm4, $0x0, v10;
	v8 =	vmul.f32 v2, v2;
	v2 =	vld.idx.msk [tilespmem:v4+s23+$0x0], $0xffff  }
0x23f: {  	v10 =	vadd.f32 v17, v6;
	v11 =	vadd.s32 $0xFFFF3C80, v19;
	v15 =	vmul.f32 v15, v15;
	v6 =	vld [tilespmem:s1+$0xFFFFFFF0]  }
0x240: {  	v16 =	vadd.f32 v20, v3;
	vm4 =	vgt.s32 v11, $0x0;
	v13 =	vadd.s32 $0xFFFF3C80, v21;
	v3 =	vld.idx.msk [tilespmem:v22+s23+$0x0], $0xffff  }
0x241: {  	_ =	sdelay $0x3  }
0x242: {  	v14 =	vld.idx.msk [tilespmem:v14+s23+$0x0], $0xffff  }
0x243: {  	vm3 =	vgt.s32 v13, $0x0;
	v17 =	vld [tilespmem:s20+$0xFFFFFFE0]  }
0x244: {  	v12 =	vadd.s32 $0xFFFF3C80, v12;
	vm5 =	veq.s32 v1, v4;
	v1 =	vnsel vm4, $0x0, v11;
	v18 =	vld [tilespmem:s31+$0x0]  }
0x245: {  	v5 =	vsub.f32 v5, v7;
	v7 =	vld [tilespmem:s20+$0xFFFFFFD0];
	v8 =	vadd.f32 v8, v10;
	v4 =	vnsel vm3, $0x0, v13  }
0x246: {  	v52 =	vld [tilespmem:s20+$0xFFFFFFF0];
	v1 =	vmin.u32 v1, $0xC31F;
	v9 =	vadd.s32 $0xFFFF3C80, v9;
	v15 =	vadd.f32 v15, v16  }
0x247: {  	s1 =	sadd.s32 $0x100, s1;
	v19 =	vld [tilespmem:s20+$0x0];
	vm13 =	vgt.s32 v12, $0x0;
	v4 =	vmin.u32 v4, $0xC31F;
	vm6 =	vgt.s32 v9, $0x0  }
0x248: {  	v53 =	vld [tilespmem:s1+$0xFFFFFFA0];
	vm3 =	veq.s32 v11, v1;
	v5 =	vnsel vm1, $0x0, v5;
	v55 =	vnsel vm13, $0x0, v12  }
0x249: {  	v20 =	vld [tilespmem:s1+$0xFFFFFF90];
	v0 =	vsub.f32 v0, v2;
	vm4 =	veq.s32 v13, v4;
	v54 =	vnsel vm6, $0x0, v9  }
0x24a: {  	v58 =	vld [tilespmem:s1+$0xFFFFFFE0];
	v5 =	vmul.f32 v5, v5;
	v10 =	vmin.u32 v55, $0xC31F;
	v13 =	vmin.u32 v54, $0xC31F  }
0x24b: {  	v21 =	vld [tilespmem:s1+$0xFFFFFFB0];
	vm14 =	veq.s32 v12, v10;
	v6 =	vsub.f32 v6, v14;
	v7 =	vadd.s32 $0xFFFF3C80, v7  }
0x24c: {  	v59 =	vld [tilespmem:s1+$0xFFFFFFD0];
	v56 =	vadd.s32 $0xFFFF3C80, v17;
	vm15 =	veq.s32 v9, v13;
	v19 =	vadd.s32 $0xFFFF3C80, v19  }
0x24d: {  	v62 =	vld [tilespmem:s1+$0xFFFFFFF0];
	v16 =	vadd.s32 $0xFFFF3C80, v52;
	v5 =	vadd.f32 v5, v8;
	vm7 =	vgt.s32 v7, $0x0  }
0x24e: {  	v8 =	vld [tilespmem:s1+$0xFFFFFFC0];
	vm9 =	vgt.s32 v56, $0x0;
	vm10 =	vgt.s32 v19, $0x0;
	v57 =	vnsel vm7, $0x0, v7  }
0x24f: {  	v1 =	vld.idx.msk [tilespmem:v1+s23+$0x0], $0xffff;
	vm11 =	vgt.s32 v16, $0x0;
	v17 =	vnsel vm9, $0x0, v56;
	v9 =	vmin.u32 v57, $0xC31F  }
0x250: {  	v4 =	vld.idx.msk [tilespmem:v4+s23+$0x0], $0xffff;
	v2 =	vnsel vm10, $0x0, v19;
	v6 =	vnsel vm2, $0x0, v6;
	v17 =	vmin.u32 v17, $0xC31F  }
0x251: {  	v22 =	vnsel vm11, $0x0, v16;
	v10 =	vld.idx.msk [tilespmem:v10+s23+$0x0], $0xffff;
	v2 =	vmin.u32 v2, $0xC31F;
	v6 =	vmul.f32 v6, v6  }
0x252: {  	v0 =	vnsel vm5, $0x0, v0;
	v22 =	vmin.u32 v22, $0xC31F;
	v13 =	vld.idx.msk [tilespmem:v13+s23+$0x0], $0xffff  }
0x253: {  	v3 =	vsub.f32 v18, v3;
	v0 =	vmul.f32 v0, v0;
	v5 =	vadd.f32 v6, v5;
	v6 =	vld [tilespmem:s1+$0x0]  }
0x254: {  	vm12 =	veq.s32 v7, v9;
	v1 =	vsub.f32 v20, v1;
	v7 =	vld.idx.msk [tilespmem:v9+s23+$0x0], $0xffff  }
0x255: {  	v3 =	vnsel vm0, $0x0, v3;
	v0 =	vadd.f32 v0, v15;
	v4 =	vsub.f32 v53, v4;
	v61 =	vld.idx.msk [tilespmem:v17+s23+$0x0], $0xffff  }
0x256: {  	v3 =	vmul.f32 v3, v3;
	vm13 =	veq.s32 v19, v2;
	v1 =	vnsel vm3, $0x0, v1;
	v63 =	vld.idx.msk [tilespmem:v2+s23+$0x0], $0xffff  }
0x257: {  	v8 =	vsub.f32 v8, v10;
	v2 =	vld.idx.msk [tilespmem:v22+s23+$0x0], $0xffff;
	v60 =	vsub.f32 v21, v13;
	v4 =	vnsel vm4, $0x0, v4  }
0x258: {  	v0 =	vadd.f32 v3, v0;
	v1 =	vmul.f32 v1, v1;
	v4 =	vmul.f32 v4, v4  }
0x259: {  	v3 =	vnsel vm14, $0x0, v8;
	vm14 =	veq.s32 v56, v17;
	v9 =	vnsel vm15, $0x0, v60  }
0x25a: {  	v1 =	vadd.f32 v1, v5;
	v3 =	vmul.f32 v3, v3;
	v7 =	vsub.f32 v59, v7  }
0x25b: {  	v8 =	vmul.f32 v9, v9;
	v0 =	vadd.f32 v4, v0;
	v5 =	vsub.f32 v58, v61  }
0x25c: {  	v2 =	vsub.f32 v62, v2;
	v6 =	vsub.f32 v6, v63;
	v4 =	vnsel vm12, $0x0, v7  }
0x25d: {  	v1 =	vadd.f32 v8, v1;
	v5 =	vnsel vm14, $0x0, v5;
	v4 =	vmul.f32 v4, v4  }
0x25e: {  	vm15 =	veq.s32 v16, v22;
	v0 =	vadd.f32 v3, v0;
	v3 =	vmul.f32 v5, v5  }
0x25f: {  	v2 =	vnsel vm15, $0x0, v2;
	v1 =	vadd.f32 v4, v1;
	v4 =	vnsel vm13, $0x0, v6  }
0x260: {  	v2 =	vmul.f32 v2, v2;
	v0 =	vadd.f32 v3, v0;
	v4 =	vmul.f32 v4, v4  }
0x261: {  	s20 =	simm.s32 $0x80  }
0x262: {  	s4 =	sadd.s32 $0x0, s10;
	s24 =	simm.s32 $0x18880;
	s1 =	simm.s32 $0x18780;
	v6 =	vadd.f32 v2, v1;
	v3 =	vadd.f32 v4, v0  }
.LBB2_28:
0x263: {  	[tilespmem:s1], [sflag:$0x5] =	stream.linear.gather [hbm4b:s4+s3], $0x80, $0x38;
	[tilespmem:$0x1E780] =	vst v63  }
0x264: {  	s4 =	smov.u32 s20;
	s1 =	smov.u32 s24;
	p0 =	sne.s32 s20, $0xF80  }
.Ltmp15:
0x265: {  	s20 =	sadd.s32 $0x80, s20;
	(pc) =	sbr.rel @p0 .LBB2_28-.Ltmp15, $2  }
0x266: {  	_ =	sdelay $0x2  }
0x267: {  	s24 =	sadd.s32 $0x100, s24;
	s4 =	sadd.s32 s4, s10  }
0x268: {  	[tilespmem:s1], [sflag:$0x5] =	stream.linear.gather [hbm4b:s4+s3], $0x80, $0x38;
	[tilespmem:$0x1E780] =	vst v63  }
0x269: {  	_ =	swait.ge [sflag:s28], $0x1000  }
0x26a: {  	[sflag:s28] =	ssyncset.done $0x0  }
0x26b: {  	s24 =	simm.s32 $0x1C770;
	[sflag:s28] =	ssyncadd.s32 $0xFFFFF000  }
0x26c: {  	v0 =	vld [tilespmem:s24+$0xFFFFFF90]  }
0x26d: {  	v1 =	vld [tilespmem:s24+$0xFFFFFFA0];
	_ =	sdelay $0x2  }
0x26e: {  	v2 =	vld [tilespmem:s24+$0xFFFFFFC0]  }
0x26f: {  	v4 =	vld [tilespmem:s24+$0xFFFFFFB0];
	v5 =	vadd.s32 $0xFFFF3C80, v0  }
0x270: {  	v7 =	vadd.s32 $0xFFFF3C80, v1;
	vm0 =	vgt.s32 v5, $0x0  }
0x271: {  	v8 =	vld [tilespmem:s24+$0xFFFFFFE0];
	vm1 =	vgt.s32 v7, $0x0;
	v0 =	vnsel vm0, $0x0, v5  }
0x272: {  	s1 =	simm.s32 $0x18740;
	v11 =	vld [tilespmem:s24+$0xFFFFFFF0];
	v1 =	vnsel vm1, $0x0, v7;
	v9 =	vmin.u32 v0, $0xC31F  }
0x273: {  	v12 =	vld [tilespmem:s1+$0xFFFFFFD0];
	v2 =	vadd.s32 $0xFFFF3C80, v2;
	v10 =	vmin.u32 v1, $0xC31F  }
0x274: {  	v4 =	vadd.s32 $0xFFFF3C80, v4;
	vm0 =	vgt.s32 v2, $0x0;
	v0 =	vld [tilespmem:s24+$0xFFFFFFD0]  }
0x275: {  	v13 =	vld [tilespmem:s1+$0xFFFFFFC0];
	vm1 =	vgt.s32 v4, $0x0;
	v1 =	vnsel vm0, $0x0, v2  }
0x276: {  	v19 =	vld [tilespmem:s24+$0x0];
	v14 =	vnsel vm1, $0x0, v4;
	v15 =	vmin.u32 v1, $0xC31F  }
0x277: {  	v14 =	vmin.u32 v14, $0xC31F;
	v16 =	vld.idx.msk [tilespmem:v9+s23+$0x0], $0xffff  }
0x278: {  	v17 =	vld.idx.msk [tilespmem:v10+s23+$0x0], $0xffff  }
0x279: {  	v11 =	vadd.s32 $0xFFFF3C80, v11;
	v18 =	vadd.s32 $0xFFFF3C80, v0;
	v0 =	vld [tilespmem:s1+$0x10]  }
0x27a: {  	v1 =	vadd.s32 $0xFFFF3C80, v8;
	vm2 =	veq.s32 v7, v10;
	v10 =	vld [tilespmem:s1+$0xFFFFFFE0];
	vm0 =	vgt.s32 v18, $0x0  }
0x27b: {  	vm1 =	vgt.s32 v1, $0x0;
	vm3 =	veq.s32 v2, v15;
	v8 =	vld.idx.msk [tilespmem:v15+s23+$0x0], $0xffff;
	v20 =	vnsel vm0, $0x0, v18  }
0x27c: {  	v2 =	vnsel vm1, $0x0, v1;
	vm0 =	veq.s32 v5, v9;
	v9 =	vld.idx.msk [tilespmem:v14+s23+$0x0], $0xffff;
	v20 =	vmin.u32 v20, $0xC31F  }
0x27d: {  	vm4 =	veq.s32 v4, v14;
	v4 =	vmin.u32 v2, $0xC31F;
	v5 =	vld [tilespmem:s1+$0x0];
	v2 =	vsub.f32 v13, v16  }
0x27e: {  	s20 =	simm.s32 $0x1C7F0;
	vm5 =	vgt.s32 v11, $0x0;
	v15 =	vadd.s32 $0xFFFF3C80, v19;
	v13 =	vld [tilespmem:s1+$0xFFFFFFF0];
	v12 =	vsub.f32 v12, v17  }
0x27f: {  	vm1 =	veq.s32 v18, v20;
	v16 =	vld [tilespmem:s20+$0xFFFFFF90];
	v2 =	vnsel vm0, $0x0, v2;
	vm0 =	vgt.s32 v15, $0x0  }
0x280: {  	v18 =	vld [tilespmem:s20+$0xFFFFFFA0];
	v12 =	vnsel vm2, $0x0, v12;
	v14 =	vnsel vm0, $0x0, v15;
	v17 =	vmul.f32 v2, v2  }
0x281: {  	v7 =	vld.idx.msk [tilespmem:v20+s23+$0x0], $0xffff;
	v2 =	vsub.f32 v10, v9;
	v9 =	vnsel vm5, $0x0, v11;
	v19 =	vmin.u32 v14, $0xC31F  }
0x282: {  	v63 =	vmul.f32 v12, v12;
	v12 =	vld [tilespmem:s20+$0xFFFFFFC0];
	v14 =	vmin.u32 v9, $0xC31F  }
0x283: {  	v9 =	vld [tilespmem:s20+$0xFFFFFFB0];
	v8 =	vsub.f32 v13, v8;
	vm0 =	veq.s32 v15, v19;
	v2 =	vnsel vm4, $0x0, v2  }
0x284: {  	vm2 =	veq.s32 v11, v14;
	v11 =	vadd.s32 $0xFFFF3C80, v16;
	v10 =	vadd.f32 v17, v6;
	v6 =	vld [tilespmem:s1+$0x20]  }
0x285: {  	v16 =	vadd.f32 v63, v3;
	v13 =	vnsel vm3, $0x0, v8;
	v8 =	vmul.f32 v2, v2;
	v2 =	vld.idx.msk [tilespmem:v4+s23+$0x0], $0xffff  }
0x286: {  	s31 =	simm.s32 $0x18740;
	s24 =	simm.s32 $0x4;
	vm4 =	vgt.s32 v11, $0x0;
	v15 =	vmul.f32 v13, v13;
	v13 =	vadd.s32 $0xFFFF3C80, v18;
	v3 =	vld.idx.msk [tilespmem:v19+s23+$0x0], $0xffff  }
.LBB2_30:
0x287: {  	s24 =	sadd.s32 $0x4, s24;
	vm5 =	vgt.s32 v13, $0x0;
	v12 =	vadd.s32 $0xFFFF3C80, v12;
	vm3 =	veq.s32 v1, v4;
	v1 =	vld.idx.msk [tilespmem:v14+s23+$0x0], $0xffff;
	s1 =	sadd.s32 $0x100, s1  }
0x288: {  	v4 =	vnsel vm4, $0x0, v11;
	v5 =	vsub.f32 v5, v7;
	p0 =	slt.u32 s24, $0x7C;
	v14 =	vnsel vm5, $0x0, v13;
	v17 =	vld [tilespmem:s20+$0xFFFFFFE0]  }
0x289: {  	v4 =	vmin.u32 v4, $0xC31F;
	v7 =	vmin.u32 v14, $0xC31F;
	v14 =	vadd.f32 v15, v16;
	v15 =	vld [tilespmem:s31+$0x30];
	s31 =	smov.u32 s1  }
0x28a: {  	vm7 =	veq.s32 v11, v4;
	v5 =	vnsel vm1, $0x0, v5;
	vm5 =	veq.s32 v13, v7;
	v11 =	vld [tilespmem:s20+$0xFFFFFFD0]  }
0x28b: {  	v8 =	vadd.f32 v8, v10;
	v9 =	vadd.s32 $0xFFFF3C80, v9;
	vm1 =	vgt.s32 v12, $0x0;
	v13 =	vld [tilespmem:s20+$0xFFFFFFF0]  }
0x28c: {  	vm4 =	vgt.s32 v9, $0x0;
	v16 =	vnsel vm1, $0x0, v12;
	v5 =	vmul.f32 v5, v5;
	v10 =	vld [tilespmem:s1+$0xFFFFFFD0]  }
0x28d: {  	v19 =	vnsel vm4, $0x0, v9;
	v16 =	vmin.u32 v16, $0xC31F;
	v6 =	vsub.f32 v6, v1;
	v18 =	vld [tilespmem:s1+$0xFFFFFFC0]  }
0x28e: {  	v19 =	vmin.u32 v19, $0xC31F;
	vm4 =	veq.s32 v12, v16;
	v1 =	vadd.s32 $0xFFFF3C80, v17;
	v20 =	vld.idx.msk [tilespmem:v4+s23+$0x0], $0xffff  }
0x28f: {  	vm6 =	veq.s32 v9, v19;
	v6 =	vnsel vm2, $0x0, v6;
	v7 =	vld.idx.msk [tilespmem:v7+s23+$0x0], $0xffff;
	v9 =	vadd.s32 $0xFFFF3C80, v11  }
0x290: {  	v8 =	vadd.f32 v5, v8;
	vm2 =	vgt.s32 v1, $0x0;
	vm1 =	vgt.s32 v9, $0x0;
	v11 =	vld [tilespmem:s20+$0x0]  }
0x291: {  	v3 =	vsub.f32 v15, v3;
	v5 =	vnsel vm2, $0x0, v1;
	v4 =	vnsel vm1, $0x0, v9;
	v12 =	vld [tilespmem:s1+$0x10]  }
0x292: {  	v0 =	vsub.f32 v0, v2;
	v15 =	vld.idx.msk [tilespmem:v16+s23+$0x0], $0xffff;
	v16 =	vmin.u32 v4, $0xC31F;
	v4 =	vmin.u32 v5, $0xC31F  }
0x293: {  	v13 =	vadd.s32 $0xFFFF3C80, v13;
	v3 =	vnsel vm0, $0x0, v3;
	v2 =	vld.idx.msk [tilespmem:v19+s23+$0x0], $0xffff;
	vm1 =	veq.s32 v9, v16  }
0x294: {  	v6 =	vmul.f32 v6, v6;
	vm0 =	vgt.s32 v13, $0x0;
	v5 =	vsub.f32 v18, v20;
	v9 =	vld [tilespmem:s1+$0xFFFFFFE0]  }
0x295: {  	v19 =	vnsel vm3, $0x0, v0;
	v7 =	vsub.f32 v10, v7;
	v10 =	vld [tilespmem:s1+$0xFFFFFFF0];
	v11 =	vadd.s32 $0xFFFF3C80, v11  }
0x296: {  	v18 =	vmul.f32 v19, v19;
	v17 =	vnsel vm7, $0x0, v5;
	v5 =	vld [tilespmem:s1+$0x0];
	vm2 =	vgt.s32 v11, $0x0;
	v0 =	vmovc v12  }
0x297: {  	s20 =	sadd.s32 $0x80, s20;
	v12 =	vnsel vm5, $0x0, v7;
	v17 =	vmul.f32 v17, v17;
	v7 =	vld.idx.msk [tilespmem:v16+s23+$0x0], $0xffff;
	v16 =	vnsel vm0, $0x0, v13  }
0x298: {  	v3 =	vmul.f32 v3, v3;
	v20 =	vmul.f32 v12, v12;
	v12 =	vnsel vm2, $0x0, v11;
	v19 =	vld [tilespmem:s20+$0xFFFFFF90]  }
0x299: {  	v18 =	vadd.f32 v18, v14;
	v22 =	vmin.u32 v12, $0xC31F;
	v21 =	vld [tilespmem:s20+$0xFFFFFFA0];
	v2 =	vsub.f32 v9, v2  }
.Ltmp16:
0x29a: {  	v14 =	vmin.u32 v16, $0xC31F;
	vm0 =	veq.s32 v11, v22;
	v12 =	vld [tilespmem:s20+$0xFFFFFFC0];
	v10 =	vsub.f32 v10, v15;
	(pc) =	sbr.rel @p0 .LBB2_30-.Ltmp16, $4  }
0x29b: {  	v6 =	vadd.f32 v6, v8;
	v3 =	vadd.f32 v3, v18;
	v9 =	vld [tilespmem:s20+$0xFFFFFFB0];
	v2 =	vnsel vm6, $0x0, v2  }
0x29c: {  	vm2 =	veq.s32 v13, v14;
	v15 =	vnsel vm4, $0x0, v10;
	v8 =	vmul.f32 v2, v2;
	v2 =	vld.idx.msk [tilespmem:v4+s23+$0x0], $0xffff  }
0x29d: {  	v10 =	vadd.f32 v17, v6;
	v11 =	vadd.s32 $0xFFFF3C80, v19;
	v15 =	vmul.f32 v15, v15;
	v6 =	vld [tilespmem:s1+$0x20]  }
0x29e: {  	v16 =	vadd.f32 v20, v3;
	vm4 =	vgt.s32 v11, $0x0;
	v13 =	vadd.s32 $0xFFFF3C80, v21;
	v3 =	vld.idx.msk [tilespmem:v22+s23+$0x0], $0xffff  }
0x29f: {  	_ =	sdelay $0x3  }
0x2a0: {  	v14 =	vld.idx.msk [tilespmem:v14+s23+$0x0], $0xffff  }
0x2a1: {  	vm3 =	vgt.s32 v13, $0x0;
	v17 =	vld [tilespmem:s20+$0xFFFFFFE0]  }
0x2a2: {  	v12 =	vadd.s32 $0xFFFF3C80, v12;
	vm5 =	veq.s32 v1, v4;
	v1 =	vnsel vm4, $0x0, v11;
	v18 =	vld [tilespmem:s31+$0x30]  }
0x2a3: {  	v5 =	vsub.f32 v5, v7;
	v7 =	vld [tilespmem:s20+$0xFFFFFFD0];
	v8 =	vadd.f32 v8, v10;
	v4 =	vnsel vm3, $0x0, v13  }
0x2a4: {  	v52 =	vld [tilespmem:s20+$0xFFFFFFF0];
	v1 =	vmin.u32 v1, $0xC31F;
	v9 =	vadd.s32 $0xFFFF3C80, v9;
	v15 =	vadd.f32 v15, v16  }
0x2a5: {  	s1 =	sadd.s32 $0x100, s1;
	v19 =	vld [tilespmem:s20+$0x0];
	vm13 =	vgt.s32 v12, $0x0;
	v4 =	vmin.u32 v4, $0xC31F;
	vm6 =	vgt.s32 v9, $0x0  }
0x2a6: {  	v53 =	vld [tilespmem:s1+$0xFFFFFFD0];
	vm3 =	veq.s32 v11, v1;
	v5 =	vnsel vm1, $0x0, v5;
	v55 =	vnsel vm13, $0x0, v12  }
0x2a7: {  	v20 =	vld [tilespmem:s1+$0xFFFFFFC0];
	v0 =	vsub.f32 v0, v2;
	vm4 =	veq.s32 v13, v4;
	v54 =	vnsel vm6, $0x0, v9  }
0x2a8: {  	v58 =	vld [tilespmem:s1+$0x10];
	v5 =	vmul.f32 v5, v5;
	v10 =	vmin.u32 v55, $0xC31F;
	v13 =	vmin.u32 v54, $0xC31F  }
0x2a9: {  	v21 =	vld [tilespmem:s1+$0xFFFFFFE0];
	vm14 =	veq.s32 v12, v10;
	v6 =	vsub.f32 v6, v14;
	v7 =	vadd.s32 $0xFFFF3C80, v7  }
0x2aa: {  	v59 =	vld [tilespmem:s1+$0x0];
	v56 =	vadd.s32 $0xFFFF3C80, v17;
	vm15 =	veq.s32 v9, v13;
	v19 =	vadd.s32 $0xFFFF3C80, v19  }
0x2ab: {  	v62 =	vld [tilespmem:s1+$0x20];
	v16 =	vadd.s32 $0xFFFF3C80, v52;
	v5 =	vadd.f32 v5, v8;
	vm7 =	vgt.s32 v7, $0x0  }
0x2ac: {  	v8 =	vld [tilespmem:s1+$0xFFFFFFF0];
	vm9 =	vgt.s32 v56, $0x0;
	vm10 =	vgt.s32 v19, $0x0;
	v57 =	vnsel vm7, $0x0, v7  }
0x2ad: {  	v1 =	vld.idx.msk [tilespmem:v1+s23+$0x0], $0xffff;
	vm11 =	vgt.s32 v16, $0x0;
	v17 =	vnsel vm9, $0x0, v56;
	v9 =	vmin.u32 v57, $0xC31F  }
0x2ae: {  	v4 =	vld.idx.msk [tilespmem:v4+s23+$0x0], $0xffff;
	v2 =	vnsel vm10, $0x0, v19;
	v6 =	vnsel vm2, $0x0, v6;
	v17 =	vmin.u32 v17, $0xC31F  }
0x2af: {  	v22 =	vnsel vm11, $0x0, v16;
	v10 =	vld.idx.msk [tilespmem:v10+s23+$0x0], $0xffff;
	v2 =	vmin.u32 v2, $0xC31F;
	v6 =	vmul.f32 v6, v6  }
0x2b0: {  	v0 =	vnsel vm5, $0x0, v0;
	v22 =	vmin.u32 v22, $0xC31F;
	v13 =	vld.idx.msk [tilespmem:v13+s23+$0x0], $0xffff  }
0x2b1: {  	v3 =	vsub.f32 v18, v3;
	v0 =	vmul.f32 v0, v0;
	v5 =	vadd.f32 v6, v5;
	v6 =	vld [tilespmem:s1+$0x30]  }
0x2b2: {  	vm12 =	veq.s32 v7, v9;
	v1 =	vsub.f32 v20, v1;
	v7 =	vld.idx.msk [tilespmem:v9+s23+$0x0], $0xffff  }
0x2b3: {  	v3 =	vnsel vm0, $0x0, v3;
	v0 =	vadd.f32 v0, v15;
	v4 =	vsub.f32 v53, v4;
	v61 =	vld.idx.msk [tilespmem:v17+s23+$0x0], $0xffff  }
0x2b4: {  	v3 =	vmul.f32 v3, v3;
	vm13 =	veq.s32 v19, v2;
	v1 =	vnsel vm3, $0x0, v1;
	v63 =	vld.idx.msk [tilespmem:v2+s23+$0x0], $0xffff  }
0x2b5: {  	v8 =	vsub.f32 v8, v10;
	v2 =	vld.idx.msk [tilespmem:v22+s23+$0x0], $0xffff;
	v60 =	vsub.f32 v21, v13;
	v4 =	vnsel vm4, $0x0, v4  }
0x2b6: {  	v0 =	vadd.f32 v3, v0;
	v1 =	vmul.f32 v1, v1;
	v4 =	vmul.f32 v4, v4  }
0x2b7: {  	v3 =	vnsel vm14, $0x0, v8;
	vm14 =	veq.s32 v56, v17;
	v9 =	vnsel vm15, $0x0, v60  }
0x2b8: {  	v1 =	vadd.f32 v1, v5;
	v3 =	vmul.f32 v3, v3;
	v7 =	vsub.f32 v59, v7  }
0x2b9: {  	v8 =	vmul.f32 v9, v9;
	v0 =	vadd.f32 v4, v0;
	v5 =	vsub.f32 v58, v61  }
0x2ba: {  	v2 =	vsub.f32 v62, v2;
	v6 =	vsub.f32 v6, v63;
	v4 =	vnsel vm12, $0x0, v7  }
0x2bb: {  	v1 =	vadd.f32 v8, v1;
	v5 =	vnsel vm14, $0x0, v5;
	v4 =	vmul.f32 v4, v4  }
0x2bc: {  	vm15 =	veq.s32 v16, v22;
	v0 =	vadd.f32 v3, v0;
	v3 =	vmul.f32 v5, v5  }
0x2bd: {  	v2 =	vnsel vm15, $0x0, v2;
	v1 =	vadd.f32 v4, v1;
	v4 =	vnsel vm13, $0x0, v6  }
0x2be: {  	v2 =	vmul.f32 v2, v2;
	v0 =	vadd.f32 v3, v0;
	v4 =	vmul.f32 v4, v4  }
0x2bf: {  	s20 =	simm.s32 $0x80  }
0x2c0: {  	s4 =	sadd.s32 $0x0, s12;
	s24 =	simm.s32 $0x18800;
	s1 =	simm.s32 $0x18700;
	v6 =	vadd.f32 v2, v1;
	v3 =	vadd.f32 v4, v0  }
.LBB2_32:
0x2c1: {  	[tilespmem:s1], [sflag:$0x4] =	stream.linear.gather [hbm4b:s4+s3], $0x80, $0x38;
	[tilespmem:$0x1E780] =	vst v63  }
0x2c2: {  	s4 =	smov.u32 s20;
	s1 =	smov.u32 s24;
	p0 =	sne.s32 s20, $0xF80  }
.Ltmp17:
0x2c3: {  	s20 =	sadd.s32 $0x80, s20;
	(pc) =	sbr.rel @p0 .LBB2_32-.Ltmp17, $2  }
0x2c4: {  	_ =	sdelay $0x2  }
0x2c5: {  	s24 =	sadd.s32 $0x100, s24;
	s4 =	sadd.s32 s4, s12  }
0x2c6: {  	[tilespmem:s1], [sflag:$0x4] =	stream.linear.gather [hbm4b:s4+s3], $0x80, $0x38;
	[tilespmem:$0x1E780] =	vst v63  }
0x2c7: {  	_ =	swait.ge [sflag:s29], $0x1000  }
0x2c8: {  	[sflag:s29] =	ssyncset.done $0x0  }
0x2c9: {  	s24 =	simm.s32 $0x1D770;
	[sflag:s29] =	ssyncadd.s32 $0xFFFFF000  }
0x2ca: {  	v0 =	vld [tilespmem:s24+$0xFFFFFF90]  }
0x2cb: {  	v1 =	vld [tilespmem:s24+$0xFFFFFFA0];
	_ =	sdelay $0x2  }
0x2cc: {  	v2 =	vld [tilespmem:s24+$0xFFFFFFC0]  }
0x2cd: {  	v4 =	vld [tilespmem:s24+$0xFFFFFFB0];
	v5 =	vadd.s32 $0xFFFF3C80, v0  }
0x2ce: {  	v7 =	vadd.s32 $0xFFFF3C80, v1;
	vm0 =	vgt.s32 v5, $0x0  }
0x2cf: {  	v8 =	vld [tilespmem:s24+$0xFFFFFFE0];
	vm1 =	vgt.s32 v7, $0x0;
	v0 =	vnsel vm0, $0x0, v5  }
0x2d0: {  	s1 =	simm.s32 $0x187F0;
	v11 =	vld [tilespmem:s24+$0xFFFFFFF0];
	v1 =	vnsel vm1, $0x0, v7;
	v9 =	vmin.u32 v0, $0xC31F  }
0x2d1: {  	v12 =	vld [tilespmem:s1+$0xFFFFFFA0];
	v2 =	vadd.s32 $0xFFFF3C80, v2;
	v10 =	vmin.u32 v1, $0xC31F  }
0x2d2: {  	v4 =	vadd.s32 $0xFFFF3C80, v4;
	vm0 =	vgt.s32 v2, $0x0;
	v0 =	vld [tilespmem:s24+$0xFFFFFFD0]  }
0x2d3: {  	v13 =	vld [tilespmem:s1+$0xFFFFFF90];
	vm1 =	vgt.s32 v4, $0x0;
	v1 =	vnsel vm0, $0x0, v2  }
0x2d4: {  	v19 =	vld [tilespmem:s24+$0x0];
	v14 =	vnsel vm1, $0x0, v4;
	v15 =	vmin.u32 v1, $0xC31F  }
0x2d5: {  	v14 =	vmin.u32 v14, $0xC31F;
	v16 =	vld.idx.msk [tilespmem:v9+s23+$0x0], $0xffff  }
0x2d6: {  	v17 =	vld.idx.msk [tilespmem:v10+s23+$0x0], $0xffff  }
0x2d7: {  	v11 =	vadd.s32 $0xFFFF3C80, v11;
	v18 =	vadd.s32 $0xFFFF3C80, v0;
	v0 =	vld [tilespmem:s1+$0xFFFFFFE0]  }
0x2d8: {  	v1 =	vadd.s32 $0xFFFF3C80, v8;
	vm2 =	veq.s32 v7, v10;
	v10 =	vld [tilespmem:s1+$0xFFFFFFB0];
	vm0 =	vgt.s32 v18, $0x0  }
0x2d9: {  	vm1 =	vgt.s32 v1, $0x0;
	vm3 =	veq.s32 v2, v15;
	v8 =	vld.idx.msk [tilespmem:v15+s23+$0x0], $0xffff;
	v20 =	vnsel vm0, $0x0, v18  }
0x2da: {  	v2 =	vnsel vm1, $0x0, v1;
	vm0 =	veq.s32 v5, v9;
	v9 =	vld.idx.msk [tilespmem:v14+s23+$0x0], $0xffff;
	v20 =	vmin.u32 v20, $0xC31F  }
0x2db: {  	vm4 =	veq.s32 v4, v14;
	v4 =	vmin.u32 v2, $0xC31F;
	v5 =	vld [tilespmem:s1+$0xFFFFFFD0];
	v2 =	vsub.f32 v13, v16  }
0x2dc: {  	s20 =	simm.s32 $0x1D7F0;
	vm5 =	vgt.s32 v11, $0x0;
	v15 =	vadd.s32 $0xFFFF3C80, v19;
	v13 =	vld [tilespmem:s1+$0xFFFFFFC0];
	v12 =	vsub.f32 v12, v17  }
0x2dd: {  	vm1 =	veq.s32 v18, v20;
	v16 =	vld [tilespmem:s20+$0xFFFFFF90];
	v2 =	vnsel vm0, $0x0, v2;
	vm0 =	vgt.s32 v15, $0x0  }
0x2de: {  	v18 =	vld [tilespmem:s20+$0xFFFFFFA0];
	v12 =	vnsel vm2, $0x0, v12;
	v14 =	vnsel vm0, $0x0, v15;
	v17 =	vmul.f32 v2, v2  }
0x2df: {  	v7 =	vld.idx.msk [tilespmem:v20+s23+$0x0], $0xffff;
	v2 =	vsub.f32 v10, v9;
	v9 =	vnsel vm5, $0x0, v11;
	v19 =	vmin.u32 v14, $0xC31F  }
0x2e0: {  	v63 =	vmul.f32 v12, v12;
	v12 =	vld [tilespmem:s20+$0xFFFFFFC0];
	v14 =	vmin.u32 v9, $0xC31F  }
0x2e1: {  	v9 =	vld [tilespmem:s20+$0xFFFFFFB0];
	v8 =	vsub.f32 v13, v8;
	vm0 =	veq.s32 v15, v19;
	v2 =	vnsel vm4, $0x0, v2  }
0x2e2: {  	vm2 =	veq.s32 v11, v14;
	v11 =	vadd.s32 $0xFFFF3C80, v16;
	v10 =	vadd.f32 v17, v6;
	v6 =	vld [tilespmem:s1+$0xFFFFFFF0]  }
0x2e3: {  	v16 =	vadd.f32 v63, v3;
	v13 =	vnsel vm3, $0x0, v8;
	v8 =	vmul.f32 v2, v2;
	v2 =	vld.idx.msk [tilespmem:v4+s23+$0x0], $0xffff  }
0x2e4: {  	s31 =	simm.s32 $0x187F0;
	s24 =	simm.s32 $0x4;
	vm4 =	vgt.s32 v11, $0x0;
	v15 =	vmul.f32 v13, v13;
	v13 =	vadd.s32 $0xFFFF3C80, v18;
	v3 =	vld.idx.msk [tilespmem:v19+s23+$0x0], $0xffff  }
.LBB2_34:
0x2e5: {  	s24 =	sadd.s32 $0x4, s24;
	vm5 =	vgt.s32 v13, $0x0;
	v12 =	vadd.s32 $0xFFFF3C80, v12;
	vm3 =	veq.s32 v1, v4;
	v1 =	vld.idx.msk [tilespmem:v14+s23+$0x0], $0xffff;
	s1 =	sadd.s32 $0x100, s1  }
0x2e6: {  	v4 =	vnsel vm4, $0x0, v11;
	v5 =	vsub.f32 v5, v7;
	p0 =	slt.u32 s24, $0x7C;
	v14 =	vnsel vm5, $0x0, v13;
	v17 =	vld [tilespmem:s20+$0xFFFFFFE0]  }
0x2e7: {  	v4 =	vmin.u32 v4, $0xC31F;
	v7 =	vmin.u32 v14, $0xC31F;
	v14 =	vadd.f32 v15, v16;
	v15 =	vld [tilespmem:s31+$0x0];
	s31 =	smov.u32 s1  }
0x2e8: {  	vm7 =	veq.s32 v11, v4;
	v5 =	vnsel vm1, $0x0, v5;
	vm5 =	veq.s32 v13, v7;
	v11 =	vld [tilespmem:s20+$0xFFFFFFD0]  }
0x2e9: {  	v8 =	vadd.f32 v8, v10;
	v9 =	vadd.s32 $0xFFFF3C80, v9;
	vm1 =	vgt.s32 v12, $0x0;
	v13 =	vld [tilespmem:s20+$0xFFFFFFF0]  }
0x2ea: {  	vm4 =	vgt.s32 v9, $0x0;
	v16 =	vnsel vm1, $0x0, v12;
	v5 =	vmul.f32 v5, v5;
	v10 =	vld [tilespmem:s1+$0xFFFFFFA0]  }
0x2eb: {  	v19 =	vnsel vm4, $0x0, v9;
	v16 =	vmin.u32 v16, $0xC31F;
	v6 =	vsub.f32 v6, v1;
	v18 =	vld [tilespmem:s1+$0xFFFFFF90]  }
0x2ec: {  	v19 =	vmin.u32 v19, $0xC31F;
	vm4 =	veq.s32 v12, v16;
	v1 =	vadd.s32 $0xFFFF3C80, v17;
	v20 =	vld.idx.msk [tilespmem:v4+s23+$0x0], $0xffff  }
0x2ed: {  	vm6 =	veq.s32 v9, v19;
	v6 =	vnsel vm2, $0x0, v6;
	v7 =	vld.idx.msk [tilespmem:v7+s23+$0x0], $0xffff;
	v9 =	vadd.s32 $0xFFFF3C80, v11  }
0x2ee: {  	v8 =	vadd.f32 v5, v8;
	vm2 =	vgt.s32 v1, $0x0;
	vm1 =	vgt.s32 v9, $0x0;
	v11 =	vld [tilespmem:s20+$0x0]  }
0x2ef: {  	v3 =	vsub.f32 v15, v3;
	v5 =	vnsel vm2, $0x0, v1;
	v4 =	vnsel vm1, $0x0, v9;
	v12 =	vld [tilespmem:s1+$0xFFFFFFE0]  }
0x2f0: {  	v0 =	vsub.f32 v0, v2;
	v15 =	vld.idx.msk [tilespmem:v16+s23+$0x0], $0xffff;
	v16 =	vmin.u32 v4, $0xC31F;
	v4 =	vmin.u32 v5, $0xC31F  }
0x2f1: {  	v13 =	vadd.s32 $0xFFFF3C80, v13;
	v3 =	vnsel vm0, $0x0, v3;
	v2 =	vld.idx.msk [tilespmem:v19+s23+$0x0], $0xffff;
	vm1 =	veq.s32 v9, v16  }
0x2f2: {  	v6 =	vmul.f32 v6, v6;
	vm0 =	vgt.s32 v13, $0x0;
	v5 =	vsub.f32 v18, v20;
	v9 =	vld [tilespmem:s1+$0xFFFFFFB0]  }
0x2f3: {  	v19 =	vnsel vm3, $0x0, v0;
	v7 =	vsub.f32 v10, v7;
	v10 =	vld [tilespmem:s1+$0xFFFFFFC0];
	v11 =	vadd.s32 $0xFFFF3C80, v11  }
0x2f4: {  	v18 =	vmul.f32 v19, v19;
	v17 =	vnsel vm7, $0x0, v5;
	v5 =	vld [tilespmem:s1+$0xFFFFFFD0];
	vm2 =	vgt.s32 v11, $0x0;
	v0 =	vmovc v12  }
0x2f5: {  	s20 =	sadd.s32 $0x80, s20;
	v12 =	vnsel vm5, $0x0, v7;
	v17 =	vmul.f32 v17, v17;
	v7 =	vld.idx.msk [tilespmem:v16+s23+$0x0], $0xffff;
	v16 =	vnsel vm0, $0x0, v13  }
0x2f6: {  	v3 =	vmul.f32 v3, v3;
	v20 =	vmul.f32 v12, v12;
	v12 =	vnsel vm2, $0x0, v11;
	v19 =	vld [tilespmem:s20+$0xFFFFFF90]  }
0x2f7: {  	v18 =	vadd.f32 v18, v14;
	v22 =	vmin.u32 v12, $0xC31F;
	v21 =	vld [tilespmem:s20+$0xFFFFFFA0];
	v2 =	vsub.f32 v9, v2  }
.Ltmp18:
0x2f8: {  	v14 =	vmin.u32 v16, $0xC31F;
	vm0 =	veq.s32 v11, v22;
	v12 =	vld [tilespmem:s20+$0xFFFFFFC0];
	v10 =	vsub.f32 v10, v15;
	(pc) =	sbr.rel @p0 .LBB2_34-.Ltmp18, $4  }
0x2f9: {  	v6 =	vadd.f32 v6, v8;
	v3 =	vadd.f32 v3, v18;
	v9 =	vld [tilespmem:s20+$0xFFFFFFB0];
	v2 =	vnsel vm6, $0x0, v2  }
0x2fa: {  	vm2 =	veq.s32 v13, v14;
	v15 =	vnsel vm4, $0x0, v10;
	v8 =	vmul.f32 v2, v2;
	v2 =	vld.idx.msk [tilespmem:v4+s23+$0x0], $0xffff  }
0x2fb: {  	v10 =	vadd.f32 v17, v6;
	v11 =	vadd.s32 $0xFFFF3C80, v19;
	v15 =	vmul.f32 v15, v15;
	v6 =	vld [tilespmem:s1+$0xFFFFFFF0]  }
0x2fc: {  	v16 =	vadd.f32 v20, v3;
	vm4 =	vgt.s32 v11, $0x0;
	v13 =	vadd.s32 $0xFFFF3C80, v21;
	v3 =	vld.idx.msk [tilespmem:v22+s23+$0x0], $0xffff  }
0x2fd: {  	_ =	sdelay $0x3  }
0x2fe: {  	v14 =	vld.idx.msk [tilespmem:v14+s23+$0x0], $0xffff  }
0x2ff: {  	v17 =	vld [tilespmem:s20+$0xFFFFFFE0]  }
0x300: {  	vm3 =	vgt.s32 v13, $0x0;
	v12 =	vadd.s32 $0xFFFF3C80, v12;
	vm5 =	veq.s32 v1, v4;
	v18 =	vld [tilespmem:s31+$0x0]  }
0x301: {  	v1 =	vnsel vm4, $0x0, v11;
	v5 =	vsub.f32 v5, v7;
	v47 =	vld [tilespmem:s20+$0xFFFFFFD0];
	v8 =	vadd.f32 v8, v10  }
0x302: {  	v48 =	vld [tilespmem:s20+$0xFFFFFFF0];
	v4 =	vnsel vm3, $0x0, v13;
	v1 =	vmin.u32 v1, $0xC31F;
	v9 =	vadd.s32 $0xFFFF3C80, v9  }
0x303: {  	s1 =	sadd.s32 $0x100, s1;
	v19 =	vld [tilespmem:s20+$0x0];
	v15 =	vadd.f32 v15, v16;
	vm13 =	vgt.s32 v12, $0x0;
	v4 =	vmin.u32 v4, $0xC31F  }
0x304: {  	v49 =	vld [tilespmem:s1+$0xFFFFFFA0];
	vm6 =	vgt.s32 v9, $0x0;
	vm3 =	veq.s32 v11, v1;
	v5 =	vnsel vm1, $0x0, v5  }
0x305: {  	v20 =	vld [tilespmem:s1+$0xFFFFFF90];
	v51 =	vnsel vm13, $0x0, v12;
	v0 =	vsub.f32 v0, v2;
	vm4 =	veq.s32 v13, v4  }
0x306: {  	v54 =	vld [tilespmem:s1+$0xFFFFFFE0];
	v50 =	vnsel vm6, $0x0, v9;
	v5 =	vmul.f32 v5, v5;
	v10 =	vmin.u32 v51, $0xC31F  }
0x307: {  	v21 =	vld [tilespmem:s1+$0xFFFFFFB0];
	v13 =	vmin.u32 v50, $0xC31F;
	vm14 =	veq.s32 v12, v10;
	v0 =	vnsel vm5, $0x0, v0  }
0x308: {  	v55 =	vld [tilespmem:s1+$0xFFFFFFC0];
	v6 =	vsub.f32 v6, v14;
	v7 =	vadd.s32 $0xFFFF3C80, v47;
	v52 =	vadd.s32 $0xFFFF3C80, v17  }
0x309: {  	v56 =	vld [tilespmem:s1+$0xFFFFFFD0];
	vm15 =	veq.s32 v9, v13;
	v19 =	vadd.s32 $0xFFFF3C80, v19;
	vm7 =	vgt.s32 v7, $0x0  }
0x30a: {  	v60 =	vld [tilespmem:s1+$0xFFFFFFF0];
	v16 =	vadd.s32 $0xFFFF3C80, v48;
	vm9 =	vgt.s32 v52, $0x0;
	v53 =	vnsel vm7, $0x0, v7  }
0x30b: {  	v1 =	vld.idx.msk [tilespmem:v1+s23+$0x0], $0xffff;
	vm10 =	vgt.s32 v19, $0x0;
	v17 =	vnsel vm9, $0x0, v52;
	v9 =	vmin.u32 v53, $0xC31F  }
0x30c: {  	vm11 =	vgt.s32 v16, $0x0;
	v4 =	vld.idx.msk [tilespmem:v4+s23+$0x0], $0xffff;
	v2 =	vnsel vm10, $0x0, v19;
	v17 =	vmin.u32 v17, $0xC31F  }
0x30d: {  	v3 =	vsub.f32 v18, v3;
	v22 =	vnsel vm11, $0x0, v16;
	v10 =	vld.idx.msk [tilespmem:v10+s23+$0x0], $0xffff;
	v2 =	vmin.u32 v2, $0xC31F  }
0x30e: {  	v0 =	vmul.f32 v0, v0;
	v22 =	vmin.u32 v22, $0xC31F;
	v13 =	vld.idx.msk [tilespmem:v13+s23+$0x0], $0xffff  }
0x30f: {  	v62 =	vld [tilespmem:s1+$0x0];
	v5 =	vadd.f32 v5, v8;
	v6 =	vnsel vm2, $0x0, v6;
	v3 =	vnsel vm0, $0x0, v3  }
0x310: {  	v0 =	vadd.f32 v0, v15;
	v6 =	vmul.f32 v6, v6;
	v1 =	vsub.f32 v20, v1;
	v57 =	vld.idx.msk [tilespmem:v9+s23+$0x0], $0xffff  }
0x311: {  	v3 =	vmul.f32 v3, v3;
	vm12 =	veq.s32 v7, v9;
	v4 =	vsub.f32 v49, v4;
	v59 =	vld.idx.msk [tilespmem:v17+s23+$0x0], $0xffff  }
0x312: {  	vm13 =	veq.s32 v19, v2;
	v5 =	vadd.f32 v6, v5;
	v1 =	vnsel vm3, $0x0, v1;
	v61 =	vld.idx.msk [tilespmem:v2+s23+$0x0], $0xffff  }
0x313: {  	v8 =	vsub.f32 v55, v10;
	v2 =	vld.idx.msk [tilespmem:v22+s23+$0x0], $0xffff;
	v58 =	vsub.f32 v21, v13;
	v4 =	vnsel vm4, $0x0, v4  }
0x314: {  	v0 =	vadd.f32 v3, v0;
	v1 =	vmul.f32 v1, v1;
	v4 =	vmul.f32 v4, v4  }
0x315: {  	v3 =	vnsel vm14, $0x0, v8;
	vm14 =	veq.s32 v52, v17;
	v9 =	vnsel vm15, $0x0, v58  }
0x316: {  	v1 =	vadd.f32 v1, v5;
	v3 =	vmul.f32 v3, v3;
	v7 =	vsub.f32 v56, v57  }
0x317: {  	v63 =	vmul.f32 v9, v9;
	v0 =	vadd.f32 v4, v0;
	v5 =	vsub.f32 v54, v59  }
0x318: {  	v2 =	vsub.f32 v60, v2;
	v6 =	vsub.f32 v62, v61;
	v4 =	vnsel vm12, $0x0, v7  }
0x319: {  	v1 =	vadd.f32 v63, v1;
	v5 =	vnsel vm14, $0x0, v5;
	v4 =	vmul.f32 v4, v4  }
0x31a: {  	vm15 =	veq.s32 v16, v22;
	v0 =	vadd.f32 v3, v0;
	v3 =	vmul.f32 v5, v5  }
0x31b: {  	v2 =	vnsel vm15, $0x0, v2;
	v1 =	vadd.f32 v4, v1;
	v4 =	vnsel vm13, $0x0, v6  }
0x31c: {  	v2 =	vmul.f32 v2, v2;
	v0 =	vadd.f32 v3, v0;
	v4 =	vmul.f32 v4, v4  }
0x31d: {  	s20 =	simm.s32 $0x80  }
0x31e: {  	s4 =	sadd.s32 $0x0, s13;
	s24 =	simm.s32 $0x18880;
	s1 =	simm.s32 $0x18780;
	v3 =	vadd.f32 v2, v1;
	v2 =	vadd.f32 v4, v0  }
.LBB2_36:
0x31f: {  	[tilespmem:s1], [sflag:$0x5] =	stream.linear.gather [hbm4b:s4+s3], $0x80, $0x38;
	[tilespmem:$0x1E780] =	vst v63  }
0x320: {  	s4 =	smov.u32 s20;
	s1 =	smov.u32 s24;
	p0 =	sne.s32 s20, $0xF80  }
.Ltmp19:
0x321: {  	s20 =	sadd.s32 $0x80, s20;
	(pc) =	sbr.rel @p0 .LBB2_36-.Ltmp19, $2  }
0x322: {  	_ =	sdelay $0x2  }
0x323: {  	s24 =	sadd.s32 $0x100, s24;
	s4 =	sadd.s32 s4, s13  }
0x324: {  	[tilespmem:s1], [sflag:$0x5] =	stream.linear.gather [hbm4b:s4+s3], $0x80, $0x38;
	[tilespmem:$0x1E780] =	vst v63  }
0x325: {  	_ = 	snop  }
0x326: {  	[tilespmem:s23], [sflag:$0x3] =	stream.strided.gather [hbm4b:s14+s21], $0xC300, s22, s21, $0x38;
	[tilespmem:$0x1E780] =	vst v63  }
0x327: {  	s20 =	simm.s32 $0x18680  }
0x328: {  	[tilespmem:s20], [sflag:$0x3] =	stream.linear.gather [hbm4b:s15+s3], $0x80, $0x38;
	[tilespmem:$0x1E780] =	vst v63  }
0x329: {  	_ =	swait.ge [sflag:s26], $0xC380  }
0x32a: {  	[sflag:s26] =	ssyncset.done $0x0  }
0x32b: {  	[sflag:s26] =	ssyncadd.s32 $0xFFFF3C80  }
0x32c: {  	_ =	swait.ge [sflag:s28], $0x1000  }
0x32d: {  	[sflag:s28] =	ssyncset.done $0x0  }
0x32e: {  	s24 =	simm.s32 $0x1A740;
	[sflag:s28] =	ssyncadd.s32 $0xFFFFF000  }
0x32f: {  	v1 =	vld [tilespmem:s24+$0xFFFFFFC0]  }
0x330: {  	v4 =	vld [tilespmem:s24+$0xFFFFFFD0]  }
0x331: {  	v5 =	vld [tilespmem:s24+$0xFFFFFFF0]  }
0x332: {  	s31 =	simm.s32 $0x18740;
	v6 =	vld [tilespmem:s24+$0xFFFFFFE0]  }
0x333: {  	v0 =	vld [tilespmem:s31+$0x30]  }
0x334: {  	v7 =	vld [tilespmem:s24+$0x10]  }
0x335: {  	v9 =	vld [tilespmem:s24+$0x0]  }
0x336: {  	v13 =	vld [tilespmem:s31+$0x20]  }
0x337: {  	v12 =	vld [tilespmem:s31+$0x0];
	vm0 =	vgt.s32 v1, $0x0  }
0x338: {  	v11 =	vld [tilespmem:s31+$0xFFFFFFD0];
	vm1 =	vgt.s32 v4, $0x0;
	v8 =	vnsel vm0, $0x0, v1  }
0x339: {  	v15 =	vld [tilespmem:s24+$0x20];
	v10 =	vnsel vm1, $0x0, v4;
	vm0 =	vgt.s32 v6, $0x0;
	v8 =	vmin.u32 v8, $0xC37F  }
0x33a: {  	v16 =	vld [tilespmem:s31+$0xFFFFFFC0];
	v10 =	vmin.u32 v10, $0xC37F;
	v14 =	vnsel vm0, $0x0, v6  }
0x33b: {  	v21 =	vld [tilespmem:s31+$0xFFFFFFF0];
	vm1 =	vgt.s32 v5, $0x0;
	v14 =	vmin.u32 v14, $0xC37F  }
0x33c: {  	v23 =	vld [tilespmem:s24+$0x30];
	vm0 =	vgt.s32 v7, $0x0;
	v20 =	vnsel vm1, $0x0, v5  }
0x33d: {  	v26 =	vld [tilespmem:s31+$0xFFFFFFE0];
	v18 =	vnsel vm0, $0x0, v7;
	vm0 =	vgt.s32 v9, $0x0;
	v20 =	vmin.u32 v20, $0xC37F  }
0x33e: {  	v18 =	vmin.u32 v18, $0xC37F;
	v22 =	vnsel vm0, $0x0, v9;
	vm0 =	vgt.s32 v15, $0x0;
	v17 =	vld.idx.msk [tilespmem:v8+s3+$0x0], $0xffff  }
0x33f: {  	v22 =	vmin.u32 v22, $0xC37F;
	v25 =	vnsel vm0, $0x0, v15;
	v19 =	vld.idx.msk [tilespmem:v10+s3+$0x0], $0xffff  }
0x340: {  	v25 =	vmin.u32 v25, $0xC37F;
	v24 =	vld.idx.msk [tilespmem:v14+s3+$0x0], $0xffff  }
0x341: {  	v27 =	vld [tilespmem:s31+$0x10];
	vm3 =	vgt.s32 v23, $0x0  }
0x342: {  	vm1 =	veq.s32 v4, v10;
	vm4 =	veq.s32 v6, v14;
	vm0 =	veq.s32 v1, v8;
	v6 =	vld.idx.msk [tilespmem:v20+s3+$0x0], $0xffff  }
0x343: {  	vm5 =	veq.s32 v7, v18;
	v8 =	vnsel vm3, $0x0, v23;
	v4 =	vld.idx.msk [tilespmem:v18+s3+$0x0], $0xffff;
	v1 =	vsub.f32 v16, v17  }
0x344: {  	vm2 =	veq.s32 v9, v22;
	v62 =	vmin.u32 v8, $0xC37F;
	v9 =	vld.idx.msk [tilespmem:v22+s3+$0x0], $0xffff;
	v7 =	vsub.f32 v11, v19  }
0x345: {  	s20 =	simm.s32 $0x1A7C0;
	v14 =	vld.idx.msk [tilespmem:v25+s3+$0x0], $0xffff;
	v10 =	vsub.f32 v26, v24;
	v1 =	vnsel vm0, $0x0, v1  }
0x346: {  	vm3 =	veq.s32 v5, v20;
	v5 =	vnsel vm1, $0x0, v7;
	v7 =	vld [tilespmem:s20+$0xFFFFFFC0];
	v11 =	vmul.f32 v1, v1  }
0x347: {  	v8 =	vld [tilespmem:s20+$0xFFFFFFD0];
	vm1 =	veq.s32 v15, v25;
	v15 =	vmul.f32 v5, v5;
	v5 =	vnsel vm4, $0x0, v10  }
0x348: {  	v63 =	vsub.f32 v27, v4;
	v1 =	vld [tilespmem:s20+$0xFFFFFFF0];
	v10 =	vmul.f32 v5, v5;
	v3 =	vadd.f32 v11, v3  }
0x349: {  	vm0 =	veq.s32 v23, v62;
	v12 =	vsub.f32 v12, v9;
	v9 =	vld.idx.msk [tilespmem:v62+s3+$0x0], $0xffff;
	v4 =	vadd.f32 v15, v2  }
0x34a: {  	s1 =	simm.s32 $0x18840;
	v5 =	vld [tilespmem:s20+$0xFFFFFFE0];
	v11 =	vsub.f32 v21, v6;
	v6 =	vadd.f32 v10, v3;
	v3 =	vnsel vm5, $0x0, v63  }
0x34b: {  	s24 =	simm.s32 $0x4;
	v2 =	vld [tilespmem:s1+$0x30];
	vm4 =	vgt.s32 v7, $0x0;
	v10 =	vsub.f32 v13, v14;
	v3 =	vmul.f32 v3, v3  }
.LBB2_38:
0x34c: {  	s24 =	sadd.s32 $0x4, s24;
	vm5 =	vgt.s32 v8, $0x0;
	v13 =	vld [tilespmem:s20+$0x10];
	v11 =	vnsel vm3, $0x0, v11;
	v12 =	vnsel vm2, $0x0, v12  }
0x34d: {  	v14 =	vnsel vm4, $0x0, v7;
	p0 =	slt.u32 s24, $0x7C;
	v15 =	vnsel vm5, $0x0, v8;
	v16 =	vld [tilespmem:s20+$0x0];
	v12 =	vmul.f32 v12, v12  }
0x34e: {  	v14 =	vmin.u32 v14, $0xC37F;
	v10 =	vnsel vm1, $0x0, v10;
	v15 =	vmin.u32 v15, $0xC37F;
	v17 =	vld [tilespmem:s1+$0x20]  }
0x34f: {  	vm5 =	veq.s32 v7, v14;
	v7 =	vmul.f32 v11, v11;
	vm4 =	veq.s32 v8, v15;
	v18 =	vld [tilespmem:s1+$0x0]  }
0x350: {  	vm2 =	vgt.s32 v1, $0x0;
	vm1 =	vgt.s32 v5, $0x0;
	v10 =	vmul.f32 v10, v10;
	v8 =	vld [tilespmem:s1+$0xFFFFFFD0]  }
0x351: {  	v11 =	vnsel vm1, $0x0, v5;
	v9 =	vsub.f32 v0, v9;
	v0 =	vmovc v2;
	vm1 =	vgt.s32 v13, $0x0;
	v19 =	vld [tilespmem:s20+$0x20]  }
0x352: {  	v6 =	vadd.f32 v12, v6;
	v11 =	vmin.u32 v11, $0xC37F;
	v2 =	vld [tilespmem:s1+$0xFFFFFFC0];
	vm3 =	vgt.s32 v16, $0x0  }
0x353: {  	v4 =	vadd.f32 v7, v4;
	vm7 =	veq.s32 v5, v11;
	v5 =	vnsel vm1, $0x0, v13;
	v12 =	vld.idx.msk [tilespmem:v14+s3+$0x0], $0xffff  }
0x354: {  	v9 =	vnsel vm0, $0x0, v9;
	v14 =	vnsel vm3, $0x0, v16;
	v5 =	vmin.u32 v5, $0xC37F;
	v7 =	vld.idx.msk [tilespmem:v15+s3+$0x0], $0xffff  }
0x355: {  	v9 =	vmul.f32 v9, v9;
	v15 =	vnsel vm2, $0x0, v1;
	vm6 =	veq.s32 v13, v5;
	v20 =	vld [tilespmem:s1+$0xFFFFFFF0]  }
0x356: {  	v3 =	vadd.f32 v3, v4;
	v13 =	vmin.u32 v15, $0xC37F;
	vm0 =	vgt.s32 v19, $0x0;
	v15 =	vld [tilespmem:s20+$0x30]  }
0x357: {  	v6 =	vadd.f32 v10, v6;
	v4 =	vld.idx.msk [tilespmem:v11+s3+$0x0], $0xffff;
	v11 =	vmin.u32 v14, $0xC37F;
	v14 =	vnsel vm0, $0x0, v19  }
0x358: {  	v3 =	vadd.f32 v9, v3;
	v10 =	vld [tilespmem:s1+$0xFFFFFFE0];
	vm2 =	veq.s32 v16, v11;
	v14 =	vmin.u32 v14, $0xC37F  }
0x359: {  	vm3 =	veq.s32 v1, v13;
	v2 =	vsub.f32 v2, v12;
	v9 =	vld [tilespmem:s1+$0x10];
	vm1 =	veq.s32 v19, v14  }
0x35a: {  	v1 =	vsub.f32 v8, v7;
	v5 =	vld.idx.msk [tilespmem:v5+s3+$0x0], $0xffff  }
0x35b: {  	v2 =	vnsel vm5, $0x0, v2;
	v12 =	vld.idx.msk [tilespmem:v13+s3+$0x0], $0xffff;
	vm0 =	vgt.s32 v15, $0x0  }
0x35c: {  	v1 =	vnsel vm4, $0x0, v1;
	v2 =	vmul.f32 v2, v2;
	v13 =	vld.idx.msk [tilespmem:v11+s3+$0x0], $0xffff;
	v7 =	vnsel vm0, $0x0, v15  }
0x35d: {  	s20 =	sadd.s32 $0x80, s20;
	v11 =	vmul.f32 v1, v1;
	v1 =	vsub.f32 v10, v4;
	v10 =	vld.idx.msk [tilespmem:v14+s3+$0x0], $0xffff;
	v14 =	vmin.u32 v7, $0xC37F  }
0x35e: {  	v7 =	vld [tilespmem:s20+$0xFFFFFFC0];
	vm0 =	veq.s32 v15, v14  }
.Ltmp20:
0x35f: {  	v8 =	vld [tilespmem:s20+$0xFFFFFFD0];
	v4 =	vnsel vm7, $0x0, v1;
	(pc) =	sbr.rel @p0 .LBB2_38-.Ltmp20, $4  }
0x360: {  	v2 =	vadd.f32 v2, v6;
	v9 =	vsub.f32 v9, v5;
	v1 =	vld [tilespmem:s20+$0xFFFFFFF0];
	v6 =	vmul.f32 v4, v4  }
0x361: {  	v4 =	vadd.f32 v11, v3;
	v11 =	vsub.f32 v20, v12;
	v5 =	vld [tilespmem:s20+$0xFFFFFFE0]  }
0x362: {  	s1 =	sadd.s32 $0x100, s1;
	v12 =	vsub.f32 v18, v13;
	v3 =	vnsel vm6, $0x0, v9;
	v6 =	vadd.f32 v6, v2;
	v9 =	vld.idx.msk [tilespmem:v14+s3+$0x0], $0xffff  }
0x363: {  	v3 =	vmul.f32 v3, v3;
	v10 =	vsub.f32 v17, v10;
	vm4 =	vgt.s32 v7, $0x0;
	v2 =	vld [tilespmem:s1+$0x30]  }
0x364: {  	v13 =	vld [tilespmem:s20+$0x10]  }
0x365: {  	v14 =	vld [tilespmem:s20+$0x0]  }
0x366: {  	vm5 =	vgt.s32 v8, $0x0;
	v16 =	vld [tilespmem:s1+$0x20]  }
0x367: {  	v11 =	vnsel vm3, $0x0, v11;
	v12 =	vnsel vm2, $0x0, v12;
	v15 =	vnsel vm4, $0x0, v7;
	v18 =	vld [tilespmem:s1+$0x0]  }
0x368: {  	v49 =	vld [tilespmem:s20+$0x30];
	v17 =	vnsel vm5, $0x0, v8;
	v15 =	vmin.u32 v15, $0xC37F;
	v10 =	vnsel vm1, $0x0, v10  }
0x369: {  	v19 =	vld [tilespmem:s1+$0xFFFFFFD0];
	v48 =	vmul.f32 v11, v11;
	vm13 =	vgt.s32 v1, $0x0;
	vm12 =	vgt.s32 v5, $0x0  }
0x36a: {  	v47 =	vld [tilespmem:s20+$0x20];
	v17 =	vmin.u32 v17, $0xC37F;
	vm2 =	veq.s32 v7, v15;
	v20 =	vnsel vm12, $0x0, v5  }
0x36b: {  	v50 =	vld [tilespmem:s1+$0xFFFFFFC0];
	v52 =	vnsel vm13, $0x0, v1;
	vm1 =	veq.s32 v8, v17;
	v20 =	vmin.u32 v20, $0xC37F  }
0x36c: {  	v23 =	vld [tilespmem:s1+$0xFFFFFFE0];
	v0 =	vsub.f32 v0, v9;
	vm14 =	vgt.s32 v13, $0x0;
	vm8 =	veq.s32 v5, v20  }
0x36d: {  	vm10 =	vgt.s32 v49, $0x0;
	v51 =	vld.idx.msk [tilespmem:v15+s3+$0x0], $0xffff;
	v5 =	vnsel vm14, $0x0, v13;
	v15 =	vmin.u32 v52, $0xC37F  }
0x36e: {  	v53 =	vld [tilespmem:s1+$0xFFFFFFF0];
	vm15 =	vgt.s32 v14, $0x0;
	v24 =	vnsel vm10, $0x0, v49;
	v5 =	vmin.u32 v5, $0xC37F  }
0x36f: {  	vm9 =	vgt.s32 v47, $0x0;
	v21 =	vnsel vm15, $0x0, v14;
	v17 =	vld.idx.msk [tilespmem:v17+s3+$0x0], $0xffff;
	v24 =	vmin.u32 v24, $0xC37F  }
0x370: {  	v4 =	vadd.f32 v48, v4;
	v22 =	vnsel vm9, $0x0, v47;
	v21 =	vmin.u32 v21, $0xC37F;
	v20 =	vld.idx.msk [tilespmem:v20+s3+$0x0], $0xffff  }
0x371: {  	v54 =	vld [tilespmem:s1+$0x10];
	v12 =	vmul.f32 v12, v12;
	v0 =	vnsel vm0, $0x0, v0;
	v22 =	vmin.u32 v22, $0xC37F  }
0x372: {  	v3 =	vadd.f32 v3, v4;
	v0 =	vmul.f32 v0, v0;
	v4 =	vsub.f32 v50, v51;
	v55 =	vld.idx.msk [tilespmem:v15+s3+$0x0], $0xffff  }
0x373: {  	v10 =	vmul.f32 v10, v10;
	v6 =	vadd.f32 v12, v6;
	vm11 =	veq.s32 v13, v5;
	v5 =	vld.idx.msk [tilespmem:v5+s3+$0x0], $0xffff  }
0x374: {  	v0 =	vadd.f32 v0, v3;
	v56 =	vsub.f32 v19, v17;
	v60 =	vld.idx.msk [tilespmem:v24+s3+$0x0], $0xffff;
	v3 =	vnsel vm2, $0x0, v4  }
0x375: {  	v6 =	vadd.f32 v10, v6;
	v4 =	vld.idx.msk [tilespmem:v21+s3+$0x0], $0xffff;
	v57 =	vsub.f32 v23, v20;
	v3 =	vmul.f32 v3, v3  }
0x376: {  	vm13 =	veq.s32 v1, v15;
	vm12 =	veq.s32 v14, v21;
	v58 =	vld.idx.msk [tilespmem:v22+s3+$0x0], $0xffff;
	v1 =	vnsel vm1, $0x0, v56  }
0x377: {  	v1 =	vmul.f32 v1, v1;
	v59 =	vnsel vm8, $0x0, v57;
	v3 =	vadd.f32 v3, v6  }
0x378: {  	v62 =	vsub.f32 v53, v55;
	v61 =	vmul.f32 v59, v59;
	v5 =	vsub.f32 v54, v5  }
0x379: {  	vm14 =	veq.s32 v47, v22;
	v0 =	vadd.f32 v1, v0;
	v2 =	vsub.f32 v2, v60  }
0x37a: {  	v1 =	vadd.f32 v61, v3;
	v3 =	vsub.f32 v18, v4;
	v4 =	vnsel vm13, $0x0, v62  }
0x37b: {  	vm15 =	veq.s32 v49, v24;
	v63 =	vsub.f32 v16, v58;
	v4 =	vmul.f32 v4, v4  }
0x37c: {  	v5 =	vnsel vm11, $0x0, v5;
	v2 =	vnsel vm15, $0x0, v2;
	v3 =	vnsel vm12, $0x0, v3  }
0x37d: {  	v5 =	vmul.f32 v5, v5;
	v3 =	vmul.f32 v3, v3;
	v0 =	vadd.f32 v4, v0  }
0x37e: {  	v6 =	vnsel vm14, $0x0, v63;
	v2 =	vmul.f32 v2, v2  }
0x37f: {  	v4 =	vmul.f32 v6, v6;
	v1 =	vadd.f32 v3, v1;
	v0 =	vadd.f32 v5, v0  }
0x380: {  	s1 =	simm.s32 $0x18700  }
0x381: {  	s20 =	simm.s32 $0x80;
	s4 =	sadd.s32 $0x0, s16;
	s24 =	simm.s32 $0x18800;
	v3 =	vadd.f32 v4, v1;
	v2 =	vadd.f32 v2, v0  }
.LBB2_40:
0x382: {  	[tilespmem:s1], [sflag:$0x4] =	stream.linear.gather [hbm4b:s4+s3], $0x80, $0x38;
	[tilespmem:$0x1E780] =	vst v63  }
0x383: {  	s4 =	smov.u32 s20;
	s1 =	smov.u32 s24;
	p0 =	sne.s32 s20, $0xF80  }
.Ltmp21:
0x384: {  	s20 =	sadd.s32 $0x80, s20;
	(pc) =	sbr.rel @p0 .LBB2_40-.Ltmp21, $2  }
0x385: {  	_ =	sdelay $0x2  }
0x386: {  	s24 =	sadd.s32 $0x100, s24;
	s4 =	sadd.s32 s4, s16  }
0x387: {  	[tilespmem:s1], [sflag:$0x4] =	stream.linear.gather [hbm4b:s4+s3], $0x80, $0x38;
	[tilespmem:$0x1E780] =	vst v63  }
0x388: {  	_ =	swait.ge [sflag:s29], $0x1000  }
0x389: {  	[sflag:s29] =	ssyncset.done $0x0  }
0x38a: {  	s24 =	simm.s32 $0x1B770;
	[sflag:s29] =	ssyncadd.s32 $0xFFFFF000  }
0x38b: {  	v1 =	vld [tilespmem:s24+$0xFFFFFF90]  }
0x38c: {  	v4 =	vld [tilespmem:s24+$0xFFFFFFA0]  }
0x38d: {  	v5 =	vld [tilespmem:s24+$0xFFFFFFC0]  }
0x38e: {  	s31 =	simm.s32 $0x187F0;
	v6 =	vld [tilespmem:s24+$0xFFFFFFB0]  }
0x38f: {  	v0 =	vld [tilespmem:s31+$0x0]  }
0x390: {  	v7 =	vld [tilespmem:s24+$0xFFFFFFE0]  }
0x391: {  	v9 =	vld [tilespmem:s24+$0xFFFFFFD0]  }
0x392: {  	v13 =	vld [tilespmem:s31+$0xFFFFFFF0]  }
0x393: {  	v12 =	vld [tilespmem:s31+$0xFFFFFFD0];
	vm0 =	vgt.s32 v1, $0x0  }
0x394: {  	v11 =	vld [tilespmem:s31+$0xFFFFFFA0];
	vm1 =	vgt.s32 v4, $0x0;
	v8 =	vnsel vm0, $0x0, v1  }
0x395: {  	v15 =	vld [tilespmem:s24+$0xFFFFFFF0];
	v10 =	vnsel vm1, $0x0, v4;
	vm0 =	vgt.s32 v6, $0x0;
	v8 =	vmin.u32 v8, $0xC37F  }
0x396: {  	v16 =	vld [tilespmem:s31+$0xFFFFFF90];
	v10 =	vmin.u32 v10, $0xC37F;
	v14 =	vnsel vm0, $0x0, v6  }
0x397: {  	v21 =	vld [tilespmem:s31+$0xFFFFFFC0];
	vm1 =	vgt.s32 v5, $0x0;
	v14 =	vmin.u32 v14, $0xC37F  }
0x398: {  	v23 =	vld [tilespmem:s24+$0x0];
	vm0 =	vgt.s32 v7, $0x0;
	v20 =	vnsel vm1, $0x0, v5  }
0x399: {  	v26 =	vld [tilespmem:s31+$0xFFFFFFB0];
	v18 =	vnsel vm0, $0x0, v7;
	vm0 =	vgt.s32 v9, $0x0;
	v20 =	vmin.u32 v20, $0xC37F  }
0x39a: {  	v18 =	vmin.u32 v18, $0xC37F;
	v22 =	vnsel vm0, $0x0, v9;
	vm0 =	vgt.s32 v15, $0x0;
	v17 =	vld.idx.msk [tilespmem:v8+s3+$0x0], $0xffff  }
0x39b: {  	v22 =	vmin.u32 v22, $0xC37F;
	v25 =	vnsel vm0, $0x0, v15;
	v19 =	vld.idx.msk [tilespmem:v10+s3+$0x0], $0xffff  }
0x39c: {  	v25 =	vmin.u32 v25, $0xC37F;
	v24 =	vld.idx.msk [tilespmem:v14+s3+$0x0], $0xffff  }
0x39d: {  	v27 =	vld [tilespmem:s31+$0xFFFFFFE0];
	vm3 =	vgt.s32 v23, $0x0  }
0x39e: {  	vm1 =	veq.s32 v4, v10;
	vm4 =	veq.s32 v6, v14;
	vm0 =	veq.s32 v1, v8;
	v6 =	vld.idx.msk [tilespmem:v20+s3+$0x0], $0xffff  }
0x39f: {  	vm5 =	veq.s32 v7, v18;
	v8 =	vnsel vm3, $0x0, v23;
	v4 =	vld.idx.msk [tilespmem:v18+s3+$0x0], $0xffff;
	v1 =	vsub.f32 v16, v17  }
0x3a0: {  	vm2 =	veq.s32 v9, v22;
	v62 =	vmin.u32 v8, $0xC37F;
	v9 =	vld.idx.msk [tilespmem:v22+s3+$0x0], $0xffff;
	v7 =	vsub.f32 v11, v19  }
0x3a1: {  	s20 =	simm.s32 $0x1B7F0;
	v14 =	vld.idx.msk [tilespmem:v25+s3+$0x0], $0xffff;
	v10 =	vsub.f32 v26, v24;
	v1 =	vnsel vm0, $0x0, v1  }
0x3a2: {  	vm3 =	veq.s32 v5, v20;
	v5 =	vnsel vm1, $0x0, v7;
	v7 =	vld [tilespmem:s20+$0xFFFFFF90];
	v11 =	vmul.f32 v1, v1  }
0x3a3: {  	v8 =	vld [tilespmem:s20+$0xFFFFFFA0];
	vm1 =	veq.s32 v15, v25;
	v15 =	vmul.f32 v5, v5;
	v5 =	vnsel vm4, $0x0, v10  }
0x3a4: {  	v63 =	vsub.f32 v27, v4;
	v1 =	vld [tilespmem:s20+$0xFFFFFFC0];
	v10 =	vmul.f32 v5, v5;
	v3 =	vadd.f32 v11, v3  }
0x3a5: {  	vm0 =	veq.s32 v23, v62;
	v12 =	vsub.f32 v12, v9;
	v9 =	vld.idx.msk [tilespmem:v62+s3+$0x0], $0xffff;
	v4 =	vadd.f32 v15, v2  }
0x3a6: {  	s1 =	simm.s32 $0x188F0;
	v5 =	vld [tilespmem:s20+$0xFFFFFFB0];
	v11 =	vsub.f32 v21, v6;
	v6 =	vadd.f32 v10, v3;
	v3 =	vnsel vm5, $0x0, v63  }
0x3a7: {  	s24 =	simm.s32 $0x4;
	v2 =	vld [tilespmem:s1+$0x0];
	vm4 =	vgt.s32 v7, $0x0;
	v10 =	vsub.f32 v13, v14;
	v3 =	vmul.f32 v3, v3  }
.LBB2_42:
0x3a8: {  	s24 =	sadd.s32 $0x4, s24;
	vm5 =	vgt.s32 v8, $0x0;
	v13 =	vld [tilespmem:s20+$0xFFFFFFE0];
	v11 =	vnsel vm3, $0x0, v11;
	v12 =	vnsel vm2, $0x0, v12  }
0x3a9: {  	v14 =	vnsel vm4, $0x0, v7;
	p0 =	slt.u32 s24, $0x7C;
	v15 =	vnsel vm5, $0x0, v8;
	v16 =	vld [tilespmem:s20+$0xFFFFFFD0];
	v12 =	vmul.f32 v12, v12  }
0x3aa: {  	v14 =	vmin.u32 v14, $0xC37F;
	v10 =	vnsel vm1, $0x0, v10;
	v15 =	vmin.u32 v15, $0xC37F;
	v17 =	vld [tilespmem:s1+$0xFFFFFFF0]  }
0x3ab: {  	vm5 =	veq.s32 v7, v14;
	v7 =	vmul.f32 v11, v11;
	vm4 =	veq.s32 v8, v15;
	v18 =	vld [tilespmem:s1+$0xFFFFFFD0]  }
0x3ac: {  	vm2 =	vgt.s32 v1, $0x0;
	vm1 =	vgt.s32 v5, $0x0;
	v10 =	vmul.f32 v10, v10;
	v8 =	vld [tilespmem:s1+$0xFFFFFFA0]  }
0x3ad: {  	v11 =	vnsel vm1, $0x0, v5;
	v9 =	vsub.f32 v0, v9;
	v0 =	vmovc v2;
	vm1 =	vgt.s32 v13, $0x0;
	v19 =	vld [tilespmem:s20+$0xFFFFFFF0]  }
0x3ae: {  	v6 =	vadd.f32 v12, v6;
	v11 =	vmin.u32 v11, $0xC37F;
	v2 =	vld [tilespmem:s1+$0xFFFFFF90];
	vm3 =	vgt.s32 v16, $0x0  }
0x3af: {  	v4 =	vadd.f32 v7, v4;
	vm7 =	veq.s32 v5, v11;
	v5 =	vnsel vm1, $0x0, v13;
	v12 =	vld.idx.msk [tilespmem:v14+s3+$0x0], $0xffff  }
0x3b0: {  	v9 =	vnsel vm0, $0x0, v9;
	v14 =	vnsel vm3, $0x0, v16;
	v5 =	vmin.u32 v5, $0xC37F;
	v7 =	vld.idx.msk [tilespmem:v15+s3+$0x0], $0xffff  }
0x3b1: {  	v9 =	vmul.f32 v9, v9;
	v15 =	vnsel vm2, $0x0, v1;
	vm6 =	veq.s32 v13, v5;
	v20 =	vld [tilespmem:s1+$0xFFFFFFC0]  }
0x3b2: {  	v3 =	vadd.f32 v3, v4;
	v13 =	vmin.u32 v15, $0xC37F;
	vm0 =	vgt.s32 v19, $0x0;
	v15 =	vld [tilespmem:s20+$0x0]  }
0x3b3: {  	v6 =	vadd.f32 v10, v6;
	v4 =	vld.idx.msk [tilespmem:v11+s3+$0x0], $0xffff;
	v11 =	vmin.u32 v14, $0xC37F;
	v14 =	vnsel vm0, $0x0, v19  }
0x3b4: {  	v3 =	vadd.f32 v9, v3;
	v10 =	vld [tilespmem:s1+$0xFFFFFFB0];
	vm2 =	veq.s32 v16, v11;
	v14 =	vmin.u32 v14, $0xC37F  }
0x3b5: {  	vm3 =	veq.s32 v1, v13;
	v2 =	vsub.f32 v2, v12;
	v9 =	vld [tilespmem:s1+$0xFFFFFFE0];
	vm1 =	veq.s32 v19, v14  }
0x3b6: {  	v1 =	vsub.f32 v8, v7;
	v5 =	vld.idx.msk [tilespmem:v5+s3+$0x0], $0xffff  }
0x3b7: {  	v2 =	vnsel vm5, $0x0, v2;
	v12 =	vld.idx.msk [tilespmem:v13+s3+$0x0], $0xffff;
	vm0 =	vgt.s32 v15, $0x0  }
0x3b8: {  	v1 =	vnsel vm4, $0x0, v1;
	v2 =	vmul.f32 v2, v2;
	v13 =	vld.idx.msk [tilespmem:v11+s3+$0x0], $0xffff;
	v7 =	vnsel vm0, $0x0, v15  }
0x3b9: {  	s20 =	sadd.s32 $0x80, s20;
	v11 =	vmul.f32 v1, v1;
	v1 =	vsub.f32 v10, v4;
	v10 =	vld.idx.msk [tilespmem:v14+s3+$0x0], $0xffff;
	v14 =	vmin.u32 v7, $0xC37F  }
0x3ba: {  	v7 =	vld [tilespmem:s20+$0xFFFFFF90];
	vm0 =	veq.s32 v15, v14  }
.Ltmp22:
0x3bb: {  	v8 =	vld [tilespmem:s20+$0xFFFFFFA0];
	v4 =	vnsel vm7, $0x0, v1;
	(pc) =	sbr.rel @p0 .LBB2_42-.Ltmp22, $4  }
0x3bc: {  	v2 =	vadd.f32 v2, v6;
	v9 =	vsub.f32 v9, v5;
	v1 =	vld [tilespmem:s20+$0xFFFFFFC0];
	v6 =	vmul.f32 v4, v4  }
0x3bd: {  	v4 =	vadd.f32 v11, v3;
	v11 =	vsub.f32 v20, v12;
	v5 =	vld [tilespmem:s20+$0xFFFFFFB0]  }
0x3be: {  	s1 =	sadd.s32 $0x100, s1;
	v12 =	vsub.f32 v18, v13;
	v3 =	vnsel vm6, $0x0, v9;
	v6 =	vadd.f32 v6, v2;
	v9 =	vld.idx.msk [tilespmem:v14+s3+$0x0], $0xffff  }
0x3bf: {  	v3 =	vmul.f32 v3, v3;
	v10 =	vsub.f32 v17, v10;
	vm4 =	vgt.s32 v7, $0x0;
	v2 =	vld [tilespmem:s1+$0x0]  }
0x3c0: {  	v13 =	vld [tilespmem:s20+$0xFFFFFFE0]  }
0x3c1: {  	v14 =	vld [tilespmem:s20+$0xFFFFFFD0]  }
0x3c2: {  	vm5 =	vgt.s32 v8, $0x0;
	v11 =	vnsel vm3, $0x0, v11;
	v15 =	vnsel vm4, $0x0, v7;
	v16 =	vld [tilespmem:s1+$0xFFFFFFF0]  }
0x3c3: {  	v12 =	vnsel vm2, $0x0, v12;
	v18 =	vld [tilespmem:s1+$0xFFFFFFD0];
	v17 =	vnsel vm5, $0x0, v8;
	v15 =	vmin.u32 v15, $0xC37F  }
0x3c4: {  	v19 =	vld [tilespmem:s1+$0xFFFFFFA0];
	v12 =	vmul.f32 v12, v12;
	v10 =	vnsel vm1, $0x0, v10;
	vm12 =	vgt.s32 v5, $0x0  }
0x3c5: {  	v47 =	vld [tilespmem:s20+$0xFFFFFFF0];
	v48 =	vmul.f32 v11, v11;
	v17 =	vmin.u32 v17, $0xC37F;
	v20 =	vnsel vm12, $0x0, v5  }
0x3c6: {  	v49 =	vld [tilespmem:s20+$0x0];
	vm13 =	vgt.s32 v1, $0x0;
	vm2 =	veq.s32 v7, v15;
	v20 =	vmin.u32 v20, $0xC37F  }
0x3c7: {  	v50 =	vld [tilespmem:s1+$0xFFFFFF90];
	v10 =	vmul.f32 v10, v10;
	v52 =	vnsel vm13, $0x0, v1;
	vm1 =	veq.s32 v8, v17  }
0x3c8: {  	v23 =	vld [tilespmem:s1+$0xFFFFFFB0];
	v0 =	vsub.f32 v0, v9;
	vm14 =	vgt.s32 v13, $0x0;
	vm15 =	vgt.s32 v14, $0x0  }
0x3c9: {  	vm8 =	veq.s32 v5, v20;
	v51 =	vld.idx.msk [tilespmem:v15+s3+$0x0], $0xffff;
	v5 =	vnsel vm14, $0x0, v13;
	v15 =	vmin.u32 v52, $0xC37F  }
0x3ca: {  	vm9 =	vgt.s32 v47, $0x0;
	v21 =	vnsel vm15, $0x0, v14;
	v17 =	vld.idx.msk [tilespmem:v17+s3+$0x0], $0xffff;
	v5 =	vmin.u32 v5, $0xC37F  }
0x3cb: {  	vm10 =	vgt.s32 v49, $0x0;
	v22 =	vnsel vm9, $0x0, v47;
	v21 =	vmin.u32 v21, $0xC37F;
	v20 =	vld.idx.msk [tilespmem:v20+s3+$0x0], $0xffff  }
0x3cc: {  	v53 =	vld [tilespmem:s1+$0xFFFFFFC0];
	v4 =	vadd.f32 v48, v4;
	v24 =	vnsel vm10, $0x0, v49;
	v22 =	vmin.u32 v22, $0xC37F  }
0x3cd: {  	v54 =	vld [tilespmem:s1+$0xFFFFFFE0];
	v6 =	vadd.f32 v12, v6;
	v0 =	vnsel vm0, $0x0, v0;
	v24 =	vmin.u32 v24, $0xC37F  }
0x3ce: {  	v3 =	vadd.f32 v3, v4;
	v0 =	vmul.f32 v0, v0;
	v4 =	vsub.f32 v50, v51;
	v55 =	vld.idx.msk [tilespmem:v15+s3+$0x0], $0xffff  }
0x3cf: {  	v6 =	vadd.f32 v10, v6;
	vm11 =	veq.s32 v13, v5;
	v56 =	vsub.f32 v19, v17;
	v5 =	vld.idx.msk [tilespmem:v5+s3+$0x0], $0xffff  }
0x3d0: {  	v0 =	vadd.f32 v0, v3;
	v3 =	vnsel vm2, $0x0, v4;
	v4 =	vld.idx.msk [tilespmem:v21+s3+$0x0], $0xffff;
	v57 =	vsub.f32 v23, v20  }
0x3d1: {  	vm13 =	veq.s32 v1, v15;
	v58 =	vld.idx.msk [tilespmem:v22+s3+$0x0], $0xffff;
	v1 =	vnsel vm1, $0x0, v56;
	v3 =	vmul.f32 v3, v3  }
0x3d2: {  	v60 =	vld.idx.msk [tilespmem:v24+s3+$0x0], $0xffff;
	v1 =	vmul.f32 v1, v1;
	v59 =	vnsel vm8, $0x0, v57  }
0x3d3: {  	v3 =	vadd.f32 v3, v6;
	v62 =	vsub.f32 v53, v55;
	v61 =	vmul.f32 v59, v59  }
0x3d4: {  	v5 =	vsub.f32 v54, v5;
	v0 =	vadd.f32 v1, v0  }
0x3d5: {  	v1 =	vadd.f32 v61, v3;
	v3 =	vsub.f32 v18, v4;
	v4 =	vnsel vm13, $0x0, v62  }
0x3d6: {  	vm12 =	veq.s32 v14, v21;
	vm15 =	veq.s32 v49, v24;
	v4 =	vmul.f32 v4, v4  }
0x3d7: {  	v63 =	vsub.f32 v16, v58;
	v2 =	vsub.f32 v2, v60;
	v5 =	vnsel vm11, $0x0, v5  }
0x3d8: {  	v5 =	vmul.f32 v5, v5;
	v3 =	vnsel vm12, $0x0, v3;
	v0 =	vadd.f32 v4, v0  }
0x3d9: {  	vm14 =	veq.s32 v47, v22;
	v2 =	vnsel vm15, $0x0, v2;
	v3 =	vmul.f32 v3, v3  }
0x3da: {  	v6 =	vnsel vm14, $0x0, v63;
	v2 =	vmul.f32 v2, v2;
	v0 =	vadd.f32 v5, v0  }
0x3db: {  	v4 =	vmul.f32 v6, v6;
	v1 =	vadd.f32 v3, v1  }
0x3dc: {  	s1 =	simm.s32 $0x18780;
	v2 =	vadd.f32 v2, v0  }
0x3dd: {  	s20 =	simm.s32 $0x80;
	s4 =	sadd.s32 $0x0, s17;
	s24 =	simm.s32 $0x18880;
	v3 =	vadd.f32 v4, v1  }
.LBB2_44:
0x3de: {  	[tilespmem:s1], [sflag:$0x5] =	stream.linear.gather [hbm4b:s4+s3], $0x80, $0x38;
	[tilespmem:$0x1E780] =	vst v63  }
0x3df: {  	s4 =	smov.u32 s20;
	s1 =	smov.u32 s24;
	p0 =	sne.s32 s20, $0xF80  }
.Ltmp23:
0x3e0: {  	s20 =	sadd.s32 $0x80, s20;
	(pc) =	sbr.rel @p0 .LBB2_44-.Ltmp23, $2  }
0x3e1: {  	_ =	sdelay $0x2  }
0x3e2: {  	s24 =	sadd.s32 $0x100, s24;
	s4 =	sadd.s32 s4, s17  }
0x3e3: {  	[tilespmem:s1], [sflag:$0x5] =	stream.linear.gather [hbm4b:s4+s3], $0x80, $0x38;
	[tilespmem:$0x1E780] =	vst v63  }
0x3e4: {  	_ =	swait.ge [sflag:s28], $0x1000  }
0x3e5: {  	[sflag:s28] =	ssyncset.done $0x0  }
0x3e6: {  	s24 =	simm.s32 $0x1C770;
	[sflag:s28] =	ssyncadd.s32 $0xFFFFF000  }
0x3e7: {  	v1 =	vld [tilespmem:s24+$0xFFFFFF90]  }
0x3e8: {  	v4 =	vld [tilespmem:s24+$0xFFFFFFA0]  }
0x3e9: {  	v5 =	vld [tilespmem:s24+$0xFFFFFFC0]  }
0x3ea: {  	v6 =	vld [tilespmem:s24+$0xFFFFFFB0]  }
0x3eb: {  	v7 =	vld [tilespmem:s24+$0xFFFFFFE0]  }
0x3ec: {  	v9 =	vld [tilespmem:s24+$0xFFFFFFD0]  }
0x3ed: {  	v11 =	vld [tilespmem:s24+$0x0]  }
0x3ee: {  	s1 =	simm.s32 $0x18740;
	v12 =	vld [tilespmem:s24+$0xFFFFFFF0]  }
0x3ef: {  	v13 =	vld [tilespmem:s1+$0xFFFFFFD0];
	vm0 =	vgt.s32 v1, $0x0  }
0x3f0: {  	v14 =	vld [tilespmem:s1+$0xFFFFFFC0];
	vm1 =	vgt.s32 v4, $0x0;
	v0 =	vnsel vm0, $0x0, v1  }
0x3f1: {  	v20 =	vld [tilespmem:s1+$0x20];
	v8 =	vnsel vm1, $0x0, v4;
	vm0 =	vgt.s32 v7, $0x0;
	v10 =	vmin.u32 v0, $0xC37F  }
0x3f2: {  	v21 =	vld [tilespmem:s1+$0x10];
	vm1 =	vgt.s32 v6, $0x0;
	v8 =	vmin.u32 v8, $0xC37F;
	v15 =	vnsel vm0, $0x0, v7  }
0x3f3: {  	v23 =	vld [tilespmem:s1+$0xFFFFFFE0];
	v16 =	vnsel vm1, $0x0, v6;
	vm0 =	vgt.s32 v5, $0x0;
	v15 =	vmin.u32 v15, $0xC37F  }
0x3f4: {  	v27 =	vld [tilespmem:s1+$0xFFFFFFF0];
	v16 =	vmin.u32 v16, $0xC37F;
	v19 =	vnsel vm0, $0x0, v5  }
0x3f5: {  	s20 =	simm.s32 $0x0;
	v0 =	vld [tilespmem:s1+$0x30];
	v19 =	vmin.u32 v19, $0xC37F  }
0x3f6: {  	vm0 =	vgt.s32 v12, $0x0;
	v17 =	vld.idx.msk [tilespmem:v10+s20+$0x0], $0xffff  }
0x3f7: {  	vm1 =	vgt.s32 v11, $0x0;
	v22 =	vnsel vm0, $0x0, v12;
	v18 =	vld.idx.msk [tilespmem:v8+s20+$0x0], $0xffff  }
0x3f8: {  	v24 =	vnsel vm1, $0x0, v11;
	v22 =	vmin.u32 v22, $0xC37F;
	v25 =	vld.idx.msk [tilespmem:v15+s20+$0x0], $0xffff  }
0x3f9: {  	vm2 =	vgt.s32 v9, $0x0;
	v24 =	vmin.u32 v24, $0xC37F;
	v26 =	vld.idx.msk [tilespmem:v16+s20+$0x0], $0xffff  }
0x3fa: {  	s31 =	simm.s32 $0x1C7F0;
	vm1 =	veq.s32 v4, v8;
	vm0 =	veq.s32 v1, v10;
	vm3 =	veq.s32 v6, v16;
	v62 =	vld.idx.msk [tilespmem:v19+s20+$0x0], $0xffff  }
0x3fb: {  	vm4 =	veq.s32 v7, v15;
	v1 =	vnsel vm2, $0x0, v9;
	v6 =	vld [tilespmem:s31+$0xFFFFFF90];
	v4 =	vsub.f32 v14, v17  }
0x3fc: {  	vm5 =	veq.s32 v5, v19;
	v7 =	vmin.u32 v1, $0xC37F;
	v8 =	vld [tilespmem:s31+$0xFFFFFFA0];
	v5 =	vsub.f32 v13, v18  }
0x3fd: {  	vm2 =	veq.s32 v12, v22;
	v14 =	vld.idx.msk [tilespmem:v22+s20+$0x0], $0xffff;
	v1 =	vnsel vm0, $0x0, v4;
	vm0 =	veq.s32 v11, v24  }
0x3fe: {  	v10 =	vld.idx.msk [tilespmem:v24+s20+$0x0], $0xffff;
	v4 =	vnsel vm1, $0x0, v5;
	v5 =	vsub.f32 v21, v25;
	v11 =	vsub.f32 v23, v26  }
0x3ff: {  	vm1 =	veq.s32 v9, v7;
	v15 =	vsub.f32 v27, v62;
	v13 =	vmul.f32 v1, v1;
	v1 =	vld [tilespmem:s31+$0xFFFFFFC0]  }
0x400: {  	v12 =	vmul.f32 v4, v4;
	v4 =	vld [tilespmem:s31+$0xFFFFFFB0];
	v9 =	vnsel vm3, $0x0, v11;
	v63 =	vnsel vm4, $0x0, v5  }
0x401: {  	v11 =	vld.idx.msk [tilespmem:v7+s20+$0x0], $0xffff;
	vm3 =	vgt.s32 v6, $0x0;
	v7 =	vnsel vm5, $0x0, v15;
	v5 =	vadd.f32 v13, v3  }
0x402: {  	s24 =	simm.s32 $0x4;
	v9 =	vmul.f32 v9, v9;
	v3 =	vmul.f32 v63, v63;
	v13 =	vld [tilespmem:s1+$0x0];
	v14 =	vsub.f32 v20, v14  }
.LBB2_46:
0x403: {  	s24 =	sadd.s32 $0x4, s24;
	vm4 =	vgt.s32 v8, $0x0;
	v15 =	vld [tilespmem:s31+$0xFFFFFFE0];
	v2 =	vadd.f32 v12, v2;
	v10 =	vsub.f32 v0, v10;
	s1 =	sadd.s32 $0x100, s1  }
0x404: {  	v0 =	vnsel vm3, $0x0, v6;
	p0 =	slt.u32 s24, $0x7C;
	v12 =	vnsel vm4, $0x0, v8;
	v16 =	vld [tilespmem:s31+$0xFFFFFFD0];
	v14 =	vnsel vm2, $0x0, v14  }
0x405: {  	v17 =	vmin.u32 v0, $0xC37F;
	v12 =	vmin.u32 v12, $0xC37F;
	v0 =	vld [tilespmem:s1+$0x30];
	v14 =	vmul.f32 v14, v14  }
0x406: {  	vm5 =	veq.s32 v6, v17;
	vm3 =	veq.s32 v8, v12;
	v6 =	vld [tilespmem:s31+$0x0];
	v8 =	vnsel vm0, $0x0, v10  }
0x407: {  	vm2 =	vgt.s32 v1, $0x0;
	vm0 =	vgt.s32 v4, $0x0;
	v10 =	vld [tilespmem:s31+$0xFFFFFFF0];
	v11 =	vsub.f32 v13, v11  }
0x408: {  	v5 =	vadd.f32 v9, v5;
	v18 =	vnsel vm0, $0x0, v4;
	v13 =	vld [tilespmem:s1+$0xFFFFFFD0];
	vm0 =	vgt.s32 v15, $0x0  }
0x409: {  	v18 =	vmin.u32 v18, $0xC37F;
	v9 =	vld [tilespmem:s1+$0xFFFFFFC0];
	v19 =	vnsel vm0, $0x0, v15;
	v11 =	vnsel vm1, $0x0, v11  }
0x40a: {  	v7 =	vmul.f32 v7, v7;
	vm4 =	veq.s32 v4, v18;
	v17 =	vld.idx.msk [tilespmem:v17+s20+$0x0], $0xffff;
	v4 =	vmin.u32 v19, $0xC37F  }
0x40b: {  	vm0 =	vgt.s32 v16, $0x0;
	v19 =	vnsel vm2, $0x0, v1;
	v12 =	vld.idx.msk [tilespmem:v12+s20+$0x0], $0xffff;
	vm6 =	veq.s32 v15, v4  }
0x40c: {  	v2 =	vadd.f32 v7, v2;
	vm2 =	vgt.s32 v6, $0x0;
	vm1 =	vgt.s32 v10, $0x0;
	v15 =	vld [tilespmem:s1+$0x20]  }
0x40d: {  	v7 =	vmin.u32 v19, $0xC37F;
	v19 =	vnsel vm0, $0x0, v16;
	v20 =	vld [tilespmem:s1+$0x10];
	v21 =	vnsel vm1, $0x0, v10  }
0x40e: {  	v11 =	vmul.f32 v11, v11;
	v23 =	vnsel vm2, $0x0, v6;
	v22 =	vld [tilespmem:s1+$0xFFFFFFE0];
	v21 =	vmin.u32 v21, $0xC37F  }
0x40f: {  	v2 =	vadd.f32 v3, v2;
	v3 =	vmul.f32 v8, v8;
	v23 =	vmin.u32 v23, $0xC37F;
	v4 =	vld.idx.msk [tilespmem:v4+s20+$0x0], $0xffff  }
0x410: {  	vm7 =	veq.s32 v1, v7;
	v1 =	vadd.f32 v11, v5;
	v8 =	vsub.f32 v9, v17;
	v9 =	vld.idx.msk [tilespmem:v18+s20+$0x0], $0xffff  }
0x411: {  	v2 =	vadd.f32 v3, v2;
	vm2 =	veq.s32 v10, v21;
	v5 =	vsub.f32 v13, v12;
	v11 =	vld [tilespmem:s1+$0xFFFFFFF0]  }
0x412: {  	vm0 =	veq.s32 v6, v23;
	v13 =	vadd.f32 v14, v1;
	v3 =	vnsel vm5, $0x0, v8;
	v7 =	vld.idx.msk [tilespmem:v7+s20+$0x0], $0xffff  }
0x413: {  	v1 =	vnsel vm3, $0x0, v5;
	v3 =	vmul.f32 v3, v3;
	v14 =	vld.idx.msk [tilespmem:v21+s20+$0x0], $0xffff  }
0x414: {  	s31 =	sadd.s32 $0x80, s31;
	v17 =	vmin.u32 v19, $0xC37F;
	v12 =	vmul.f32 v1, v1;
	v10 =	vld.idx.msk [tilespmem:v23+s20+$0x0], $0xffff  }
0x415: {  	vm1 =	veq.s32 v16, v17;
	v16 =	vsub.f32 v20, v4;
	v6 =	vld [tilespmem:s31+$0xFFFFFF90]  }
.Ltmp24:
0x416: {  	v9 =	vsub.f32 v22, v9;
	v8 =	vld [tilespmem:s31+$0xFFFFFFA0];
	(pc) =	sbr.rel @p0 .LBB2_46-.Ltmp24, $4  }
0x417: {  	v5 =	vadd.f32 v3, v13;
	v1 =	vld [tilespmem:s31+$0xFFFFFFC0]  }
0x418: {  	v13 =	vnsel vm6, $0x0, v16;
	v3 =	vnsel vm4, $0x0, v9;
	v7 =	vsub.f32 v11, v7;
	v4 =	vld [tilespmem:s31+$0xFFFFFFB0]  }
0x419: {  	v9 =	vmul.f32 v3, v3;
	v3 =	vmul.f32 v13, v13;
	v11 =	vld.idx.msk [tilespmem:v17+s20+$0x0], $0xffff  }
0x41a: {  	v14 =	vsub.f32 v15, v14;
	v7 =	vnsel vm7, $0x0, v7;
	vm3 =	vgt.s32 v6, $0x0;
	v13 =	vld [tilespmem:s1+$0x0]  }
0x41b: {  	v15 =	vld [tilespmem:s31+$0xFFFFFFE0]  }
0x41c: {  	v18 =	vld [tilespmem:s31+$0xFFFFFFD0]  }
0x41d: {  	vm4 =	vgt.s32 v8, $0x0;
	v16 =	vnsel vm3, $0x0, v6;
	v19 =	vld [tilespmem:s31+$0x0];
	v2 =	vadd.f32 v12, v2  }
0x41e: {  	s1 =	sadd.s32 $0x100, s1;
	v48 =	vld [tilespmem:s31+$0xFFFFFFF0];
	v0 =	vsub.f32 v0, v10;
	v5 =	vadd.f32 v9, v5;
	v7 =	vmul.f32 v7, v7  }
0x41f: {  	v17 =	vnsel vm4, $0x0, v8;
	v16 =	vmin.u32 v16, $0xC37F;
	v49 =	vld [tilespmem:s1+$0xFFFFFFD0];
	vm13 =	vgt.s32 v1, $0x0  }
0x420: {  	v50 =	vld [tilespmem:s1+$0xFFFFFFC0];
	v14 =	vnsel vm2, $0x0, v14;
	v17 =	vmin.u32 v17, $0xC37F;
	vm4 =	veq.s32 v6, v16  }
0x421: {  	v55 =	vld [tilespmem:s1+$0x20];
	vm6 =	vgt.s32 v4, $0x0;
	v54 =	vnsel vm13, $0x0, v1;
	v2 =	vadd.f32 v7, v2  }
0x422: {  	v21 =	vld [tilespmem:s1+$0x10];
	v0 =	vnsel vm0, $0x0, v0;
	v20 =	vnsel vm6, $0x0, v4;
	vm5 =	vgt.s32 v15, $0x0  }
0x423: {  	v23 =	vld [tilespmem:s1+$0xFFFFFFE0];
	vm3 =	veq.s32 v8, v17;
	v52 =	vmin.u32 v20, $0xC37F;
	v51 =	vnsel vm5, $0x0, v15  }
0x424: {  	s20 =	simm.s32 $0x0;
	v58 =	vld [tilespmem:s1+$0xFFFFFFF0];
	v11 =	vsub.f32 v13, v11;
	vm14 =	vgt.s32 v48, $0x0;
	v10 =	vmin.u32 v51, $0xC37F  }
0x425: {  	vm15 =	vgt.s32 v18, $0x0;
	v22 =	vnsel vm14, $0x0, v48;
	v53 =	vld.idx.msk [tilespmem:v17+s20+$0x0], $0xffff;
	v17 =	vmin.u32 v54, $0xC37F  }
0x426: {  	vm9 =	veq.s32 v4, v52;
	v16 =	vld.idx.msk [tilespmem:v16+s20+$0x0], $0xffff;
	v4 =	vnsel vm15, $0x0, v18;
	v22 =	vmin.u32 v22, $0xC37F  }
0x427: {  	v60 =	vld [tilespmem:s1+$0x0];
	v0 =	vmul.f32 v0, v0;
	vm10 =	vgt.s32 v19, $0x0;
	v4 =	vmin.u32 v4, $0xC37F  }
0x428: {  	v2 =	vadd.f32 v3, v2;
	v11 =	vnsel vm1, $0x0, v11;
	v57 =	vnsel vm10, $0x0, v19;
	v9 =	vld.idx.msk [tilespmem:v52+s20+$0x0], $0xffff  }
0x429: {  	v11 =	vmul.f32 v11, v11;
	vm11 =	veq.s32 v15, v10;
	v56 =	vld.idx.msk [tilespmem:v10+s20+$0x0], $0xffff;
	v10 =	vmin.u32 v57, $0xC37F  }
0x42a: {  	v14 =	vmul.f32 v14, v14;
	v0 =	vadd.f32 v0, v2;
	v3 =	vld.idx.msk [tilespmem:v17+s20+$0x0], $0xffff  }
0x42b: {  	vm12 =	veq.s32 v1, v17;
	v5 =	vadd.f32 v11, v5;
	v8 =	vsub.f32 v50, v16;
	v1 =	vld.idx.msk [tilespmem:v22+s20+$0x0], $0xffff  }
0x42c: {  	vm13 =	veq.s32 v48, v22;
	vm15 =	veq.s32 v18, v4;
	v6 =	vsub.f32 v49, v53;
	v59 =	vld.idx.msk [tilespmem:v4+s20+$0x0], $0xffff  }
0x42d: {  	v61 =	vld [tilespmem:s1+$0x30];
	v5 =	vadd.f32 v14, v5;
	v2 =	vnsel vm4, $0x0, v8;
	v9 =	vsub.f32 v23, v9  }
0x42e: {  	vm14 =	veq.s32 v19, v10;
	v6 =	vnsel vm3, $0x0, v6;
	v2 =	vmul.f32 v2, v2;
	v10 =	vld.idx.msk [tilespmem:v10+s20+$0x0], $0xffff  }
0x42f: {  	v6 =	vmul.f32 v6, v6;
	v4 =	vnsel vm9, $0x0, v9;
	v3 =	vsub.f32 v58, v3  }
0x430: {  	v2 =	vadd.f32 v2, v5;
	v7 =	vsub.f32 v21, v56;
	v4 =	vmul.f32 v4, v4  }
0x431: {  	v1 =	vsub.f32 v55, v1;
	v62 =	vsub.f32 v60, v59;
	v3 =	vnsel vm12, $0x0, v3  }
0x432: {  	v0 =	vadd.f32 v6, v0;
	v5 =	vnsel vm11, $0x0, v7;
	v3 =	vmul.f32 v3, v3  }
0x433: {  	v1 =	vnsel vm13, $0x0, v1;
	v7 =	vnsel vm15, $0x0, v62;
	v63 =	vsub.f32 v61, v10  }
0x434: {  	p0 =	por $0x1, $0x1;
	v2 =	vadd.f32 v4, v2;
	v5 =	vmul.f32 v5, v5;
	v0 =	vadd.f32 v3, v0  }
.Ltmp25:
0x435: {  	v4 =	vmul.f32 v1, v1;
	v3 =	vmul.f32 v7, v7;
	v1 =	vnsel vm14, $0x0, v63;
	(pc) =	sbr.rel @!p0 .LBB2_49-.Ltmp25, $4  }
0x436: {  	v0 =	vadd.f32 v5, v0;
	v1 =	vmul.f32 v1, v1  }
0x437: {  	v2 =	vadd.f32 v3, v2  }
0x438: {  	s24 =	simm.s32 $0x80;
	v1 =	vadd.f32 v1, v0  }
0x439: {  	s4 =	sadd.s32 $0x0, s12;
	s31 =	simm.s32 $0x18800;
	s1 =	simm.s32 $0x18700;
	v3 =	vadd.f32 v4, v2  }
.LBB2_48:
0x43a: {  	[tilespmem:s1], [sflag:$0x4] =	stream.linear.gather [hbm4b:s4+s3], $0x80, $0x38;
	[tilespmem:$0x1E780] =	vst v63  }
0x43b: {  	s4 =	smov.u32 s24;
	s1 =	smov.u32 s31;
	p0 =	sne.s32 s24, $0xF80  }
.Ltmp26:
0x43c: {  	s24 =	sadd.s32 $0x80, s24;
	(pc) =	sbr.rel @p0 .LBB2_48-.Ltmp26, $2  }
0x43d: {  	_ =	sdelay $0x2  }
0x43e: {  	s31 =	sadd.s32 $0x100, s31;
	s4 =	sadd.s32 s4, s12  }
.LBB2_49:
0x43f: {  	[tilespmem:s1], [sflag:$0x4] =	stream.linear.gather [hbm4b:s4+s3], $0x80, $0x38;
	[tilespmem:$0x1E780] =	vst v63  }
0x440: {  	_ =	swait.ge [sflag:s29], $0x1000  }
0x441: {  	[sflag:s29] =	ssyncset.done $0x0  }
0x442: {  	s24 =	simm.s32 $0x1D770;
	[sflag:s29] =	ssyncadd.s32 $0xFFFFF000  }
0x443: {  	v2 =	vld [tilespmem:s24+$0xFFFFFF90]  }
0x444: {  	v4 =	vld [tilespmem:s24+$0xFFFFFFA0]  }
0x445: {  	v5 =	vld [tilespmem:s24+$0xFFFFFFC0]  }
0x446: {  	v6 =	vld [tilespmem:s24+$0xFFFFFFB0]  }
0x447: {  	v7 =	vld [tilespmem:s24+$0xFFFFFFE0]  }
0x448: {  	v9 =	vld [tilespmem:s24+$0xFFFFFFD0]  }
0x449: {  	v11 =	vld [tilespmem:s24+$0x0]  }
0x44a: {  	s1 =	simm.s32 $0x187F0;
	v12 =	vld [tilespmem:s24+$0xFFFFFFF0]  }
0x44b: {  	v13 =	vld [tilespmem:s1+$0xFFFFFFA0];
	vm0 =	vgt.s32 v2, $0x0  }
0x44c: {  	v14 =	vld [tilespmem:s1+$0xFFFFFF90];
	vm1 =	vgt.s32 v4, $0x0;
	v0 =	vnsel vm0, $0x0, v2  }
0x44d: {  	v20 =	vld [tilespmem:s1+$0xFFFFFFF0];
	v8 =	vnsel vm1, $0x0, v4;
	vm0 =	vgt.s32 v7, $0x0;
	v10 =	vmin.u32 v0, $0xC37F  }
0x44e: {  	v21 =	vld [tilespmem:s1+$0xFFFFFFE0];
	vm1 =	vgt.s32 v6, $0x0;
	v8 =	vmin.u32 v8, $0xC37F;
	v15 =	vnsel vm0, $0x0, v7  }
0x44f: {  	v23 =	vld [tilespmem:s1+$0xFFFFFFB0];
	v16 =	vnsel vm1, $0x0, v6;
	vm0 =	vgt.s32 v5, $0x0;
	v15 =	vmin.u32 v15, $0xC37F  }
0x450: {  	v27 =	vld [tilespmem:s1+$0xFFFFFFC0];
	v16 =	vmin.u32 v16, $0xC37F;
	v19 =	vnsel vm0, $0x0, v5  }
0x451: {  	v0 =	vld [tilespmem:s1+$0x0];
	v19 =	vmin.u32 v19, $0xC37F  }
0x452: {  	vm0 =	vgt.s32 v12, $0x0;
	v17 =	vld.idx.msk [tilespmem:v10+s20+$0x0], $0xffff  }
0x453: {  	vm1 =	vgt.s32 v11, $0x0;
	v22 =	vnsel vm0, $0x0, v12;
	v18 =	vld.idx.msk [tilespmem:v8+s20+$0x0], $0xffff  }
0x454: {  	v24 =	vnsel vm1, $0x0, v11;
	v22 =	vmin.u32 v22, $0xC37F;
	v25 =	vld.idx.msk [tilespmem:v15+s20+$0x0], $0xffff  }
0x455: {  	vm2 =	vgt.s32 v9, $0x0;
	v24 =	vmin.u32 v24, $0xC37F;
	v26 =	vld.idx.msk [tilespmem:v16+s20+$0x0], $0xffff  }
0x456: {  	s31 =	simm.s32 $0x1D7F0;
	vm1 =	veq.s32 v4, v8;
	vm0 =	veq.s32 v2, v10;
	vm3 =	veq.s32 v6, v16;
	v62 =	vld.idx.msk [tilespmem:v19+s20+$0x0], $0xffff  }
0x457: {  	vm4 =	veq.s32 v7, v15;
	v2 =	vnsel vm2, $0x0, v9;
	v6 =	vld [tilespmem:s31+$0xFFFFFF90];
	v4 =	vsub.f32 v14, v17  }
0x458: {  	vm5 =	veq.s32 v5, v19;
	v7 =	vmin.u32 v2, $0xC37F;
	v8 =	vld [tilespmem:s31+$0xFFFFFFA0];
	v5 =	vsub.f32 v13, v18  }
0x459: {  	vm2 =	veq.s32 v12, v22;
	v14 =	vld.idx.msk [tilespmem:v22+s20+$0x0], $0xffff;
	v2 =	vnsel vm0, $0x0, v4;
	vm0 =	veq.s32 v11, v24  }
0x45a: {  	v10 =	vld.idx.msk [tilespmem:v24+s20+$0x0], $0xffff;
	v4 =	vnsel vm1, $0x0, v5;
	v5 =	vsub.f32 v21, v25;
	v11 =	vsub.f32 v23, v26  }
0x45b: {  	vm1 =	veq.s32 v9, v7;
	v15 =	vsub.f32 v27, v62;
	v13 =	vmul.f32 v2, v2;
	v2 =	vld [tilespmem:s31+$0xFFFFFFC0]  }
0x45c: {  	v12 =	vmul.f32 v4, v4;
	v4 =	vld [tilespmem:s31+$0xFFFFFFB0];
	v9 =	vnsel vm3, $0x0, v11;
	v63 =	vnsel vm4, $0x0, v5  }
0x45d: {  	v11 =	vld.idx.msk [tilespmem:v7+s20+$0x0], $0xffff;
	vm3 =	vgt.s32 v6, $0x0;
	v7 =	vnsel vm5, $0x0, v15;
	v5 =	vadd.f32 v13, v3  }
0x45e: {  	s24 =	simm.s32 $0x4;
	v9 =	vmul.f32 v9, v9;
	v3 =	vmul.f32 v63, v63;
	v13 =	vld [tilespmem:s1+$0xFFFFFFD0];
	v14 =	vsub.f32 v20, v14  }
.LBB2_50:
0x45f: {  	s24 =	sadd.s32 $0x4, s24;
	vm4 =	vgt.s32 v8, $0x0;
	v15 =	vld [tilespmem:s31+$0xFFFFFFE0];
	v1 =	vadd.f32 v12, v1;
	v10 =	vsub.f32 v0, v10;
	s1 =	sadd.s32 $0x100, s1  }
0x460: {  	v0 =	vnsel vm3, $0x0, v6;
	p0 =	slt.u32 s24, $0x7C;
	v12 =	vnsel vm4, $0x0, v8;
	v16 =	vld [tilespmem:s31+$0xFFFFFFD0];
	v14 =	vnsel vm2, $0x0, v14  }
0x461: {  	v17 =	vmin.u32 v0, $0xC37F;
	v12 =	vmin.u32 v12, $0xC37F;
	v0 =	vld [tilespmem:s1+$0x0];
	v14 =	vmul.f32 v14, v14  }
0x462: {  	vm5 =	veq.s32 v6, v17;
	vm3 =	veq.s32 v8, v12;
	v6 =	vld [tilespmem:s31+$0x0];
	v8 =	vnsel vm0, $0x0, v10  }
0x463: {  	vm2 =	vgt.s32 v2, $0x0;
	vm0 =	vgt.s32 v4, $0x0;
	v10 =	vld [tilespmem:s31+$0xFFFFFFF0];
	v11 =	vsub.f32 v13, v11  }
0x464: {  	v5 =	vadd.f32 v9, v5;
	v18 =	vnsel vm0, $0x0, v4;
	v13 =	vld [tilespmem:s1+$0xFFFFFFA0];
	vm0 =	vgt.s32 v15, $0x0  }
0x465: {  	s20 =	simm.s32 $0x0;
	v18 =	vmin.u32 v18, $0xC37F;
	v9 =	vld [tilespmem:s1+$0xFFFFFF90];
	v19 =	vnsel vm0, $0x0, v15;
	v11 =	vnsel vm1, $0x0, v11  }
0x466: {  	v7 =	vmul.f32 v7, v7;
	vm4 =	veq.s32 v4, v18;
	v17 =	vld.idx.msk [tilespmem:v17+s20+$0x0], $0xffff;
	v4 =	vmin.u32 v19, $0xC37F  }
0x467: {  	vm0 =	vgt.s32 v16, $0x0;
	v19 =	vnsel vm2, $0x0, v2;
	v12 =	vld.idx.msk [tilespmem:v12+s20+$0x0], $0xffff;
	vm6 =	veq.s32 v15, v4  }
0x468: {  	v1 =	vadd.f32 v7, v1;
	vm2 =	vgt.s32 v6, $0x0;
	vm1 =	vgt.s32 v10, $0x0;
	v15 =	vld [tilespmem:s1+$0xFFFFFFF0]  }
0x469: {  	v7 =	vmin.u32 v19, $0xC37F;
	v19 =	vnsel vm0, $0x0, v16;
	v20 =	vld [tilespmem:s1+$0xFFFFFFE0];
	v21 =	vnsel vm1, $0x0, v10  }
0x46a: {  	v11 =	vmul.f32 v11, v11;
	v23 =	vnsel vm2, $0x0, v6;
	v22 =	vld [tilespmem:s1+$0xFFFFFFB0];
	v21 =	vmin.u32 v21, $0xC37F  }
0x46b: {  	v1 =	vadd.f32 v3, v1;
	v3 =	vmul.f32 v8, v8;
	v23 =	vmin.u32 v23, $0xC37F;
	v4 =	vld.idx.msk [tilespmem:v4+s20+$0x0], $0xffff  }
0x46c: {  	vm7 =	veq.s32 v2, v7;
	v2 =	vadd.f32 v11, v5;
	v8 =	vsub.f32 v9, v17;
	v9 =	vld.idx.msk [tilespmem:v18+s20+$0x0], $0xffff  }
0x46d: {  	v1 =	vadd.f32 v3, v1;
	vm2 =	veq.s32 v10, v21;
	v5 =	vsub.f32 v13, v12;
	v11 =	vld [tilespmem:s1+$0xFFFFFFC0]  }
0x46e: {  	vm0 =	veq.s32 v6, v23;
	v13 =	vadd.f32 v14, v2;
	v3 =	vnsel vm5, $0x0, v8;
	v7 =	vld.idx.msk [tilespmem:v7+s20+$0x0], $0xffff  }
0x46f: {  	v2 =	vnsel vm3, $0x0, v5;
	v3 =	vmul.f32 v3, v3;
	v14 =	vld.idx.msk [tilespmem:v21+s20+$0x0], $0xffff  }
0x470: {  	s31 =	sadd.s32 $0x80, s31;
	v17 =	vmin.u32 v19, $0xC37F;
	v12 =	vmul.f32 v2, v2;
	v10 =	vld.idx.msk [tilespmem:v23+s20+$0x0], $0xffff  }
0x471: {  	vm1 =	veq.s32 v16, v17;
	v16 =	vsub.f32 v20, v4;
	v6 =	vld [tilespmem:s31+$0xFFFFFF90]  }
.Ltmp27:
0x472: {  	v9 =	vsub.f32 v22, v9;
	v8 =	vld [tilespmem:s31+$0xFFFFFFA0];
	(pc) =	sbr.rel @p0 .LBB2_50-.Ltmp27, $4  }
0x473: {  	v5 =	vadd.f32 v3, v13;
	v2 =	vld [tilespmem:s31+$0xFFFFFFC0]  }
0x474: {  	v13 =	vnsel vm6, $0x0, v16;
	v3 =	vnsel vm4, $0x0, v9;
	v7 =	vsub.f32 v11, v7;
	v4 =	vld [tilespmem:s31+$0xFFFFFFB0]  }
0x475: {  	v9 =	vmul.f32 v3, v3;
	v3 =	vmul.f32 v13, v13;
	v11 =	vld.idx.msk [tilespmem:v17+s20+$0x0], $0xffff  }
0x476: {  	v14 =	vsub.f32 v15, v14;
	v7 =	vnsel vm7, $0x0, v7;
	vm3 =	vgt.s32 v6, $0x0;
	v13 =	vld [tilespmem:s1+$0xFFFFFFD0]  }
0x477: {  	v15 =	vld [tilespmem:s31+$0xFFFFFFE0]  }
0x478: {  	v18 =	vld [tilespmem:s31+$0xFFFFFFD0]  }
0x479: {  	vm4 =	vgt.s32 v8, $0x0;
	v16 =	vnsel vm3, $0x0, v6;
	v19 =	vld [tilespmem:s31+$0x0];
	v1 =	vadd.f32 v12, v1  }
0x47a: {  	s1 =	sadd.s32 $0x100, s1;
	v52 =	vld [tilespmem:s31+$0xFFFFFFF0];
	v0 =	vsub.f32 v0, v10;
	v5 =	vadd.f32 v9, v5;
	v7 =	vmul.f32 v7, v7  }
0x47b: {  	v17 =	vnsel vm4, $0x0, v8;
	v16 =	vmin.u32 v16, $0xC37F;
	v53 =	vld [tilespmem:s1+$0xFFFFFF90];
	vm13 =	vgt.s32 v2, $0x0  }
0x47c: {  	v58 =	vld [tilespmem:s1+$0xFFFFFFF0];
	v17 =	vmin.u32 v17, $0xC37F;
	vm4 =	veq.s32 v6, v16;
	vm6 =	vgt.s32 v4, $0x0  }
0x47d: {  	v21 =	vld [tilespmem:s1+$0xFFFFFFE0];
	v57 =	vnsel vm13, $0x0, v2;
	v1 =	vadd.f32 v7, v1;
	v0 =	vnsel vm0, $0x0, v0  }
0x47e: {  	v23 =	vld [tilespmem:s1+$0xFFFFFFB0];
	vm3 =	veq.s32 v8, v17;
	v20 =	vnsel vm6, $0x0, v4;
	vm5 =	vgt.s32 v15, $0x0  }
0x47f: {  	v60 =	vld [tilespmem:s1+$0xFFFFFFC0];
	v0 =	vmul.f32 v0, v0;
	v55 =	vmin.u32 v20, $0xC37F;
	v54 =	vnsel vm5, $0x0, v15  }
0x480: {  	v6 =	vld [tilespmem:s1+$0xFFFFFFA0];
	v11 =	vsub.f32 v13, v11;
	vm14 =	vgt.s32 v52, $0x0;
	v10 =	vmin.u32 v54, $0xC37F  }
0x481: {  	vm15 =	vgt.s32 v18, $0x0;
	v22 =	vnsel vm14, $0x0, v52;
	v56 =	vld.idx.msk [tilespmem:v17+s20+$0x0], $0xffff;
	v17 =	vmin.u32 v57, $0xC37F  }
0x482: {  	vm9 =	veq.s32 v4, v55;
	v16 =	vld.idx.msk [tilespmem:v16+s20+$0x0], $0xffff;
	v4 =	vnsel vm15, $0x0, v18;
	v22 =	vmin.u32 v22, $0xC37F  }
0x483: {  	v62 =	vld [tilespmem:s1+$0xFFFFFFD0];
	vm10 =	vgt.s32 v19, $0x0;
	v11 =	vnsel vm1, $0x0, v11;
	v4 =	vmin.u32 v4, $0xC37F  }
0x484: {  	v1 =	vadd.f32 v3, v1;
	v59 =	vnsel vm10, $0x0, v19;
	v11 =	vmul.f32 v11, v11;
	v9 =	vld.idx.msk [tilespmem:v55+s20+$0x0], $0xffff  }
0x485: {  	v14 =	vnsel vm2, $0x0, v14;
	vm11 =	veq.s32 v15, v10;
	v7 =	vld.idx.msk [tilespmem:v10+s20+$0x0], $0xffff;
	v10 =	vmin.u32 v59, $0xC37F  }
0x486: {  	v14 =	vmul.f32 v14, v14;
	v0 =	vadd.f32 v0, v1;
	v5 =	vadd.f32 v11, v5;
	v3 =	vld.idx.msk [tilespmem:v17+s20+$0x0], $0xffff  }
0x487: {  	vm12 =	veq.s32 v2, v17;
	v8 =	vsub.f32 v53, v16;
	v2 =	vld.idx.msk [tilespmem:v22+s20+$0x0], $0xffff;
	v6 =	vsub.f32 v6, v56  }
0x488: {  	vm13 =	veq.s32 v52, v22;
	vm15 =	veq.s32 v18, v4;
	v5 =	vadd.f32 v14, v5;
	v61 =	vld.idx.msk [tilespmem:v4+s20+$0x0], $0xffff  }
0x489: {  	v63 =	vld [tilespmem:s1+$0x0];
	v1 =	vnsel vm4, $0x0, v8;
	v6 =	vnsel vm3, $0x0, v6;
	v9 =	vsub.f32 v23, v9  }
0x48a: {  	vm14 =	veq.s32 v19, v10;
	v1 =	vmul.f32 v1, v1;
	v6 =	vmul.f32 v6, v6;
	v10 =	vld.idx.msk [tilespmem:v10+s20+$0x0], $0xffff  }
0x48b: {  	v4 =	vnsel vm9, $0x0, v9;
	v7 =	vsub.f32 v21, v7;
	v3 =	vsub.f32 v60, v3  }
0x48c: {  	v1 =	vadd.f32 v1, v5;
	v4 =	vmul.f32 v4, v4;
	v2 =	vsub.f32 v58, v2  }
0x48d: {  	v5 =	vnsel vm11, $0x0, v7;
	v3 =	vnsel vm12, $0x0, v3;
	v7 =	vsub.f32 v62, v61  }
0x48e: {  	v0 =	vadd.f32 v6, v0;
	v2 =	vnsel vm13, $0x0, v2;
	v3 =	vmul.f32 v3, v3  }
0x48f: {  	p0 =	por $0x1, $0x1;
	v1 =	vadd.f32 v4, v1;
	v7 =	vnsel vm15, $0x0, v7;
	v6 =	vsub.f32 v63, v10  }
.Ltmp28:
0x490: {  	v5 =	vmul.f32 v5, v5;
	v0 =	vadd.f32 v3, v0;
	v3 =	vmul.f32 v7, v7;
	(pc) =	sbr.rel @!p0 .LBB2_53-.Ltmp28, $4  }
0x491: {  	v2 =	vmul.f32 v2, v2;
	v4 =	vnsel vm14, $0x0, v6  }
0x492: {  	v0 =	vadd.f32 v5, v0;
	v1 =	vadd.f32 v3, v1;
	v4 =	vmul.f32 v4, v4  }
0x493: {  	s4 =	sadd.s32 $0x0, s13  }
0x494: {  	s24 =	simm.s32 $0x18880;
	s1 =	simm.s32 $0x18780;
	s20 =	simm.s32 $0x80;
	v5 =	vadd.f32 v2, v1;
	v3 =	vadd.f32 v4, v0  }
.LBB2_52:
0x495: {  	[tilespmem:s1], [sflag:$0x5] =	stream.linear.gather [hbm4b:s4+s3], $0x80, $0x38;
	[tilespmem:$0x1E780] =	vst v63  }
0x496: {  	s4 =	smov.u32 s20;
	s1 =	smov.u32 s24;
	p0 =	sne.s32 s20, $0xF80  }
.Ltmp29:
0x497: {  	s20 =	sadd.s32 $0x80, s20;
	(pc) =	sbr.rel @p0 .LBB2_52-.Ltmp29, $2  }
0x498: {  	_ =	sdelay $0x2  }
0x499: {  	s24 =	sadd.s32 $0x100, s24;
	s4 =	sadd.s32 s4, s13  }
.LBB2_53:
0x49a: {  	[tilespmem:s1], [sflag:$0x5] =	stream.linear.gather [hbm4b:s4+s3], $0x80, $0x38;
	[tilespmem:$0x1E780] =	vst v63  }
0x49b: {  	_ =	swait.ge [sflag:s30], $0xC300  }
0x49c: {  	[sflag:s30] =	ssyncset.done $0x0  }
0x49d: {  	[sflag:s30] =	ssyncadd.s32 $0xFFFF3D00  }
0x49e: {  	_ =	swait.ge [sflag:s30], $0x80  }
0x49f: {  	[sflag:s30] =	ssyncset.done $0x0  }
0x4a0: {  	[sflag:s30] =	ssyncadd.s32 $0xFFFFFF80  }
0x4a1: {  	_ =	swait.ge [sflag:s28], $0x1000  }
0x4a2: {  	[sflag:s28] =	ssyncset.done $0x0  }
0x4a3: {  	s24 =	simm.s32 $0x1A740;
	[sflag:s28] =	ssyncadd.s32 $0xFFFFF000  }
0x4a4: {  	v0 =	vld [tilespmem:s24+$0xFFFFFFC0]  }
0x4a5: {  	v1 =	vld [tilespmem:s24+$0xFFFFFFD0];
	_ =	sdelay $0x2  }
0x4a6: {  	v2 =	vld [tilespmem:s24+$0xFFFFFFF0]  }
0x4a7: {  	v4 =	vld [tilespmem:s24+$0xFFFFFFE0];
	v6 =	vadd.s32 $0xFFFF3C80, v0  }
0x4a8: {  	v7 =	vadd.s32 $0xFFFF3C80, v1;
	vm0 =	vgt.s32 v6, $0x0  }
0x4a9: {  	v8 =	vld [tilespmem:s24+$0x10];
	vm1 =	vgt.s32 v7, $0x0;
	v0 =	vnsel vm0, $0x0, v6  }
0x4aa: {  	s1 =	simm.s32 $0x18740;
	v11 =	vld [tilespmem:s24+$0x20];
	v1 =	vnsel vm1, $0x0, v7;
	v9 =	vmin.u32 v0, $0xC31F  }
0x4ab: {  	v12 =	vld [tilespmem:s1+$0xFFFFFFD0];
	v2 =	vadd.s32 $0xFFFF3C80, v2;
	v10 =	vmin.u32 v1, $0xC31F  }
0x4ac: {  	v4 =	vadd.s32 $0xFFFF3C80, v4;
	vm0 =	vgt.s32 v2, $0x0;
	v0 =	vld [tilespmem:s24+$0x0]  }
0x4ad: {  	v13 =	vld [tilespmem:s1+$0xFFFFFFC0];
	vm1 =	vgt.s32 v4, $0x0;
	v1 =	vnsel vm0, $0x0, v2  }
0x4ae: {  	v19 =	vld [tilespmem:s24+$0x30];
	v14 =	vnsel vm1, $0x0, v4;
	v15 =	vmin.u32 v1, $0xC31F  }
0x4af: {  	v14 =	vmin.u32 v14, $0xC31F;
	v16 =	vld.idx.msk [tilespmem:v9+s23+$0x0], $0xffff  }
0x4b0: {  	v17 =	vld.idx.msk [tilespmem:v10+s23+$0x0], $0xffff  }
0x4b1: {  	v11 =	vadd.s32 $0xFFFF3C80, v11;
	v18 =	vadd.s32 $0xFFFF3C80, v0;
	v0 =	vld [tilespmem:s1+$0x10]  }
0x4b2: {  	v1 =	vadd.s32 $0xFFFF3C80, v8;
	vm2 =	veq.s32 v7, v10;
	v10 =	vld [tilespmem:s1+$0xFFFFFFE0];
	vm0 =	vgt.s32 v18, $0x0  }
0x4b3: {  	vm1 =	vgt.s32 v1, $0x0;
	vm3 =	veq.s32 v2, v15;
	v8 =	vld.idx.msk [tilespmem:v15+s23+$0x0], $0xffff;
	v20 =	vnsel vm0, $0x0, v18  }
0x4b4: {  	v2 =	vnsel vm1, $0x0, v1;
	vm0 =	veq.s32 v6, v9;
	v9 =	vld.idx.msk [tilespmem:v14+s23+$0x0], $0xffff;
	v20 =	vmin.u32 v20, $0xC31F  }
0x4b5: {  	vm4 =	veq.s32 v4, v14;
	v4 =	vmin.u32 v2, $0xC31F;
	v6 =	vld [tilespmem:s1+$0x0];
	v2 =	vsub.f32 v13, v16  }
0x4b6: {  	s20 =	simm.s32 $0x1A7C0;
	vm5 =	vgt.s32 v11, $0x0;
	v15 =	vadd.s32 $0xFFFF3C80, v19;
	v13 =	vld [tilespmem:s1+$0xFFFFFFF0];
	v12 =	vsub.f32 v12, v17  }
0x4b7: {  	vm1 =	veq.s32 v18, v20;
	v16 =	vld [tilespmem:s20+$0xFFFFFFC0];
	v2 =	vnsel vm0, $0x0, v2;
	vm0 =	vgt.s32 v15, $0x0  }
0x4b8: {  	v18 =	vld [tilespmem:s20+$0xFFFFFFD0];
	v12 =	vnsel vm2, $0x0, v12;
	v14 =	vnsel vm0, $0x0, v15;
	v17 =	vmul.f32 v2, v2  }
0x4b9: {  	v7 =	vld.idx.msk [tilespmem:v20+s23+$0x0], $0xffff;
	v2 =	vsub.f32 v10, v9;
	v9 =	vnsel vm5, $0x0, v11;
	v19 =	vmin.u32 v14, $0xC31F  }
0x4ba: {  	v63 =	vmul.f32 v12, v12;
	v12 =	vld [tilespmem:s20+$0xFFFFFFF0];
	v14 =	vmin.u32 v9, $0xC31F  }
0x4bb: {  	v9 =	vld [tilespmem:s20+$0xFFFFFFE0];
	v8 =	vsub.f32 v13, v8;
	vm0 =	veq.s32 v15, v19;
	v2 =	vnsel vm4, $0x0, v2  }
0x4bc: {  	vm2 =	veq.s32 v11, v14;
	v11 =	vadd.s32 $0xFFFF3C80, v16;
	v10 =	vadd.f32 v17, v5;
	v5 =	vld [tilespmem:s1+$0x20]  }
0x4bd: {  	v16 =	vadd.f32 v63, v3;
	v13 =	vnsel vm3, $0x0, v8;
	v8 =	vmul.f32 v2, v2;
	v2 =	vld.idx.msk [tilespmem:v4+s23+$0x0], $0xffff  }
0x4be: {  	s31 =	simm.s32 $0x18740;
	s24 =	simm.s32 $0x4;
	vm4 =	vgt.s32 v11, $0x0;
	v15 =	vmul.f32 v13, v13;
	v13 =	vadd.s32 $0xFFFF3C80, v18;
	v3 =	vld.idx.msk [tilespmem:v19+s23+$0x0], $0xffff  }
.LBB2_54:
0x4bf: {  	s24 =	sadd.s32 $0x4, s24;
	vm5 =	vgt.s32 v13, $0x0;
	v12 =	vadd.s32 $0xFFFF3C80, v12;
	vm3 =	veq.s32 v1, v4;
	v1 =	vld.idx.msk [tilespmem:v14+s23+$0x0], $0xffff;
	s1 =	sadd.s32 $0x100, s1  }
0x4c0: {  	v4 =	vnsel vm4, $0x0, v11;
	v6 =	vsub.f32 v6, v7;
	p0 =	slt.u32 s24, $0x7C;
	v14 =	vnsel vm5, $0x0, v13;
	v17 =	vld [tilespmem:s20+$0x10]  }
0x4c1: {  	v4 =	vmin.u32 v4, $0xC31F;
	v7 =	vmin.u32 v14, $0xC31F;
	v14 =	vadd.f32 v15, v16;
	v15 =	vld [tilespmem:s31+$0x30];
	s31 =	smov.u32 s1  }
0x4c2: {  	vm7 =	veq.s32 v11, v4;
	v6 =	vnsel vm1, $0x0, v6;
	vm5 =	veq.s32 v13, v7;
	v11 =	vld [tilespmem:s20+$0x0]  }
0x4c3: {  	v8 =	vadd.f32 v8, v10;
	v9 =	vadd.s32 $0xFFFF3C80, v9;
	vm1 =	vgt.s32 v12, $0x0;
	v13 =	vld [tilespmem:s20+$0x20]  }
0x4c4: {  	vm4 =	vgt.s32 v9, $0x0;
	v16 =	vnsel vm1, $0x0, v12;
	v6 =	vmul.f32 v6, v6;
	v10 =	vld [tilespmem:s1+$0xFFFFFFD0]  }
0x4c5: {  	v19 =	vnsel vm4, $0x0, v9;
	v16 =	vmin.u32 v16, $0xC31F;
	v5 =	vsub.f32 v5, v1;
	v18 =	vld [tilespmem:s1+$0xFFFFFFC0]  }
0x4c6: {  	v19 =	vmin.u32 v19, $0xC31F;
	vm4 =	veq.s32 v12, v16;
	v1 =	vadd.s32 $0xFFFF3C80, v17;
	v20 =	vld.idx.msk [tilespmem:v4+s23+$0x0], $0xffff  }
0x4c7: {  	vm6 =	veq.s32 v9, v19;
	v5 =	vnsel vm2, $0x0, v5;
	v7 =	vld.idx.msk [tilespmem:v7+s23+$0x0], $0xffff;
	v9 =	vadd.s32 $0xFFFF3C80, v11  }
0x4c8: {  	v8 =	vadd.f32 v6, v8;
	vm2 =	vgt.s32 v1, $0x0;
	vm1 =	vgt.s32 v9, $0x0;
	v11 =	vld [tilespmem:s20+$0x30]  }
0x4c9: {  	v3 =	vsub.f32 v15, v3;
	v6 =	vnsel vm2, $0x0, v1;
	v4 =	vnsel vm1, $0x0, v9;
	v12 =	vld [tilespmem:s1+$0x10]  }
0x4ca: {  	v0 =	vsub.f32 v0, v2;
	v15 =	vld.idx.msk [tilespmem:v16+s23+$0x0], $0xffff;
	v16 =	vmin.u32 v4, $0xC31F;
	v4 =	vmin.u32 v6, $0xC31F  }
0x4cb: {  	v13 =	vadd.s32 $0xFFFF3C80, v13;
	v3 =	vnsel vm0, $0x0, v3;
	v2 =	vld.idx.msk [tilespmem:v19+s23+$0x0], $0xffff;
	vm1 =	veq.s32 v9, v16  }
0x4cc: {  	v5 =	vmul.f32 v5, v5;
	vm0 =	vgt.s32 v13, $0x0;
	v6 =	vsub.f32 v18, v20;
	v9 =	vld [tilespmem:s1+$0xFFFFFFE0]  }
0x4cd: {  	v19 =	vnsel vm3, $0x0, v0;
	v7 =	vsub.f32 v10, v7;
	v10 =	vld [tilespmem:s1+$0xFFFFFFF0];
	v11 =	vadd.s32 $0xFFFF3C80, v11  }
0x4ce: {  	v18 =	vmul.f32 v19, v19;
	v17 =	vnsel vm7, $0x0, v6;
	v6 =	vld [tilespmem:s1+$0x0];
	vm2 =	vgt.s32 v11, $0x0;
	v0 =	vmovc v12  }
0x4cf: {  	s20 =	sadd.s32 $0x80, s20;
	v12 =	vnsel vm5, $0x0, v7;
	v17 =	vmul.f32 v17, v17;
	v7 =	vld.idx.msk [tilespmem:v16+s23+$0x0], $0xffff;
	v16 =	vnsel vm0, $0x0, v13  }
0x4d0: {  	v3 =	vmul.f32 v3, v3;
	v20 =	vmul.f32 v12, v12;
	v12 =	vnsel vm2, $0x0, v11;
	v19 =	vld [tilespmem:s20+$0xFFFFFFC0]  }
0x4d1: {  	v18 =	vadd.f32 v18, v14;
	v22 =	vmin.u32 v12, $0xC31F;
	v21 =	vld [tilespmem:s20+$0xFFFFFFD0];
	v2 =	vsub.f32 v9, v2  }
.Ltmp30:
0x4d2: {  	v14 =	vmin.u32 v16, $0xC31F;
	vm0 =	veq.s32 v11, v22;
	v12 =	vld [tilespmem:s20+$0xFFFFFFF0];
	v10 =	vsub.f32 v10, v15;
	(pc) =	sbr.rel @p0 .LBB2_54-.Ltmp30, $4  }
0x4d3: {  	v5 =	vadd.f32 v5, v8;
	v3 =	vadd.f32 v3, v18;
	v9 =	vld [tilespmem:s20+$0xFFFFFFE0];
	v2 =	vnsel vm6, $0x0, v2  }
0x4d4: {  	vm2 =	veq.s32 v13, v14;
	v15 =	vnsel vm4, $0x0, v10;
	v8 =	vmul.f32 v2, v2;
	v2 =	vld.idx.msk [tilespmem:v4+s23+$0x0], $0xffff  }
0x4d5: {  	v10 =	vadd.f32 v17, v5;
	v11 =	vadd.s32 $0xFFFF3C80, v19;
	v15 =	vmul.f32 v15, v15;
	v5 =	vld [tilespmem:s1+$0x20]  }
0x4d6: {  	v16 =	vadd.f32 v20, v3;
	vm4 =	vgt.s32 v11, $0x0;
	v13 =	vadd.s32 $0xFFFF3C80, v21;
	v3 =	vld.idx.msk [tilespmem:v22+s23+$0x0], $0xffff  }
0x4d7: {  	_ =	sdelay $0x3  }
0x4d8: {  	v14 =	vld.idx.msk [tilespmem:v14+s23+$0x0], $0xffff  }
0x4d9: {  	vm3 =	vgt.s32 v13, $0x0;
	v17 =	vld [tilespmem:s20+$0x10]  }
0x4da: {  	v12 =	vadd.s32 $0xFFFF3C80, v12;
	vm5 =	veq.s32 v1, v4;
	v1 =	vnsel vm4, $0x0, v11;
	v18 =	vld [tilespmem:s31+$0x30]  }
0x4db: {  	v6 =	vsub.f32 v6, v7;
	v7 =	vld [tilespmem:s20+$0x0];
	v8 =	vadd.f32 v8, v10;
	v4 =	vnsel vm3, $0x0, v13  }
0x4dc: {  	v52 =	vld [tilespmem:s20+$0x20];
	v1 =	vmin.u32 v1, $0xC31F;
	v9 =	vadd.s32 $0xFFFF3C80, v9;
	v15 =	vadd.f32 v15, v16  }
0x4dd: {  	s1 =	sadd.s32 $0x100, s1;
	v19 =	vld [tilespmem:s20+$0x30];
	vm13 =	vgt.s32 v12, $0x0;
	v4 =	vmin.u32 v4, $0xC31F;
	vm6 =	vgt.s32 v9, $0x0  }
0x4de: {  	v53 =	vld [tilespmem:s1+$0xFFFFFFD0];
	vm3 =	veq.s32 v11, v1;
	v6 =	vnsel vm1, $0x0, v6;
	v55 =	vnsel vm13, $0x0, v12  }
0x4df: {  	v20 =	vld [tilespmem:s1+$0xFFFFFFC0];
	v0 =	vsub.f32 v0, v2;
	vm4 =	veq.s32 v13, v4;
	v54 =	vnsel vm6, $0x0, v9  }
0x4e0: {  	v58 =	vld [tilespmem:s1+$0x10];
	v6 =	vmul.f32 v6, v6;
	v10 =	vmin.u32 v55, $0xC31F;
	v13 =	vmin.u32 v54, $0xC31F  }
0x4e1: {  	v21 =	vld [tilespmem:s1+$0xFFFFFFE0];
	vm14 =	veq.s32 v12, v10;
	v5 =	vsub.f32 v5, v14;
	v7 =	vadd.s32 $0xFFFF3C80, v7  }
0x4e2: {  	v59 =	vld [tilespmem:s1+$0x0];
	v56 =	vadd.s32 $0xFFFF3C80, v17;
	vm15 =	veq.s32 v9, v13;
	v19 =	vadd.s32 $0xFFFF3C80, v19  }
0x4e3: {  	v62 =	vld [tilespmem:s1+$0x20];
	v16 =	vadd.s32 $0xFFFF3C80, v52;
	v6 =	vadd.f32 v6, v8;
	vm7 =	vgt.s32 v7, $0x0  }
0x4e4: {  	v8 =	vld [tilespmem:s1+$0xFFFFFFF0];
	vm9 =	vgt.s32 v56, $0x0;
	vm10 =	vgt.s32 v19, $0x0;
	v57 =	vnsel vm7, $0x0, v7  }
0x4e5: {  	v1 =	vld.idx.msk [tilespmem:v1+s23+$0x0], $0xffff;
	vm11 =	vgt.s32 v16, $0x0;
	v17 =	vnsel vm9, $0x0, v56;
	v9 =	vmin.u32 v57, $0xC31F  }
0x4e6: {  	v4 =	vld.idx.msk [tilespmem:v4+s23+$0x0], $0xffff;
	v2 =	vnsel vm10, $0x0, v19;
	v5 =	vnsel vm2, $0x0, v5;
	v17 =	vmin.u32 v17, $0xC31F  }
0x4e7: {  	v22 =	vnsel vm11, $0x0, v16;
	v10 =	vld.idx.msk [tilespmem:v10+s23+$0x0], $0xffff;
	v2 =	vmin.u32 v2, $0xC31F;
	v5 =	vmul.f32 v5, v5  }
0x4e8: {  	v0 =	vnsel vm5, $0x0, v0;
	v22 =	vmin.u32 v22, $0xC31F;
	v13 =	vld.idx.msk [tilespmem:v13+s23+$0x0], $0xffff  }
0x4e9: {  	v3 =	vsub.f32 v18, v3;
	v0 =	vmul.f32 v0, v0;
	v5 =	vadd.f32 v5, v6;
	v6 =	vld [tilespmem:s1+$0x30]  }
0x4ea: {  	vm12 =	veq.s32 v7, v9;
	v1 =	vsub.f32 v20, v1;
	v7 =	vld.idx.msk [tilespmem:v9+s23+$0x0], $0xffff  }
0x4eb: {  	v3 =	vnsel vm0, $0x0, v3;
	v0 =	vadd.f32 v0, v15;
	v4 =	vsub.f32 v53, v4;
	v61 =	vld.idx.msk [tilespmem:v17+s23+$0x0], $0xffff  }
0x4ec: {  	v3 =	vmul.f32 v3, v3;
	vm13 =	veq.s32 v19, v2;
	v1 =	vnsel vm3, $0x0, v1;
	v63 =	vld.idx.msk [tilespmem:v2+s23+$0x0], $0xffff  }
0x4ed: {  	v8 =	vsub.f32 v8, v10;
	v2 =	vld.idx.msk [tilespmem:v22+s23+$0x0], $0xffff;
	v60 =	vsub.f32 v21, v13;
	v4 =	vnsel vm4, $0x0, v4  }
0x4ee: {  	v0 =	vadd.f32 v3, v0;
	v1 =	vmul.f32 v1, v1;
	v4 =	vmul.f32 v4, v4  }
0x4ef: {  	v3 =	vnsel vm14, $0x0, v8;
	vm14 =	veq.s32 v56, v17;
	v9 =	vnsel vm15, $0x0, v60  }
0x4f0: {  	v1 =	vadd.f32 v1, v5;
	v3 =	vmul.f32 v3, v3;
	v7 =	vsub.f32 v59, v7  }
0x4f1: {  	v8 =	vmul.f32 v9, v9;
	v0 =	vadd.f32 v4, v0;
	v5 =	vsub.f32 v58, v61  }
0x4f2: {  	v2 =	vsub.f32 v62, v2;
	v6 =	vsub.f32 v6, v63;
	v4 =	vnsel vm12, $0x0, v7  }
0x4f3: {  	v1 =	vadd.f32 v8, v1;
	v5 =	vnsel vm14, $0x0, v5;
	v4 =	vmul.f32 v4, v4  }
0x4f4: {  	vm15 =	veq.s32 v16, v22;
	v0 =	vadd.f32 v3, v0;
	v3 =	vmul.f32 v5, v5  }
0x4f5: {  	v2 =	vnsel vm15, $0x0, v2;
	v1 =	vadd.f32 v4, v1;
	v4 =	vnsel vm13, $0x0, v6  }
0x4f6: {  	v2 =	vmul.f32 v2, v2;
	v0 =	vadd.f32 v3, v0;
	v4 =	vmul.f32 v4, v4  }
0x4f7: {  	s20 =	simm.s32 $0x80  }
0x4f8: {  	s4 =	sadd.s32 $0x0, s16;
	s24 =	simm.s32 $0x18800;
	s1 =	simm.s32 $0x18700;
	v6 =	vadd.f32 v2, v1;
	v3 =	vadd.f32 v4, v0  }
.LBB2_56:
0x4f9: {  	[tilespmem:s1], [sflag:$0x4] =	stream.linear.gather [hbm4b:s4+s3], $0x80, $0x38;
	[tilespmem:$0x1E780] =	vst v63  }
0x4fa: {  	s4 =	smov.u32 s20;
	s1 =	smov.u32 s24;
	p0 =	sne.s32 s20, $0xF80  }
.Ltmp31:
0x4fb: {  	s20 =	sadd.s32 $0x80, s20;
	(pc) =	sbr.rel @p0 .LBB2_56-.Ltmp31, $2  }
0x4fc: {  	_ =	sdelay $0x2  }
0x4fd: {  	s24 =	sadd.s32 $0x100, s24;
	s4 =	sadd.s32 s4, s16  }
0x4fe: {  	[tilespmem:s1], [sflag:$0x4] =	stream.linear.gather [hbm4b:s4+s3], $0x80, $0x38;
	[tilespmem:$0x1E780] =	vst v63  }
0x4ff: {  	_ =	swait.ge [sflag:s29], $0x1000  }
0x500: {  	[sflag:s29] =	ssyncset.done $0x0  }
0x501: {  	s24 =	simm.s32 $0x1B770;
	[sflag:s29] =	ssyncadd.s32 $0xFFFFF000  }
0x502: {  	v0 =	vld [tilespmem:s24+$0xFFFFFF90]  }
0x503: {  	v1 =	vld [tilespmem:s24+$0xFFFFFFA0];
	_ =	sdelay $0x2  }
0x504: {  	v2 =	vld [tilespmem:s24+$0xFFFFFFC0]  }
0x505: {  	v4 =	vld [tilespmem:s24+$0xFFFFFFB0];
	v5 =	vadd.s32 $0xFFFF3C80, v0  }
0x506: {  	v7 =	vadd.s32 $0xFFFF3C80, v1;
	vm0 =	vgt.s32 v5, $0x0  }
0x507: {  	v8 =	vld [tilespmem:s24+$0xFFFFFFE0];
	vm1 =	vgt.s32 v7, $0x0;
	v0 =	vnsel vm0, $0x0, v5  }
0x508: {  	s1 =	simm.s32 $0x187F0;
	v11 =	vld [tilespmem:s24+$0xFFFFFFF0];
	v1 =	vnsel vm1, $0x0, v7;
	v9 =	vmin.u32 v0, $0xC31F  }
0x509: {  	v12 =	vld [tilespmem:s1+$0xFFFFFFA0];
	v2 =	vadd.s32 $0xFFFF3C80, v2;
	v10 =	vmin.u32 v1, $0xC31F  }
0x50a: {  	v4 =	vadd.s32 $0xFFFF3C80, v4;
	vm0 =	vgt.s32 v2, $0x0;
	v0 =	vld [tilespmem:s24+$0xFFFFFFD0]  }
0x50b: {  	v13 =	vld [tilespmem:s1+$0xFFFFFF90];
	vm1 =	vgt.s32 v4, $0x0;
	v1 =	vnsel vm0, $0x0, v2  }
0x50c: {  	v19 =	vld [tilespmem:s24+$0x0];
	v14 =	vnsel vm1, $0x0, v4;
	v15 =	vmin.u32 v1, $0xC31F  }
0x50d: {  	v14 =	vmin.u32 v14, $0xC31F;
	v16 =	vld.idx.msk [tilespmem:v9+s23+$0x0], $0xffff  }
0x50e: {  	v17 =	vld.idx.msk [tilespmem:v10+s23+$0x0], $0xffff  }
0x50f: {  	v11 =	vadd.s32 $0xFFFF3C80, v11;
	v18 =	vadd.s32 $0xFFFF3C80, v0;
	v0 =	vld [tilespmem:s1+$0xFFFFFFE0]  }
0x510: {  	v1 =	vadd.s32 $0xFFFF3C80, v8;
	vm2 =	veq.s32 v7, v10;
	v10 =	vld [tilespmem:s1+$0xFFFFFFB0];
	vm0 =	vgt.s32 v18, $0x0  }
0x511: {  	vm1 =	vgt.s32 v1, $0x0;
	vm3 =	veq.s32 v2, v15;
	v8 =	vld.idx.msk [tilespmem:v15+s23+$0x0], $0xffff;
	v20 =	vnsel vm0, $0x0, v18  }
0x512: {  	v2 =	vnsel vm1, $0x0, v1;
	vm0 =	veq.s32 v5, v9;
	v9 =	vld.idx.msk [tilespmem:v14+s23+$0x0], $0xffff;
	v20 =	vmin.u32 v20, $0xC31F  }
0x513: {  	vm4 =	veq.s32 v4, v14;
	v4 =	vmin.u32 v2, $0xC31F;
	v5 =	vld [tilespmem:s1+$0xFFFFFFD0];
	v2 =	vsub.f32 v13, v16  }
0x514: {  	s20 =	simm.s32 $0x1B7F0;
	vm5 =	vgt.s32 v11, $0x0;
	v15 =	vadd.s32 $0xFFFF3C80, v19;
	v13 =	vld [tilespmem:s1+$0xFFFFFFC0];
	v12 =	vsub.f32 v12, v17  }
0x515: {  	vm1 =	veq.s32 v18, v20;
	v16 =	vld [tilespmem:s20+$0xFFFFFF90];
	v2 =	vnsel vm0, $0x0, v2;
	vm0 =	vgt.s32 v15, $0x0  }
0x516: {  	v18 =	vld [tilespmem:s20+$0xFFFFFFA0];
	v12 =	vnsel vm2, $0x0, v12;
	v14 =	vnsel vm0, $0x0, v15;
	v17 =	vmul.f32 v2, v2  }
0x517: {  	v7 =	vld.idx.msk [tilespmem:v20+s23+$0x0], $0xffff;
	v2 =	vsub.f32 v10, v9;
	v9 =	vnsel vm5, $0x0, v11;
	v19 =	vmin.u32 v14, $0xC31F  }
0x518: {  	v63 =	vmul.f32 v12, v12;
	v12 =	vld [tilespmem:s20+$0xFFFFFFC0];
	v14 =	vmin.u32 v9, $0xC31F  }
0x519: {  	v9 =	vld [tilespmem:s20+$0xFFFFFFB0];
	v8 =	vsub.f32 v13, v8;
	vm0 =	veq.s32 v15, v19;
	v2 =	vnsel vm4, $0x0, v2  }
0x51a: {  	vm2 =	veq.s32 v11, v14;
	v11 =	vadd.s32 $0xFFFF3C80, v16;
	v10 =	vadd.f32 v17, v6;
	v6 =	vld [tilespmem:s1+$0xFFFFFFF0]  }
0x51b: {  	v16 =	vadd.f32 v63, v3;
	v13 =	vnsel vm3, $0x0, v8;
	v8 =	vmul.f32 v2, v2;
	v2 =	vld.idx.msk [tilespmem:v4+s23+$0x0], $0xffff  }
0x51c: {  	s31 =	simm.s32 $0x187F0;
	s24 =	simm.s32 $0x4;
	vm4 =	vgt.s32 v11, $0x0;
	v15 =	vmul.f32 v13, v13;
	v13 =	vadd.s32 $0xFFFF3C80, v18;
	v3 =	vld.idx.msk [tilespmem:v19+s23+$0x0], $0xffff  }
.LBB2_58:
0x51d: {  	s24 =	sadd.s32 $0x4, s24;
	vm5 =	vgt.s32 v13, $0x0;
	v12 =	vadd.s32 $0xFFFF3C80, v12;
	vm3 =	veq.s32 v1, v4;
	v1 =	vld.idx.msk [tilespmem:v14+s23+$0x0], $0xffff;
	s1 =	sadd.s32 $0x100, s1  }
0x51e: {  	v4 =	vnsel vm4, $0x0, v11;
	v5 =	vsub.f32 v5, v7;
	p0 =	slt.u32 s24, $0x7C;
	v14 =	vnsel vm5, $0x0, v13;
	v17 =	vld [tilespmem:s20+$0xFFFFFFE0]  }
0x51f: {  	v4 =	vmin.u32 v4, $0xC31F;
	v7 =	vmin.u32 v14, $0xC31F;
	v14 =	vadd.f32 v15, v16;
	v15 =	vld [tilespmem:s31+$0x0];
	s31 =	smov.u32 s1  }
0x520: {  	vm7 =	veq.s32 v11, v4;
	v5 =	vnsel vm1, $0x0, v5;
	vm5 =	veq.s32 v13, v7;
	v11 =	vld [tilespmem:s20+$0xFFFFFFD0]  }
0x521: {  	v8 =	vadd.f32 v8, v10;
	v9 =	vadd.s32 $0xFFFF3C80, v9;
	vm1 =	vgt.s32 v12, $0x0;
	v13 =	vld [tilespmem:s20+$0xFFFFFFF0]  }
0x522: {  	vm4 =	vgt.s32 v9, $0x0;
	v16 =	vnsel vm1, $0x0, v12;
	v5 =	vmul.f32 v5, v5;
	v10 =	vld [tilespmem:s1+$0xFFFFFFA0]  }
0x523: {  	v19 =	vnsel vm4, $0x0, v9;
	v16 =	vmin.u32 v16, $0xC31F;
	v6 =	vsub.f32 v6, v1;
	v18 =	vld [tilespmem:s1+$0xFFFFFF90]  }
0x524: {  	v19 =	vmin.u32 v19, $0xC31F;
	vm4 =	veq.s32 v12, v16;
	v1 =	vadd.s32 $0xFFFF3C80, v17;
	v20 =	vld.idx.msk [tilespmem:v4+s23+$0x0], $0xffff  }
0x525: {  	vm6 =	veq.s32 v9, v19;
	v6 =	vnsel vm2, $0x0, v6;
	v7 =	vld.idx.msk [tilespmem:v7+s23+$0x0], $0xffff;
	v9 =	vadd.s32 $0xFFFF3C80, v11  }
0x526: {  	v8 =	vadd.f32 v5, v8;
	vm2 =	vgt.s32 v1, $0x0;
	vm1 =	vgt.s32 v9, $0x0;
	v11 =	vld [tilespmem:s20+$0x0]  }
0x527: {  	v3 =	vsub.f32 v15, v3;
	v5 =	vnsel vm2, $0x0, v1;
	v4 =	vnsel vm1, $0x0, v9;
	v12 =	vld [tilespmem:s1+$0xFFFFFFE0]  }
0x528: {  	v0 =	vsub.f32 v0, v2;
	v15 =	vld.idx.msk [tilespmem:v16+s23+$0x0], $0xffff;
	v16 =	vmin.u32 v4, $0xC31F;
	v4 =	vmin.u32 v5, $0xC31F  }
0x529: {  	v13 =	vadd.s32 $0xFFFF3C80, v13;
	v3 =	vnsel vm0, $0x0, v3;
	v2 =	vld.idx.msk [tilespmem:v19+s23+$0x0], $0xffff;
	vm1 =	veq.s32 v9, v16  }
0x52a: {  	v6 =	vmul.f32 v6, v6;
	vm0 =	vgt.s32 v13, $0x0;
	v5 =	vsub.f32 v18, v20;
	v9 =	vld [tilespmem:s1+$0xFFFFFFB0]  }
0x52b: {  	v19 =	vnsel vm3, $0x0, v0;
	v7 =	vsub.f32 v10, v7;
	v10 =	vld [tilespmem:s1+$0xFFFFFFC0];
	v11 =	vadd.s32 $0xFFFF3C80, v11  }
0x52c: {  	v18 =	vmul.f32 v19, v19;
	v17 =	vnsel vm7, $0x0, v5;
	v5 =	vld [tilespmem:s1+$0xFFFFFFD0];
	vm2 =	vgt.s32 v11, $0x0;
	v0 =	vmovc v12  }
0x52d: {  	s20 =	sadd.s32 $0x80, s20;
	v12 =	vnsel vm5, $0x0, v7;
	v17 =	vmul.f32 v17, v17;
	v7 =	vld.idx.msk [tilespmem:v16+s23+$0x0], $0xffff;
	v16 =	vnsel vm0, $0x0, v13  }
0x52e: {  	v3 =	vmul.f32 v3, v3;
	v20 =	vmul.f32 v12, v12;
	v12 =	vnsel vm2, $0x0, v11;
	v19 =	vld [tilespmem:s20+$0xFFFFFF90]  }
0x52f: {  	v18 =	vadd.f32 v18, v14;
	v22 =	vmin.u32 v12, $0xC31F;
	v21 =	vld [tilespmem:s20+$0xFFFFFFA0];
	v2 =	vsub.f32 v9, v2  }
.Ltmp32:
0x530: {  	v14 =	vmin.u32 v16, $0xC31F;
	vm0 =	veq.s32 v11, v22;
	v12 =	vld [tilespmem:s20+$0xFFFFFFC0];
	v10 =	vsub.f32 v10, v15;
	(pc) =	sbr.rel @p0 .LBB2_58-.Ltmp32, $4  }
0x531: {  	v6 =	vadd.f32 v6, v8;
	v3 =	vadd.f32 v3, v18;
	v9 =	vld [tilespmem:s20+$0xFFFFFFB0];
	v2 =	vnsel vm6, $0x0, v2  }
0x532: {  	vm2 =	veq.s32 v13, v14;
	v15 =	vnsel vm4, $0x0, v10;
	v8 =	vmul.f32 v2, v2;
	v2 =	vld.idx.msk [tilespmem:v4+s23+$0x0], $0xffff  }
0x533: {  	v10 =	vadd.f32 v17, v6;
	v11 =	vadd.s32 $0xFFFF3C80, v19;
	v15 =	vmul.f32 v15, v15;
	v6 =	vld [tilespmem:s1+$0xFFFFFFF0]  }
0x534: {  	v16 =	vadd.f32 v20, v3;
	vm4 =	vgt.s32 v11, $0x0;
	v13 =	vadd.s32 $0xFFFF3C80, v21;
	v3 =	vld.idx.msk [tilespmem:v22+s23+$0x0], $0xffff  }
0x535: {  	_ =	sdelay $0x3  }
0x536: {  	v14 =	vld.idx.msk [tilespmem:v14+s23+$0x0], $0xffff  }
0x537: {  	vm3 =	vgt.s32 v13, $0x0;
	v17 =	vld [tilespmem:s20+$0xFFFFFFE0]  }
0x538: {  	v12 =	vadd.s32 $0xFFFF3C80, v12;
	vm5 =	veq.s32 v1, v4;
	v47 =	vnsel vm4, $0x0, v11;
	v18 =	vld [tilespmem:s31+$0x0]  }
0x539: {  	v5 =	vsub.f32 v5, v7;
	v7 =	vld [tilespmem:s20+$0xFFFFFFD0];
	v8 =	vadd.f32 v8, v10;
	v4 =	vnsel vm3, $0x0, v13  }
0x53a: {  	v48 =	vld [tilespmem:s20+$0xFFFFFFF0];
	v1 =	vmin.u32 v47, $0xC31F;
	v9 =	vadd.s32 $0xFFFF3C80, v9;
	v15 =	vadd.f32 v15, v16  }
0x53b: {  	s1 =	sadd.s32 $0x100, s1;
	v19 =	vld [tilespmem:s20+$0x0];
	vm13 =	vgt.s32 v12, $0x0;
	v4 =	vmin.u32 v4, $0xC31F;
	vm6 =	vgt.s32 v9, $0x0  }
0x53c: {  	v49 =	vld [tilespmem:s1+$0xFFFFFFA0];
	vm3 =	veq.s32 v11, v1;
	v5 =	vnsel vm1, $0x0, v5;
	v51 =	vnsel vm13, $0x0, v12  }
0x53d: {  	v20 =	vld [tilespmem:s1+$0xFFFFFF90];
	v0 =	vsub.f32 v0, v2;
	vm4 =	veq.s32 v13, v4;
	v50 =	vnsel vm6, $0x0, v9  }
0x53e: {  	v54 =	vld [tilespmem:s1+$0xFFFFFFE0];
	v5 =	vmul.f32 v5, v5;
	v10 =	vmin.u32 v51, $0xC31F;
	v13 =	vmin.u32 v50, $0xC31F  }
0x53f: {  	v21 =	vld [tilespmem:s1+$0xFFFFFFB0];
	vm14 =	veq.s32 v12, v10;
	v6 =	vsub.f32 v6, v14;
	v7 =	vadd.s32 $0xFFFF3C80, v7  }
0x540: {  	v56 =	vld [tilespmem:s1+$0xFFFFFFD0];
	v52 =	vadd.s32 $0xFFFF3C80, v17;
	vm15 =	veq.s32 v9, v13;
	v19 =	vadd.s32 $0xFFFF3C80, v19  }
0x541: {  	v59 =	vld [tilespmem:s1+$0xFFFFFFF0];
	v16 =	vadd.s32 $0xFFFF3C80, v48;
	v5 =	vadd.f32 v5, v8;
	vm7 =	vgt.s32 v7, $0x0  }
0x542: {  	v8 =	vld [tilespmem:s1+$0xFFFFFFC0];
	vm9 =	vgt.s32 v52, $0x0;
	vm10 =	vgt.s32 v19, $0x0;
	v53 =	vnsel vm7, $0x0, v7  }
0x543: {  	v1 =	vld.idx.msk [tilespmem:v1+s23+$0x0], $0xffff;
	vm11 =	vgt.s32 v16, $0x0;
	v17 =	vnsel vm9, $0x0, v52;
	v9 =	vmin.u32 v53, $0xC31F  }
0x544: {  	v4 =	vld.idx.msk [tilespmem:v4+s23+$0x0], $0xffff;
	v55 =	vnsel vm10, $0x0, v19;
	v6 =	vnsel vm2, $0x0, v6;
	v17 =	vmin.u32 v17, $0xC31F  }
0x545: {  	v22 =	vnsel vm11, $0x0, v16;
	v10 =	vld.idx.msk [tilespmem:v10+s23+$0x0], $0xffff;
	v2 =	vmin.u32 v55, $0xC31F;
	v6 =	vmul.f32 v6, v6  }
0x546: {  	v0 =	vnsel vm5, $0x0, v0;
	v22 =	vmin.u32 v22, $0xC31F;
	v13 =	vld.idx.msk [tilespmem:v13+s23+$0x0], $0xffff  }
0x547: {  	v3 =	vsub.f32 v18, v3;
	v0 =	vmul.f32 v0, v0;
	v5 =	vadd.f32 v6, v5;
	v6 =	vld [tilespmem:s1+$0x0]  }
0x548: {  	vm12 =	veq.s32 v7, v9;
	v1 =	vsub.f32 v20, v1;
	v7 =	vld.idx.msk [tilespmem:v9+s23+$0x0], $0xffff  }
0x549: {  	v3 =	vnsel vm0, $0x0, v3;
	v0 =	vadd.f32 v0, v15;
	v4 =	vsub.f32 v49, v4;
	v58 =	vld.idx.msk [tilespmem:v17+s23+$0x0], $0xffff  }
0x54a: {  	v3 =	vmul.f32 v3, v3;
	vm13 =	veq.s32 v19, v2;
	v1 =	vnsel vm3, $0x0, v1;
	v60 =	vld.idx.msk [tilespmem:v2+s23+$0x0], $0xffff  }
0x54b: {  	v8 =	vsub.f32 v8, v10;
	v61 =	vld.idx.msk [tilespmem:v22+s23+$0x0], $0xffff;
	v57 =	vsub.f32 v21, v13;
	v4 =	vnsel vm4, $0x0, v4  }
0x54c: {  	v0 =	vadd.f32 v3, v0;
	v1 =	vmul.f32 v1, v1;
	v4 =	vmul.f32 v4, v4  }
0x54d: {  	v62 =	vnsel vm14, $0x0, v8;
	vm14 =	veq.s32 v52, v17;
	v9 =	vnsel vm15, $0x0, v57  }
0x54e: {  	v1 =	vadd.f32 v1, v5;
	v3 =	vmul.f32 v62, v62;
	v7 =	vsub.f32 v56, v7  }
0x54f: {  	v8 =	vmul.f32 v9, v9;
	v0 =	vadd.f32 v4, v0;
	v5 =	vsub.f32 v54, v58  }
0x550: {  	v2 =	vsub.f32 v59, v61;
	v6 =	vsub.f32 v6, v60;
	v4 =	vnsel vm12, $0x0, v7  }
0x551: {  	v1 =	vadd.f32 v8, v1;
	v5 =	vnsel vm14, $0x0, v5;
	v4 =	vmul.f32 v4, v4  }
0x552: {  	vm15 =	veq.s32 v16, v22;
	v0 =	vadd.f32 v3, v0;
	v63 =	vmul.f32 v5, v5  }
0x553: {  	v2 =	vnsel vm15, $0x0, v2;
	v1 =	vadd.f32 v4, v1;
	v4 =	vnsel vm13, $0x0, v6  }
0x554: {  	v2 =	vmul.f32 v2, v2;
	v0 =	vadd.f32 v63, v0;
	v4 =	vmul.f32 v4, v4  }
0x555: {  	s20 =	simm.s32 $0x80  }
0x556: {  	s4 =	sadd.s32 $0x0, s17;
	s24 =	simm.s32 $0x18880;
	s1 =	simm.s32 $0x18780;
	v7 =	vadd.f32 v2, v1;
	v6 =	vadd.f32 v4, v0  }
.LBB2_60:
0x557: {  	[tilespmem:s1], [sflag:$0x5] =	stream.linear.gather [hbm4b:s4+s3], $0x80, $0x38;
	[tilespmem:$0x1E780] =	vst v63  }
0x558: {  	s4 =	smov.u32 s20;
	s1 =	smov.u32 s24;
	p0 =	sne.s32 s20, $0xF80  }
.Ltmp33:
0x559: {  	s20 =	sadd.s32 $0x80, s20;
	(pc) =	sbr.rel @p0 .LBB2_60-.Ltmp33, $2  }
0x55a: {  	_ =	sdelay $0x2  }
0x55b: {  	s24 =	sadd.s32 $0x100, s24;
	s4 =	sadd.s32 s4, s17  }
0x55c: {  	[tilespmem:s1], [sflag:$0x5] =	stream.linear.gather [hbm4b:s4+s3], $0x80, $0x38;
	[tilespmem:$0x1E780] =	vst v63  }
0x55d: {  	_ =	swait.ge [sflag:s28], $0x1000  }
0x55e: {  	[sflag:s28] =	ssyncset.done $0x0  }
0x55f: {  	s24 =	simm.s32 $0x1C770;
	[sflag:s28] =	ssyncadd.s32 $0xFFFFF000  }
0x560: {  	v0 =	vld [tilespmem:s24+$0xFFFFFF90]  }
0x561: {  	v1 =	vld [tilespmem:s24+$0xFFFFFFA0];
	_ =	sdelay $0x2  }
0x562: {  	v2 =	vld [tilespmem:s24+$0xFFFFFFC0]  }
0x563: {  	v3 =	vld [tilespmem:s24+$0xFFFFFFB0];
	v4 =	vadd.s32 $0xFFFF3C80, v0  }
0x564: {  	v5 =	vadd.s32 $0xFFFF3C80, v1;
	vm0 =	vgt.s32 v4, $0x0  }
0x565: {  	v8 =	vld [tilespmem:s24+$0xFFFFFFE0];
	vm1 =	vgt.s32 v5, $0x0;
	v0 =	vnsel vm0, $0x0, v4  }
0x566: {  	s1 =	simm.s32 $0x18740;
	v11 =	vld [tilespmem:s24+$0xFFFFFFF0];
	v1 =	vnsel vm1, $0x0, v5;
	v9 =	vmin.u32 v0, $0xC31F  }
0x567: {  	v12 =	vld [tilespmem:s1+$0xFFFFFFD0];
	v2 =	vadd.s32 $0xFFFF3C80, v2;
	v10 =	vmin.u32 v1, $0xC31F  }
0x568: {  	v3 =	vadd.s32 $0xFFFF3C80, v3;
	vm0 =	vgt.s32 v2, $0x0;
	v0 =	vld [tilespmem:s24+$0xFFFFFFD0]  }
0x569: {  	v13 =	vld [tilespmem:s1+$0xFFFFFFC0];
	vm1 =	vgt.s32 v3, $0x0;
	v1 =	vnsel vm0, $0x0, v2  }
0x56a: {  	v19 =	vld [tilespmem:s24+$0x0];
	v14 =	vnsel vm1, $0x0, v3;
	v15 =	vmin.u32 v1, $0xC31F  }
0x56b: {  	v14 =	vmin.u32 v14, $0xC31F;
	v16 =	vld.idx.msk [tilespmem:v9+s23+$0x0], $0xffff  }
0x56c: {  	v17 =	vld.idx.msk [tilespmem:v10+s23+$0x0], $0xffff  }
0x56d: {  	v11 =	vadd.s32 $0xFFFF3C80, v11;
	v18 =	vadd.s32 $0xFFFF3C80, v0;
	v0 =	vld [tilespmem:s1+$0x10]  }
0x56e: {  	v1 =	vadd.s32 $0xFFFF3C80, v8;
	vm2 =	veq.s32 v5, v10;
	v10 =	vld [tilespmem:s1+$0xFFFFFFE0];
	vm0 =	vgt.s32 v18, $0x0  }
0x56f: {  	vm5 =	vgt.s32 v11, $0x0;
	vm1 =	vgt.s32 v1, $0x0;
	v8 =	vld.idx.msk [tilespmem:v15+s23+$0x0], $0xffff;
	v20 =	vnsel vm0, $0x0, v18  }
0x570: {  	vm3 =	veq.s32 v2, v15;
	vm0 =	veq.s32 v4, v9;
	v9 =	vld.idx.msk [tilespmem:v14+s23+$0x0], $0xffff;
	v20 =	vmin.u32 v20, $0xC31F  }
0x571: {  	vm4 =	veq.s32 v3, v14;
	v2 =	vnsel vm1, $0x0, v1;
	v4 =	vld [tilespmem:s1+$0x0];
	v3 =	vsub.f32 v13, v16  }
0x572: {  	s20 =	simm.s32 $0x1C7F0;
	v2 =	vmin.u32 v2, $0xC31F;
	v14 =	vadd.s32 $0xFFFF3C80, v19;
	v13 =	vld [tilespmem:s1+$0xFFFFFFF0];
	v12 =	vsub.f32 v12, v17  }
0x573: {  	vm1 =	veq.s32 v18, v20;
	v17 =	vld [tilespmem:s20+$0xFFFFFF90];
	v3 =	vnsel vm0, $0x0, v3;
	vm0 =	vgt.s32 v14, $0x0  }
0x574: {  	v19 =	vld [tilespmem:s20+$0xFFFFFFA0];
	v12 =	vnsel vm2, $0x0, v12;
	v15 =	vnsel vm0, $0x0, v14;
	v18 =	vmul.f32 v3, v3  }
0x575: {  	v5 =	vld.idx.msk [tilespmem:v20+s23+$0x0], $0xffff;
	v3 =	vsub.f32 v10, v9;
	v9 =	vnsel vm5, $0x0, v11;
	v63 =	vmin.u32 v15, $0xC31F  }
0x576: {  	v12 =	vmul.f32 v12, v12;
	v15 =	vld [tilespmem:s20+$0xFFFFFFC0];
	v16 =	vmin.u32 v9, $0xC31F  }
0x577: {  	v8 =	vsub.f32 v13, v8;
	vm0 =	veq.s32 v14, v63;
	v14 =	vld [tilespmem:s20+$0xFFFFFFB0];
	v3 =	vnsel vm4, $0x0, v3  }
0x578: {  	vm2 =	veq.s32 v11, v16;
	v11 =	vadd.s32 $0xFFFF3C80, v17;
	v9 =	vadd.f32 v18, v7;
	v7 =	vld [tilespmem:s1+$0x20]  }
0x579: {  	v13 =	vadd.s32 $0xFFFF3C80, v19;
	v10 =	vnsel vm3, $0x0, v8;
	v8 =	vmul.f32 v3, v3;
	v3 =	vld.idx.msk [tilespmem:v2+s23+$0x0], $0xffff  }
0x57a: {  	s31 =	simm.s32 $0x18740;
	s24 =	simm.s32 $0x4;
	v12 =	vadd.f32 v12, v6;
	vm4 =	vgt.s32 v11, $0x0;
	v10 =	vmul.f32 v10, v10;
	v6 =	vld.idx.msk [tilespmem:v63+s23+$0x0], $0xffff  }
.LBB2_62:
0x57b: {  	s24 =	sadd.s32 $0x4, s24;
	vm5 =	vgt.s32 v13, $0x0;
	v15 =	vadd.s32 $0xFFFF3C80, v15;
	vm3 =	veq.s32 v1, v2;
	v1 =	vld.idx.msk [tilespmem:v16+s23+$0x0], $0xffff;
	s1 =	sadd.s32 $0x100, s1  }
0x57c: {  	v2 =	vnsel vm4, $0x0, v11;
	v4 =	vsub.f32 v4, v5;
	p0 =	slt.u32 s24, $0x7C;
	v16 =	vnsel vm5, $0x0, v13;
	v17 =	vld [tilespmem:s20+$0xFFFFFFE0]  }
0x57d: {  	v2 =	vmin.u32 v2, $0xC31F;
	v10 =	vadd.f32 v10, v12;
	v5 =	vmin.u32 v16, $0xC31F;
	v12 =	vld [tilespmem:s31+$0x30];
	s31 =	smov.u32 s1  }
0x57e: {  	vm7 =	veq.s32 v11, v2;
	v4 =	vnsel vm1, $0x0, v4;
	vm5 =	veq.s32 v13, v5;
	v11 =	vld [tilespmem:s20+$0xFFFFFFD0]  }
0x57f: {  	v8 =	vadd.f32 v8, v9;
	vm1 =	vgt.s32 v15, $0x0;
	v13 =	vadd.s32 $0xFFFF3C80, v14;
	v14 =	vld [tilespmem:s20+$0xFFFFFFF0]  }
0x580: {  	v16 =	vnsel vm1, $0x0, v15;
	v4 =	vmul.f32 v4, v4;
	vm4 =	vgt.s32 v13, $0x0;
	v9 =	vld [tilespmem:s1+$0xFFFFFFD0]  }
0x581: {  	v16 =	vmin.u32 v16, $0xC31F;
	v19 =	vnsel vm4, $0x0, v13;
	v7 =	vsub.f32 v7, v1;
	v18 =	vld [tilespmem:s1+$0xFFFFFFC0]  }
0x582: {  	vm4 =	veq.s32 v15, v16;
	v19 =	vmin.u32 v19, $0xC31F;
	v1 =	vadd.s32 $0xFFFF3C80, v17;
	v20 =	vld.idx.msk [tilespmem:v2+s23+$0x0], $0xffff  }
0x583: {  	vm6 =	veq.s32 v13, v19;
	v7 =	vnsel vm2, $0x0, v7;
	v5 =	vld.idx.msk [tilespmem:v5+s23+$0x0], $0xffff;
	v11 =	vadd.s32 $0xFFFF3C80, v11  }
0x584: {  	v8 =	vadd.f32 v4, v8;
	vm2 =	vgt.s32 v1, $0x0;
	vm1 =	vgt.s32 v11, $0x0;
	v13 =	vld [tilespmem:s20+$0x0]  }
0x585: {  	v6 =	vsub.f32 v12, v6;
	v4 =	vnsel vm2, $0x0, v1;
	v2 =	vnsel vm1, $0x0, v11;
	v15 =	vld [tilespmem:s1+$0x10]  }
0x586: {  	v0 =	vsub.f32 v0, v3;
	v12 =	vld.idx.msk [tilespmem:v16+s23+$0x0], $0xffff;
	v16 =	vmin.u32 v2, $0xC31F;
	v2 =	vmin.u32 v4, $0xC31F  }
0x587: {  	v6 =	vnsel vm0, $0x0, v6;
	v3 =	vld.idx.msk [tilespmem:v19+s23+$0x0], $0xffff;
	vm1 =	veq.s32 v11, v16;
	v11 =	vadd.s32 $0xFFFF3C80, v14  }
0x588: {  	v7 =	vmul.f32 v7, v7;
	v4 =	vsub.f32 v18, v20;
	v14 =	vld [tilespmem:s1+$0xFFFFFFE0];
	vm0 =	vgt.s32 v11, $0x0  }
0x589: {  	v19 =	vnsel vm3, $0x0, v0;
	v5 =	vsub.f32 v9, v5;
	v9 =	vld [tilespmem:s1+$0xFFFFFFF0];
	v13 =	vadd.s32 $0xFFFF3C80, v13  }
0x58a: {  	v18 =	vmul.f32 v19, v19;
	v17 =	vnsel vm7, $0x0, v4;
	v4 =	vld [tilespmem:s1+$0x0];
	vm2 =	vgt.s32 v13, $0x0;
	v0 =	vmovc v15  }
0x58b: {  	s20 =	sadd.s32 $0x80, s20;
	v15 =	vnsel vm5, $0x0, v5;
	v17 =	vmul.f32 v17, v17;
	v5 =	vld.idx.msk [tilespmem:v16+s23+$0x0], $0xffff;
	v16 =	vnsel vm0, $0x0, v11  }
0x58c: {  	v6 =	vmul.f32 v6, v6;
	v20 =	vmul.f32 v15, v15;
	v15 =	vnsel vm2, $0x0, v13;
	v19 =	vld [tilespmem:s20+$0xFFFFFF90]  }
0x58d: {  	v10 =	vadd.f32 v18, v10;
	v22 =	vmin.u32 v15, $0xC31F;
	v21 =	vld [tilespmem:s20+$0xFFFFFFA0];
	v3 =	vsub.f32 v14, v3  }
.Ltmp34:
0x58e: {  	v16 =	vmin.u32 v16, $0xC31F;
	vm0 =	veq.s32 v13, v22;
	v15 =	vld [tilespmem:s20+$0xFFFFFFC0];
	v9 =	vsub.f32 v9, v12;
	(pc) =	sbr.rel @p0 .LBB2_62-.Ltmp34, $4  }
0x58f: {  	v7 =	vadd.f32 v7, v8;
	v6 =	vadd.f32 v6, v10;
	v14 =	vld [tilespmem:s20+$0xFFFFFFB0];
	v3 =	vnsel vm6, $0x0, v3  }
0x590: {  	vm2 =	veq.s32 v11, v16;
	v10 =	vnsel vm4, $0x0, v9;
	v8 =	vmul.f32 v3, v3;
	v3 =	vld.idx.msk [tilespmem:v2+s23+$0x0], $0xffff  }
0x591: {  	v9 =	vadd.f32 v17, v7;
	v11 =	vadd.s32 $0xFFFF3C80, v19;
	v10 =	vmul.f32 v10, v10;
	v7 =	vld [tilespmem:s1+$0x20]  }
0x592: {  	v12 =	vadd.f32 v20, v6;
	vm4 =	vgt.s32 v11, $0x0;
	v13 =	vadd.s32 $0xFFFF3C80, v21;
	v6 =	vld.idx.msk [tilespmem:v22+s23+$0x0], $0xffff  }
0x593: {  	_ =	sdelay $0x3  }
0x594: {  	v16 =	vld.idx.msk [tilespmem:v16+s23+$0x0], $0xffff  }
0x595: {  	v17 =	vld [tilespmem:s20+$0xFFFFFFE0]  }
0x596: {  	v19 =	vld [tilespmem:s31+$0x30]  }
0x597: {  	v21 =	vld [tilespmem:s20+$0xFFFFFFD0]  }
0x598: {  	vm3 =	vgt.s32 v13, $0x0;
	v18 =	vnsel vm4, $0x0, v11;
	v15 =	vadd.s32 $0xFFFF3C80, v15;
	v22 =	vld [tilespmem:s20+$0xFFFFFFF0]  }
0x599: {  	s1 =	sadd.s32 $0x100, s1;
	v26 =	vld [tilespmem:s20+$0x0];
	v4 =	vsub.f32 v4, v5;
	vm6 =	veq.s32 v1, v2;
	v8 =	vadd.f32 v8, v9  }
0x59a: {  	v20 =	vnsel vm3, $0x0, v13;
	v18 =	vmin.u32 v18, $0xC31F;
	v14 =	vadd.s32 $0xFFFF3C80, v14;
	v23 =	vld [tilespmem:s1+$0xFFFFFFD0]  }
0x59b: {  	vm3 =	vgt.s32 v15, $0x0;
	v27 =	vld [tilespmem:s1+$0xFFFFFFC0];
	v20 =	vmin.u32 v20, $0xC31F;
	vm4 =	vgt.s32 v14, $0x0  }
0x59c: {  	v31 =	vld [tilespmem:s1+$0x10];
	v24 =	vnsel vm3, $0x0, v15;
	v2 =	vnsel vm1, $0x0, v4;
	v0 =	vsub.f32 v0, v3  }
0x59d: {  	v35 =	vld [tilespmem:s1+$0xFFFFFFE0];
	v25 =	vnsel vm4, $0x0, v14;
	v24 =	vmin.u32 v24, $0xC31F;
	v2 =	vmul.f32 v2, v2  }
0x59e: {  	v37 =	vld [tilespmem:s1+$0xFFFFFFF0];
	v25 =	vmin.u32 v25, $0xC31F;
	v21 =	vadd.s32 $0xFFFF3C80, v21;
	v17 =	vadd.s32 $0xFFFF3C80, v17  }
0x59f: {  	v39 =	vld [tilespmem:s1+$0x0];
	v26 =	vadd.s32 $0xFFFF3C80, v26;
	v22 =	vadd.s32 $0xFFFF3C80, v22;
	vm3 =	vgt.s32 v21, $0x0  }
0x5a0: {  	v4 =	vld [tilespmem:s1+$0x20];
	v2 =	vadd.f32 v2, v8;
	vm4 =	vgt.s32 v17, $0x0;
	v30 =	vnsel vm3, $0x0, v21  }
0x5a1: {  	v8 =	vld [tilespmem:s1+$0x30];
	v32 =	vnsel vm4, $0x0, v17;
	vm3 =	vgt.s32 v26, $0x0;
	v30 =	vmin.u32 v30, $0xC31F  }
0x5a2: {  	v28 =	vld.idx.msk [tilespmem:v18+s23+$0x0], $0xffff;
	vm4 =	vgt.s32 v22, $0x0;
	v32 =	vmin.u32 v32, $0xC31F;
	v36 =	vnsel vm3, $0x0, v26  }
0x5a3: {  	v29 =	vld.idx.msk [tilespmem:v20+s23+$0x0], $0xffff;
	v38 =	vnsel vm4, $0x0, v22;
	v36 =	vmin.u32 v36, $0xC31F  }
0x5a4: {  	v9 =	vadd.f32 v10, v12;
	v0 =	vnsel vm6, $0x0, v0;
	v33 =	vld.idx.msk [tilespmem:v24+s23+$0x0], $0xffff;
	v38 =	vmin.u32 v38, $0xC31F  }
0x5a5: {  	v7 =	vsub.f32 v7, v16;
	v6 =	vsub.f32 v19, v6;
	v0 =	vmul.f32 v0, v0;
	v34 =	vld.idx.msk [tilespmem:v25+s23+$0x0], $0xffff  }
0x5a6: {  	vm7 =	veq.s32 v11, v18;
	vm8 =	veq.s32 v13, v20;
	vm5 =	veq.s32 v14, v25;
	v5 =	vld.idx.msk [tilespmem:v30+s23+$0x0], $0xffff  }
0x5a7: {  	v7 =	vnsel vm2, $0x0, v7;
	v6 =	vnsel vm0, $0x0, v6;
	v0 =	vadd.f32 v0, v9;
	v1 =	vld.idx.msk [tilespmem:v32+s23+$0x0], $0xffff  }
0x5a8: {  	vm4 =	veq.s32 v15, v24;
	v7 =	vmul.f32 v7, v7;
	v11 =	vsub.f32 v27, v28;
	v3 =	vld.idx.msk [tilespmem:v36+s23+$0x0], $0xffff  }
0x5a9: {  	v6 =	vmul.f32 v6, v6;
	vm3 =	veq.s32 v21, v30;
	v12 =	vsub.f32 v23, v29;
	v10 =	vld.idx.msk [tilespmem:v38+s23+$0x0], $0xffff;
	_ =	swait.ge [sflag:s29], $0x1000  }
0x5aa: {  	v2 =	vadd.f32 v7, v2;
	v11 =	vnsel vm7, $0x0, v11;
	v14 =	vsub.f32 v37, v33;
	[sflag:s29] =	ssyncset.done $0x0  }
0x5ab: {  	s4 =	simm.s32 $0x1D770;
	v13 =	vsub.f32 v35, v34;
	v12 =	vnsel vm8, $0x0, v12;
	v11 =	vmul.f32 v11, v11;
	[sflag:s29] =	ssyncadd.s32 $0xFFFFF000  }
0x5ac: {  	vm2 =	veq.s32 v17, v32;
	v0 =	vadd.f32 v6, v0;
	v12 =	vmul.f32 v12, v12;
	v9 =	vld [tilespmem:s4+$0xFFFFFF90]  }
0x5ad: {  	v6 =	vnsel vm4, $0x0, v14;
	v13 =	vnsel vm5, $0x0, v13;
	v2 =	vadd.f32 v11, v2;
	v15 =	vld [tilespmem:s4+$0xFFFFFFA0]  }
0x5ae: {  	v6 =	vmul.f32 v6, v6;
	v7 =	vmul.f32 v13, v13;
	v0 =	vadd.f32 v12, v0  }
0x5af: {  	vm1 =	veq.s32 v26, v36;
	v12 =	vld [tilespmem:s4+$0xFFFFFFB0];
	v5 =	vsub.f32 v39, v5;
	v1 =	vsub.f32 v31, v1  }
0x5b0: {  	vm0 =	veq.s32 v22, v38;
	v0 =	vadd.f32 v6, v0;
	v2 =	vadd.f32 v7, v2  }
0x5b1: {  	v4 =	vsub.f32 v4, v10;
	v3 =	vsub.f32 v8, v3;
	v9 =	vadd.s32 $0xFFFF3C80, v9  }
0x5b2: {  	v11 =	vld [tilespmem:s4+$0xFFFFFFC0];
	v5 =	vnsel vm3, $0x0, v5;
	v6 =	vadd.s32 $0xFFFF3C80, v15;
	vm4 =	vgt.s32 v9, $0x0  }
0x5b3: {  	v14 =	vld [tilespmem:s4+$0xFFFFFFE0];
	v1 =	vnsel vm2, $0x0, v1;
	vm3 =	vgt.s32 v6, $0x0;
	v13 =	vnsel vm4, $0x0, v9  }
0x5b4: {  	s1 =	simm.s32 $0x187F0;
	v15 =	vld [tilespmem:s4+$0xFFFFFFD0];
	v10 =	vadd.s32 $0xFFFF3C80, v12;
	v7 =	vnsel vm3, $0x0, v6;
	v13 =	vmin.u32 v13, $0xC31F  }
0x5b5: {  	v16 =	vld [tilespmem:s1+$0xFFFFFFA0];
	v5 =	vmul.f32 v5, v5;
	vm4 =	vgt.s32 v10, $0x0;
	v7 =	vmin.u32 v7, $0xC31F  }
0x5b6: {  	v18 =	vld [tilespmem:s1+$0xFFFFFF90];
	v4 =	vnsel vm0, $0x0, v4;
	v1 =	vmul.f32 v1, v1;
	v19 =	vnsel vm4, $0x0, v10  }
0x5b7: {  	v60 =	vld [tilespmem:s4+$0x0];
	v3 =	vnsel vm1, $0x0, v3;
	v11 =	vadd.s32 $0xFFFF3C80, v11;
	v19 =	vmin.u32 v19, $0xC31F  }
0x5b8: {  	v12 =	vld [tilespmem:s4+$0xFFFFFFF0];
	v4 =	vmul.f32 v4, v4;
	v2 =	vadd.f32 v5, v2;
	vm3 =	vgt.s32 v11, $0x0  }
0x5b9: {  	v61 =	vadd.f32 v1, v0;
	v17 =	vnsel vm3, $0x0, v11;
	v15 =	vadd.s32 $0xFFFF3C80, v15;
	v8 =	vld.idx.msk [tilespmem:v13+s23+$0x0], $0xffff  }
0x5ba: {  	v1 =	vadd.s32 $0xFFFF3C80, v14;
	v17 =	vmin.u32 v17, $0xC31F;
	vm0 =	vgt.s32 v15, $0x0;
	v5 =	vld.idx.msk [tilespmem:v7+s23+$0x0], $0xffff  }
0x5bb: {  	vm1 =	vgt.s32 v1, $0x0;
	vm2 =	veq.s32 v6, v7;
	v62 =	vnsel vm0, $0x0, v15;
	v7 =	vld [tilespmem:s1+$0xFFFFFFB0]  }
0x5bc: {  	v63 =	vadd.f32 v4, v2;
	vm0 =	veq.s32 v9, v13;
	v13 =	vmin.u32 v62, $0xC31F;
	v2 =	vld.idx.msk [tilespmem:v19+s23+$0x0], $0xffff  }
0x5bd: {  	v0 =	vld [tilespmem:s1+$0xFFFFFFE0];
	v4 =	vnsel vm1, $0x0, v1  }
0x5be: {  	vm3 =	veq.s32 v11, v17;
	vm4 =	veq.s32 v10, v19;
	v10 =	vadd.s32 $0xFFFF3C80, v12;
	v11 =	vld [tilespmem:s1+$0xFFFFFFC0]  }
0x5bf: {  	s20 =	simm.s32 $0x1D7F0;
	v3 =	vmul.f32 v3, v3;
	v4 =	vmin.u32 v4, $0xC31F;
	vm5 =	vgt.s32 v10, $0x0;
	v9 =	vld.idx.msk [tilespmem:v17+s23+$0x0], $0xffff  }
0x5c0: {  	v17 =	vld [tilespmem:s20+$0xFFFFFFA0];
	v8 =	vsub.f32 v18, v8;
	v12 =	vsub.f32 v16, v5;
	v16 =	vadd.s32 $0xFFFF3C80, v60  }
0x5c1: {  	vm1 =	veq.s32 v15, v13;
	v6 =	vld.idx.msk [tilespmem:v13+s23+$0x0], $0xffff;
	vm6 =	vgt.s32 v16, $0x0;
	v2 =	vsub.f32 v7, v2  }
0x5c2: {  	v13 =	vld [tilespmem:s20+$0xFFFFFF90];
	v7 =	vnsel vm5, $0x0, v10;
	v8 =	vnsel vm0, $0x0, v8;
	v14 =	vnsel vm6, $0x0, v16  }
0x5c3: {  	v5 =	vld [tilespmem:s1+$0xFFFFFFD0];
	v12 =	vnsel vm2, $0x0, v12;
	v15 =	vmul.f32 v8, v8;
	v18 =	vmin.u32 v14, $0xC31F  }
0x5c4: {  	v19 =	vmul.f32 v12, v12;
	v12 =	vld [tilespmem:s20+$0xFFFFFFC0];
	v8 =	vsub.f32 v11, v9;
	v14 =	vmin.u32 v7, $0xC31F  }
0x5c5: {  	v3 =	vadd.f32 v3, v61;
	v9 =	vld [tilespmem:s20+$0xFFFFFFB0];
	v2 =	vnsel vm4, $0x0, v2;
	vm0 =	veq.s32 v16, v18  }
0x5c6: {  	vm2 =	veq.s32 v10, v14;
	v7 =	vnsel vm3, $0x0, v8;
	v8 =	vmul.f32 v2, v2;
	v2 =	vld.idx.msk [tilespmem:v4+s23+$0x0], $0xffff  }
0x5c7: {  	v11 =	vadd.s32 $0xFFFF3C80, v13;
	v10 =	vadd.f32 v15, v63;
	v15 =	vmul.f32 v7, v7;
	v7 =	vld [tilespmem:s1+$0xFFFFFFF0]  }
0x5c8: {  	s24 =	simm.s32 $0x4;
	s31 =	simm.s32 $0x187F0;
	v13 =	vadd.s32 $0xFFFF3C80, v17;
	v16 =	vadd.f32 v19, v3;
	vm4 =	vgt.s32 v11, $0x0;
	v3 =	vld.idx.msk [tilespmem:v18+s23+$0x0], $0xffff  }
.LBB2_64:
0x5c9: {  	s24 =	sadd.s32 $0x4, s24;
	vm5 =	vgt.s32 v13, $0x0;
	v12 =	vadd.s32 $0xFFFF3C80, v12;
	vm3 =	veq.s32 v1, v4;
	v1 =	vld.idx.msk [tilespmem:v14+s23+$0x0], $0xffff;
	s1 =	sadd.s32 $0x100, s1  }
0x5ca: {  	v4 =	vnsel vm4, $0x0, v11;
	v5 =	vsub.f32 v5, v6;
	p0 =	slt.u32 s24, $0x7C;
	v14 =	vnsel vm5, $0x0, v13;
	v17 =	vld [tilespmem:s20+$0xFFFFFFE0]  }
0x5cb: {  	v4 =	vmin.u32 v4, $0xC31F;
	v6 =	vmin.u32 v14, $0xC31F;
	v14 =	vadd.f32 v15, v16;
	v15 =	vld [tilespmem:s31+$0x0];
	s31 =	smov.u32 s1  }
0x5cc: {  	vm7 =	veq.s32 v11, v4;
	v5 =	vnsel vm1, $0x0, v5;
	vm5 =	veq.s32 v13, v6;
	v11 =	vld [tilespmem:s20+$0xFFFFFFD0]  }
0x5cd: {  	v8 =	vadd.f32 v8, v10;
	v9 =	vadd.s32 $0xFFFF3C80, v9;
	vm1 =	vgt.s32 v12, $0x0;
	v13 =	vld [tilespmem:s20+$0xFFFFFFF0]  }
0x5ce: {  	vm4 =	vgt.s32 v9, $0x0;
	v16 =	vnsel vm1, $0x0, v12;
	v5 =	vmul.f32 v5, v5;
	v10 =	vld [tilespmem:s1+$0xFFFFFFA0]  }
0x5cf: {  	v19 =	vnsel vm4, $0x0, v9;
	v16 =	vmin.u32 v16, $0xC31F;
	v7 =	vsub.f32 v7, v1;
	v18 =	vld [tilespmem:s1+$0xFFFFFF90]  }
0x5d0: {  	v19 =	vmin.u32 v19, $0xC31F;
	vm4 =	veq.s32 v12, v16;
	v1 =	vadd.s32 $0xFFFF3C80, v17;
	v20 =	vld.idx.msk [tilespmem:v4+s23+$0x0], $0xffff  }
0x5d1: {  	vm6 =	veq.s32 v9, v19;
	v7 =	vnsel vm2, $0x0, v7;
	v6 =	vld.idx.msk [tilespmem:v6+s23+$0x0], $0xffff;
	v9 =	vadd.s32 $0xFFFF3C80, v11  }
0x5d2: {  	v8 =	vadd.f32 v5, v8;
	vm2 =	vgt.s32 v1, $0x0;
	vm1 =	vgt.s32 v9, $0x0;
	v11 =	vld [tilespmem:s20+$0x0]  }
0x5d3: {  	v3 =	vsub.f32 v15, v3;
	v5 =	vnsel vm2, $0x0, v1;
	v4 =	vnsel vm1, $0x0, v9;
	v12 =	vld [tilespmem:s1+$0xFFFFFFE0]  }
0x5d4: {  	v0 =	vsub.f32 v0, v2;
	v15 =	vld.idx.msk [tilespmem:v16+s23+$0x0], $0xffff;
	v16 =	vmin.u32 v4, $0xC31F;
	v4 =	vmin.u32 v5, $0xC31F  }
0x5d5: {  	v13 =	vadd.s32 $0xFFFF3C80, v13;
	v3 =	vnsel vm0, $0x0, v3;
	v2 =	vld.idx.msk [tilespmem:v19+s23+$0x0], $0xffff;
	vm1 =	veq.s32 v9, v16  }
0x5d6: {  	v7 =	vmul.f32 v7, v7;
	vm0 =	vgt.s32 v13, $0x0;
	v5 =	vsub.f32 v18, v20;
	v9 =	vld [tilespmem:s1+$0xFFFFFFB0]  }
0x5d7: {  	v19 =	vnsel vm3, $0x0, v0;
	v6 =	vsub.f32 v10, v6;
	v10 =	vld [tilespmem:s1+$0xFFFFFFC0];
	v11 =	vadd.s32 $0xFFFF3C80, v11  }
0x5d8: {  	v18 =	vmul.f32 v19, v19;
	v17 =	vnsel vm7, $0x0, v5;
	v5 =	vld [tilespmem:s1+$0xFFFFFFD0];
	vm2 =	vgt.s32 v11, $0x0;
	v0 =	vmovc v12  }
0x5d9: {  	s20 =	sadd.s32 $0x80, s20;
	v12 =	vnsel vm5, $0x0, v6;
	v17 =	vmul.f32 v17, v17;
	v6 =	vld.idx.msk [tilespmem:v16+s23+$0x0], $0xffff;
	v16 =	vnsel vm0, $0x0, v13  }
0x5da: {  	v3 =	vmul.f32 v3, v3;
	v20 =	vmul.f32 v12, v12;
	v12 =	vnsel vm2, $0x0, v11;
	v19 =	vld [tilespmem:s20+$0xFFFFFF90]  }
0x5db: {  	v18 =	vadd.f32 v18, v14;
	v22 =	vmin.u32 v12, $0xC31F;
	v21 =	vld [tilespmem:s20+$0xFFFFFFA0];
	v2 =	vsub.f32 v9, v2  }
.Ltmp35:
0x5dc: {  	v14 =	vmin.u32 v16, $0xC31F;
	vm0 =	veq.s32 v11, v22;
	v12 =	vld [tilespmem:s20+$0xFFFFFFC0];
	v10 =	vsub.f32 v10, v15;
	(pc) =	sbr.rel @p0 .LBB2_64-.Ltmp35, $4  }
0x5dd: {  	v7 =	vadd.f32 v7, v8;
	v3 =	vadd.f32 v3, v18;
	v9 =	vld [tilespmem:s20+$0xFFFFFFB0];
	v2 =	vnsel vm6, $0x0, v2  }
0x5de: {  	vm2 =	veq.s32 v13, v14;
	v15 =	vnsel vm4, $0x0, v10;
	v8 =	vmul.f32 v2, v2;
	v2 =	vld.idx.msk [tilespmem:v4+s23+$0x0], $0xffff  }
0x5df: {  	v10 =	vadd.f32 v17, v7;
	v11 =	vadd.s32 $0xFFFF3C80, v19;
	v15 =	vmul.f32 v15, v15;
	v7 =	vld [tilespmem:s1+$0xFFFFFFF0]  }
0x5e0: {  	v16 =	vadd.f32 v20, v3;
	vm4 =	vgt.s32 v11, $0x0;
	v13 =	vadd.s32 $0xFFFF3C80, v21;
	v3 =	vld.idx.msk [tilespmem:v22+s23+$0x0], $0xffff  }
0x5e1: {  	_ =	sdelay $0x3  }
0x5e2: {  	v14 =	vld.idx.msk [tilespmem:v14+s23+$0x0], $0xffff  }
0x5e3: {  	vm3 =	vgt.s32 v13, $0x0;
	v17 =	vld [tilespmem:s20+$0xFFFFFFE0]  }
0x5e4: {  	v12 =	vadd.s32 $0xFFFF3C80, v12;
	vm5 =	veq.s32 v1, v4;
	v37 =	vnsel vm4, $0x0, v11;
	v18 =	vld [tilespmem:s31+$0x0]  }
0x5e5: {  	v5 =	vsub.f32 v5, v6;
	v39 =	vld [tilespmem:s20+$0xFFFFFFD0];
	v8 =	vadd.f32 v8, v10;
	v38 =	vnsel vm3, $0x0, v13  }
0x5e6: {  	v40 =	vld [tilespmem:s20+$0xFFFFFFF0];
	v1 =	vmin.u32 v37, $0xC31F;
	v9 =	vadd.s32 $0xFFFF3C80, v9;
	v15 =	vadd.f32 v15, v16  }
0x5e7: {  	s1 =	sadd.s32 $0x100, s1;
	v19 =	vld [tilespmem:s20+$0x0];
	vm13 =	vgt.s32 v12, $0x0;
	v4 =	vmin.u32 v38, $0xC31F;
	vm6 =	vgt.s32 v9, $0x0  }
0x5e8: {  	v41 =	vld [tilespmem:s1+$0xFFFFFFA0];
	vm3 =	veq.s32 v11, v1;
	v5 =	vnsel vm1, $0x0, v5;
	v43 =	vnsel vm13, $0x0, v12  }
0x5e9: {  	v20 =	vld [tilespmem:s1+$0xFFFFFF90];
	v0 =	vsub.f32 v0, v2;
	vm4 =	veq.s32 v13, v4;
	v42 =	vnsel vm6, $0x0, v9  }
0x5ea: {  	v46 =	vld [tilespmem:s1+$0xFFFFFFE0];
	v5 =	vmul.f32 v5, v5;
	v10 =	vmin.u32 v43, $0xC31F;
	v13 =	vmin.u32 v42, $0xC31F  }
0x5eb: {  	v21 =	vld [tilespmem:s1+$0xFFFFFFB0];
	vm14 =	veq.s32 v12, v10;
	v0 =	vnsel vm5, $0x0, v0;
	v7 =	vsub.f32 v7, v14  }
0x5ec: {  	v48 =	vld [tilespmem:s1+$0xFFFFFFC0];
	v6 =	vadd.s32 $0xFFFF3C80, v39;
	v44 =	vadd.s32 $0xFFFF3C80, v17;
	vm15 =	veq.s32 v9, v13  }
0x5ed: {  	v49 =	vld [tilespmem:s1+$0xFFFFFFD0];
	v19 =	vadd.s32 $0xFFFF3C80, v19;
	v16 =	vadd.s32 $0xFFFF3C80, v40;
	vm7 =	vgt.s32 v6, $0x0  }
0x5ee: {  	v53 =	vld [tilespmem:s1+$0xFFFFFFF0];
	v3 =	vsub.f32 v18, v3;
	vm9 =	vgt.s32 v44, $0x0;
	v45 =	vnsel vm7, $0x0, v6  }
0x5ef: {  	v1 =	vld.idx.msk [tilespmem:v1+s23+$0x0], $0xffff;
	vm11 =	vgt.s32 v16, $0x0;
	v17 =	vnsel vm9, $0x0, v44;
	v9 =	vmin.u32 v45, $0xC31F  }
0x5f0: {  	vm10 =	vgt.s32 v19, $0x0;
	v4 =	vld.idx.msk [tilespmem:v4+s23+$0x0], $0xffff;
	v22 =	vnsel vm11, $0x0, v16;
	v17 =	vmin.u32 v17, $0xC31F  }
0x5f1: {  	v0 =	vmul.f32 v0, v0;
	v47 =	vnsel vm10, $0x0, v19;
	v10 =	vld.idx.msk [tilespmem:v10+s23+$0x0], $0xffff;
	v22 =	vmin.u32 v22, $0xC31F  }
0x5f2: {  	v5 =	vadd.f32 v5, v8;
	v2 =	vmin.u32 v47, $0xC31F;
	v13 =	vld.idx.msk [tilespmem:v13+s23+$0x0], $0xffff  }
0x5f3: {  	v56 =	vld [tilespmem:s1+$0x0];
	v7 =	vnsel vm2, $0x0, v7;
	v3 =	vnsel vm0, $0x0, v3;
	v0 =	vadd.f32 v0, v15  }
0x5f4: {  	v7 =	vmul.f32 v7, v7;
	v3 =	vmul.f32 v3, v3;
	v1 =	vsub.f32 v20, v1;
	v50 =	vld.idx.msk [tilespmem:v9+s23+$0x0], $0xffff  }
0x5f5: {  	vm12 =	veq.s32 v6, v9;
	vm13 =	veq.s32 v19, v2;
	v4 =	vsub.f32 v41, v4;
	v52 =	vld.idx.msk [tilespmem:v17+s23+$0x0], $0xffff  }
0x5f6: {  	v5 =	vadd.f32 v7, v5;
	v1 =	vnsel vm3, $0x0, v1;
	v8 =	vsub.f32 v48, v10;
	v55 =	vld.idx.msk [tilespmem:v22+s23+$0x0], $0xffff  }
0x5f7: {  	v54 =	vld.idx.msk [tilespmem:v2+s23+$0x0], $0xffff;
	v51 =	vsub.f32 v21, v13;
	v4 =	vnsel vm4, $0x0, v4;
	v1 =	vmul.f32 v1, v1  }
0x5f8: {  	v0 =	vadd.f32 v3, v0;
	v4 =	vmul.f32 v4, v4;
	v57 =	vnsel vm14, $0x0, v8  }
0x5f9: {  	vm14 =	veq.s32 v44, v17;
	v9 =	vnsel vm15, $0x0, v51;
	v1 =	vadd.f32 v1, v5  }
0x5fa: {  	v58 =	vmul.f32 v9, v9;
	v0 =	vadd.f32 v4, v0;
	v6 =	vsub.f32 v49, v50  }
0x5fb: {  	v3 =	vmul.f32 v57, v57;
	v60 =	vsub.f32 v46, v52;
	v2 =	vsub.f32 v53, v55  }
0x5fc: {  	vm15 =	veq.s32 v16, v22;
	v61 =	vsub.f32 v56, v54;
	v1 =	vadd.f32 v58, v1  }
0x5fd: {  	v0 =	vadd.f32 v3, v0;
	v59 =	vnsel vm12, $0x0, v6;
	v5 =	vnsel vm14, $0x0, v60  }
0x5fe: {  	v2 =	vnsel vm15, $0x0, v2;
	v4 =	vmul.f32 v59, v59;
	v62 =	vmul.f32 v5, v5  }
0x5ff: {  	v63 =	vnsel vm13, $0x0, v61;
	v2 =	vmul.f32 v2, v2  }
0x600: {  	v1 =	vadd.f32 v4, v1;
	v4 =	vmul.f32 v63, v63;
	v0 =	vadd.f32 v62, v0;
	_ =	sdelay $0x1  }
0x601: {  	v1 =	vadd.f32 v2, v1;
	v0 =	vadd.f32 v4, v0;
	_ =	sdelay $0x1  }
0x602: {  	v0 =	vadd.f32 v0, v1;
	_ =	sdelay $0x1  }
0x603: {  	s2 =	sadd.s32 $0x1, s2;
	v0 =	vmul.f32 $3.051757810e-05, v0  }
0x604: {  	p0 =	sne.s32 s2, s19  }
.Ltmp36:
0x605: {  	s31 =	simm.s32 $0x1E700;
	[tilespmem:$0x1E700] =	vst v0;
	(pc) =	sbr.rel @p0 .LBB2_1-.Ltmp36, $4  }
0x606: {  	[hbm4b:s18+s3] =	stream.linear.scatter [tilespmem:s31], [sflag:$0x6], $0x80, $0x38;
	[tilespmem:$0x1E780] =	vst v63  }
0x607: {  	_ =	swait.ge [sflag:s0], $0x80  }
0x608: {  	[sflag:s0] =	ssyncset.done $0x0  }
0x609: {  	[sflag:s0] =	ssyncadd.s32 $0xFFFFFF80  }
0x60a: {  	_ =	sfence.sel $0x180000  }
0x60b: {  	[bflag:$0x0] =	sbarrier.arrive $0xFFFF  }
0x60c: {  	_ =	strace $0x90000047  }
0x60d: {  	s0 =	stileid.u32;
	[bflag:$0x2] =	sbarrier.arrive $0xFFFF  }
0x60e: {  	p0 =	sne.s32 s0, $0x0;
	s0 =	rddreg [dreg:$0x4]  }
0x60f: {  	s0 =	sadd.s32 @!p0 $0x100000, s0  }
0x610: {  	[sflag:s0] =	ssyncadd.tile.s32 @!p0 $0x1;
	_ =	shalt  }
.Lfunc_end2:
_tile_overlayer_lowered:
.L_overlay_start_2:
0x611: {  	(tag) =	ssettag $0x2  }
0x612: {  	s0 =	rddreg [dreg:$0x0];
	s2 =	stileid.u32  }
0x613: {  	s1 =	rddreg [dreg:$0x1];
	p0 =	sne.s32 s2, $0x0  }
0x614: {  	s3 =	rddreg [dreg:$0x2];
	[bflag:$0x3] =	sbarrier.arrive $0xFFFF;
	s2 =	simm.s32 @!p0 $0x1C06  }
0x615: {  	[timem:s3], [sflag:s2] =	dma.local @!p0 [hbm:s0], s1  }
0x616: {  	s0 =	simm.s32 @!p0 $0x6  }
0x617: {  	_ =	swait.ge @!p0 [sflag:s0], s1  }
0x618: {  	s1 =	ssub.s32 @!p0 $0x0, s1;
	[sflag:s0] =	ssyncset.done @!p0 $0x0  }
0x619: {  	[sflag:s0] =	ssyncadd.s32 @!p0 s1  }
0x61a: {  	[bflag:$0x3] =	sbarrier.arrive $0xFFFF  }
0x61b: {  	_ =	shalt  }

</sc_bundles>
